<compile_context>
chip_gen: v7x
topology: tpu7x:2x2x1
jax: 0.10.2.dev20260603
libtpu: 0.0.44.dev20260713+nightly
codegen_flags: <defaults>
</compile_context>

<pallas_src>
import functools

import jax
import jax.numpy as jnp
from jax import lax
from jax.experimental import pallas as pl
from jax.experimental.pallas import tpu as pltpu
from jax.experimental.pallas import tpu_sc as plsc

D = 64
NB = 4096
NA = 50
NC, NS, L = 2, 16, 16
NW = NC * NS
BPW = NB // NW
ACH = 5
NCH = NA // ACH
BG = BPW // L

ROW_STRIDE = D
REP_STRIDE = 400 + 1
TAB_WORDS = L * REP_STRIDE


def _remap16(c):
    is_h = c == 1
    is_other = (c >= 6) & (c <= 9)
    return jnp.where(is_h, 0, jnp.where(is_other, c - 5, 5))


def _sc_body(charges_hbm, table_hbm, out_hbm, c_buf, tab_buf, rows_a,
             rows_b, sem_a, sem_b):
    wid = lax.axis_index("s") * NC + lax.axis_index("c")
    b0 = wid * BPW
    pltpu.sync_copy(table_hbm, tab_buf)
    pltpu.sync_copy(charges_hbm.at[:, pl.ds(b0, BPW)], c_buf)

    lane_off = lax.iota(jnp.int32, L) * REP_STRIDE

    def compute_block(chunk, rows):
        @plsc.parallel_loop(0, ACH * BG, unroll=2)
        def _(t):
            a_local = t >> 3
            bg = t & 7
            c16 = c_buf[chunk * ACH + a_local, pl.ds(bg * L, L)]
            addr = lane_off + _remap16(c16) * ROW_STRIDE
            for d in range(8):
                addr_d = addr + d
                for k in range(D // 8):
                    ch = 8 * k + d
                    v = plsc.load_gather(
                        tab_buf.at[pl.ds(8 * k, TAB_WORDS - D + 8)],
                        [addr_d])
                    rows[a_local, ch, pl.ds(bg * L, L)] = v

    def fire_store(chunk, rows, sem):
        pltpu.async_copy(rows,
                         out_hbm.at[pl.ds(chunk * ACH, ACH), :,
                                    pl.ds(b0, BPW)],
                         sem)

    def drain(rows, sem):
        pltpu.make_async_copy(out_hbm.at[pl.ds(0, ACH), :, pl.ds(b0, BPW)],
                              rows, sem).wait()

    def outer(j, carry):
        @pl.when(j > 0)
        def _():
            drain(rows_a, sem_a)
        compute_block(2 * j, rows_a)
        fire_store(2 * j, rows_a, sem_a)

        @pl.when(j > 0)
        def _():
            drain(rows_b, sem_b)
        compute_block(2 * j + 1, rows_b)
        fire_store(2 * j + 1, rows_b, sem_b)
        return carry

    lax.fori_loop(0, NCH // 2, outer, 0)
    drain(rows_a, sem_a)
    drain(rows_b, sem_b)


_sc_lookup = functools.partial(
    pl.kernel,
    mesh=plsc.VectorSubcoreMesh(core_axis_name="c", subcore_axis_name="s"),
    compiler_params=pltpu.CompilerParams(needs_layout_passes=False,
                                         use_tc_tiling_on_sc=True),
    out_type=jax.ShapeDtypeStruct((NA, D, NB), jnp.float32),
    scratch_types=[
        pltpu.VMEM((NA, BPW), jnp.int32),
        pltpu.VMEM((TAB_WORDS,), jnp.float32),
        pltpu.VMEM((ACH, D, BPW), jnp.float32),
        pltpu.VMEM((ACH, D, BPW), jnp.float32),
        pltpu.SemaphoreType.DMA,
        pltpu.SemaphoreType.DMA,
    ],
)(_sc_body)


@jax.jit
def kernel(features, charges, atom_type_embeddings):
    base = jnp.concatenate(
        [atom_type_embeddings.astype(jnp.float32),
         jnp.zeros((1, D), jnp.float32)],
        axis=0,
    )
    table = (jnp.zeros((L, REP_STRIDE), jnp.float32)
             .at[:, :6 * ROW_STRIDE].set(base.reshape(-1))
             .reshape(TAB_WORDS))
    charges_t = charges.astype(jnp.int32).T
    out = _sc_lookup(charges_t, table)
    return jnp.transpose(out, (2, 0, 1))

# --- scband reference (transcript-rebuilt; emitter-appended) ---
"""Pipeline reference for scband-atom-type-embedding-8375186227550 (READ-ONLY COPY).

The authoritative reference and input builder live on the scoring server;
editing this copy changes nothing except your own understanding.
"""

import jax, jax.numpy as jnp
import numpy as np

ATOM_TYPES = (1, 6, 7, 8, 9)
NUM_CHANNELS = 64


def setup_inputs(seed: int = 0) -> dict:
    key = jax.random.key(seed)
    k1, k2, k3 = jax.random.split(key, 3)
    features = jax.random.normal(k1, (4096, 50, NUM_CHANNELS), dtype=jnp.float32)
    charges = jax.random.randint(k2, (4096, 50), 0, 10, dtype=jnp.int64 if jax.config.jax_enable_x64 else jnp.int32).astype(jnp.int64 if jax.config.jax_enable_x64 else jnp.int32)
    atom_type_embeddings = jax.random.normal(k3, (len(ATOM_TYPES), NUM_CHANNELS), dtype=jnp.float32)
    return {"features": features, "charges": charges, "atom_type_embeddings": atom_type_embeddings}


def reference(features, charges, atom_type_embeddings):
    charges_f = jnp.expand_dims(charges, -1).astype(jnp.float32)
    embeddings_to_features = jnp.zeros_like(features)
    for i, atom_type in enumerate(ATOM_TYPES):
        atom_type_positions = jnp.isclose(charges_f, float(atom_type))
        atom_type_embedding = jnp.expand_dims(atom_type_embeddings[i], (0, 1))
        embeddings_to_features = embeddings_to_features + jnp.where(atom_type_positions, atom_type_embedding, 0.0)
    return embeddings_to_features

if __name__ == "__main__":
    import jax
    _d = setup_inputs()
    print(jax.jit(kernel)(*tuple(_d.values())))

</pallas_src>

<mosaic_0001>
#map = affine_map<(d0, d1) -> (0, 0)>
#map1 = affine_map<(d0, d1) -> (0)>
#map2 = affine_map<(d0, d1) -> (0, 0, 0)>
module attributes {stable_mosaic.version = 14 : i64} {
  func.func @_sc_body(%arg0: i32, %arg1: i32, %arg2: memref<50x4096xi32, #tpu.memory_space<hbm>>, %arg3: memref<6416xf32, #tpu.memory_space<hbm>>, %arg4: memref<50x64x4096xf32, #tpu.memory_space<hbm>>, %arg5: memref<50x128xi32, #tpu.memory_space<vmem>>, %arg6: memref<6416xf32, #tpu.memory_space<vmem>>, %arg7: memref<5x64x128xf32, #tpu.memory_space<vmem>>, %arg8: memref<5x64x128xf32, #tpu.memory_space<vmem>>, %arg9: memref<!tpu.dma_semaphore, #tpu.memory_space<semaphore_mem>>, %arg10: memref<!tpu.dma_semaphore, #tpu.memory_space<semaphore_mem>>) attributes {dimension_semantics = [#tpu.dimension_semantics<core_parallel>, #tpu.dimension_semantics<subcore_parallel>], iteration_bounds = array<i64: 2, 16>, scalar_prefetch = 0 : i64, scratch_operands = 6 : i64, tpu.core_type = #tpu.core_type<sc_vector_subcore>, window_params = [{transform_indices = #map}, {transform_indices = #map1}, {transform_indices = #map2}]} {
    %mul3A = arith.constant 2 : i32
    %mul3A_0 = arith.muli %arg1, %mul3A : i32
    %add3A = arith.addi %mul3A_0, %arg0 : i32
    %mul3A_1 = arith.constant 128 : i32
    %mul3A_2 = arith.muli %add3A, %mul3A_1 : i32
    "tpu.region"() ({
      %run_scoped3A = tpu.sem_alloc : memref<!tpu.dma_semaphore, #tpu.memory_space<semaphore_mem>>
      tpu.enqueue_dma source(%arg3 : memref<6416xf32, #tpu.memory_space<hbm>>) target(%arg6 : memref<6416xf32, #tpu.memory_space<vmem>>) target_semaphore(%run_scoped3A : memref<!tpu.dma_semaphore, #tpu.memory_space<semaphore_mem>>)
      tpu.wait_dma2 semaphore(%run_scoped3A : memref<!tpu.dma_semaphore, #tpu.memory_space<semaphore_mem>>) src(%arg3 : memref<6416xf32, #tpu.memory_space<hbm>>) dst(%arg6 : memref<6416xf32, #tpu.memory_space<vmem>>)
      tpu.yield
    }) : () -> ()
    "tpu.region"() ({
      %run_scoped3A = tpu.sem_alloc : memref<!tpu.dma_semaphore, #tpu.memory_space<semaphore_mem>>
      %dma_start3A = arith.constant 0 : i32
      %dma_start3A_22 = tpu.memref_slice %arg2[%dma_start3A, %mul3A_2] : memref<50x4096xi32, #tpu.memory_space<hbm>> -> memref<50x128xi32, #tpu.memory_space<hbm>>
      %dma_start3A_23 = arith.constant 0 : i32
      %dma_start3A_24 = tpu.memref_slice %arg2[%dma_start3A_23, %mul3A_2] : memref<50x4096xi32, #tpu.memory_space<hbm>> -> memref<50x128xi32, #tpu.memory_space<hbm>>
      tpu.enqueue_dma source(%dma_start3A_24 : memref<50x128xi32, #tpu.memory_space<hbm>>) target(%arg5 : memref<50x128xi32, #tpu.memory_space<vmem>>) target_semaphore(%run_scoped3A : memref<!tpu.dma_semaphore, #tpu.memory_space<semaphore_mem>>)
      %dma_wait3A_25 = arith.constant 0 : i32
      %dma_wait3A_26 = tpu.memref_slice %arg2[%dma_wait3A_25, %mul3A_2] : memref<50x4096xi32, #tpu.memory_space<hbm>> -> memref<50x128xi32, #tpu.memory_space<hbm>>
      %dma_wait3A_27 = arith.constant 0 : i32
      %dma_wait3A_28 = tpu.memref_slice %arg2[%dma_wait3A_27, %mul3A_2] : memref<50x4096xi32, #tpu.memory_space<hbm>> -> memref<50x128xi32, #tpu.memory_space<hbm>>
      tpu.wait_dma2 semaphore(%run_scoped3A : memref<!tpu.dma_semaphore, #tpu.memory_space<semaphore_mem>>) src(%dma_wait3A_28 : memref<50x128xi32, #tpu.memory_space<hbm>>) dst(%arg5 : memref<50x128xi32, #tpu.memory_space<vmem>>)
      tpu.yield
    }) : () -> ()
    %iota3A = tpu.iota {dimensions = array<i32: 0>} : vector<16xi32>
    %mul3A_3 = arith.constant 401 : i32
    %mul3A_4 = vector.broadcast %mul3A_3 : i32 to vector<16xi32>
    %mul3A_5 = arith.muli %iota3A, %mul3A_4 : vector<16xi32>
    %scan3A = arith.constant 0 : i32
    %scan3A_6 = arith.constant 0 : i32
    %scan3A_7 = arith.constant 5 : i32
    %scan3A_8 = arith.addi %scan3A_6, %scan3A_7 : i32
    %scan3A_9 = arith.constant 1 : i32
    scf.for %scan3A_22 = %scan3A_6 to %scan3A_8 step %scan3A_9  : i32 {
      %gt3A = arith.constant 0 : i32
      %gt3A_23 = arith.cmpi sgt, %scan3A_22, %gt3A : i32
      %convert_element_type3A = arith.extui %gt3A_23 : i1 to i32
      %cond3A = arith.constant 0 : i32
      %cond3A_24 = arith.cmpi ne, %convert_element_type3A, %cond3A : i32
      scf.if %cond3A_24 {
        %dma_wait3A_58 = arith.constant 0 : i32
        %dma_wait3A_59 = arith.constant 0 : i32
        %dma_wait3A_60 = tpu.memref_slice %arg4[%dma_wait3A_58, %dma_wait3A_59, %mul3A_2] : memref<50x64x4096xf32, #tpu.memory_space<hbm>> -> memref<5x64x128xf32, #tpu.memory_space<hbm>>
        %dma_wait3A_61 = arith.constant 0 : i32
        %dma_wait3A_62 = arith.constant 0 : i32
        %dma_wait3A_63 = tpu.memref_slice %arg4[%dma_wait3A_61, %dma_wait3A_62, %mul3A_2] : memref<50x64x4096xf32, #tpu.memory_space<hbm>> -> memref<5x64x128xf32, #tpu.memory_space<hbm>>
        tpu.wait_dma2 semaphore(%arg9 : memref<!tpu.dma_semaphore, #tpu.memory_space<semaphore_mem>>) src(%dma_wait3A_63 : memref<5x64x128xf32, #tpu.memory_space<hbm>>) dst(%arg7 : memref<5x64x128xf32, #tpu.memory_space<vmem>>)
      } else {
      }
      %mul3A_25 = arith.constant 2 : i32
      %mul3A_26 = arith.muli %mul3A_25, %scan3A_22 : i32
      %parallel_loop3A = arith.constant 0 : i32
      %parallel_loop3A_27 = arith.constant 40 : i32
      %parallel_loop3A_28 = arith.constant 1 : i32
      scf.for %parallel_loop3A_58 = %parallel_loop3A to %parallel_loop3A_27 step %parallel_loop3A_28  : i32 {
        %parallel_loop3A_59 = arith.constant 3 : i32
        %parallel_loop3A_60 = arith.shrsi %parallel_loop3A_58, %parallel_loop3A_59 : i32
        %parallel_loop3A_61 = arith.constant 7 : i32
        %parallel_loop3A_62 = arith.andi %parallel_loop3A_58, %parallel_loop3A_61 : i32
        %parallel_loop3A_63 = arith.constant 5 : i32
        %parallel_loop3A_64 = arith.muli %mul3A_26, %parallel_loop3A_63 : i32
        %parallel_loop3A_65 = arith.addi %parallel_loop3A_64, %parallel_loop3A_60 : i32
        %parallel_loop3A_66 = arith.constant 16 : i32
        %parallel_loop3A_67 = arith.muli %parallel_loop3A_62, %parallel_loop3A_66 : i32
        %parallel_loop3A_68 = arith.index_cast %parallel_loop3A_65 : i32 to index
        %parallel_loop3A_69 = arith.index_cast %parallel_loop3A_67 : i32 to index
        %parallel_loop3A_70 = tpu.vector_load %arg5[%parallel_loop3A_68, %parallel_loop3A_69] {strides = array<i32>} : memref<50x128xi32, #tpu.memory_space<vmem>>, vector<16xi32>,
        %parallel_loop3A_71 = arith.constant 1 : i32
        %parallel_loop3A_72 = vector.broadcast %parallel_loop3A_71 : i32 to vector<16xi32>
        %parallel_loop3A_73 = arith.cmpi eq, %parallel_loop3A_70, %parallel_loop3A_72 : vector<16xi32>
        %parallel_loop3A_74 = arith.constant 6 : i32
        %parallel_loop3A_75 = vector.broadcast %parallel_loop3A_74 : i32 to vector<16xi32>
        %parallel_loop3A_76 = arith.cmpi sge, %parallel_loop3A_70, %parallel_loop3A_75 : vector<16xi32>
        %parallel_loop3A_77 = arith.constant 9 : i32
        %parallel_loop3A_78 = vector.broadcast %parallel_loop3A_77 : i32 to vector<16xi32>
        %parallel_loop3A_79 = arith.cmpi sle, %parallel_loop3A_70, %parallel_loop3A_78 : vector<16xi32>
        %parallel_loop3A_80 = arith.andi %parallel_loop3A_76, %parallel_loop3A_79 : vector<16xi1>
        %parallel_loop3A_81 = arith.constant 5 : i32
        %parallel_loop3A_82 = vector.broadcast %parallel_loop3A_81 : i32 to vector<16xi32>
        %parallel_loop3A_83 = arith.subi %parallel_loop3A_70, %parallel_loop3A_82 : vector<16xi32>
        %parallel_loop3A_84 = arith.constant 5 : i32
        %parallel_loop3A_85 = vector.broadcast %parallel_loop3A_84 : i32 to vector<16xi32>
        %parallel_loop3A_86 = arith.select %parallel_loop3A_80, %parallel_loop3A_83, %parallel_loop3A_85 : vector<16xi1>, vector<16xi32>
        %parallel_loop3A_87 = arith.constant 0 : i32
        %parallel_loop3A_88 = vector.broadcast %parallel_loop3A_87 : i32 to vector<16xi32>
        %parallel_loop3A_89 = arith.select %parallel_loop3A_73, %parallel_loop3A_88, %parallel_loop3A_86 : vector<16xi1>, vector<16xi32>
        %parallel_loop3A_90 = arith.constant 64 : i32
        %parallel_loop3A_91 = vector.broadcast %parallel_loop3A_90 : i32 to vector<16xi32>
        %parallel_loop3A_92 = arith.muli %parallel_loop3A_89, %parallel_loop3A_91 : vector<16xi32>
        %parallel_loop3A_93 = arith.addi %mul3A_5, %parallel_loop3A_92 : vector<16xi32>
        %parallel_loop3A_94 = arith.constant 0 : i32
        %parallel_loop3A_95 = vector.broadcast %parallel_loop3A_94 : i32 to vector<16xi32>
        %parallel_loop3A_96 = arith.addi %parallel_loop3A_93, %parallel_loop3A_95 : vector<16xi32>
        %parallel_loop3A_97 = arith.constant 0 : i32
        %parallel_loop3A_98 = tpu.memref_slice %arg6[%parallel_loop3A_97] : memref<6416xf32, #tpu.memory_space<vmem>> -> memref<6360xf32, #tpu.memory_space<vmem>>
        %parallel_loop3A_99 = tpu.vector_load_idx %parallel_loop3A_98[%parallel_loop3A_96] : memref<6360xf32, #tpu.memory_space<vmem>>[vector<16xi32>], vector<16xf32>,
        %parallel_loop3A_100 = arith.constant 16 : i32
        %parallel_loop3A_101 = arith.muli %parallel_loop3A_62, %parallel_loop3A_100 : i32
        %parallel_loop3A_102 = arith.constant 0 : i32
        %parallel_loop3A_103 = arith.index_cast %parallel_loop3A_60 : i32 to index
        %parallel_loop3A_104 = arith.index_cast %parallel_loop3A_102 : i32 to index
        %parallel_loop3A_105 = arith.index_cast %parallel_loop3A_101 : i32 to index
        %parallel_loop3A_106 = tpu.vector_load %arg7[%parallel_loop3A_103, %parallel_loop3A_104, %parallel_loop3A_105] {strides = array<i32>} : memref<5x64x128xf32, #tpu.memory_space<vmem>>, vector<16xf32>,
        tpu.vector_store %arg7[%parallel_loop3A_103, %parallel_loop3A_104, %parallel_loop3A_105], %parallel_loop3A_99 {strides = array<i32>} : memref<5x64x128xf32, #tpu.memory_space<vmem>>, vector<16xf32>,
        %parallel_loop3A_107 = arith.constant 8 : i32
        %parallel_loop3A_108 = tpu.memref_slice %arg6[%parallel_loop3A_107] : memref<6416xf32, #tpu.memory_space<vmem>> -> memref<6360xf32, #tpu.memory_space<vmem>>
        %parallel_loop3A_109 = tpu.vector_load_idx %parallel_loop3A_108[%parallel_loop3A_96] : memref<6360xf32, #tpu.memory_space<vmem>>[vector<16xi32>], vector<16xf32>,
        %parallel_loop3A_110 = arith.constant 16 : i32
        %parallel_loop3A_111 = arith.muli %parallel_loop3A_62, %parallel_loop3A_110 : i32
        %parallel_loop3A_112 = arith.constant 8 : i32
        %parallel_loop3A_113 = arith.index_cast %parallel_loop3A_60 : i32 to index
        %parallel_loop3A_114 = arith.index_cast %parallel_loop3A_112 : i32 to index
        %parallel_loop3A_115 = arith.index_cast %parallel_loop3A_111 : i32 to index
        %parallel_loop3A_116 = tpu.vector_load %arg7[%parallel_loop3A_113, %parallel_loop3A_114, %parallel_loop3A_115] {strides = array<i32>} : memref<5x64x128xf32, #tpu.memory_space<vmem>>, vector<16xf32>,
        tpu.vector_store %arg7[%parallel_loop3A_113, %parallel_loop3A_114, %parallel_loop3A_115], %parallel_loop3A_109 {strides = array<i32>} : memref<5x64x128xf32, #tpu.memory_space<vmem>>, vector<16xf32>,
        %parallel_loop3A_117 = arith.constant 16 : i32
        %parallel_loop3A_118 = tpu.memref_slice %arg6[%parallel_loop3A_117] : memref<6416xf32, #tpu.memory_space<vmem>> -> memref<6360xf32, #tpu.memory_space<vmem>>
        %parallel_loop3A_119 = tpu.vector_load_idx %parallel_loop3A_118[%parallel_loop3A_96] : memref<6360xf32, #tpu.memory_space<vmem>>[vector<16xi32>], vector<16xf32>,
        %parallel_loop3A_120 = arith.constant 16 : i32
        %parallel_loop3A_121 = arith.muli %parallel_loop3A_62, %parallel_loop3A_120 : i32
        %parallel_loop3A_122 = arith.constant 16 : i32
        %parallel_loop3A_123 = arith.index_cast %parallel_loop3A_60 : i32 to index
        %parallel_loop3A_124 = arith.index_cast %parallel_loop3A_122 : i32 to index
        %parallel_loop3A_125 = arith.index_cast %parallel_loop3A_121 : i32 to index
        %parallel_loop3A_126 = tpu.vector_load %arg7[%parallel_loop3A_123, %parallel_loop3A_124, %parallel_loop3A_125] {strides = array<i32>} : memref<5x64x128xf32, #tpu.memory_space<vmem>>, vector<16xf32>,
        tpu.vector_store %arg7[%parallel_loop3A_123, %parallel_loop3A_124, %parallel_loop3A_125], %parallel_loop3A_119 {strides = array<i32>} : memref<5x64x128xf32, #tpu.memory_space<vmem>>, vector<16xf32>,
        %parallel_loop3A_127 = arith.constant 24 : i32
        %parallel_loop3A_128 = tpu.memref_slice %arg6[%parallel_loop3A_127] : memref<6416xf32, #tpu.memory_space<vmem>> -> memref<6360xf32, #tpu.memory_space<vmem>>
        %parallel_loop3A_129 = tpu.vector_load_idx %parallel_loop3A_128[%parallel_loop3A_96] : memref<6360xf32, #tpu.memory_space<vmem>>[vector<16xi32>], vector<16xf32>,
        %parallel_loop3A_130 = arith.constant 16 : i32
        %parallel_loop3A_131 = arith.muli %parallel_loop3A_62, %parallel_loop3A_130 : i32
        %parallel_loop3A_132 = arith.constant 24 : i32
        %parallel_loop3A_133 = arith.index_cast %parallel_loop3A_60 : i32 to index
        %parallel_loop3A_134 = arith.index_cast %parallel_loop3A_132 : i32 to index
        %parallel_loop3A_135 = arith.index_cast %parallel_loop3A_131 : i32 to index
        %parallel_loop3A_136 = tpu.vector_load %arg7[%parallel_loop3A_133, %parallel_loop3A_134, %parallel_loop3A_135] {strides = array<i32>} : memref<5x64x128xf32, #tpu.memory_space<vmem>>, vector<16xf32>,
        tpu.vector_store %arg7[%parallel_loop3A_133, %parallel_loop3A_134, %parallel_loop3A_135], %parallel_loop3A_129 {strides = array<i32>} : memref<5x64x128xf32, #tpu.memory_space<vmem>>, vector<16xf32>,
        %parallel_loop3A_137 = arith.constant 32 : i32
        %parallel_loop3A_138 = tpu.memref_slice %arg6[%parallel_loop3A_137] : memref<6416xf32, #tpu.memory_space<vmem>> -> memref<6360xf32, #tpu.memory_space<vmem>>
        %parallel_loop3A_139 = tpu.vector_load_idx %parallel_loop3A_138[%parallel_loop3A_96] : memref<6360xf32, #tpu.memory_space<vmem>>[vector<16xi32>], vector<16xf32>,
        %parallel_loop3A_140 = arith.constant 16 : i32
        %parallel_loop3A_141 = arith.muli %parallel_loop3A_62, %parallel_loop3A_140 : i32
        %parallel_loop3A_142 = arith.constant 32 : i32
        %parallel_loop3A_143 = arith.index_cast %parallel_loop3A_60 : i32 to index
        %parallel_loop3A_144 = arith.index_cast %parallel_loop3A_142 : i32 to index
        %parallel_loop3A_145 = arith.index_cast %parallel_loop3A_141 : i32 to index
        %parallel_loop3A_146 = tpu.vector_load %arg7[%parallel_loop3A_143, %parallel_loop3A_144, %parallel_loop3A_145] {strides = array<i32>} : memref<5x64x128xf32, #tpu.memory_space<vmem>>, vector<16xf32>,
        tpu.vector_store %arg7[%parallel_loop3A_143, %parallel_loop3A_144, %parallel_loop3A_145], %parallel_loop3A_139 {strides = array<i32>} : memref<5x64x128xf32, #tpu.memory_space<vmem>>, vector<16xf32>,
        %parallel_loop3A_147 = arith.constant 40 : i32
        %parallel_loop3A_148 = tpu.memref_slice %arg6[%parallel_loop3A_147] : memref<6416xf32, #tpu.memory_space<vmem>> -> memref<6360xf32, #tpu.memory_space<vmem>>
        %parallel_loop3A_149 = tpu.vector_load_idx %parallel_loop3A_148[%parallel_loop3A_96] : memref<6360xf32, #tpu.memory_space<vmem>>[vector<16xi32>], vector<16xf32>,
        %parallel_loop3A_150 = arith.constant 16 : i32
        %parallel_loop3A_151 = arith.muli %parallel_loop3A_62, %parallel_loop3A_150 : i32
        %parallel_loop3A_152 = arith.constant 40 : i32
        %parallel_loop3A_153 = arith.index_cast %parallel_loop3A_60 : i32 to index
        %parallel_loop3A_154 = arith.index_cast %parallel_loop3A_152 : i32 to index
        %parallel_loop3A_155 = arith.index_cast %parallel_loop3A_151 : i32 to index
        %parallel_loop3A_156 = tpu.vector_load %arg7[%parallel_loop3A_153, %parallel_loop3A_154, %parallel_loop3A_155] {strides = array<i32>} : memref<5x64x128xf32, #tpu.memory_space<vmem>>, vector<16xf32>,
        tpu.vector_store %arg7[%parallel_loop3A_153, %parallel_loop3A_154, %parallel_loop3A_155], %parallel_loop3A_149 {strides = array<i32>} : memref<5x64x128xf32, #tpu.memory_space<vmem>>, vector<16xf32>,
        %parallel_loop3A_157 = arith.constant 48 : i32
        %parallel_loop3A_158 = tpu.memref_slice %arg6[%parallel_loop3A_157] : memref<6416xf32, #tpu.memory_space<vmem>> -> memref<6360xf32, #tpu.memory_space<vmem>>
        %parallel_loop3A_159 = tpu.vector_load_idx %parallel_loop3A_158[%parallel_loop3A_96] : memref<6360xf32, #tpu.memory_space<vmem>>[vector<16xi32>], vector<16xf32>,
        %parallel_loop3A_160 = arith.constant 16 : i32
        %parallel_loop3A_161 = arith.muli %parallel_loop3A_62, %parallel_loop3A_160 : i32
        %parallel_loop3A_162 = arith.constant 48 : i32
        %parallel_loop3A_163 = arith.index_cast %parallel_loop3A_60 : i32 to index
        %parallel_loop3A_164 = arith.index_cast %parallel_loop3A_162 : i32 to index
        %parallel_loop3A_165 = arith.index_cast %parallel_loop3A_161 : i32 to index
        %parallel_loop3A_166 = tpu.vector_load %arg7[%parallel_loop3A_163, %parallel_loop3A_164, %parallel_loop3A_165] {strides = array<i32>} : memref<5x64x128xf32, #tpu.memory_space<vmem>>, vector<16xf32>,
        tpu.vector_store %arg7[%parallel_loop3A_163, %parallel_loop3A_164, %parallel_loop3A_165], %parallel_loop3A_159 {strides = array<i32>} : memref<5x64x128xf32, #tpu.memory_space<vmem>>, vector<16xf32>,
        %parallel_loop3A_167 = arith.constant 56 : i32
        %parallel_loop3A_168 = tpu.memref_slice %arg6[%parallel_loop3A_167] : memref<6416xf32, #tpu.memory_space<vmem>> -> memref<6360xf32, #tpu.memory_space<vmem>>
        %parallel_loop3A_169 = tpu.vector_load_idx %parallel_loop3A_168[%parallel_loop3A_96] : memref<6360xf32, #tpu.memory_space<vmem>>[vector<16xi32>], vector<16xf32>,
        %parallel_loop3A_170 = arith.constant 16 : i32
        %parallel_loop3A_171 = arith.muli %parallel_loop3A_62, %parallel_loop3A_170 : i32
        %parallel_loop3A_172 = arith.constant 56 : i32
        %parallel_loop3A_173 = arith.index_cast %parallel_loop3A_60 : i32 to index
        %parallel_loop3A_174 = arith.index_cast %parallel_loop3A_172 : i32 to index
        %parallel_loop3A_175 = arith.index_cast %parallel_loop3A_171 : i32 to index
        %parallel_loop3A_176 = tpu.vector_load %arg7[%parallel_loop3A_173, %parallel_loop3A_174, %parallel_loop3A_175] {strides = array<i32>} : memref<5x64x128xf32, #tpu.memory_space<vmem>>, vector<16xf32>,
        tpu.vector_store %arg7[%parallel_loop3A_173, %parallel_loop3A_174, %parallel_loop3A_175], %parallel_loop3A_169 {strides = array<i32>} : memref<5x64x128xf32, #tpu.memory_space<vmem>>, vector<16xf32>,
        %parallel_loop3A_177 = arith.constant 1 : i32
        %parallel_loop3A_178 = vector.broadcast %parallel_loop3A_177 : i32 to vector<16xi32>
        %parallel_loop3A_179 = arith.addi %parallel_loop3A_93, %parallel_loop3A_178 : vector<16xi32>
        %parallel_loop3A_180 = arith.constant 0 : i32
        %parallel_loop3A_181 = tpu.memref_slice %arg6[%parallel_loop3A_180] : memref<6416xf32, #tpu.memory_space<vmem>> -> memref<6360xf32, #tpu.memory_space<vmem>>
        %parallel_loop3A_182 = tpu.vector_load_idx %parallel_loop3A_181[%parallel_loop3A_179] : memref<6360xf32, #tpu.memory_space<vmem>>[vector<16xi32>], vector<16xf32>,
        %parallel_loop3A_183 = arith.constant 16 : i32
        %parallel_loop3A_184 = arith.muli %parallel_loop3A_62, %parallel_loop3A_183 : i32
        %parallel_loop3A_185 = arith.constant 1 : i32
        %parallel_loop3A_186 = arith.index_cast %parallel_loop3A_60 : i32 to index
        %parallel_loop3A_187 = arith.index_cast %parallel_loop3A_185 : i32 to index
        %parallel_loop3A_188 = arith.index_cast %parallel_loop3A_184 : i32 to index
        %parallel_loop3A_189 = tpu.vector_load %arg7[%parallel_loop3A_186, %parallel_loop3A_187, %parallel_loop3A_188] {strides = array<i32>} : memref<5x64x128xf32, #tpu.memory_space<vmem>>, vector<16xf32>,
        tpu.vector_store %arg7[%parallel_loop3A_186, %parallel_loop3A_187, %parallel_loop3A_188], %parallel_loop3A_182 {strides = array<i32>} : memref<5x64x128xf32, #tpu.memory_space<vmem>>, vector<16xf32>,
        %parallel_loop3A_190 = arith.constant 8 : i32
        %parallel_loop3A_191 = tpu.memref_slice %arg6[%parallel_loop3A_190] : memref<6416xf32, #tpu.memory_space<vmem>> -> memref<6360xf32, #tpu.memory_space<vmem>>
        %parallel_loop3A_192 = tpu.vector_load_idx %parallel_loop3A_191[%parallel_loop3A_179] : memref<6360xf32, #tpu.memory_space<vmem>>[vector<16xi32>], vector<16xf32>,
        %parallel_loop3A_193 = arith.constant 16 : i32
        %parallel_loop3A_194 = arith.muli %parallel_loop3A_62, %parallel_loop3A_193 : i32
        %parallel_loop3A_195 = arith.constant 9 : i32
        %parallel_loop3A_196 = arith.index_cast %parallel_loop3A_60 : i32 to index
        %parallel_loop3A_197 = arith.index_cast %parallel_loop3A_195 : i32 to index
        %parallel_loop3A_198 = arith.index_cast %parallel_loop3A_194 : i32 to index
        %parallel_loop3A_199 = tpu.vector_load %arg7[%parallel_loop3A_196, %parallel_loop3A_197, %parallel_loop3A_198] {strides = array<i32>} : memref<5x64x128xf32, #tpu.memory_space<vmem>>, vector<16xf32>,
        tpu.vector_store %arg7[%parallel_loop3A_196, %parallel_loop3A_197, %parallel_loop3A_198], %parallel_loop3A_192 {strides = array<i32>} : memref<5x64x128xf32, #tpu.memory_space<vmem>>, vector<16xf32>,
        %parallel_loop3A_200 = arith.constant 16 : i32
        %parallel_loop3A_201 = tpu.memref_slice %arg6[%parallel_loop3A_200] : memref<6416xf32, #tpu.memory_space<vmem>> -> memref<6360xf32, #tpu.memory_space<vmem>>
        %parallel_loop3A_202 = tpu.vector_load_idx %parallel_loop3A_201[%parallel_loop3A_179] : memref<6360xf32, #tpu.memory_space<vmem>>[vector<16xi32>], vector<16xf32>,
        %parallel_loop3A_203 = arith.constant 16 : i32
        %parallel_loop3A_204 = arith.muli %parallel_loop3A_62, %parallel_loop3A_203 : i32
        %parallel_loop3A_205 = arith.constant 17 : i32
        %parallel_loop3A_206 = arith.index_cast %parallel_loop3A_60 : i32 to index
        %parallel_loop3A_207 = arith.index_cast %parallel_loop3A_205 : i32 to index
        %parallel_loop3A_208 = arith.index_cast %parallel_loop3A_204 : i32 to index
        %parallel_loop3A_209 = tpu.vector_load %arg7[%parallel_loop3A_206, %parallel_loop3A_207, %parallel_loop3A_208] {strides = array<i32>} : memref<5x64x128xf32, #tpu.memory_space<vmem>>, vector<16xf32>,
        tpu.vector_store %arg7[%parallel_loop3A_206, %parallel_loop3A_207, %parallel_loop3A_208], %parallel_loop3A_202 {strides = array<i32>} : memref<5x64x128xf32, #tpu.memory_space<vmem>>, vector<16xf32>,
        %parallel_loop3A_210 = arith.constant 24 : i32
        %parallel_loop3A_211 = tpu.memref_slice %arg6[%parallel_loop3A_210] : memref<6416xf32, #tpu.memory_space<vmem>> -> memref<6360xf32, #tpu.memory_space<vmem>>
        %parallel_loop3A_212 = tpu.vector_load_idx %parallel_loop3A_211[%parallel_loop3A_179] : memref<6360xf32, #tpu.memory_space<vmem>>[vector<16xi32>], vector<16xf32>,
        %parallel_loop3A_213 = arith.constant 16 : i32
        %parallel_loop3A_214 = arith.muli %parallel_loop3A_62, %parallel_loop3A_213 : i32
        %parallel_loop3A_215 = arith.constant 25 : i32
        %parallel_loop3A_216 = arith.index_cast %parallel_loop3A_60 : i32 to index
        %parallel_loop3A_217 = arith.index_cast %parallel_loop3A_215 : i32 to index
        %parallel_loop3A_218 = arith.index_cast %parallel_loop3A_214 : i32 to index
        %parallel_loop3A_219 = tpu.vector_load %arg7[%parallel_loop3A_216, %parallel_loop3A_217, %parallel_loop3A_218] {strides = array<i32>} : memref<5x64x128xf32, #tpu.memory_space<vmem>>, vector<16xf32>,
        tpu.vector_store %arg7[%parallel_loop3A_216, %parallel_loop3A_217, %parallel_loop3A_218], %parallel_loop3A_212 {strides = array<i32>} : memref<5x64x128xf32, #tpu.memory_space<vmem>>, vector<16xf32>,
        %parallel_loop3A_220 = arith.constant 32 : i32
        %parallel_loop3A_221 = tpu.memref_slice %arg6[%parallel_loop3A_220] : memref<6416xf32, #tpu.memory_space<vmem>> -> memref<6360xf32, #tpu.memory_space<vmem>>
        %parallel_loop3A_222 = tpu.vector_load_idx %parallel_loop3A_221[%parallel_loop3A_179] : memref<6360xf32, #tpu.memory_space<vmem>>[vector<16xi32>], vector<16xf32>,
        %parallel_loop3A_223 = arith.constant 16 : i32
        %parallel_loop3A_224 = arith.muli %parallel_loop3A_62, %parallel_loop3A_223 : i32
        %parallel_loop3A_225 = arith.constant 33 : i32
        %parallel_loop3A_226 = arith.index_cast %parallel_loop3A_60 : i32 to index
        %parallel_loop3A_227 = arith.index_cast %parallel_loop3A_225 : i32 to index
        %parallel_loop3A_228 = arith.index_cast %parallel_loop3A_224 : i32 to index
        %parallel_loop3A_229 = tpu.vector_load %arg7[%parallel_loop3A_226, %parallel_loop3A_227, %parallel_loop3A_228] {strides = array<i32>} : memref<5x64x128xf32, #tpu.memory_space<vmem>>, vector<16xf32>,
        tpu.vector_store %arg7[%parallel_loop3A_226, %parallel_loop3A_227, %parallel_loop3A_228], %parallel_loop3A_222 {strides = array<i32>} : memref<5x64x128xf32, #tpu.memory_space<vmem>>, vector<16xf32>,
        %parallel_loop3A_230 = arith.constant 40 : i32
        %parallel_loop3A_231 = tpu.memref_slice %arg6[%parallel_loop3A_230] : memref<6416xf32, #tpu.memory_space<vmem>> -> memref<6360xf32, #tpu.memory_space<vmem>>
        %parallel_loop3A_232 = tpu.vector_load_idx %parallel_loop3A_231[%parallel_loop3A_179] : memref<6360xf32, #tpu.memory_space<vmem>>[vector<16xi32>], vector<16xf32>,
        %parallel_loop3A_233 = arith.constant 16 : i32
        %parallel_loop3A_234 = arith.muli %parallel_loop3A_62, %parallel_loop3A_233 : i32
        %parallel_loop3A_235 = arith.constant 41 : i32
        %parallel_loop3A_236 = arith.index_cast %parallel_loop3A_60 : i32 to index
        %parallel_loop3A_237 = arith.index_cast %parallel_loop3A_235 : i32 to index
        %parallel_loop3A_238 = arith.index_cast %parallel_loop3A_234 : i32 to index
        %parallel_loop3A_239 = tpu.vector_load %arg7[%parallel_loop3A_236, %parallel_loop3A_237, %parallel_loop3A_238] {strides = array<i32>} : memref<5x64x128xf32, #tpu.memory_space<vmem>>, vector<16xf32>,
        tpu.vector_store %arg7[%parallel_loop3A_236, %parallel_loop3A_237, %parallel_loop3A_238], %parallel_loop3A_232 {strides = array<i32>} : memref<5x64x128xf32, #tpu.memory_space<vmem>>, vector<16xf32>,
        %parallel_loop3A_240 = arith.constant 48 : i32
        %parallel_loop3A_241 = tpu.memref_slice %arg6[%parallel_loop3A_240] : memref<6416xf32, #tpu.memory_space<vmem>> -> memref<6360xf32, #tpu.memory_space<vmem>>
        %parallel_loop3A_242 = tpu.vector_load_idx %parallel_loop3A_241[%parallel_loop3A_179] : memref<6360xf32, #tpu.memory_space<vmem>>[vector<16xi32>], vector<16xf32>,
        %parallel_loop3A_243 = arith.constant 16 : i32
        %parallel_loop3A_244 = arith.muli %parallel_loop3A_62, %parallel_loop3A_243 : i32
        %parallel_loop3A_245 = arith.constant 49 : i32
        %parallel_loop3A_246 = arith.index_cast %parallel_loop3A_60 : i32 to index
        %parallel_loop3A_247 = arith.index_cast %parallel_loop3A_245 : i32 to index
        %parallel_loop3A_248 = arith.index_cast %parallel_loop3A_244 : i32 to index
        %parallel_loop3A_249 = tpu.vector_load %arg7[%parallel_loop3A_246, %parallel_loop3A_247, %parallel_loop3A_248] {strides = array<i32>} : memref<5x64x128xf32, #tpu.memory_space<vmem>>, vector<16xf32>,
        tpu.vector_store %arg7[%parallel_loop3A_246, %parallel_loop3A_247, %parallel_loop3A_248], %parallel_loop3A_242 {strides = array<i32>} : memref<5x64x128xf32, #tpu.memory_space<vmem>>, vector<16xf32>,
        %parallel_loop3A_250 = arith.constant 56 : i32
        %parallel_loop3A_251 = tpu.memref_slice %arg6[%parallel_loop3A_250] : memref<6416xf32, #tpu.memory_space<vmem>> -> memref<6360xf32, #tpu.memory_space<vmem>>
        %parallel_loop3A_252 = tpu.vector_load_idx %parallel_loop3A_251[%parallel_loop3A_179] : memref<6360xf32, #tpu.memory_space<vmem>>[vector<16xi32>], vector<16xf32>,
        %parallel_loop3A_253 = arith.constant 16 : i32
        %parallel_loop3A_254 = arith.muli %parallel_loop3A_62, %parallel_loop3A_253 : i32
        %parallel_loop3A_255 = arith.constant 57 : i32
        %parallel_loop3A_256 = arith.index_cast %parallel_loop3A_60 : i32 to index
        %parallel_loop3A_257 = arith.index_cast %parallel_loop3A_255 : i32 to index
        %parallel_loop3A_258 = arith.index_cast %parallel_loop3A_254 : i32 to index
        %parallel_loop3A_259 = tpu.vector_load %arg7[%parallel_loop3A_256, %parallel_loop3A_257, %parallel_loop3A_258] {strides = array<i32>} : memref<5x64x128xf32, #tpu.memory_space<vmem>>, vector<16xf32>,
        tpu.vector_store %arg7[%parallel_loop3A_256, %parallel_loop3A_257, %parallel_loop3A_258], %parallel_loop3A_252 {strides = array<i32>} : memref<5x64x128xf32, #tpu.memory_space<vmem>>, vector<16xf32>,
        %parallel_loop3A_260 = arith.constant 2 : i32
        %parallel_loop3A_261 = vector.broadcast %parallel_loop3A_260 : i32 to vector<16xi32>
        %parallel_loop3A_262 = arith.addi %parallel_loop3A_93, %parallel_loop3A_261 : vector<16xi32>
        %parallel_loop3A_263 = arith.constant 0 : i32
        %parallel_loop3A_264 = tpu.memref_slice %arg6[%parallel_loop3A_263] : memref<6416xf32, #tpu.memory_space<vmem>> -> memref<6360xf32, #tpu.memory_space<vmem>>
        %parallel_loop3A_265 = tpu.vector_load_idx %parallel_loop3A_264[%parallel_loop3A_262] : memref<6360xf32, #tpu.memory_space<vmem>>[vector<16xi32>], vector<16xf32>,
        %parallel_loop3A_266 = arith.constant 16 : i32
        %parallel_loop3A_267 = arith.muli %parallel_loop3A_62, %parallel_loop3A_266 : i32
        %parallel_loop3A_268 = arith.constant 2 : i32
        %parallel_loop3A_269 = arith.index_cast %parallel_loop3A_60 : i32 to index
        %parallel_loop3A_270 = arith.index_cast %parallel_loop3A_268 : i32 to index
        %parallel_loop3A_271 = arith.index_cast %parallel_loop3A_267 : i32 to index
        %parallel_loop3A_272 = tpu.vector_load %arg7[%parallel_loop3A_269, %parallel_loop3A_270, %parallel_loop3A_271] {strides = array<i32>} : memref<5x64x128xf32, #tpu.memory_space<vmem>>, vector<16xf32>,
        tpu.vector_store %arg7[%parallel_loop3A_269, %parallel_loop3A_270, %parallel_loop3A_271], %parallel_loop3A_265 {strides = array<i32>} : memref<5x64x128xf32, #tpu.memory_space<vmem>>, vector<16xf32>,
        %parallel_loop3A_273 = arith.constant 8 : i32
        %parallel_loop3A_274 = tpu.memref_slice %arg6[%parallel_loop3A_273] : memref<6416xf32, #tpu.memory_space<vmem>> -> memref<6360xf32, #tpu.memory_space<vmem>>
        %parallel_loop3A_275 = tpu.vector_load_idx %parallel_loop3A_274[%parallel_loop3A_262] : memref<6360xf32, #tpu.memory_space<vmem>>[vector<16xi32>], vector<16xf32>,
        %parallel_loop3A_276 = arith.constant 16 : i32
        %parallel_loop3A_277 = arith.muli %parallel_loop3A_62, %parallel_loop3A_276 : i32
        %parallel_loop3A_278 = arith.constant 10 : i32
        %parallel_loop3A_279 = arith.index_cast %parallel_loop3A_60 : i32 to index
        %parallel_loop3A_280 = arith.index_cast %parallel_loop3A_278 : i32 to index
        %parallel_loop3A_281 = arith.index_cast %parallel_loop3A_277 : i32 to index
        %parallel_loop3A_282 = tpu.vector_load %arg7[%parallel_loop3A_279, %parallel_loop3A_280, %parallel_loop3A_281] {strides = array<i32>} : memref<5x64x128xf32, #tpu.memory_space<vmem>>, vector<16xf32>,
        tpu.vector_store %arg7[%parallel_loop3A_279, %parallel_loop3A_280, %parallel_loop3A_281], %parallel_loop3A_275 {strides = array<i32>} : memref<5x64x128xf32, #tpu.memory_space<vmem>>, vector<16xf32>,
        %parallel_loop3A_283 = arith.constant 16 : i32
        %parallel_loop3A_284 = tpu.memref_slice %arg6[%parallel_loop3A_283] : memref<6416xf32, #tpu.memory_space<vmem>> -> memref<6360xf32, #tpu.memory_space<vmem>>
        %parallel_loop3A_285 = tpu.vector_load_idx %parallel_loop3A_284[%parallel_loop3A_262] : memref<6360xf32, #tpu.memory_space<vmem>>[vector<16xi32>], vector<16xf32>,
        %parallel_loop3A_286 = arith.constant 16 : i32
        %parallel_loop3A_287 = arith.muli %parallel_loop3A_62, %parallel_loop3A_286 : i32
        %parallel_loop3A_288 = arith.constant 18 : i32
        %parallel_loop3A_289 = arith.index_cast %parallel_loop3A_60 : i32 to index
        %parallel_loop3A_290 = arith.index_cast %parallel_loop3A_288 : i32 to index
        %parallel_loop3A_291 = arith.index_cast %parallel_loop3A_287 : i32 to index
        %parallel_loop3A_292 = tpu.vector_load %arg7[%parallel_loop3A_289, %parallel_loop3A_290, %parallel_loop3A_291] {strides = array<i32>} : memref<5x64x128xf32, #tpu.memory_space<vmem>>, vector<16xf32>,
        tpu.vector_store %arg7[%parallel_loop3A_289, %parallel_loop3A_290, %parallel_loop3A_291], %parallel_loop3A_285 {strides = array<i32>} : memref<5x64x128xf32, #tpu.memory_space<vmem>>, vector<16xf32>,
        %parallel_loop3A_293 = arith.constant 24 : i32
        %parallel_loop3A_294 = tpu.memref_slice %arg6[%parallel_loop3A_293] : memref<6416xf32, #tpu.memory_space<vmem>> -> memref<6360xf32, #tpu.memory_space<vmem>>
        %parallel_loop3A_295 = tpu.vector_load_idx %parallel_loop3A_294[%parallel_loop3A_262] : memref<6360xf32, #tpu.memory_space<vmem>>[vector<16xi32>], vector<16xf32>,
        %parallel_loop3A_296 = arith.constant 16 : i32
        %parallel_loop3A_297 = arith.muli %parallel_loop3A_62, %parallel_loop3A_296 : i32
        %parallel_loop3A_298 = arith.constant 26 : i32
        %parallel_loop3A_299 = arith.index_cast %parallel_loop3A_60 : i32 to index
        %parallel_loop3A_300 = arith.index_cast %parallel_loop3A_298 : i32 to index
        %parallel_loop3A_301 = arith.index_cast %parallel_loop3A_297 : i32 to index
        %parallel_loop3A_302 = tpu.vector_load %arg7[%parallel_loop3A_299, %parallel_loop3A_300, %parallel_loop3A_301] {strides = array<i32>} : memref<5x64x128xf32, #tpu.memory_space<vmem>>, vector<16xf32>,
        tpu.vector_store %arg7[%parallel_loop3A_299, %parallel_loop3A_300, %parallel_loop3A_301], %parallel_loop3A_295 {strides = array<i32>} : memref<5x64x128xf32, #tpu.memory_space<vmem>>, vector<16xf32>,
        %parallel_loop3A_303 = arith.constant 32 : i32
        %parallel_loop3A_304 = tpu.memref_slice %arg6[%parallel_loop3A_303] : memref<6416xf32, #tpu.memory_space<vmem>> -> memref<6360xf32, #tpu.memory_space<vmem>>
        %parallel_loop3A_305 = tpu.vector_load_idx %parallel_loop3A_304[%parallel_loop3A_262] : memref<6360xf32, #tpu.memory_space<vmem>>[vector<16xi32>], vector<16xf32>,
        %parallel_loop3A_306 = arith.constant 16 : i32
        %parallel_loop3A_307 = arith.muli %parallel_loop3A_62, %parallel_loop3A_306 : i32
        %parallel_loop3A_308 = arith.constant 34 : i32
        %parallel_loop3A_309 = arith.index_cast %parallel_loop3A_60 : i32 to index
        %parallel_loop3A_310 = arith.index_cast %parallel_loop3A_308 : i32 to index
        %parallel_loop3A_311 = arith.index_cast %parallel_loop3A_307 : i32 to index
        %parallel_loop3A_312 = tpu.vector_load %arg7[%parallel_loop3A_309, %parallel_loop3A_310, %parallel_loop3A_311] {strides = array<i32>} : memref<5x64x128xf32, #tpu.memory_space<vmem>>, vector<16xf32>,
        tpu.vector_store %arg7[%parallel_loop3A_309, %parallel_loop3A_310, %parallel_loop3A_311], %parallel_loop3A_305 {strides = array<i32>} : memref<5x64x128xf32, #tpu.memory_space<vmem>>, vector<16xf32>,
        %parallel_loop3A_313 = arith.constant 40 : i32
        %parallel_loop3A_314 = tpu.memref_slice %arg6[%parallel_loop3A_313] : memref<6416xf32, #tpu.memory_space<vmem>> -> memref<6360xf32, #tpu.memory_space<vmem>>
        %parallel_loop3A_315 = tpu.vector_load_idx %parallel_loop3A_314[%parallel_loop3A_262] : memref<6360xf32, #tpu.memory_space<vmem>>[vector<16xi32>], vector<16xf32>,
        %parallel_loop3A_316 = arith.constant 16 : i32
        %parallel_loop3A_317 = arith.muli %parallel_loop3A_62, %parallel_loop3A_316 : i32
        %parallel_loop3A_318 = arith.constant 42 : i32
        %parallel_loop3A_319 = arith.index_cast %parallel_loop3A_60 : i32 to index
        %parallel_loop3A_320 = arith.index_cast %parallel_loop3A_318 : i32 to index
        %parallel_loop3A_321 = arith.index_cast %parallel_loop3A_317 : i32 to index
        %parallel_loop3A_322 = tpu.vector_load %arg7[%parallel_loop3A_319, %parallel_loop3A_320, %parallel_loop3A_321] {strides = array<i32>} : memref<5x64x128xf32, #tpu.memory_space<vmem>>, vector<16xf32>,
        tpu.vector_store %arg7[%parallel_loop3A_319, %parallel_loop3A_320, %parallel_loop3A_321], %parallel_loop3A_315 {strides = array<i32>} : memref<5x64x128xf32, #tpu.memory_space<vmem>>, vector<16xf32>,
        %parallel_loop3A_323 = arith.constant 48 : i32
        %parallel_loop3A_324 = tpu.memref_slice %arg6[%parallel_loop3A_323] : memref<6416xf32, #tpu.memory_space<vmem>> -> memref<6360xf32, #tpu.memory_space<vmem>>
        %parallel_loop3A_325 = tpu.vector_load_idx %parallel_loop3A_324[%parallel_loop3A_262] : memref<6360xf32, #tpu.memory_space<vmem>>[vector<16xi32>], vector<16xf32>,
        %parallel_loop3A_326 = arith.constant 16 : i32
        %parallel_loop3A_327 = arith.muli %parallel_loop3A_62, %parallel_loop3A_326 : i32
        %parallel_loop3A_328 = arith.constant 50 : i32
        %parallel_loop3A_329 = arith.index_cast %parallel_loop3A_60 : i32 to index
        %parallel_loop3A_330 = arith.index_cast %parallel_loop3A_328 : i32 to index
        %parallel_loop3A_331 = arith.index_cast %parallel_loop3A_327 : i32 to index
        %parallel_loop3A_332 = tpu.vector_load %arg7[%parallel_loop3A_329, %parallel_loop3A_330, %parallel_loop3A_331] {strides = array<i32>} : memref<5x64x128xf32, #tpu.memory_space<vmem>>, vector<16xf32>,
        tpu.vector_store %arg7[%parallel_loop3A_329, %parallel_loop3A_330, %parallel_loop3A_331], %parallel_loop3A_325 {strides = array<i32>} : memref<5x64x128xf32, #tpu.memory_space<vmem>>, vector<16xf32>,
        %parallel_loop3A_333 = arith.constant 56 : i32
        %parallel_loop3A_334 = tpu.memref_slice %arg6[%parallel_loop3A_333] : memref<6416xf32, #tpu.memory_space<vmem>> -> memref<6360xf32, #tpu.memory_space<vmem>>
        %parallel_loop3A_335 = tpu.vector_load_idx %parallel_loop3A_334[%parallel_loop3A_262] : memref<6360xf32, #tpu.memory_space<vmem>>[vector<16xi32>], vector<16xf32>,
        %parallel_loop3A_336 = arith.constant 16 : i32
        %parallel_loop3A_337 = arith.muli %parallel_loop3A_62, %parallel_loop3A_336 : i32
        %parallel_loop3A_338 = arith.constant 58 : i32
        %parallel_loop3A_339 = arith.index_cast %parallel_loop3A_60 : i32 to index
        %parallel_loop3A_340 = arith.index_cast %parallel_loop3A_338 : i32 to index
        %parallel_loop3A_341 = arith.index_cast %parallel_loop3A_337 : i32 to index
        %parallel_loop3A_342 = tpu.vector_load %arg7[%parallel_loop3A_339, %parallel_loop3A_340, %parallel_loop3A_341] {strides = array<i32>} : memref<5x64x128xf32, #tpu.memory_space<vmem>>, vector<16xf32>,
        tpu.vector_store %arg7[%parallel_loop3A_339, %parallel_loop3A_340, %parallel_loop3A_341], %parallel_loop3A_335 {strides = array<i32>} : memref<5x64x128xf32, #tpu.memory_space<vmem>>, vector<16xf32>,
        %parallel_loop3A_343 = arith.constant 3 : i32
        %parallel_loop3A_344 = vector.broadcast %parallel_loop3A_343 : i32 to vector<16xi32>
        %parallel_loop3A_345 = arith.addi %parallel_loop3A_93, %parallel_loop3A_344 : vector<16xi32>
        %parallel_loop3A_346 = arith.constant 0 : i32
        %parallel_loop3A_347 = tpu.memref_slice %arg6[%parallel_loop3A_346] : memref<6416xf32, #tpu.memory_space<vmem>> -> memref<6360xf32, #tpu.memory_space<vmem>>
        %parallel_loop3A_348 = tpu.vector_load_idx %parallel_loop3A_347[%parallel_loop3A_345] : memref<6360xf32, #tpu.memory_space<vmem>>[vector<16xi32>], vector<16xf32>,
        %parallel_loop3A_349 = arith.constant 16 : i32
        %parallel_loop3A_350 = arith.muli %parallel_loop3A_62, %parallel_loop3A_349 : i32
        %parallel_loop3A_351 = arith.constant 3 : i32
        %parallel_loop3A_352 = arith.index_cast %parallel_loop3A_60 : i32 to index
        %parallel_loop3A_353 = arith.index_cast %parallel_loop3A_351 : i32 to index
        %parallel_loop3A_354 = arith.index_cast %parallel_loop3A_350 : i32 to index
        %parallel_loop3A_355 = tpu.vector_load %arg7[%parallel_loop3A_352, %parallel_loop3A_353, %parallel_loop3A_354] {strides = array<i32>} : memref<5x64x128xf32, #tpu.memory_space<vmem>>, vector<16xf32>,
        tpu.vector_store %arg7[%parallel_loop3A_352, %parallel_loop3A_353, %parallel_loop3A_354], %parallel_loop3A_348 {strides = array<i32>} : memref<5x64x128xf32, #tpu.memory_space<vmem>>, vector<16xf32>,
        %parallel_loop3A_356 = arith.constant 8 : i32
        %parallel_loop3A_357 = tpu.memref_slice %arg6[%parallel_loop3A_356] : memref<6416xf32, #tpu.memory_space<vmem>> -> memref<6360xf32, #tpu.memory_space<vmem>>
        %parallel_loop3A_358 = tpu.vector_load_idx %parallel_loop3A_357[%parallel_loop3A_345] : memref<6360xf32, #tpu.memory_space<vmem>>[vector<16xi32>], vector<16xf32>,
        %parallel_loop3A_359 = arith.constant 16 : i32
        %parallel_loop3A_360 = arith.muli %parallel_loop3A_62, %parallel_loop3A_359 : i32
        %parallel_loop3A_361 = arith.constant 11 : i32
        %parallel_loop3A_362 = arith.index_cast %parallel_loop3A_60 : i32 to index
        %parallel_loop3A_363 = arith.index_cast %parallel_loop3A_361 : i32 to index
        %parallel_loop3A_364 = arith.index_cast %parallel_loop3A_360 : i32 to index
        %parallel_loop3A_365 = tpu.vector_load %arg7[%parallel_loop3A_362, %parallel_loop3A_363, %parallel_loop3A_364] {strides = array<i32>} : memref<5x64x128xf32, #tpu.memory_space<vmem>>, vector<16xf32>,
        tpu.vector_store %arg7[%parallel_loop3A_362, %parallel_loop3A_363, %parallel_loop3A_364], %parallel_loop3A_358 {strides = array<i32>} : memref<5x64x128xf32, #tpu.memory_space<vmem>>, vector<16xf32>,
        %parallel_loop3A_366 = arith.constant 16 : i32
        %parallel_loop3A_367 = tpu.memref_slice %arg6[%parallel_loop3A_366] : memref<6416xf32, #tpu.memory_space<vmem>> -> memref<6360xf32, #tpu.memory_space<vmem>>
        %parallel_loop3A_368 = tpu.vector_load_idx %parallel_loop3A_367[%parallel_loop3A_345] : memref<6360xf32, #tpu.memory_space<vmem>>[vector<16xi32>], vector<16xf32>,
        %parallel_loop3A_369 = arith.constant 16 : i32
        %parallel_loop3A_370 = arith.muli %parallel_loop3A_62, %parallel_loop3A_369 : i32
        %parallel_loop3A_371 = arith.constant 19 : i32
        %parallel_loop3A_372 = arith.index_cast %parallel_loop3A_60 : i32 to index
        %parallel_loop3A_373 = arith.index_cast %parallel_loop3A_371 : i32 to index
        %parallel_loop3A_374 = arith.index_cast %parallel_loop3A_370 : i32 to index
        %parallel_loop3A_375 = tpu.vector_load %arg7[%parallel_loop3A_372, %parallel_loop3A_373, %parallel_loop3A_374] {strides = array<i32>} : memref<5x64x128xf32, #tpu.memory_space<vmem>>, vector<16xf32>,
        tpu.vector_store %arg7[%parallel_loop3A_372, %parallel_loop3A_373, %parallel_loop3A_374], %parallel_loop3A_368 {strides = array<i32>} : memref<5x64x128xf32, #tpu.memory_space<vmem>>, vector<16xf32>,
        %parallel_loop3A_376 = arith.constant 24 : i32
        %parallel_loop3A_377 = tpu.memref_slice %arg6[%parallel_loop3A_376] : memref<6416xf32, #tpu.memory_space<vmem>> -> memref<6360xf32, #tpu.memory_space<vmem>>
        %parallel_loop3A_378 = tpu.vector_load_idx %parallel_loop3A_377[%parallel_loop3A_345] : memref<6360xf32, #tpu.memory_space<vmem>>[vector<16xi32>], vector<16xf32>,
        %parallel_loop3A_379 = arith.constant 16 : i32
        %parallel_loop3A_380 = arith.muli %parallel_loop3A_62, %parallel_loop3A_379 : i32
        %parallel_loop3A_381 = arith.constant 27 : i32
        %parallel_loop3A_382 = arith.index_cast %parallel_loop3A_60 : i32 to index
        %parallel_loop3A_383 = arith.index_cast %parallel_loop3A_381 : i32 to index
        %parallel_loop3A_384 = arith.index_cast %parallel_loop3A_380 : i32 to index
        %parallel_loop3A_385 = tpu.vector_load %arg7[%parallel_loop3A_382, %parallel_loop3A_383, %parallel_loop3A_384] {strides = array<i32>} : memref<5x64x128xf32, #tpu.memory_space<vmem>>, vector<16xf32>,
        tpu.vector_store %arg7[%parallel_loop3A_382, %parallel_loop3A_383, %parallel_loop3A_384], %parallel_loop3A_378 {strides = array<i32>} : memref<5x64x128xf32, #tpu.memory_space<vmem>>, vector<16xf32>,
        %parallel_loop3A_386 = arith.constant 32 : i32
        %parallel_loop3A_387 = tpu.memref_slice %arg6[%parallel_loop3A_386] : memref<6416xf32, #tpu.memory_space<vmem>> -> memref<6360xf32, #tpu.memory_space<vmem>>
        %parallel_loop3A_388 = tpu.vector_load_idx %parallel_loop3A_387[%parallel_loop3A_345] : memref<6360xf32, #tpu.memory_space<vmem>>[vector<16xi32>], vector<16xf32>,
        %parallel_loop3A_389 = arith.constant 16 : i32
        %parallel_loop3A_390 = arith.muli %parallel_loop3A_62, %parallel_loop3A_389 : i32
        %parallel_loop3A_391 = arith.constant 35 : i32
        %parallel_loop3A_392 = arith.index_cast %parallel_loop3A_60 : i32 to index
        %parallel_loop3A_393 = arith.index_cast %parallel_loop3A_391 : i32 to index
        %parallel_loop3A_394 = arith.index_cast %parallel_loop3A_390 : i32 to index
        %parallel_loop3A_395 = tpu.vector_load %arg7[%parallel_loop3A_392, %parallel_loop3A_393, %parallel_loop3A_394] {strides = array<i32>} : memref<5x64x128xf32, #tpu.memory_space<vmem>>, vector<16xf32>,
        tpu.vector_store %arg7[%parallel_loop3A_392, %parallel_loop3A_393, %parallel_loop3A_394], %parallel_loop3A_388 {strides = array<i32>} : memref<5x64x128xf32, #tpu.memory_space<vmem>>, vector<16xf32>,
        %parallel_loop3A_396 = arith.constant 40 : i32
        %parallel_loop3A_397 = tpu.memref_slice %arg6[%parallel_loop3A_396] : memref<6416xf32, #tpu.memory_space<vmem>> -> memref<6360xf32, #tpu.memory_space<vmem>>
        %parallel_loop3A_398 = tpu.vector_load_idx %parallel_loop3A_397[%parallel_loop3A_345] : memref<6360xf32, #tpu.memory_space<vmem>>[vector<16xi32>], vector<16xf32>,
        %parallel_loop3A_399 = arith.constant 16 : i32
        %parallel_loop3A_400 = arith.muli %parallel_loop3A_62, %parallel_loop3A_399 : i32
        %parallel_loop3A_401 = arith.constant 43 : i32
        %parallel_loop3A_402 = arith.index_cast %parallel_loop3A_60 : i32 to index
        %parallel_loop3A_403 = arith.index_cast %parallel_loop3A_401 : i32 to index
        %parallel_loop3A_404 = arith.index_cast %parallel_loop3A_400 : i32 to index
        %parallel_loop3A_405 = tpu.vector_load %arg7[%parallel_loop3A_402, %parallel_loop3A_403, %parallel_loop3A_404] {strides = array<i32>} : memref<5x64x128xf32, #tpu.memory_space<vmem>>, vector<16xf32>,
        tpu.vector_store %arg7[%parallel_loop3A_402, %parallel_loop3A_403, %parallel_loop3A_404], %parallel_loop3A_398 {strides = array<i32>} : memref<5x64x128xf32, #tpu.memory_space<vmem>>, vector<16xf32>,
        %parallel_loop3A_406 = arith.constant 48 : i32
        %parallel_loop3A_407 = tpu.memref_slice %arg6[%parallel_loop3A_406] : memref<6416xf32, #tpu.memory_space<vmem>> -> memref<6360xf32, #tpu.memory_space<vmem>>
        %parallel_loop3A_408 = tpu.vector_load_idx %parallel_loop3A_407[%parallel_loop3A_345] : memref<6360xf32, #tpu.memory_space<vmem>>[vector<16xi32>], vector<16xf32>,
        %parallel_loop3A_409 = arith.constant 16 : i32
        %parallel_loop3A_410 = arith.muli %parallel_loop3A_62, %parallel_loop3A_409 : i32
        %parallel_loop3A_411 = arith.constant 51 : i32
        %parallel_loop3A_412 = arith.index_cast %parallel_loop3A_60 : i32 to index
        %parallel_loop3A_413 = arith.index_cast %parallel_loop3A_411 : i32 to index
        %parallel_loop3A_414 = arith.index_cast %parallel_loop3A_410 : i32 to index
        %parallel_loop3A_415 = tpu.vector_load %arg7[%parallel_loop3A_412, %parallel_loop3A_413, %parallel_loop3A_414] {strides = array<i32>} : memref<5x64x128xf32, #tpu.memory_space<vmem>>, vector<16xf32>,
        tpu.vector_store %arg7[%parallel_loop3A_412, %parallel_loop3A_413, %parallel_loop3A_414], %parallel_loop3A_408 {strides = array<i32>} : memref<5x64x128xf32, #tpu.memory_space<vmem>>, vector<16xf32>,
        %parallel_loop3A_416 = arith.constant 56 : i32
        %parallel_loop3A_417 = tpu.memref_slice %arg6[%parallel_loop3A_416] : memref<6416xf32, #tpu.memory_space<vmem>> -> memref<6360xf32, #tpu.memory_space<vmem>>
        %parallel_loop3A_418 = tpu.vector_load_idx %parallel_loop3A_417[%parallel_loop3A_345] : memref<6360xf32, #tpu.memory_space<vmem>>[vector<16xi32>], vector<16xf32>,
        %parallel_loop3A_419 = arith.constant 16 : i32
        %parallel_loop3A_420 = arith.muli %parallel_loop3A_62, %parallel_loop3A_419 : i32
        %parallel_loop3A_421 = arith.constant 59 : i32
        %parallel_loop3A_422 = arith.index_cast %parallel_loop3A_60 : i32 to index
        %parallel_loop3A_423 = arith.index_cast %parallel_loop3A_421 : i32 to index
        %parallel_loop3A_424 = arith.index_cast %parallel_loop3A_420 : i32 to index
        %parallel_loop3A_425 = tpu.vector_load %arg7[%parallel_loop3A_422, %parallel_loop3A_423, %parallel_loop3A_424] {strides = array<i32>} : memref<5x64x128xf32, #tpu.memory_space<vmem>>, vector<16xf32>,
        tpu.vector_store %arg7[%parallel_loop3A_422, %parallel_loop3A_423, %parallel_loop3A_424], %parallel_loop3A_418 {strides = array<i32>} : memref<5x64x128xf32, #tpu.memory_space<vmem>>, vector<16xf32>,
        %parallel_loop3A_426 = arith.constant 4 : i32
        %parallel_loop3A_427 = vector.broadcast %parallel_loop3A_426 : i32 to vector<16xi32>
        %parallel_loop3A_428 = arith.addi %parallel_loop3A_93, %parallel_loop3A_427 : vector<16xi32>
        %parallel_loop3A_429 = arith.constant 0 : i32
        %parallel_loop3A_430 = tpu.memref_slice %arg6[%parallel_loop3A_429] : memref<6416xf32, #tpu.memory_space<vmem>> -> memref<6360xf32, #tpu.memory_space<vmem>>
        %parallel_loop3A_431 = tpu.vector_load_idx %parallel_loop3A_430[%parallel_loop3A_428] : memref<6360xf32, #tpu.memory_space<vmem>>[vector<16xi32>], vector<16xf32>,
        %parallel_loop3A_432 = arith.constant 16 : i32
        %parallel_loop3A_433 = arith.muli %parallel_loop3A_62, %parallel_loop3A_432 : i32
        %parallel_loop3A_434 = arith.constant 4 : i32
        %parallel_loop3A_435 = arith.index_cast %parallel_loop3A_60 : i32 to index
        %parallel_loop3A_436 = arith.index_cast %parallel_loop3A_434 : i32 to index
        %parallel_loop3A_437 = arith.index_cast %parallel_loop3A_433 : i32 to index
        %parallel_loop3A_438 = tpu.vector_load %arg7[%parallel_loop3A_435, %parallel_loop3A_436, %parallel_loop3A_437] {strides = array<i32>} : memref<5x64x128xf32, #tpu.memory_space<vmem>>, vector<16xf32>,
        tpu.vector_store %arg7[%parallel_loop3A_435, %parallel_loop3A_436, %parallel_loop3A_437], %parallel_loop3A_431 {strides = array<i32>} : memref<5x64x128xf32, #tpu.memory_space<vmem>>, vector<16xf32>,
        %parallel_loop3A_439 = arith.constant 8 : i32
        %parallel_loop3A_440 = tpu.memref_slice %arg6[%parallel_loop3A_439] : memref<6416xf32, #tpu.memory_space<vmem>> -> memref<6360xf32, #tpu.memory_space<vmem>>
        %parallel_loop3A_441 = tpu.vector_load_idx %parallel_loop3A_440[%parallel_loop3A_428] : memref<6360xf32, #tpu.memory_space<vmem>>[vector<16xi32>], vector<16xf32>,
        %parallel_loop3A_442 = arith.constant 16 : i32
        %parallel_loop3A_443 = arith.muli %parallel_loop3A_62, %parallel_loop3A_442 : i32
        %parallel_loop3A_444 = arith.constant 12 : i32
        %parallel_loop3A_445 = arith.index_cast %parallel_loop3A_60 : i32 to index
        %parallel_loop3A_446 = arith.index_cast %parallel_loop3A_444 : i32 to index
        %parallel_loop3A_447 = arith.index_cast %parallel_loop3A_443 : i32 to index
        %parallel_loop3A_448 = tpu.vector_load %arg7[%parallel_loop3A_445, %parallel_loop3A_446, %parallel_loop3A_447] {strides = array<i32>} : memref<5x64x128xf32, #tpu.memory_space<vmem>>, vector<16xf32>,
        tpu.vector_store %arg7[%parallel_loop3A_445, %parallel_loop3A_446, %parallel_loop3A_447], %parallel_loop3A_441 {strides = array<i32>} : memref<5x64x128xf32, #tpu.memory_space<vmem>>, vector<16xf32>,
        %parallel_loop3A_449 = arith.constant 16 : i32
        %parallel_loop3A_450 = tpu.memref_slice %arg6[%parallel_loop3A_449] : memref<6416xf32, #tpu.memory_space<vmem>> -> memref<6360xf32, #tpu.memory_space<vmem>>
        %parallel_loop3A_451 = tpu.vector_load_idx %parallel_loop3A_450[%parallel_loop3A_428] : memref<6360xf32, #tpu.memory_space<vmem>>[vector<16xi32>], vector<16xf32>,
        %parallel_loop3A_452 = arith.constant 16 : i32
        %parallel_loop3A_453 = arith.muli %parallel_loop3A_62, %parallel_loop3A_452 : i32
        %parallel_loop3A_454 = arith.constant 20 : i32
        %parallel_loop3A_455 = arith.index_cast %parallel_loop3A_60 : i32 to index
        %parallel_loop3A_456 = arith.index_cast %parallel_loop3A_454 : i32 to index
        %parallel_loop3A_457 = arith.index_cast %parallel_loop3A_453 : i32 to index
        %parallel_loop3A_458 = tpu.vector_load %arg7[%parallel_loop3A_455, %parallel_loop3A_456, %parallel_loop3A_457] {strides = array<i32>} : memref<5x64x128xf32, #tpu.memory_space<vmem>>, vector<16xf32>,
        tpu.vector_store %arg7[%parallel_loop3A_455, %parallel_loop3A_456, %parallel_loop3A_457], %parallel_loop3A_451 {strides = array<i32>} : memref<5x64x128xf32, #tpu.memory_space<vmem>>, vector<16xf32>,
        %parallel_loop3A_459 = arith.constant 24 : i32
        %parallel_loop3A_460 = tpu.memref_slice %arg6[%parallel_loop3A_459] : memref<6416xf32, #tpu.memory_space<vmem>> -> memref<6360xf32, #tpu.memory_space<vmem>>
        %parallel_loop3A_461 = tpu.vector_load_idx %parallel_loop3A_460[%parallel_loop3A_428] : memref<6360xf32, #tpu.memory_space<vmem>>[vector<16xi32>], vector<16xf32>,
        %parallel_loop3A_462 = arith.constant 16 : i32
        %parallel_loop3A_463 = arith.muli %parallel_loop3A_62, %parallel_loop3A_462 : i32
        %parallel_loop3A_464 = arith.constant 28 : i32
        %parallel_loop3A_465 = arith.index_cast %parallel_loop3A_60 : i32 to index
        %parallel_loop3A_466 = arith.index_cast %parallel_loop3A_464 : i32 to index
        %parallel_loop3A_467 = arith.index_cast %parallel_loop3A_463 : i32 to index
        %parallel_loop3A_468 = tpu.vector_load %arg7[%parallel_loop3A_465, %parallel_loop3A_466, %parallel_loop3A_467] {strides = array<i32>} : memref<5x64x128xf32, #tpu.memory_space<vmem>>, vector<16xf32>,
        tpu.vector_store %arg7[%parallel_loop3A_465, %parallel_loop3A_466, %parallel_loop3A_467], %parallel_loop3A_461 {strides = array<i32>} : memref<5x64x128xf32, #tpu.memory_space<vmem>>, vector<16xf32>,
        %parallel_loop3A_469 = arith.constant 32 : i32
        %parallel_loop3A_470 = tpu.memref_slice %arg6[%parallel_loop3A_469] : memref<6416xf32, #tpu.memory_space<vmem>> -> memref<6360xf32, #tpu.memory_space<vmem>>
        %parallel_loop3A_471 = tpu.vector_load_idx %parallel_loop3A_470[%parallel_loop3A_428] : memref<6360xf32, #tpu.memory_space<vmem>>[vector<16xi32>], vector<16xf32>,
        %parallel_loop3A_472 = arith.constant 16 : i32
        %parallel_loop3A_473 = arith.muli %parallel_loop3A_62, %parallel_loop3A_472 : i32
        %parallel_loop3A_474 = arith.constant 36 : i32
        %parallel_loop3A_475 = arith.index_cast %parallel_loop3A_60 : i32 to index
        %parallel_loop3A_476 = arith.index_cast %parallel_loop3A_474 : i32 to index
        %parallel_loop3A_477 = arith.index_cast %parallel_loop3A_473 : i32 to index
        %parallel_loop3A_478 = tpu.vector_load %arg7[%parallel_loop3A_475, %parallel_loop3A_476, %parallel_loop3A_477] {strides = array<i32>} : memref<5x64x128xf32, #tpu.memory_space<vmem>>, vector<16xf32>,
        tpu.vector_store %arg7[%parallel_loop3A_475, %parallel_loop3A_476, %parallel_loop3A_477], %parallel_loop3A_471 {strides = array<i32>} : memref<5x64x128xf32, #tpu.memory_space<vmem>>, vector<16xf32>,
        %parallel_loop3A_479 = arith.constant 40 : i32
        %parallel_loop3A_480 = tpu.memref_slice %arg6[%parallel_loop3A_479] : memref<6416xf32, #tpu.memory_space<vmem>> -> memref<6360xf32, #tpu.memory_space<vmem>>
        %parallel_loop3A_481 = tpu.vector_load_idx %parallel_loop3A_480[%parallel_loop3A_428] : memref<6360xf32, #tpu.memory_space<vmem>>[vector<16xi32>], vector<16xf32>,
        %parallel_loop3A_482 = arith.constant 16 : i32
        %parallel_loop3A_483 = arith.muli %parallel_loop3A_62, %parallel_loop3A_482 : i32
        %parallel_loop3A_484 = arith.constant 44 : i32
        %parallel_loop3A_485 = arith.index_cast %parallel_loop3A_60 : i32 to index
        %parallel_loop3A_486 = arith.index_cast %parallel_loop3A_484 : i32 to index
        %parallel_loop3A_487 = arith.index_cast %parallel_loop3A_483 : i32 to index
        %parallel_loop3A_488 = tpu.vector_load %arg7[%parallel_loop3A_485, %parallel_loop3A_486, %parallel_loop3A_487] {strides = array<i32>} : memref<5x64x128xf32, #tpu.memory_space<vmem>>, vector<16xf32>,
        tpu.vector_store %arg7[%parallel_loop3A_485, %parallel_loop3A_486, %parallel_loop3A_487], %parallel_loop3A_481 {strides = array<i32>} : memref<5x64x128xf32, #tpu.memory_space<vmem>>, vector<16xf32>,
        %parallel_loop3A_489 = arith.constant 48 : i32
        %parallel_loop3A_490 = tpu.memref_slice %arg6[%parallel_loop3A_489] : memref<6416xf32, #tpu.memory_space<vmem>> -> memref<6360xf32, #tpu.memory_space<vmem>>
        %parallel_loop3A_491 = tpu.vector_load_idx %parallel_loop3A_490[%parallel_loop3A_428] : memref<6360xf32, #tpu.memory_space<vmem>>[vector<16xi32>], vector<16xf32>,
        %parallel_loop3A_492 = arith.constant 16 : i32
        %parallel_loop3A_493 = arith.muli %parallel_loop3A_62, %parallel_loop3A_492 : i32
        %parallel_loop3A_494 = arith.constant 52 : i32
        %parallel_loop3A_495 = arith.index_cast %parallel_loop3A_60 : i32 to index
        %parallel_loop3A_496 = arith.index_cast %parallel_loop3A_494 : i32 to index
        %parallel_loop3A_497 = arith.index_cast %parallel_loop3A_493 : i32 to index
        %parallel_loop3A_498 = tpu.vector_load %arg7[%parallel_loop3A_495, %parallel_loop3A_496, %parallel_loop3A_497] {strides = array<i32>} : memref<5x64x128xf32, #tpu.memory_space<vmem>>, vector<16xf32>,
        tpu.vector_store %arg7[%parallel_loop3A_495, %parallel_loop3A_496, %parallel_loop3A_497], %parallel_loop3A_491 {strides = array<i32>} : memref<5x64x128xf32, #tpu.memory_space<vmem>>, vector<16xf32>,
        %parallel_loop3A_499 = arith.constant 56 : i32
        %parallel_loop3A_500 = tpu.memref_slice %arg6[%parallel_loop3A_499] : memref<6416xf32, #tpu.memory_space<vmem>> -> memref<6360xf32, #tpu.memory_space<vmem>>
        %parallel_loop3A_501 = tpu.vector_load_idx %parallel_loop3A_500[%parallel_loop3A_428] : memref<6360xf32, #tpu.memory_space<vmem>>[vector<16xi32>], vector<16xf32>,
        %parallel_loop3A_502 = arith.constant 16 : i32
        %parallel_loop3A_503 = arith.muli %parallel_loop3A_62, %parallel_loop3A_502 : i32
        %parallel_loop3A_504 = arith.constant 60 : i32
        %parallel_loop3A_505 = arith.index_cast %parallel_loop3A_60 : i32 to index
        %parallel_loop3A_506 = arith.index_cast %parallel_loop3A_504 : i32 to index
        %parallel_loop3A_507 = arith.index_cast %parallel_loop3A_503 : i32 to index
        %parallel_loop3A_508 = tpu.vector_load %arg7[%parallel_loop3A_505, %parallel_loop3A_506, %parallel_loop3A_507] {strides = array<i32>} : memref<5x64x128xf32, #tpu.memory_space<vmem>>, vector<16xf32>,
        tpu.vector_store %arg7[%parallel_loop3A_505, %parallel_loop3A_506, %parallel_loop3A_507], %parallel_loop3A_501 {strides = array<i32>} : memref<5x64x128xf32, #tpu.memory_space<vmem>>, vector<16xf32>,
        %parallel_loop3A_509 = arith.constant 5 : i32
        %parallel_loop3A_510 = vector.broadcast %parallel_loop3A_509 : i32 to vector<16xi32>
        %parallel_loop3A_511 = arith.addi %parallel_loop3A_93, %parallel_loop3A_510 : vector<16xi32>
        %parallel_loop3A_512 = arith.constant 0 : i32
        %parallel_loop3A_513 = tpu.memref_slice %arg6[%parallel_loop3A_512] : memref<6416xf32, #tpu.memory_space<vmem>> -> memref<6360xf32, #tpu.memory_space<vmem>>
        %parallel_loop3A_514 = tpu.vector_load_idx %parallel_loop3A_513[%parallel_loop3A_511] : memref<6360xf32, #tpu.memory_space<vmem>>[vector<16xi32>], vector<16xf32>,
        %parallel_loop3A_515 = arith.constant 16 : i32
        %parallel_loop3A_516 = arith.muli %parallel_loop3A_62, %parallel_loop3A_515 : i32
        %parallel_loop3A_517 = arith.constant 5 : i32
        %parallel_loop3A_518 = arith.index_cast %parallel_loop3A_60 : i32 to index
        %parallel_loop3A_519 = arith.index_cast %parallel_loop3A_517 : i32 to index
        %parallel_loop3A_520 = arith.index_cast %parallel_loop3A_516 : i32 to index
        %parallel_loop3A_521 = tpu.vector_load %arg7[%parallel_loop3A_518, %parallel_loop3A_519, %parallel_loop3A_520] {strides = array<i32>} : memref<5x64x128xf32, #tpu.memory_space<vmem>>, vector<16xf32>,
        tpu.vector_store %arg7[%parallel_loop3A_518, %parallel_loop3A_519, %parallel_loop3A_520], %parallel_loop3A_514 {strides = array<i32>} : memref<5x64x128xf32, #tpu.memory_space<vmem>>, vector<16xf32>,
        %parallel_loop3A_522 = arith.constant 8 : i32
        %parallel_loop3A_523 = tpu.memref_slice %arg6[%parallel_loop3A_522] : memref<6416xf32, #tpu.memory_space<vmem>> -> memref<6360xf32, #tpu.memory_space<vmem>>
        %parallel_loop3A_524 = tpu.vector_load_idx %parallel_loop3A_523[%parallel_loop3A_511] : memref<6360xf32, #tpu.memory_space<vmem>>[vector<16xi32>], vector<16xf32>,
        %parallel_loop3A_525 = arith.constant 16 : i32
        %parallel_loop3A_526 = arith.muli %parallel_loop3A_62, %parallel_loop3A_525 : i32
        %parallel_loop3A_527 = arith.constant 13 : i32
        %parallel_loop3A_528 = arith.index_cast %parallel_loop3A_60 : i32 to index
        %parallel_loop3A_529 = arith.index_cast %parallel_loop3A_527 : i32 to index
        %parallel_loop3A_530 = arith.index_cast %parallel_loop3A_526 : i32 to index
        %parallel_loop3A_531 = tpu.vector_load %arg7[%parallel_loop3A_528, %parallel_loop3A_529, %parallel_loop3A_530] {strides = array<i32>} : memref<5x64x128xf32, #tpu.memory_space<vmem>>, vector<16xf32>,
        tpu.vector_store %arg7[%parallel_loop3A_528, %parallel_loop3A_529, %parallel_loop3A_530], %parallel_loop3A_524 {strides = array<i32>} : memref<5x64x128xf32, #tpu.memory_space<vmem>>, vector<16xf32>,
        %parallel_loop3A_532 = arith.constant 16 : i32
        %parallel_loop3A_533 = tpu.memref_slice %arg6[%parallel_loop3A_532] : memref<6416xf32, #tpu.memory_space<vmem>> -> memref<6360xf32, #tpu.memory_space<vmem>>
        %parallel_loop3A_534 = tpu.vector_load_idx %parallel_loop3A_533[%parallel_loop3A_511] : memref<6360xf32, #tpu.memory_space<vmem>>[vector<16xi32>], vector<16xf32>,
        %parallel_loop3A_535 = arith.constant 16 : i32
        %parallel_loop3A_536 = arith.muli %parallel_loop3A_62, %parallel_loop3A_535 : i32
        %parallel_loop3A_537 = arith.constant 21 : i32
        %parallel_loop3A_538 = arith.index_cast %parallel_loop3A_60 : i32 to index
        %parallel_loop3A_539 = arith.index_cast %parallel_loop3A_537 : i32 to index
        %parallel_loop3A_540 = arith.index_cast %parallel_loop3A_536 : i32 to index
        %parallel_loop3A_541 = tpu.vector_load %arg7[%parallel_loop3A_538, %parallel_loop3A_539, %parallel_loop3A_540] {strides = array<i32>} : memref<5x64x128xf32, #tpu.memory_space<vmem>>, vector<16xf32>,
        tpu.vector_store %arg7[%parallel_loop3A_538, %parallel_loop3A_539, %parallel_loop3A_540], %parallel_loop3A_534 {strides = array<i32>} : memref<5x64x128xf32, #tpu.memory_space<vmem>>, vector<16xf32>,
        %parallel_loop3A_542 = arith.constant 24 : i32
        %parallel_loop3A_543 = tpu.memref_slice %arg6[%parallel_loop3A_542] : memref<6416xf32, #tpu.memory_space<vmem>> -> memref<6360xf32, #tpu.memory_space<vmem>>
        %parallel_loop3A_544 = tpu.vector_load_idx %parallel_loop3A_543[%parallel_loop3A_511] : memref<6360xf32, #tpu.memory_space<vmem>>[vector<16xi32>], vector<16xf32>,
        %parallel_loop3A_545 = arith.constant 16 : i32
        %parallel_loop3A_546 = arith.muli %parallel_loop3A_62, %parallel_loop3A_545 : i32
        %parallel_loop3A_547 = arith.constant 29 : i32
        %parallel_loop3A_548 = arith.index_cast %parallel_loop3A_60 : i32 to index
        %parallel_loop3A_549 = arith.index_cast %parallel_loop3A_547 : i32 to index
        %parallel_loop3A_550 = arith.index_cast %parallel_loop3A_546 : i32 to index
        %parallel_loop3A_551 = tpu.vector_load %arg7[%parallel_loop3A_548, %parallel_loop3A_549, %parallel_loop3A_550] {strides = array<i32>} : memref<5x64x128xf32, #tpu.memory_space<vmem>>, vector<16xf32>,
        tpu.vector_store %arg7[%parallel_loop3A_548, %parallel_loop3A_549, %parallel_loop3A_550], %parallel_loop3A_544 {strides = array<i32>} : memref<5x64x128xf32, #tpu.memory_space<vmem>>, vector<16xf32>,
        %parallel_loop3A_552 = arith.constant 32 : i32
        %parallel_loop3A_553 = tpu.memref_slice %arg6[%parallel_loop3A_552] : memref<6416xf32, #tpu.memory_space<vmem>> -> memref<6360xf32, #tpu.memory_space<vmem>>
        %parallel_loop3A_554 = tpu.vector_load_idx %parallel_loop3A_553[%parallel_loop3A_511] : memref<6360xf32, #tpu.memory_space<vmem>>[vector<16xi32>], vector<16xf32>,
        %parallel_loop3A_555 = arith.constant 16 : i32
        %parallel_loop3A_556 = arith.muli %parallel_loop3A_62, %parallel_loop3A_555 : i32
        %parallel_loop3A_557 = arith.constant 37 : i32
        %parallel_loop3A_558 = arith.index_cast %parallel_loop3A_60 : i32 to index
        %parallel_loop3A_559 = arith.index_cast %parallel_loop3A_557 : i32 to index
        %parallel_loop3A_560 = arith.index_cast %parallel_loop3A_556 : i32 to index
        %parallel_loop3A_561 = tpu.vector_load %arg7[%parallel_loop3A_558, %parallel_loop3A_559, %parallel_loop3A_560] {strides = array<i32>} : memref<5x64x128xf32, #tpu.memory_space<vmem>>, vector<16xf32>,
        tpu.vector_store %arg7[%parallel_loop3A_558, %parallel_loop3A_559, %parallel_loop3A_560], %parallel_loop3A_554 {strides = array<i32>} : memref<5x64x128xf32, #tpu.memory_space<vmem>>, vector<16xf32>,
        %parallel_loop3A_562 = arith.constant 40 : i32
        %parallel_loop3A_563 = tpu.memref_slice %arg6[%parallel_loop3A_562] : memref<6416xf32, #tpu.memory_space<vmem>> -> memref<6360xf32, #tpu.memory_space<vmem>>
        %parallel_loop3A_564 = tpu.vector_load_idx %parallel_loop3A_563[%parallel_loop3A_511] : memref<6360xf32, #tpu.memory_space<vmem>>[vector<16xi32>], vector<16xf32>,
        %parallel_loop3A_565 = arith.constant 16 : i32
        %parallel_loop3A_566 = arith.muli %parallel_loop3A_62, %parallel_loop3A_565 : i32
        %parallel_loop3A_567 = arith.constant 45 : i32
        %parallel_loop3A_568 = arith.index_cast %parallel_loop3A_60 : i32 to index
        %parallel_loop3A_569 = arith.index_cast %parallel_loop3A_567 : i32 to index
        %parallel_loop3A_570 = arith.index_cast %parallel_loop3A_566 : i32 to index
        %parallel_loop3A_571 = tpu.vector_load %arg7[%parallel_loop3A_568, %parallel_loop3A_569, %parallel_loop3A_570] {strides = array<i32>} : memref<5x64x128xf32, #tpu.memory_space<vmem>>, vector<16xf32>,
        tpu.vector_store %arg7[%parallel_loop3A_568, %parallel_loop3A_569, %parallel_loop3A_570], %parallel_loop3A_564 {strides = array<i32>} : memref<5x64x128xf32, #tpu.memory_space<vmem>>, vector<16xf32>,
        %parallel_loop3A_572 = arith.constant 48 : i32
        %parallel_loop3A_573 = tpu.memref_slice %arg6[%parallel_loop3A_572] : memref<6416xf32, #tpu.memory_space<vmem>> -> memref<6360xf32, #tpu.memory_space<vmem>>
        %parallel_loop3A_574 = tpu.vector_load_idx %parallel_loop3A_573[%parallel_loop3A_511] : memref<6360xf32, #tpu.memory_space<vmem>>[vector<16xi32>], vector<16xf32>,
        %parallel_loop3A_575 = arith.constant 16 : i32
        %parallel_loop3A_576 = arith.muli %parallel_loop3A_62, %parallel_loop3A_575 : i32
        %parallel_loop3A_577 = arith.constant 53 : i32
        %parallel_loop3A_578 = arith.index_cast %parallel_loop3A_60 : i32 to index
        %parallel_loop3A_579 = arith.index_cast %parallel_loop3A_577 : i32 to index
        %parallel_loop3A_580 = arith.index_cast %parallel_loop3A_576 : i32 to index
        %parallel_loop3A_581 = tpu.vector_load %arg7[%parallel_loop3A_578, %parallel_loop3A_579, %parallel_loop3A_580] {strides = array<i32>} : memref<5x64x128xf32, #tpu.memory_space<vmem>>, vector<16xf32>,
        tpu.vector_store %arg7[%parallel_loop3A_578, %parallel_loop3A_579, %parallel_loop3A_580], %parallel_loop3A_574 {strides = array<i32>} : memref<5x64x128xf32, #tpu.memory_space<vmem>>, vector<16xf32>,
        %parallel_loop3A_582 = arith.constant 56 : i32
        %parallel_loop3A_583 = tpu.memref_slice %arg6[%parallel_loop3A_582] : memref<6416xf32, #tpu.memory_space<vmem>> -> memref<6360xf32, #tpu.memory_space<vmem>>
        %parallel_loop3A_584 = tpu.vector_load_idx %parallel_loop3A_583[%parallel_loop3A_511] : memref<6360xf32, #tpu.memory_space<vmem>>[vector<16xi32>], vector<16xf32>,
        %parallel_loop3A_585 = arith.constant 16 : i32
        %parallel_loop3A_586 = arith.muli %parallel_loop3A_62, %parallel_loop3A_585 : i32
        %parallel_loop3A_587 = arith.constant 61 : i32
        %parallel_loop3A_588 = arith.index_cast %parallel_loop3A_60 : i32 to index
        %parallel_loop3A_589 = arith.index_cast %parallel_loop3A_587 : i32 to index
        %parallel_loop3A_590 = arith.index_cast %parallel_loop3A_586 : i32 to index
        %parallel_loop3A_591 = tpu.vector_load %arg7[%parallel_loop3A_588, %parallel_loop3A_589, %parallel_loop3A_590] {strides = array<i32>} : memref<5x64x128xf32, #tpu.memory_space<vmem>>, vector<16xf32>,
        tpu.vector_store %arg7[%parallel_loop3A_588, %parallel_loop3A_589, %parallel_loop3A_590], %parallel_loop3A_584 {strides = array<i32>} : memref<5x64x128xf32, #tpu.memory_space<vmem>>, vector<16xf32>,
        %parallel_loop3A_592 = arith.constant 6 : i32
        %parallel_loop3A_593 = vector.broadcast %parallel_loop3A_592 : i32 to vector<16xi32>
        %parallel_loop3A_594 = arith.addi %parallel_loop3A_93, %parallel_loop3A_593 : vector<16xi32>
        %parallel_loop3A_595 = arith.constant 0 : i32
        %parallel_loop3A_596 = tpu.memref_slice %arg6[%parallel_loop3A_595] : memref<6416xf32, #tpu.memory_space<vmem>> -> memref<6360xf32, #tpu.memory_space<vmem>>
        %parallel_loop3A_597 = tpu.vector_load_idx %parallel_loop3A_596[%parallel_loop3A_594] : memref<6360xf32, #tpu.memory_space<vmem>>[vector<16xi32>], vector<16xf32>,
        %parallel_loop3A_598 = arith.constant 16 : i32
        %parallel_loop3A_599 = arith.muli %parallel_loop3A_62, %parallel_loop3A_598 : i32
        %parallel_loop3A_600 = arith.constant 6 : i32
        %parallel_loop3A_601 = arith.index_cast %parallel_loop3A_60 : i32 to index
        %parallel_loop3A_602 = arith.index_cast %parallel_loop3A_600 : i32 to index
        %parallel_loop3A_603 = arith.index_cast %parallel_loop3A_599 : i32 to index
        %parallel_loop3A_604 = tpu.vector_load %arg7[%parallel_loop3A_601, %parallel_loop3A_602, %parallel_loop3A_603] {strides = array<i32>} : memref<5x64x128xf32, #tpu.memory_space<vmem>>, vector<16xf32>,
        tpu.vector_store %arg7[%parallel_loop3A_601, %parallel_loop3A_602, %parallel_loop3A_603], %parallel_loop3A_597 {strides = array<i32>} : memref<5x64x128xf32, #tpu.memory_space<vmem>>, vector<16xf32>,
        %parallel_loop3A_605 = arith.constant 8 : i32
        %parallel_loop3A_606 = tpu.memref_slice %arg6[%parallel_loop3A_605] : memref<6416xf32, #tpu.memory_space<vmem>> -> memref<6360xf32, #tpu.memory_space<vmem>>
        %parallel_loop3A_607 = tpu.vector_load_idx %parallel_loop3A_606[%parallel_loop3A_594] : memref<6360xf32, #tpu.memory_space<vmem>>[vector<16xi32>], vector<16xf32>,
        %parallel_loop3A_608 = arith.constant 16 : i32
        %parallel_loop3A_609 = arith.muli %parallel_loop3A_62, %parallel_loop3A_608 : i32
        %parallel_loop3A_610 = arith.constant 14 : i32
        %parallel_loop3A_611 = arith.index_cast %parallel_loop3A_60 : i32 to index
        %parallel_loop3A_612 = arith.index_cast %parallel_loop3A_610 : i32 to index
        %parallel_loop3A_613 = arith.index_cast %parallel_loop3A_609 : i32 to index
        %parallel_loop3A_614 = tpu.vector_load %arg7[%parallel_loop3A_611, %parallel_loop3A_612, %parallel_loop3A_613] {strides = array<i32>} : memref<5x64x128xf32, #tpu.memory_space<vmem>>, vector<16xf32>,
        tpu.vector_store %arg7[%parallel_loop3A_611, %parallel_loop3A_612, %parallel_loop3A_613], %parallel_loop3A_607 {strides = array<i32>} : memref<5x64x128xf32, #tpu.memory_space<vmem>>, vector<16xf32>,
        %parallel_loop3A_615 = arith.constant 16 : i32
        %parallel_loop3A_616 = tpu.memref_slice %arg6[%parallel_loop3A_615] : memref<6416xf32, #tpu.memory_space<vmem>> -> memref<6360xf32, #tpu.memory_space<vmem>>
        %parallel_loop3A_617 = tpu.vector_load_idx %parallel_loop3A_616[%parallel_loop3A_594] : memref<6360xf32, #tpu.memory_space<vmem>>[vector<16xi32>], vector<16xf32>,
        %parallel_loop3A_618 = arith.constant 16 : i32
        %parallel_loop3A_619 = arith.muli %parallel_loop3A_62, %parallel_loop3A_618 : i32
        %parallel_loop3A_620 = arith.constant 22 : i32
        %parallel_loop3A_621 = arith.index_cast %parallel_loop3A_60 : i32 to index
        %parallel_loop3A_622 = arith.index_cast %parallel_loop3A_620 : i32 to index
        %parallel_loop3A_623 = arith.index_cast %parallel_loop3A_619 : i32 to index
        %parallel_loop3A_624 = tpu.vector_load %arg7[%parallel_loop3A_621, %parallel_loop3A_622, %parallel_loop3A_623] {strides = array<i32>} : memref<5x64x128xf32, #tpu.memory_space<vmem>>, vector<16xf32>,
        tpu.vector_store %arg7[%parallel_loop3A_621, %parallel_loop3A_622, %parallel_loop3A_623], %parallel_loop3A_617 {strides = array<i32>} : memref<5x64x128xf32, #tpu.memory_space<vmem>>, vector<16xf32>,
        %parallel_loop3A_625 = arith.constant 24 : i32
        %parallel_loop3A_626 = tpu.memref_slice %arg6[%parallel_loop3A_625] : memref<6416xf32, #tpu.memory_space<vmem>> -> memref<6360xf32, #tpu.memory_space<vmem>>
        %parallel_loop3A_627 = tpu.vector_load_idx %parallel_loop3A_626[%parallel_loop3A_594] : memref<6360xf32, #tpu.memory_space<vmem>>[vector<16xi32>], vector<16xf32>,
        %parallel_loop3A_628 = arith.constant 16 : i32
        %parallel_loop3A_629 = arith.muli %parallel_loop3A_62, %parallel_loop3A_628 : i32
        %parallel_loop3A_630 = arith.constant 30 : i32
        %parallel_loop3A_631 = arith.index_cast %parallel_loop3A_60 : i32 to index
        %parallel_loop3A_632 = arith.index_cast %parallel_loop3A_630 : i32 to index
        %parallel_loop3A_633 = arith.index_cast %parallel_loop3A_629 : i32 to index
        %parallel_loop3A_634 = tpu.vector_load %arg7[%parallel_loop3A_631, %parallel_loop3A_632, %parallel_loop3A_633] {strides = array<i32>} : memref<5x64x128xf32, #tpu.memory_space<vmem>>, vector<16xf32>,
        tpu.vector_store %arg7[%parallel_loop3A_631, %parallel_loop3A_632, %parallel_loop3A_633], %parallel_loop3A_627 {strides = array<i32>} : memref<5x64x128xf32, #tpu.memory_space<vmem>>, vector<16xf32>,
        %parallel_loop3A_635 = arith.constant 32 : i32
        %parallel_loop3A_636 = tpu.memref_slice %arg6[%parallel_loop3A_635] : memref<6416xf32, #tpu.memory_space<vmem>> -> memref<6360xf32, #tpu.memory_space<vmem>>
        %parallel_loop3A_637 = tpu.vector_load_idx %parallel_loop3A_636[%parallel_loop3A_594] : memref<6360xf32, #tpu.memory_space<vmem>>[vector<16xi32>], vector<16xf32>,
        %parallel_loop3A_638 = arith.constant 16 : i32
        %parallel_loop3A_639 = arith.muli %parallel_loop3A_62, %parallel_loop3A_638 : i32
        %parallel_loop3A_640 = arith.constant 38 : i32
        %parallel_loop3A_641 = arith.index_cast %parallel_loop3A_60 : i32 to index
        %parallel_loop3A_642 = arith.index_cast %parallel_loop3A_640 : i32 to index
        %parallel_loop3A_643 = arith.index_cast %parallel_loop3A_639 : i32 to index
        %parallel_loop3A_644 = tpu.vector_load %arg7[%parallel_loop3A_641, %parallel_loop3A_642, %parallel_loop3A_643] {strides = array<i32>} : memref<5x64x128xf32, #tpu.memory_space<vmem>>, vector<16xf32>,
        tpu.vector_store %arg7[%parallel_loop3A_641, %parallel_loop3A_642, %parallel_loop3A_643], %parallel_loop3A_637 {strides = array<i32>} : memref<5x64x128xf32, #tpu.memory_space<vmem>>, vector<16xf32>,
        %parallel_loop3A_645 = arith.constant 40 : i32
        %parallel_loop3A_646 = tpu.memref_slice %arg6[%parallel_loop3A_645] : memref<6416xf32, #tpu.memory_space<vmem>> -> memref<6360xf32, #tpu.memory_space<vmem>>
        %parallel_loop3A_647 = tpu.vector_load_idx %parallel_loop3A_646[%parallel_loop3A_594] : memref<6360xf32, #tpu.memory_space<vmem>>[vector<16xi32>], vector<16xf32>,
        %parallel_loop3A_648 = arith.constant 16 : i32
        %parallel_loop3A_649 = arith.muli %parallel_loop3A_62, %parallel_loop3A_648 : i32
        %parallel_loop3A_650 = arith.constant 46 : i32
        %parallel_loop3A_651 = arith.index_cast %parallel_loop3A_60 : i32 to index
        %parallel_loop3A_652 = arith.index_cast %parallel_loop3A_650 : i32 to index
        %parallel_loop3A_653 = arith.index_cast %parallel_loop3A_649 : i32 to index
        %parallel_loop3A_654 = tpu.vector_load %arg7[%parallel_loop3A_651, %parallel_loop3A_652, %parallel_loop3A_653] {strides = array<i32>} : memref<5x64x128xf32, #tpu.memory_space<vmem>>, vector<16xf32>,
        tpu.vector_store %arg7[%parallel_loop3A_651, %parallel_loop3A_652, %parallel_loop3A_653], %parallel_loop3A_647 {strides = array<i32>} : memref<5x64x128xf32, #tpu.memory_space<vmem>>, vector<16xf32>,
        %parallel_loop3A_655 = arith.constant 48 : i32
        %parallel_loop3A_656 = tpu.memref_slice %arg6[%parallel_loop3A_655] : memref<6416xf32, #tpu.memory_space<vmem>> -> memref<6360xf32, #tpu.memory_space<vmem>>
        %parallel_loop3A_657 = tpu.vector_load_idx %parallel_loop3A_656[%parallel_loop3A_594] : memref<6360xf32, #tpu.memory_space<vmem>>[vector<16xi32>], vector<16xf32>,
        %parallel_loop3A_658 = arith.constant 16 : i32
        %parallel_loop3A_659 = arith.muli %parallel_loop3A_62, %parallel_loop3A_658 : i32
        %parallel_loop3A_660 = arith.constant 54 : i32
        %parallel_loop3A_661 = arith.index_cast %parallel_loop3A_60 : i32 to index
        %parallel_loop3A_662 = arith.index_cast %parallel_loop3A_660 : i32 to index
        %parallel_loop3A_663 = arith.index_cast %parallel_loop3A_659 : i32 to index
        %parallel_loop3A_664 = tpu.vector_load %arg7[%parallel_loop3A_661, %parallel_loop3A_662, %parallel_loop3A_663] {strides = array<i32>} : memref<5x64x128xf32, #tpu.memory_space<vmem>>, vector<16xf32>,
        tpu.vector_store %arg7[%parallel_loop3A_661, %parallel_loop3A_662, %parallel_loop3A_663], %parallel_loop3A_657 {strides = array<i32>} : memref<5x64x128xf32, #tpu.memory_space<vmem>>, vector<16xf32>,
        %parallel_loop3A_665 = arith.constant 56 : i32
        %parallel_loop3A_666 = tpu.memref_slice %arg6[%parallel_loop3A_665] : memref<6416xf32, #tpu.memory_space<vmem>> -> memref<6360xf32, #tpu.memory_space<vmem>>
        %parallel_loop3A_667 = tpu.vector_load_idx %parallel_loop3A_666[%parallel_loop3A_594] : memref<6360xf32, #tpu.memory_space<vmem>>[vector<16xi32>], vector<16xf32>,
        %parallel_loop3A_668 = arith.constant 16 : i32
        %parallel_loop3A_669 = arith.muli %parallel_loop3A_62, %parallel_loop3A_668 : i32
        %parallel_loop3A_670 = arith.constant 62 : i32
        %parallel_loop3A_671 = arith.index_cast %parallel_loop3A_60 : i32 to index
        %parallel_loop3A_672 = arith.index_cast %parallel_loop3A_670 : i32 to index
        %parallel_loop3A_673 = arith.index_cast %parallel_loop3A_669 : i32 to index
        %parallel_loop3A_674 = tpu.vector_load %arg7[%parallel_loop3A_671, %parallel_loop3A_672, %parallel_loop3A_673] {strides = array<i32>} : memref<5x64x128xf32, #tpu.memory_space<vmem>>, vector<16xf32>,
        tpu.vector_store %arg7[%parallel_loop3A_671, %parallel_loop3A_672, %parallel_loop3A_673], %parallel_loop3A_667 {strides = array<i32>} : memref<5x64x128xf32, #tpu.memory_space<vmem>>, vector<16xf32>,
        %parallel_loop3A_675 = arith.constant 7 : i32
        %parallel_loop3A_676 = vector.broadcast %parallel_loop3A_675 : i32 to vector<16xi32>
        %parallel_loop3A_677 = arith.addi %parallel_loop3A_93, %parallel_loop3A_676 : vector<16xi32>
        %parallel_loop3A_678 = arith.constant 0 : i32
        %parallel_loop3A_679 = tpu.memref_slice %arg6[%parallel_loop3A_678] : memref<6416xf32, #tpu.memory_space<vmem>> -> memref<6360xf32, #tpu.memory_space<vmem>>
        %parallel_loop3A_680 = tpu.vector_load_idx %parallel_loop3A_679[%parallel_loop3A_677] : memref<6360xf32, #tpu.memory_space<vmem>>[vector<16xi32>], vector<16xf32>,
        %parallel_loop3A_681 = arith.constant 16 : i32
        %parallel_loop3A_682 = arith.muli %parallel_loop3A_62, %parallel_loop3A_681 : i32
        %parallel_loop3A_683 = arith.constant 7 : i32
        %parallel_loop3A_684 = arith.index_cast %parallel_loop3A_60 : i32 to index
        %parallel_loop3A_685 = arith.index_cast %parallel_loop3A_683 : i32 to index
        %parallel_loop3A_686 = arith.index_cast %parallel_loop3A_682 : i32 to index
        %parallel_loop3A_687 = tpu.vector_load %arg7[%parallel_loop3A_684, %parallel_loop3A_685, %parallel_loop3A_686] {strides = array<i32>} : memref<5x64x128xf32, #tpu.memory_space<vmem>>, vector<16xf32>,
        tpu.vector_store %arg7[%parallel_loop3A_684, %parallel_loop3A_685, %parallel_loop3A_686], %parallel_loop3A_680 {strides = array<i32>} : memref<5x64x128xf32, #tpu.memory_space<vmem>>, vector<16xf32>,
        %parallel_loop3A_688 = arith.constant 8 : i32
        %parallel_loop3A_689 = tpu.memref_slice %arg6[%parallel_loop3A_688] : memref<6416xf32, #tpu.memory_space<vmem>> -> memref<6360xf32, #tpu.memory_space<vmem>>
        %parallel_loop3A_690 = tpu.vector_load_idx %parallel_loop3A_689[%parallel_loop3A_677] : memref<6360xf32, #tpu.memory_space<vmem>>[vector<16xi32>], vector<16xf32>,
        %parallel_loop3A_691 = arith.constant 16 : i32
        %parallel_loop3A_692 = arith.muli %parallel_loop3A_62, %parallel_loop3A_691 : i32
        %parallel_loop3A_693 = arith.constant 15 : i32
        %parallel_loop3A_694 = arith.index_cast %parallel_loop3A_60 : i32 to index
        %parallel_loop3A_695 = arith.index_cast %parallel_loop3A_693 : i32 to index
        %parallel_loop3A_696 = arith.index_cast %parallel_loop3A_692 : i32 to index
        %parallel_loop3A_697 = tpu.vector_load %arg7[%parallel_loop3A_694, %parallel_loop3A_695, %parallel_loop3A_696] {strides = array<i32>} : memref<5x64x128xf32, #tpu.memory_space<vmem>>, vector<16xf32>,
        tpu.vector_store %arg7[%parallel_loop3A_694, %parallel_loop3A_695, %parallel_loop3A_696], %parallel_loop3A_690 {strides = array<i32>} : memref<5x64x128xf32, #tpu.memory_space<vmem>>, vector<16xf32>,
        %parallel_loop3A_698 = arith.constant 16 : i32
        %parallel_loop3A_699 = tpu.memref_slice %arg6[%parallel_loop3A_698] : memref<6416xf32, #tpu.memory_space<vmem>> -> memref<6360xf32, #tpu.memory_space<vmem>>
        %parallel_loop3A_700 = tpu.vector_load_idx %parallel_loop3A_699[%parallel_loop3A_677] : memref<6360xf32, #tpu.memory_space<vmem>>[vector<16xi32>], vector<16xf32>,
        %parallel_loop3A_701 = arith.constant 16 : i32
        %parallel_loop3A_702 = arith.muli %parallel_loop3A_62, %parallel_loop3A_701 : i32
        %parallel_loop3A_703 = arith.constant 23 : i32
        %parallel_loop3A_704 = arith.index_cast %parallel_loop3A_60 : i32 to index
        %parallel_loop3A_705 = arith.index_cast %parallel_loop3A_703 : i32 to index
        %parallel_loop3A_706 = arith.index_cast %parallel_loop3A_702 : i32 to index
        %parallel_loop3A_707 = tpu.vector_load %arg7[%parallel_loop3A_704, %parallel_loop3A_705, %parallel_loop3A_706] {strides = array<i32>} : memref<5x64x128xf32, #tpu.memory_space<vmem>>, vector<16xf32>,
        tpu.vector_store %arg7[%parallel_loop3A_704, %parallel_loop3A_705, %parallel_loop3A_706], %parallel_loop3A_700 {strides = array<i32>} : memref<5x64x128xf32, #tpu.memory_space<vmem>>, vector<16xf32>,
        %parallel_loop3A_708 = arith.constant 24 : i32
        %parallel_loop3A_709 = tpu.memref_slice %arg6[%parallel_loop3A_708] : memref<6416xf32, #tpu.memory_space<vmem>> -> memref<6360xf32, #tpu.memory_space<vmem>>
        %parallel_loop3A_710 = tpu.vector_load_idx %parallel_loop3A_709[%parallel_loop3A_677] : memref<6360xf32, #tpu.memory_space<vmem>>[vector<16xi32>], vector<16xf32>,
        %parallel_loop3A_711 = arith.constant 16 : i32
        %parallel_loop3A_712 = arith.muli %parallel_loop3A_62, %parallel_loop3A_711 : i32
        %parallel_loop3A_713 = arith.constant 31 : i32
        %parallel_loop3A_714 = arith.index_cast %parallel_loop3A_60 : i32 to index
        %parallel_loop3A_715 = arith.index_cast %parallel_loop3A_713 : i32 to index
        %parallel_loop3A_716 = arith.index_cast %parallel_loop3A_712 : i32 to index
        %parallel_loop3A_717 = tpu.vector_load %arg7[%parallel_loop3A_714, %parallel_loop3A_715, %parallel_loop3A_716] {strides = array<i32>} : memref<5x64x128xf32, #tpu.memory_space<vmem>>, vector<16xf32>,
        tpu.vector_store %arg7[%parallel_loop3A_714, %parallel_loop3A_715, %parallel_loop3A_716], %parallel_loop3A_710 {strides = array<i32>} : memref<5x64x128xf32, #tpu.memory_space<vmem>>, vector<16xf32>,
        %parallel_loop3A_718 = arith.constant 32 : i32
        %parallel_loop3A_719 = tpu.memref_slice %arg6[%parallel_loop3A_718] : memref<6416xf32, #tpu.memory_space<vmem>> -> memref<6360xf32, #tpu.memory_space<vmem>>
        %parallel_loop3A_720 = tpu.vector_load_idx %parallel_loop3A_719[%parallel_loop3A_677] : memref<6360xf32, #tpu.memory_space<vmem>>[vector<16xi32>], vector<16xf32>,
        %parallel_loop3A_721 = arith.constant 16 : i32
        %parallel_loop3A_722 = arith.muli %parallel_loop3A_62, %parallel_loop3A_721 : i32
        %parallel_loop3A_723 = arith.constant 39 : i32
        %parallel_loop3A_724 = arith.index_cast %parallel_loop3A_60 : i32 to index
        %parallel_loop3A_725 = arith.index_cast %parallel_loop3A_723 : i32 to index
        %parallel_loop3A_726 = arith.index_cast %parallel_loop3A_722 : i32 to index
        %parallel_loop3A_727 = tpu.vector_load %arg7[%parallel_loop3A_724, %parallel_loop3A_725, %parallel_loop3A_726] {strides = array<i32>} : memref<5x64x128xf32, #tpu.memory_space<vmem>>, vector<16xf32>,
        tpu.vector_store %arg7[%parallel_loop3A_724, %parallel_loop3A_725, %parallel_loop3A_726], %parallel_loop3A_720 {strides = array<i32>} : memref<5x64x128xf32, #tpu.memory_space<vmem>>, vector<16xf32>,
        %parallel_loop3A_728 = arith.constant 40 : i32
        %parallel_loop3A_729 = tpu.memref_slice %arg6[%parallel_loop3A_728] : memref<6416xf32, #tpu.memory_space<vmem>> -> memref<6360xf32, #tpu.memory_space<vmem>>
        %parallel_loop3A_730 = tpu.vector_load_idx %parallel_loop3A_729[%parallel_loop3A_677] : memref<6360xf32, #tpu.memory_space<vmem>>[vector<16xi32>], vector<16xf32>,
        %parallel_loop3A_731 = arith.constant 16 : i32
        %parallel_loop3A_732 = arith.muli %parallel_loop3A_62, %parallel_loop3A_731 : i32
        %parallel_loop3A_733 = arith.constant 47 : i32
        %parallel_loop3A_734 = arith.index_cast %parallel_loop3A_60 : i32 to index
        %parallel_loop3A_735 = arith.index_cast %parallel_loop3A_733 : i32 to index
        %parallel_loop3A_736 = arith.index_cast %parallel_loop3A_732 : i32 to index
        %parallel_loop3A_737 = tpu.vector_load %arg7[%parallel_loop3A_734, %parallel_loop3A_735, %parallel_loop3A_736] {strides = array<i32>} : memref<5x64x128xf32, #tpu.memory_space<vmem>>, vector<16xf32>,
        tpu.vector_store %arg7[%parallel_loop3A_734, %parallel_loop3A_735, %parallel_loop3A_736], %parallel_loop3A_730 {strides = array<i32>} : memref<5x64x128xf32, #tpu.memory_space<vmem>>, vector<16xf32>,
        %parallel_loop3A_738 = arith.constant 48 : i32
        %parallel_loop3A_739 = tpu.memref_slice %arg6[%parallel_loop3A_738] : memref<6416xf32, #tpu.memory_space<vmem>> -> memref<6360xf32, #tpu.memory_space<vmem>>
        %parallel_loop3A_740 = tpu.vector_load_idx %parallel_loop3A_739[%parallel_loop3A_677] : memref<6360xf32, #tpu.memory_space<vmem>>[vector<16xi32>], vector<16xf32>,
        %parallel_loop3A_741 = arith.constant 16 : i32
        %parallel_loop3A_742 = arith.muli %parallel_loop3A_62, %parallel_loop3A_741 : i32
        %parallel_loop3A_743 = arith.constant 55 : i32
        %parallel_loop3A_744 = arith.index_cast %parallel_loop3A_60 : i32 to index
        %parallel_loop3A_745 = arith.index_cast %parallel_loop3A_743 : i32 to index
        %parallel_loop3A_746 = arith.index_cast %parallel_loop3A_742 : i32 to index
        %parallel_loop3A_747 = tpu.vector_load %arg7[%parallel_loop3A_744, %parallel_loop3A_745, %parallel_loop3A_746] {strides = array<i32>} : memref<5x64x128xf32, #tpu.memory_space<vmem>>, vector<16xf32>,
        tpu.vector_store %arg7[%parallel_loop3A_744, %parallel_loop3A_745, %parallel_loop3A_746], %parallel_loop3A_740 {strides = array<i32>} : memref<5x64x128xf32, #tpu.memory_space<vmem>>, vector<16xf32>,
        %parallel_loop3A_748 = arith.constant 56 : i32
        %parallel_loop3A_749 = tpu.memref_slice %arg6[%parallel_loop3A_748] : memref<6416xf32, #tpu.memory_space<vmem>> -> memref<6360xf32, #tpu.memory_space<vmem>>
        %parallel_loop3A_750 = tpu.vector_load_idx %parallel_loop3A_749[%parallel_loop3A_677] : memref<6360xf32, #tpu.memory_space<vmem>>[vector<16xi32>], vector<16xf32>,
        %parallel_loop3A_751 = arith.constant 16 : i32
        %parallel_loop3A_752 = arith.muli %parallel_loop3A_62, %parallel_loop3A_751 : i32
        %parallel_loop3A_753 = arith.constant 63 : i32
        %parallel_loop3A_754 = arith.index_cast %parallel_loop3A_60 : i32 to index
        %parallel_loop3A_755 = arith.index_cast %parallel_loop3A_753 : i32 to index
        %parallel_loop3A_756 = arith.index_cast %parallel_loop3A_752 : i32 to index
        %parallel_loop3A_757 = tpu.vector_load %arg7[%parallel_loop3A_754, %parallel_loop3A_755, %parallel_loop3A_756] {strides = array<i32>} : memref<5x64x128xf32, #tpu.memory_space<vmem>>, vector<16xf32>,
        tpu.vector_store %arg7[%parallel_loop3A_754, %parallel_loop3A_755, %parallel_loop3A_756], %parallel_loop3A_750 {strides = array<i32>} : memref<5x64x128xf32, #tpu.memory_space<vmem>>, vector<16xf32>,
      } {sc.loop_unroll_factor = 2 : i64, sc.parallel_access}
      %mul3A_29 = arith.constant 2 : i32
      %mul3A_30 = arith.muli %mul3A_29, %scan3A_22 : i32
      %mul3A_31 = arith.constant 5 : i32
      %mul3A_32 = arith.muli %mul3A_30, %mul3A_31 : i32
      %dma_start3A = arith.constant 0 : i32
      %dma_start3A_33 = tpu.memref_slice %arg4[%mul3A_32, %dma_start3A, %mul3A_2] : memref<50x64x4096xf32, #tpu.memory_space<hbm>> -> memref<5x64x128xf32, #tpu.memory_space<hbm>>
      %dma_start3A_34 = arith.constant 0 : i32
      %dma_start3A_35 = tpu.memref_slice %arg4[%mul3A_32, %dma_start3A_34, %mul3A_2] : memref<50x64x4096xf32, #tpu.memory_space<hbm>> -> memref<5x64x128xf32, #tpu.memory_space<hbm>>
      tpu.enqueue_dma source(%arg7 : memref<5x64x128xf32, #tpu.memory_space<vmem>>) target(%dma_start3A_35 : memref<5x64x128xf32, #tpu.memory_space<hbm>>) target_semaphore(%arg9 : memref<!tpu.dma_semaphore, #tpu.memory_space<semaphore_mem>>)
      %gt3A_36 = arith.constant 0 : i32
      %gt3A_37 = arith.cmpi sgt, %scan3A_22, %gt3A_36 : i32
      %convert_element_type3A_38 = arith.extui %gt3A_37 : i1 to i32
      %cond3A_39 = arith.constant 0 : i32
      %cond3A_40 = arith.cmpi ne, %convert_element_type3A_38, %cond3A_39 : i32
      scf.if %cond3A_40 {
        %dma_wait3A_58 = arith.constant 0 : i32
        %dma_wait3A_59 = arith.constant 0 : i32
        %dma_wait3A_60 = tpu.memref_slice %arg4[%dma_wait3A_58, %dma_wait3A_59, %mul3A_2] : memref<50x64x4096xf32, #tpu.memory_space<hbm>> -> memref<5x64x128xf32, #tpu.memory_space<hbm>>
        %dma_wait3A_61 = arith.constant 0 : i32
        %dma_wait3A_62 = arith.constant 0 : i32
        %dma_wait3A_63 = tpu.memref_slice %arg4[%dma_wait3A_61, %dma_wait3A_62, %mul3A_2] : memref<50x64x4096xf32, #tpu.memory_space<hbm>> -> memref<5x64x128xf32, #tpu.memory_space<hbm>>
        tpu.wait_dma2 semaphore(%arg10 : memref<!tpu.dma_semaphore, #tpu.memory_space<semaphore_mem>>) src(%dma_wait3A_63 : memref<5x64x128xf32, #tpu.memory_space<hbm>>) dst(%arg8 : memref<5x64x128xf32, #tpu.memory_space<vmem>>)
      } else {
      }
      %mul3A_41 = arith.constant 2 : i32
      %mul3A_42 = arith.muli %mul3A_41, %scan3A_22 : i32
      %add3A_43 = arith.constant 1 : i32
      %add3A_44 = arith.addi %mul3A_42, %add3A_43 : i32
      %parallel_loop3A_45 = arith.constant 0 : i32
      %parallel_loop3A_46 = arith.constant 40 : i32
      %parallel_loop3A_47 = arith.constant 1 : i32
      scf.for %parallel_loop3A_58 = %parallel_loop3A_45 to %parallel_loop3A_46 step %parallel_loop3A_47  : i32 {
        %parallel_loop3A_59 = arith.constant 3 : i32
        %parallel_loop3A_60 = arith.shrsi %parallel_loop3A_58, %parallel_loop3A_59 : i32
        %parallel_loop3A_61 = arith.constant 7 : i32
        %parallel_loop3A_62 = arith.andi %parallel_loop3A_58, %parallel_loop3A_61 : i32
        %parallel_loop3A_63 = arith.constant 5 : i32
        %parallel_loop3A_64 = arith.muli %add3A_44, %parallel_loop3A_63 : i32
        %parallel_loop3A_65 = arith.addi %parallel_loop3A_64, %parallel_loop3A_60 : i32
        %parallel_loop3A_66 = arith.constant 16 : i32
        %parallel_loop3A_67 = arith.muli %parallel_loop3A_62, %parallel_loop3A_66 : i32
        %parallel_loop3A_68 = arith.index_cast %parallel_loop3A_65 : i32 to index
        %parallel_loop3A_69 = arith.index_cast %parallel_loop3A_67 : i32 to index
        %parallel_loop3A_70 = tpu.vector_load %arg5[%parallel_loop3A_68, %parallel_loop3A_69] {strides = array<i32>} : memref<50x128xi32, #tpu.memory_space<vmem>>, vector<16xi32>,
        %parallel_loop3A_71 = arith.constant 1 : i32
        %parallel_loop3A_72 = vector.broadcast %parallel_loop3A_71 : i32 to vector<16xi32>
        %parallel_loop3A_73 = arith.cmpi eq, %parallel_loop3A_70, %parallel_loop3A_72 : vector<16xi32>
        %parallel_loop3A_74 = arith.constant 6 : i32
        %parallel_loop3A_75 = vector.broadcast %parallel_loop3A_74 : i32 to vector<16xi32>
        %parallel_loop3A_76 = arith.cmpi sge, %parallel_loop3A_70, %parallel_loop3A_75 : vector<16xi32>
        %parallel_loop3A_77 = arith.constant 9 : i32
        %parallel_loop3A_78 = vector.broadcast %parallel_loop3A_77 : i32 to vector<16xi32>
        %parallel_loop3A_79 = arith.cmpi sle, %parallel_loop3A_70, %parallel_loop3A_78 : vector<16xi32>
        %parallel_loop3A_80 = arith.andi %parallel_loop3A_76, %parallel_loop3A_79 : vector<16xi1>
        %parallel_loop3A_81 = arith.constant 5 : i32
        %parallel_loop3A_82 = vector.broadcast %parallel_loop3A_81 : i32 to vector<16xi32>
        %parallel_loop3A_83 = arith.subi %parallel_loop3A_70, %parallel_loop3A_82 : vector<16xi32>
        %parallel_loop3A_84 = arith.constant 5 : i32
        %parallel_loop3A_85 = vector.broadcast %parallel_loop3A_84 : i32 to vector<16xi32>
        %parallel_loop3A_86 = arith.select %parallel_loop3A_80, %parallel_loop3A_83, %parallel_loop3A_85 : vector<16xi1>, vector<16xi32>
        %parallel_loop3A_87 = arith.constant 0 : i32
        %parallel_loop3A_88 = vector.broadcast %parallel_loop3A_87 : i32 to vector<16xi32>
        %parallel_loop3A_89 = arith.select %parallel_loop3A_73, %parallel_loop3A_88, %parallel_loop3A_86 : vector<16xi1>, vector<16xi32>
        %parallel_loop3A_90 = arith.constant 64 : i32
        %parallel_loop3A_91 = vector.broadcast %parallel_loop3A_90 : i32 to vector<16xi32>
        %parallel_loop3A_92 = arith.muli %parallel_loop3A_89, %parallel_loop3A_91 : vector<16xi32>
        %parallel_loop3A_93 = arith.addi %mul3A_5, %parallel_loop3A_92 : vector<16xi32>
        %parallel_loop3A_94 = arith.constant 0 : i32
        %parallel_loop3A_95 = vector.broadcast %parallel_loop3A_94 : i32 to vector<16xi32>
        %parallel_loop3A_96 = arith.addi %parallel_loop3A_93, %parallel_loop3A_95 : vector<16xi32>
        %parallel_loop3A_97 = arith.constant 0 : i32
        %parallel_loop3A_98 = tpu.memref_slice %arg6[%parallel_loop3A_97] : memref<6416xf32, #tpu.memory_space<vmem>> -> memref<6360xf32, #tpu.memory_space<vmem>>
        %parallel_loop3A_99 = tpu.vector_load_idx %parallel_loop3A_98[%parallel_loop3A_96] : memref<6360xf32, #tpu.memory_space<vmem>>[vector<16xi32>], vector<16xf32>,
        %parallel_loop3A_100 = arith.constant 16 : i32
        %parallel_loop3A_101 = arith.muli %parallel_loop3A_62, %parallel_loop3A_100 : i32
        %parallel_loop3A_102 = arith.constant 0 : i32
        %parallel_loop3A_103 = arith.index_cast %parallel_loop3A_60 : i32 to index
        %parallel_loop3A_104 = arith.index_cast %parallel_loop3A_102 : i32 to index
        %parallel_loop3A_105 = arith.index_cast %parallel_loop3A_101 : i32 to index
        %parallel_loop3A_106 = tpu.vector_load %arg8[%parallel_loop3A_103, %parallel_loop3A_104, %parallel_loop3A_105] {strides = array<i32>} : memref<5x64x128xf32, #tpu.memory_space<vmem>>, vector<16xf32>,
        tpu.vector_store %arg8[%parallel_loop3A_103, %parallel_loop3A_104, %parallel_loop3A_105], %parallel_loop3A_99 {strides = array<i32>} : memref<5x64x128xf32, #tpu.memory_space<vmem>>, vector<16xf32>,
        %parallel_loop3A_107 = arith.constant 8 : i32
        %parallel_loop3A_108 = tpu.memref_slice %arg6[%parallel_loop3A_107] : memref<6416xf32, #tpu.memory_space<vmem>> -> memref<6360xf32, #tpu.memory_space<vmem>>
        %parallel_loop3A_109 = tpu.vector_load_idx %parallel_loop3A_108[%parallel_loop3A_96] : memref<6360xf32, #tpu.memory_space<vmem>>[vector<16xi32>], vector<16xf32>,
        %parallel_loop3A_110 = arith.constant 16 : i32
        %parallel_loop3A_111 = arith.muli %parallel_loop3A_62, %parallel_loop3A_110 : i32
        %parallel_loop3A_112 = arith.constant 8 : i32
        %parallel_loop3A_113 = arith.index_cast %parallel_loop3A_60 : i32 to index
        %parallel_loop3A_114 = arith.index_cast %parallel_loop3A_112 : i32 to index
        %parallel_loop3A_115 = arith.index_cast %parallel_loop3A_111 : i32 to index
        %parallel_loop3A_116 = tpu.vector_load %arg8[%parallel_loop3A_113, %parallel_loop3A_114, %parallel_loop3A_115] {strides = array<i32>} : memref<5x64x128xf32, #tpu.memory_space<vmem>>, vector<16xf32>,
        tpu.vector_store %arg8[%parallel_loop3A_113, %parallel_loop3A_114, %parallel_loop3A_115], %parallel_loop3A_109 {strides = array<i32>} : memref<5x64x128xf32, #tpu.memory_space<vmem>>, vector<16xf32>,
        %parallel_loop3A_117 = arith.constant 16 : i32
        %parallel_loop3A_118 = tpu.memref_slice %arg6[%parallel_loop3A_117] : memref<6416xf32, #tpu.memory_space<vmem>> -> memref<6360xf32, #tpu.memory_space<vmem>>
        %parallel_loop3A_119 = tpu.vector_load_idx %parallel_loop3A_118[%parallel_loop3A_96] : memref<6360xf32, #tpu.memory_space<vmem>>[vector<16xi32>], vector<16xf32>,
        %parallel_loop3A_120 = arith.constant 16 : i32
        %parallel_loop3A_121 = arith.muli %parallel_loop3A_62, %parallel_loop3A_120 : i32
        %parallel_loop3A_122 = arith.constant 16 : i32
        %parallel_loop3A_123 = arith.index_cast %parallel_loop3A_60 : i32 to index
        %parallel_loop3A_124 = arith.index_cast %parallel_loop3A_122 : i32 to index
        %parallel_loop3A_125 = arith.index_cast %parallel_loop3A_121 : i32 to index
        %parallel_loop3A_126 = tpu.vector_load %arg8[%parallel_loop3A_123, %parallel_loop3A_124, %parallel_loop3A_125] {strides = array<i32>} : memref<5x64x128xf32, #tpu.memory_space<vmem>>, vector<16xf32>,
        tpu.vector_store %arg8[%parallel_loop3A_123, %parallel_loop3A_124, %parallel_loop3A_125], %parallel_loop3A_119 {strides = array<i32>} : memref<5x64x128xf32, #tpu.memory_space<vmem>>, vector<16xf32>,
        %parallel_loop3A_127 = arith.constant 24 : i32
        %parallel_loop3A_128 = tpu.memref_slice %arg6[%parallel_loop3A_127] : memref<6416xf32, #tpu.memory_space<vmem>> -> memref<6360xf32, #tpu.memory_space<vmem>>
        %parallel_loop3A_129 = tpu.vector_load_idx %parallel_loop3A_128[%parallel_loop3A_96] : memref<6360xf32, #tpu.memory_space<vmem>>[vector<16xi32>], vector<16xf32>,
        %parallel_loop3A_130 = arith.constant 16 : i32
        %parallel_loop3A_131 = arith.muli %parallel_loop3A_62, %parallel_loop3A_130 : i32
        %parallel_loop3A_132 = arith.constant 24 : i32
        %parallel_loop3A_133 = arith.index_cast %parallel_loop3A_60 : i32 to index
        %parallel_loop3A_134 = arith.index_cast %parallel_loop3A_132 : i32 to index
        %parallel_loop3A_135 = arith.index_cast %parallel_loop3A_131 : i32 to index
        %parallel_loop3A_136 = tpu.vector_load %arg8[%parallel_loop3A_133, %parallel_loop3A_134, %parallel_loop3A_135] {strides = array<i32>} : memref<5x64x128xf32, #tpu.memory_space<vmem>>, vector<16xf32>,
        tpu.vector_store %arg8[%parallel_loop3A_133, %parallel_loop3A_134, %parallel_loop3A_135], %parallel_loop3A_129 {strides = array<i32>} : memref<5x64x128xf32, #tpu.memory_space<vmem>>, vector<16xf32>,
        %parallel_loop3A_137 = arith.constant 32 : i32
        %parallel_loop3A_138 = tpu.memref_slice %arg6[%parallel_loop3A_137] : memref<6416xf32, #tpu.memory_space<vmem>> -> memref<6360xf32, #tpu.memory_space<vmem>>
        %parallel_loop3A_139 = tpu.vector_load_idx %parallel_loop3A_138[%parallel_loop3A_96] : memref<6360xf32, #tpu.memory_space<vmem>>[vector<16xi32>], vector<16xf32>,
        %parallel_loop3A_140 = arith.constant 16 : i32
        %parallel_loop3A_141 = arith.muli %parallel_loop3A_62, %parallel_loop3A_140 : i32
        %parallel_loop3A_142 = arith.constant 32 : i32
        %parallel_loop3A_143 = arith.index_cast %parallel_loop3A_60 : i32 to index
        %parallel_loop3A_144 = arith.index_cast %parallel_loop3A_142 : i32 to index
        %parallel_loop3A_145 = arith.index_cast %parallel_loop3A_141 : i32 to index
        %parallel_loop3A_146 = tpu.vector_load %arg8[%parallel_loop3A_143, %parallel_loop3A_144, %parallel_loop3A_145] {strides = array<i32>} : memref<5x64x128xf32, #tpu.memory_space<vmem>>, vector<16xf32>,
        tpu.vector_store %arg8[%parallel_loop3A_143, %parallel_loop3A_144, %parallel_loop3A_145], %parallel_loop3A_139 {strides = array<i32>} : memref<5x64x128xf32, #tpu.memory_space<vmem>>, vector<16xf32>,
        %parallel_loop3A_147 = arith.constant 40 : i32
        %parallel_loop3A_148 = tpu.memref_slice %arg6[%parallel_loop3A_147] : memref<6416xf32, #tpu.memory_space<vmem>> -> memref<6360xf32, #tpu.memory_space<vmem>>
        %parallel_loop3A_149 = tpu.vector_load_idx %parallel_loop3A_148[%parallel_loop3A_96] : memref<6360xf32, #tpu.memory_space<vmem>>[vector<16xi32>], vector<16xf32>,
        %parallel_loop3A_150 = arith.constant 16 : i32
        %parallel_loop3A_151 = arith.muli %parallel_loop3A_62, %parallel_loop3A_150 : i32
        %parallel_loop3A_152 = arith.constant 40 : i32
        %parallel_loop3A_153 = arith.index_cast %parallel_loop3A_60 : i32 to index
        %parallel_loop3A_154 = arith.index_cast %parallel_loop3A_152 : i32 to index
        %parallel_loop3A_155 = arith.index_cast %parallel_loop3A_151 : i32 to index
        %parallel_loop3A_156 = tpu.vector_load %arg8[%parallel_loop3A_153, %parallel_loop3A_154, %parallel_loop3A_155] {strides = array<i32>} : memref<5x64x128xf32, #tpu.memory_space<vmem>>, vector<16xf32>,
        tpu.vector_store %arg8[%parallel_loop3A_153, %parallel_loop3A_154, %parallel_loop3A_155], %parallel_loop3A_149 {strides = array<i32>} : memref<5x64x128xf32, #tpu.memory_space<vmem>>, vector<16xf32>,
        %parallel_loop3A_157 = arith.constant 48 : i32
        %parallel_loop3A_158 = tpu.memref_slice %arg6[%parallel_loop3A_157] : memref<6416xf32, #tpu.memory_space<vmem>> -> memref<6360xf32, #tpu.memory_space<vmem>>
        %parallel_loop3A_159 = tpu.vector_load_idx %parallel_loop3A_158[%parallel_loop3A_96] : memref<6360xf32, #tpu.memory_space<vmem>>[vector<16xi32>], vector<16xf32>,
        %parallel_loop3A_160 = arith.constant 16 : i32
        %parallel_loop3A_161 = arith.muli %parallel_loop3A_62, %parallel_loop3A_160 : i32
        %parallel_loop3A_162 = arith.constant 48 : i32
        %parallel_loop3A_163 = arith.index_cast %parallel_loop3A_60 : i32 to index
        %parallel_loop3A_164 = arith.index_cast %parallel_loop3A_162 : i32 to index
        %parallel_loop3A_165 = arith.index_cast %parallel_loop3A_161 : i32 to index
        %parallel_loop3A_166 = tpu.vector_load %arg8[%parallel_loop3A_163, %parallel_loop3A_164, %parallel_loop3A_165] {strides = array<i32>} : memref<5x64x128xf32, #tpu.memory_space<vmem>>, vector<16xf32>,
        tpu.vector_store %arg8[%parallel_loop3A_163, %parallel_loop3A_164, %parallel_loop3A_165], %parallel_loop3A_159 {strides = array<i32>} : memref<5x64x128xf32, #tpu.memory_space<vmem>>, vector<16xf32>,
        %parallel_loop3A_167 = arith.constant 56 : i32
        %parallel_loop3A_168 = tpu.memref_slice %arg6[%parallel_loop3A_167] : memref<6416xf32, #tpu.memory_space<vmem>> -> memref<6360xf32, #tpu.memory_space<vmem>>
        %parallel_loop3A_169 = tpu.vector_load_idx %parallel_loop3A_168[%parallel_loop3A_96] : memref<6360xf32, #tpu.memory_space<vmem>>[vector<16xi32>], vector<16xf32>,
        %parallel_loop3A_170 = arith.constant 16 : i32
        %parallel_loop3A_171 = arith.muli %parallel_loop3A_62, %parallel_loop3A_170 : i32
        %parallel_loop3A_172 = arith.constant 56 : i32
        %parallel_loop3A_173 = arith.index_cast %parallel_loop3A_60 : i32 to index
        %parallel_loop3A_174 = arith.index_cast %parallel_loop3A_172 : i32 to index
        %parallel_loop3A_175 = arith.index_cast %parallel_loop3A_171 : i32 to index
        %parallel_loop3A_176 = tpu.vector_load %arg8[%parallel_loop3A_173, %parallel_loop3A_174, %parallel_loop3A_175] {strides = array<i32>} : memref<5x64x128xf32, #tpu.memory_space<vmem>>, vector<16xf32>,
        tpu.vector_store %arg8[%parallel_loop3A_173, %parallel_loop3A_174, %parallel_loop3A_175], %parallel_loop3A_169 {strides = array<i32>} : memref<5x64x128xf32, #tpu.memory_space<vmem>>, vector<16xf32>,
        %parallel_loop3A_177 = arith.constant 1 : i32
        %parallel_loop3A_178 = vector.broadcast %parallel_loop3A_177 : i32 to vector<16xi32>
        %parallel_loop3A_179 = arith.addi %parallel_loop3A_93, %parallel_loop3A_178 : vector<16xi32>
        %parallel_loop3A_180 = arith.constant 0 : i32
        %parallel_loop3A_181 = tpu.memref_slice %arg6[%parallel_loop3A_180] : memref<6416xf32, #tpu.memory_space<vmem>> -> memref<6360xf32, #tpu.memory_space<vmem>>
        %parallel_loop3A_182 = tpu.vector_load_idx %parallel_loop3A_181[%parallel_loop3A_179] : memref<6360xf32, #tpu.memory_space<vmem>>[vector<16xi32>], vector<16xf32>,
        %parallel_loop3A_183 = arith.constant 16 : i32
        %parallel_loop3A_184 = arith.muli %parallel_loop3A_62, %parallel_loop3A_183 : i32
        %parallel_loop3A_185 = arith.constant 1 : i32
        %parallel_loop3A_186 = arith.index_cast %parallel_loop3A_60 : i32 to index
        %parallel_loop3A_187 = arith.index_cast %parallel_loop3A_185 : i32 to index
        %parallel_loop3A_188 = arith.index_cast %parallel_loop3A_184 : i32 to index
        %parallel_loop3A_189 = tpu.vector_load %arg8[%parallel_loop3A_186, %parallel_loop3A_187, %parallel_loop3A_188] {strides = array<i32>} : memref<5x64x128xf32, #tpu.memory_space<vmem>>, vector<16xf32>,
        tpu.vector_store %arg8[%parallel_loop3A_186, %parallel_loop3A_187, %parallel_loop3A_188], %parallel_loop3A_182 {strides = array<i32>} : memref<5x64x128xf32, #tpu.memory_space<vmem>>, vector<16xf32>,
        %parallel_loop3A_190 = arith.constant 8 : i32
        %parallel_loop3A_191 = tpu.memref_slice %arg6[%parallel_loop3A_190] : memref<6416xf32, #tpu.memory_space<vmem>> -> memref<6360xf32, #tpu.memory_space<vmem>>
        %parallel_loop3A_192 = tpu.vector_load_idx %parallel_loop3A_191[%parallel_loop3A_179] : memref<6360xf32, #tpu.memory_space<vmem>>[vector<16xi32>], vector<16xf32>,
        %parallel_loop3A_193 = arith.constant 16 : i32
        %parallel_loop3A_194 = arith.muli %parallel_loop3A_62, %parallel_loop3A_193 : i32
        %parallel_loop3A_195 = arith.constant 9 : i32
        %parallel_loop3A_196 = arith.index_cast %parallel_loop3A_60 : i32 to index
        %parallel_loop3A_197 = arith.index_cast %parallel_loop3A_195 : i32 to index
        %parallel_loop3A_198 = arith.index_cast %parallel_loop3A_194 : i32 to index
        %parallel_loop3A_199 = tpu.vector_load %arg8[%parallel_loop3A_196, %parallel_loop3A_197, %parallel_loop3A_198] {strides = array<i32>} : memref<5x64x128xf32, #tpu.memory_space<vmem>>, vector<16xf32>,
        tpu.vector_store %arg8[%parallel_loop3A_196, %parallel_loop3A_197, %parallel_loop3A_198], %parallel_loop3A_192 {strides = array<i32>} : memref<5x64x128xf32, #tpu.memory_space<vmem>>, vector<16xf32>,
        %parallel_loop3A_200 = arith.constant 16 : i32
        %parallel_loop3A_201 = tpu.memref_slice %arg6[%parallel_loop3A_200] : memref<6416xf32, #tpu.memory_space<vmem>> -> memref<6360xf32, #tpu.memory_space<vmem>>
        %parallel_loop3A_202 = tpu.vector_load_idx %parallel_loop3A_201[%parallel_loop3A_179] : memref<6360xf32, #tpu.memory_space<vmem>>[vector<16xi32>], vector<16xf32>,
        %parallel_loop3A_203 = arith.constant 16 : i32
        %parallel_loop3A_204 = arith.muli %parallel_loop3A_62, %parallel_loop3A_203 : i32
        %parallel_loop3A_205 = arith.constant 17 : i32
        %parallel_loop3A_206 = arith.index_cast %parallel_loop3A_60 : i32 to index
        %parallel_loop3A_207 = arith.index_cast %parallel_loop3A_205 : i32 to index
        %parallel_loop3A_208 = arith.index_cast %parallel_loop3A_204 : i32 to index
        %parallel_loop3A_209 = tpu.vector_load %arg8[%parallel_loop3A_206, %parallel_loop3A_207, %parallel_loop3A_208] {strides = array<i32>} : memref<5x64x128xf32, #tpu.memory_space<vmem>>, vector<16xf32>,
        tpu.vector_store %arg8[%parallel_loop3A_206, %parallel_loop3A_207, %parallel_loop3A_208], %parallel_loop3A_202 {strides = array<i32>} : memref<5x64x128xf32, #tpu.memory_space<vmem>>, vector<16xf32>,
        %parallel_loop3A_210 = arith.constant 24 : i32
        %parallel_loop3A_211 = tpu.memref_slice %arg6[%parallel_loop3A_210] : memref<6416xf32, #tpu.memory_space<vmem>> -> memref<6360xf32, #tpu.memory_space<vmem>>
        %parallel_loop3A_212 = tpu.vector_load_idx %parallel_loop3A_211[%parallel_loop3A_179] : memref<6360xf32, #tpu.memory_space<vmem>>[vector<16xi32>], vector<16xf32>,
        %parallel_loop3A_213 = arith.constant 16 : i32
        %parallel_loop3A_214 = arith.muli %parallel_loop3A_62, %parallel_loop3A_213 : i32
        %parallel_loop3A_215 = arith.constant 25 : i32
        %parallel_loop3A_216 = arith.index_cast %parallel_loop3A_60 : i32 to index
        %parallel_loop3A_217 = arith.index_cast %parallel_loop3A_215 : i32 to index
        %parallel_loop3A_218 = arith.index_cast %parallel_loop3A_214 : i32 to index
        %parallel_loop3A_219 = tpu.vector_load %arg8[%parallel_loop3A_216, %parallel_loop3A_217, %parallel_loop3A_218] {strides = array<i32>} : memref<5x64x128xf32, #tpu.memory_space<vmem>>, vector<16xf32>,
        tpu.vector_store %arg8[%parallel_loop3A_216, %parallel_loop3A_217, %parallel_loop3A_218], %parallel_loop3A_212 {strides = array<i32>} : memref<5x64x128xf32, #tpu.memory_space<vmem>>, vector<16xf32>,
        %parallel_loop3A_220 = arith.constant 32 : i32
        %parallel_loop3A_221 = tpu.memref_slice %arg6[%parallel_loop3A_220] : memref<6416xf32, #tpu.memory_space<vmem>> -> memref<6360xf32, #tpu.memory_space<vmem>>
        %parallel_loop3A_222 = tpu.vector_load_idx %parallel_loop3A_221[%parallel_loop3A_179] : memref<6360xf32, #tpu.memory_space<vmem>>[vector<16xi32>], vector<16xf32>,
        %parallel_loop3A_223 = arith.constant 16 : i32
        %parallel_loop3A_224 = arith.muli %parallel_loop3A_62, %parallel_loop3A_223 : i32
        %parallel_loop3A_225 = arith.constant 33 : i32
        %parallel_loop3A_226 = arith.index_cast %parallel_loop3A_60 : i32 to index
        %parallel_loop3A_227 = arith.index_cast %parallel_loop3A_225 : i32 to index
        %parallel_loop3A_228 = arith.index_cast %parallel_loop3A_224 : i32 to index
        %parallel_loop3A_229 = tpu.vector_load %arg8[%parallel_loop3A_226, %parallel_loop3A_227, %parallel_loop3A_228] {strides = array<i32>} : memref<5x64x128xf32, #tpu.memory_space<vmem>>, vector<16xf32>,
        tpu.vector_store %arg8[%parallel_loop3A_226, %parallel_loop3A_227, %parallel_loop3A_228], %parallel_loop3A_222 {strides = array<i32>} : memref<5x64x128xf32, #tpu.memory_space<vmem>>, vector<16xf32>,
        %parallel_loop3A_230 = arith.constant 40 : i32
        %parallel_loop3A_231 = tpu.memref_slice %arg6[%parallel_loop3A_230] : memref<6416xf32, #tpu.memory_space<vmem>> -> memref<6360xf32, #tpu.memory_space<vmem>>
        %parallel_loop3A_232 = tpu.vector_load_idx %parallel_loop3A_231[%parallel_loop3A_179] : memref<6360xf32, #tpu.memory_space<vmem>>[vector<16xi32>], vector<16xf32>,
        %parallel_loop3A_233 = arith.constant 16 : i32
        %parallel_loop3A_234 = arith.muli %parallel_loop3A_62, %parallel_loop3A_233 : i32
        %parallel_loop3A_235 = arith.constant 41 : i32
        %parallel_loop3A_236 = arith.index_cast %parallel_loop3A_60 : i32 to index
        %parallel_loop3A_237 = arith.index_cast %parallel_loop3A_235 : i32 to index
        %parallel_loop3A_238 = arith.index_cast %parallel_loop3A_234 : i32 to index
        %parallel_loop3A_239 = tpu.vector_load %arg8[%parallel_loop3A_236, %parallel_loop3A_237, %parallel_loop3A_238] {strides = array<i32>} : memref<5x64x128xf32, #tpu.memory_space<vmem>>, vector<16xf32>,
        tpu.vector_store %arg8[%parallel_loop3A_236, %parallel_loop3A_237, %parallel_loop3A_238], %parallel_loop3A_232 {strides = array<i32>} : memref<5x64x128xf32, #tpu.memory_space<vmem>>, vector<16xf32>,
        %parallel_loop3A_240 = arith.constant 48 : i32
        %parallel_loop3A_241 = tpu.memref_slice %arg6[%parallel_loop3A_240] : memref<6416xf32, #tpu.memory_space<vmem>> -> memref<6360xf32, #tpu.memory_space<vmem>>
        %parallel_loop3A_242 = tpu.vector_load_idx %parallel_loop3A_241[%parallel_loop3A_179] : memref<6360xf32, #tpu.memory_space<vmem>>[vector<16xi32>], vector<16xf32>,
        %parallel_loop3A_243 = arith.constant 16 : i32
        %parallel_loop3A_244 = arith.muli %parallel_loop3A_62, %parallel_loop3A_243 : i32
        %parallel_loop3A_245 = arith.constant 49 : i32
        %parallel_loop3A_246 = arith.index_cast %parallel_loop3A_60 : i32 to index
        %parallel_loop3A_247 = arith.index_cast %parallel_loop3A_245 : i32 to index
        %parallel_loop3A_248 = arith.index_cast %parallel_loop3A_244 : i32 to index
        %parallel_loop3A_249 = tpu.vector_load %arg8[%parallel_loop3A_246, %parallel_loop3A_247, %parallel_loop3A_248] {strides = array<i32>} : memref<5x64x128xf32, #tpu.memory_space<vmem>>, vector<16xf32>,
        tpu.vector_store %arg8[%parallel_loop3A_246, %parallel_loop3A_247, %parallel_loop3A_248], %parallel_loop3A_242 {strides = array<i32>} : memref<5x64x128xf32, #tpu.memory_space<vmem>>, vector<16xf32>,
        %parallel_loop3A_250 = arith.constant 56 : i32
        %parallel_loop3A_251 = tpu.memref_slice %arg6[%parallel_loop3A_250] : memref<6416xf32, #tpu.memory_space<vmem>> -> memref<6360xf32, #tpu.memory_space<vmem>>
        %parallel_loop3A_252 = tpu.vector_load_idx %parallel_loop3A_251[%parallel_loop3A_179] : memref<6360xf32, #tpu.memory_space<vmem>>[vector<16xi32>], vector<16xf32>,
        %parallel_loop3A_253 = arith.constant 16 : i32
        %parallel_loop3A_254 = arith.muli %parallel_loop3A_62, %parallel_loop3A_253 : i32
        %parallel_loop3A_255 = arith.constant 57 : i32
        %parallel_loop3A_256 = arith.index_cast %parallel_loop3A_60 : i32 to index
        %parallel_loop3A_257 = arith.index_cast %parallel_loop3A_255 : i32 to index
        %parallel_loop3A_258 = arith.index_cast %parallel_loop3A_254 : i32 to index
        %parallel_loop3A_259 = tpu.vector_load %arg8[%parallel_loop3A_256, %parallel_loop3A_257, %parallel_loop3A_258] {strides = array<i32>} : memref<5x64x128xf32, #tpu.memory_space<vmem>>, vector<16xf32>,
        tpu.vector_store %arg8[%parallel_loop3A_256, %parallel_loop3A_257, %parallel_loop3A_258], %parallel_loop3A_252 {strides = array<i32>} : memref<5x64x128xf32, #tpu.memory_space<vmem>>, vector<16xf32>,
        %parallel_loop3A_260 = arith.constant 2 : i32
        %parallel_loop3A_261 = vector.broadcast %parallel_loop3A_260 : i32 to vector<16xi32>
        %parallel_loop3A_262 = arith.addi %parallel_loop3A_93, %parallel_loop3A_261 : vector<16xi32>
        %parallel_loop3A_263 = arith.constant 0 : i32
        %parallel_loop3A_264 = tpu.memref_slice %arg6[%parallel_loop3A_263] : memref<6416xf32, #tpu.memory_space<vmem>> -> memref<6360xf32, #tpu.memory_space<vmem>>
        %parallel_loop3A_265 = tpu.vector_load_idx %parallel_loop3A_264[%parallel_loop3A_262] : memref<6360xf32, #tpu.memory_space<vmem>>[vector<16xi32>], vector<16xf32>,
        %parallel_loop3A_266 = arith.constant 16 : i32
        %parallel_loop3A_267 = arith.muli %parallel_loop3A_62, %parallel_loop3A_266 : i32
        %parallel_loop3A_268 = arith.constant 2 : i32
        %parallel_loop3A_269 = arith.index_cast %parallel_loop3A_60 : i32 to index
        %parallel_loop3A_270 = arith.index_cast %parallel_loop3A_268 : i32 to index
        %parallel_loop3A_271 = arith.index_cast %parallel_loop3A_267 : i32 to index
        %parallel_loop3A_272 = tpu.vector_load %arg8[%parallel_loop3A_269, %parallel_loop3A_270, %parallel_loop3A_271] {strides = array<i32>} : memref<5x64x128xf32, #tpu.memory_space<vmem>>, vector<16xf32>,
        tpu.vector_store %arg8[%parallel_loop3A_269, %parallel_loop3A_270, %parallel_loop3A_271], %parallel_loop3A_265 {strides = array<i32>} : memref<5x64x128xf32, #tpu.memory_space<vmem>>, vector<16xf32>,
        %parallel_loop3A_273 = arith.constant 8 : i32
        %parallel_loop3A_274 = tpu.memref_slice %arg6[%parallel_loop3A_273] : memref<6416xf32, #tpu.memory_space<vmem>> -> memref<6360xf32, #tpu.memory_space<vmem>>
        %parallel_loop3A_275 = tpu.vector_load_idx %parallel_loop3A_274[%parallel_loop3A_262] : memref<6360xf32, #tpu.memory_space<vmem>>[vector<16xi32>], vector<16xf32>,
        %parallel_loop3A_276 = arith.constant 16 : i32
        %parallel_loop3A_277 = arith.muli %parallel_loop3A_62, %parallel_loop3A_276 : i32
        %parallel_loop3A_278 = arith.constant 10 : i32
        %parallel_loop3A_279 = arith.index_cast %parallel_loop3A_60 : i32 to index
        %parallel_loop3A_280 = arith.index_cast %parallel_loop3A_278 : i32 to index
        %parallel_loop3A_281 = arith.index_cast %parallel_loop3A_277 : i32 to index
        %parallel_loop3A_282 = tpu.vector_load %arg8[%parallel_loop3A_279, %parallel_loop3A_280, %parallel_loop3A_281] {strides = array<i32>} : memref<5x64x128xf32, #tpu.memory_space<vmem>>, vector<16xf32>,
        tpu.vector_store %arg8[%parallel_loop3A_279, %parallel_loop3A_280, %parallel_loop3A_281], %parallel_loop3A_275 {strides = array<i32>} : memref<5x64x128xf32, #tpu.memory_space<vmem>>, vector<16xf32>,
        %parallel_loop3A_283 = arith.constant 16 : i32
        %parallel_loop3A_284 = tpu.memref_slice %arg6[%parallel_loop3A_283] : memref<6416xf32, #tpu.memory_space<vmem>> -> memref<6360xf32, #tpu.memory_space<vmem>>
        %parallel_loop3A_285 = tpu.vector_load_idx %parallel_loop3A_284[%parallel_loop3A_262] : memref<6360xf32, #tpu.memory_space<vmem>>[vector<16xi32>], vector<16xf32>,
        %parallel_loop3A_286 = arith.constant 16 : i32
        %parallel_loop3A_287 = arith.muli %parallel_loop3A_62, %parallel_loop3A_286 : i32
        %parallel_loop3A_288 = arith.constant 18 : i32
        %parallel_loop3A_289 = arith.index_cast %parallel_loop3A_60 : i32 to index
        %parallel_loop3A_290 = arith.index_cast %parallel_loop3A_288 : i32 to index
        %parallel_loop3A_291 = arith.index_cast %parallel_loop3A_287 : i32 to index
        %parallel_loop3A_292 = tpu.vector_load %arg8[%parallel_loop3A_289, %parallel_loop3A_290, %parallel_loop3A_291] {strides = array<i32>} : memref<5x64x128xf32, #tpu.memory_space<vmem>>, vector<16xf32>,
        tpu.vector_store %arg8[%parallel_loop3A_289, %parallel_loop3A_290, %parallel_loop3A_291], %parallel_loop3A_285 {strides = array<i32>} : memref<5x64x128xf32, #tpu.memory_space<vmem>>, vector<16xf32>,
        %parallel_loop3A_293 = arith.constant 24 : i32
        %parallel_loop3A_294 = tpu.memref_slice %arg6[%parallel_loop3A_293] : memref<6416xf32, #tpu.memory_space<vmem>> -> memref<6360xf32, #tpu.memory_space<vmem>>
        %parallel_loop3A_295 = tpu.vector_load_idx %parallel_loop3A_294[%parallel_loop3A_262] : memref<6360xf32, #tpu.memory_space<vmem>>[vector<16xi32>], vector<16xf32>,
        %parallel_loop3A_296 = arith.constant 16 : i32
        %parallel_loop3A_297 = arith.muli %parallel_loop3A_62, %parallel_loop3A_296 : i32
        %parallel_loop3A_298 = arith.constant 26 : i32
        %parallel_loop3A_299 = arith.index_cast %parallel_loop3A_60 : i32 to index
        %parallel_loop3A_300 = arith.index_cast %parallel_loop3A_298 : i32 to index
        %parallel_loop3A_301 = arith.index_cast %parallel_loop3A_297 : i32 to index
        %parallel_loop3A_302 = tpu.vector_load %arg8[%parallel_loop3A_299, %parallel_loop3A_300, %parallel_loop3A_301] {strides = array<i32>} : memref<5x64x128xf32, #tpu.memory_space<vmem>>, vector<16xf32>,
        tpu.vector_store %arg8[%parallel_loop3A_299, %parallel_loop3A_300, %parallel_loop3A_301], %parallel_loop3A_295 {strides = array<i32>} : memref<5x64x128xf32, #tpu.memory_space<vmem>>, vector<16xf32>,
        %parallel_loop3A_303 = arith.constant 32 : i32
        %parallel_loop3A_304 = tpu.memref_slice %arg6[%parallel_loop3A_303] : memref<6416xf32, #tpu.memory_space<vmem>> -> memref<6360xf32, #tpu.memory_space<vmem>>
        %parallel_loop3A_305 = tpu.vector_load_idx %parallel_loop3A_304[%parallel_loop3A_262] : memref<6360xf32, #tpu.memory_space<vmem>>[vector<16xi32>], vector<16xf32>,
        %parallel_loop3A_306 = arith.constant 16 : i32
        %parallel_loop3A_307 = arith.muli %parallel_loop3A_62, %parallel_loop3A_306 : i32
        %parallel_loop3A_308 = arith.constant 34 : i32
        %parallel_loop3A_309 = arith.index_cast %parallel_loop3A_60 : i32 to index
        %parallel_loop3A_310 = arith.index_cast %parallel_loop3A_308 : i32 to index
        %parallel_loop3A_311 = arith.index_cast %parallel_loop3A_307 : i32 to index
        %parallel_loop3A_312 = tpu.vector_load %arg8[%parallel_loop3A_309, %parallel_loop3A_310, %parallel_loop3A_311] {strides = array<i32>} : memref<5x64x128xf32, #tpu.memory_space<vmem>>, vector<16xf32>,
        tpu.vector_store %arg8[%parallel_loop3A_309, %parallel_loop3A_310, %parallel_loop3A_311], %parallel_loop3A_305 {strides = array<i32>} : memref<5x64x128xf32, #tpu.memory_space<vmem>>, vector<16xf32>,
        %parallel_loop3A_313 = arith.constant 40 : i32
        %parallel_loop3A_314 = tpu.memref_slice %arg6[%parallel_loop3A_313] : memref<6416xf32, #tpu.memory_space<vmem>> -> memref<6360xf32, #tpu.memory_space<vmem>>
        %parallel_loop3A_315 = tpu.vector_load_idx %parallel_loop3A_314[%parallel_loop3A_262] : memref<6360xf32, #tpu.memory_space<vmem>>[vector<16xi32>], vector<16xf32>,
        %parallel_loop3A_316 = arith.constant 16 : i32
        %parallel_loop3A_317 = arith.muli %parallel_loop3A_62, %parallel_loop3A_316 : i32
        %parallel_loop3A_318 = arith.constant 42 : i32
        %parallel_loop3A_319 = arith.index_cast %parallel_loop3A_60 : i32 to index
        %parallel_loop3A_320 = arith.index_cast %parallel_loop3A_318 : i32 to index
        %parallel_loop3A_321 = arith.index_cast %parallel_loop3A_317 : i32 to index
        %parallel_loop3A_322 = tpu.vector_load %arg8[%parallel_loop3A_319, %parallel_loop3A_320, %parallel_loop3A_321] {strides = array<i32>} : memref<5x64x128xf32, #tpu.memory_space<vmem>>, vector<16xf32>,
        tpu.vector_store %arg8[%parallel_loop3A_319, %parallel_loop3A_320, %parallel_loop3A_321], %parallel_loop3A_315 {strides = array<i32>} : memref<5x64x128xf32, #tpu.memory_space<vmem>>, vector<16xf32>,
        %parallel_loop3A_323 = arith.constant 48 : i32
        %parallel_loop3A_324 = tpu.memref_slice %arg6[%parallel_loop3A_323] : memref<6416xf32, #tpu.memory_space<vmem>> -> memref<6360xf32, #tpu.memory_space<vmem>>
        %parallel_loop3A_325 = tpu.vector_load_idx %parallel_loop3A_324[%parallel_loop3A_262] : memref<6360xf32, #tpu.memory_space<vmem>>[vector<16xi32>], vector<16xf32>,
        %parallel_loop3A_326 = arith.constant 16 : i32
        %parallel_loop3A_327 = arith.muli %parallel_loop3A_62, %parallel_loop3A_326 : i32
        %parallel_loop3A_328 = arith.constant 50 : i32
        %parallel_loop3A_329 = arith.index_cast %parallel_loop3A_60 : i32 to index
        %parallel_loop3A_330 = arith.index_cast %parallel_loop3A_328 : i32 to index
        %parallel_loop3A_331 = arith.index_cast %parallel_loop3A_327 : i32 to index
        %parallel_loop3A_332 = tpu.vector_load %arg8[%parallel_loop3A_329, %parallel_loop3A_330, %parallel_loop3A_331] {strides = array<i32>} : memref<5x64x128xf32, #tpu.memory_space<vmem>>, vector<16xf32>,
        tpu.vector_store %arg8[%parallel_loop3A_329, %parallel_loop3A_330, %parallel_loop3A_331], %parallel_loop3A_325 {strides = array<i32>} : memref<5x64x128xf32, #tpu.memory_space<vmem>>, vector<16xf32>,
        %parallel_loop3A_333 = arith.constant 56 : i32
        %parallel_loop3A_334 = tpu.memref_slice %arg6[%parallel_loop3A_333] : memref<6416xf32, #tpu.memory_space<vmem>> -> memref<6360xf32, #tpu.memory_space<vmem>>
        %parallel_loop3A_335 = tpu.vector_load_idx %parallel_loop3A_334[%parallel_loop3A_262] : memref<6360xf32, #tpu.memory_space<vmem>>[vector<16xi32>], vector<16xf32>,
        %parallel_loop3A_336 = arith.constant 16 : i32
        %parallel_loop3A_337 = arith.muli %parallel_loop3A_62, %parallel_loop3A_336 : i32
        %parallel_loop3A_338 = arith.constant 58 : i32
        %parallel_loop3A_339 = arith.index_cast %parallel_loop3A_60 : i32 to index
        %parallel_loop3A_340 = arith.index_cast %parallel_loop3A_338 : i32 to index
        %parallel_loop3A_341 = arith.index_cast %parallel_loop3A_337 : i32 to index
        %parallel_loop3A_342 = tpu.vector_load %arg8[%parallel_loop3A_339, %parallel_loop3A_340, %parallel_loop3A_341] {strides = array<i32>} : memref<5x64x128xf32, #tpu.memory_space<vmem>>, vector<16xf32>,
        tpu.vector_store %arg8[%parallel_loop3A_339, %parallel_loop3A_340, %parallel_loop3A_341], %parallel_loop3A_335 {strides = array<i32>} : memref<5x64x128xf32, #tpu.memory_space<vmem>>, vector<16xf32>,
        %parallel_loop3A_343 = arith.constant 3 : i32
        %parallel_loop3A_344 = vector.broadcast %parallel_loop3A_343 : i32 to vector<16xi32>
        %parallel_loop3A_345 = arith.addi %parallel_loop3A_93, %parallel_loop3A_344 : vector<16xi32>
        %parallel_loop3A_346 = arith.constant 0 : i32
        %parallel_loop3A_347 = tpu.memref_slice %arg6[%parallel_loop3A_346] : memref<6416xf32, #tpu.memory_space<vmem>> -> memref<6360xf32, #tpu.memory_space<vmem>>
        %parallel_loop3A_348 = tpu.vector_load_idx %parallel_loop3A_347[%parallel_loop3A_345] : memref<6360xf32, #tpu.memory_space<vmem>>[vector<16xi32>], vector<16xf32>,
        %parallel_loop3A_349 = arith.constant 16 : i32
        %parallel_loop3A_350 = arith.muli %parallel_loop3A_62, %parallel_loop3A_349 : i32
        %parallel_loop3A_351 = arith.constant 3 : i32
        %parallel_loop3A_352 = arith.index_cast %parallel_loop3A_60 : i32 to index
        %parallel_loop3A_353 = arith.index_cast %parallel_loop3A_351 : i32 to index
        %parallel_loop3A_354 = arith.index_cast %parallel_loop3A_350 : i32 to index
        %parallel_loop3A_355 = tpu.vector_load %arg8[%parallel_loop3A_352, %parallel_loop3A_353, %parallel_loop3A_354] {strides = array<i32>} : memref<5x64x128xf32, #tpu.memory_space<vmem>>, vector<16xf32>,
        tpu.vector_store %arg8[%parallel_loop3A_352, %parallel_loop3A_353, %parallel_loop3A_354], %parallel_loop3A_348 {strides = array<i32>} : memref<5x64x128xf32, #tpu.memory_space<vmem>>, vector<16xf32>,
        %parallel_loop3A_356 = arith.constant 8 : i32
        %parallel_loop3A_357 = tpu.memref_slice %arg6[%parallel_loop3A_356] : memref<6416xf32, #tpu.memory_space<vmem>> -> memref<6360xf32, #tpu.memory_space<vmem>>
        %parallel_loop3A_358 = tpu.vector_load_idx %parallel_loop3A_357[%parallel_loop3A_345] : memref<6360xf32, #tpu.memory_space<vmem>>[vector<16xi32>], vector<16xf32>,
        %parallel_loop3A_359 = arith.constant 16 : i32
        %parallel_loop3A_360 = arith.muli %parallel_loop3A_62, %parallel_loop3A_359 : i32
        %parallel_loop3A_361 = arith.constant 11 : i32
        %parallel_loop3A_362 = arith.index_cast %parallel_loop3A_60 : i32 to index
        %parallel_loop3A_363 = arith.index_cast %parallel_loop3A_361 : i32 to index
        %parallel_loop3A_364 = arith.index_cast %parallel_loop3A_360 : i32 to index
        %parallel_loop3A_365 = tpu.vector_load %arg8[%parallel_loop3A_362, %parallel_loop3A_363, %parallel_loop3A_364] {strides = array<i32>} : memref<5x64x128xf32, #tpu.memory_space<vmem>>, vector<16xf32>,
        tpu.vector_store %arg8[%parallel_loop3A_362, %parallel_loop3A_363, %parallel_loop3A_364], %parallel_loop3A_358 {strides = array<i32>} : memref<5x64x128xf32, #tpu.memory_space<vmem>>, vector<16xf32>,
        %parallel_loop3A_366 = arith.constant 16 : i32
        %parallel_loop3A_367 = tpu.memref_slice %arg6[%parallel_loop3A_366] : memref<6416xf32, #tpu.memory_space<vmem>> -> memref<6360xf32, #tpu.memory_space<vmem>>
        %parallel_loop3A_368 = tpu.vector_load_idx %parallel_loop3A_367[%parallel_loop3A_345] : memref<6360xf32, #tpu.memory_space<vmem>>[vector<16xi32>], vector<16xf32>,
        %parallel_loop3A_369 = arith.constant 16 : i32
        %parallel_loop3A_370 = arith.muli %parallel_loop3A_62, %parallel_loop3A_369 : i32
        %parallel_loop3A_371 = arith.constant 19 : i32
        %parallel_loop3A_372 = arith.index_cast %parallel_loop3A_60 : i32 to index
        %parallel_loop3A_373 = arith.index_cast %parallel_loop3A_371 : i32 to index
        %parallel_loop3A_374 = arith.index_cast %parallel_loop3A_370 : i32 to index
        %parallel_loop3A_375 = tpu.vector_load %arg8[%parallel_loop3A_372, %parallel_loop3A_373, %parallel_loop3A_374] {strides = array<i32>} : memref<5x64x128xf32, #tpu.memory_space<vmem>>, vector<16xf32>,
        tpu.vector_store %arg8[%parallel_loop3A_372, %parallel_loop3A_373, %parallel_loop3A_374], %parallel_loop3A_368 {strides = array<i32>} : memref<5x64x128xf32, #tpu.memory_space<vmem>>, vector<16xf32>,
        %parallel_loop3A_376 = arith.constant 24 : i32
        %parallel_loop3A_377 = tpu.memref_slice %arg6[%parallel_loop3A_376] : memref<6416xf32, #tpu.memory_space<vmem>> -> memref<6360xf32, #tpu.memory_space<vmem>>
        %parallel_loop3A_378 = tpu.vector_load_idx %parallel_loop3A_377[%parallel_loop3A_345] : memref<6360xf32, #tpu.memory_space<vmem>>[vector<16xi32>], vector<16xf32>,
        %parallel_loop3A_379 = arith.constant 16 : i32
        %parallel_loop3A_380 = arith.muli %parallel_loop3A_62, %parallel_loop3A_379 : i32
        %parallel_loop3A_381 = arith.constant 27 : i32
        %parallel_loop3A_382 = arith.index_cast %parallel_loop3A_60 : i32 to index
        %parallel_loop3A_383 = arith.index_cast %parallel_loop3A_381 : i32 to index
        %parallel_loop3A_384 = arith.index_cast %parallel_loop3A_380 : i32 to index
        %parallel_loop3A_385 = tpu.vector_load %arg8[%parallel_loop3A_382, %parallel_loop3A_383, %parallel_loop3A_384] {strides = array<i32>} : memref<5x64x128xf32, #tpu.memory_space<vmem>>, vector<16xf32>,
        tpu.vector_store %arg8[%parallel_loop3A_382, %parallel_loop3A_383, %parallel_loop3A_384], %parallel_loop3A_378 {strides = array<i32>} : memref<5x64x128xf32, #tpu.memory_space<vmem>>, vector<16xf32>,
        %parallel_loop3A_386 = arith.constant 32 : i32
        %parallel_loop3A_387 = tpu.memref_slice %arg6[%parallel_loop3A_386] : memref<6416xf32, #tpu.memory_space<vmem>> -> memref<6360xf32, #tpu.memory_space<vmem>>
        %parallel_loop3A_388 = tpu.vector_load_idx %parallel_loop3A_387[%parallel_loop3A_345] : memref<6360xf32, #tpu.memory_space<vmem>>[vector<16xi32>], vector<16xf32>,
        %parallel_loop3A_389 = arith.constant 16 : i32
        %parallel_loop3A_390 = arith.muli %parallel_loop3A_62, %parallel_loop3A_389 : i32
        %parallel_loop3A_391 = arith.constant 35 : i32
        %parallel_loop3A_392 = arith.index_cast %parallel_loop3A_60 : i32 to index
        %parallel_loop3A_393 = arith.index_cast %parallel_loop3A_391 : i32 to index
        %parallel_loop3A_394 = arith.index_cast %parallel_loop3A_390 : i32 to index
        %parallel_loop3A_395 = tpu.vector_load %arg8[%parallel_loop3A_392, %parallel_loop3A_393, %parallel_loop3A_394] {strides = array<i32>} : memref<5x64x128xf32, #tpu.memory_space<vmem>>, vector<16xf32>,
        tpu.vector_store %arg8[%parallel_loop3A_392, %parallel_loop3A_393, %parallel_loop3A_394], %parallel_loop3A_388 {strides = array<i32>} : memref<5x64x128xf32, #tpu.memory_space<vmem>>, vector<16xf32>,
        %parallel_loop3A_396 = arith.constant 40 : i32
        %parallel_loop3A_397 = tpu.memref_slice %arg6[%parallel_loop3A_396] : memref<6416xf32, #tpu.memory_space<vmem>> -> memref<6360xf32, #tpu.memory_space<vmem>>
        %parallel_loop3A_398 = tpu.vector_load_idx %parallel_loop3A_397[%parallel_loop3A_345] : memref<6360xf32, #tpu.memory_space<vmem>>[vector<16xi32>], vector<16xf32>,
        %parallel_loop3A_399 = arith.constant 16 : i32
        %parallel_loop3A_400 = arith.muli %parallel_loop3A_62, %parallel_loop3A_399 : i32
        %parallel_loop3A_401 = arith.constant 43 : i32
        %parallel_loop3A_402 = arith.index_cast %parallel_loop3A_60 : i32 to index
        %parallel_loop3A_403 = arith.index_cast %parallel_loop3A_401 : i32 to index
        %parallel_loop3A_404 = arith.index_cast %parallel_loop3A_400 : i32 to index
        %parallel_loop3A_405 = tpu.vector_load %arg8[%parallel_loop3A_402, %parallel_loop3A_403, %parallel_loop3A_404] {strides = array<i32>} : memref<5x64x128xf32, #tpu.memory_space<vmem>>, vector<16xf32>,
        tpu.vector_store %arg8[%parallel_loop3A_402, %parallel_loop3A_403, %parallel_loop3A_404], %parallel_loop3A_398 {strides = array<i32>} : memref<5x64x128xf32, #tpu.memory_space<vmem>>, vector<16xf32>,
        %parallel_loop3A_406 = arith.constant 48 : i32
        %parallel_loop3A_407 = tpu.memref_slice %arg6[%parallel_loop3A_406] : memref<6416xf32, #tpu.memory_space<vmem>> -> memref<6360xf32, #tpu.memory_space<vmem>>
        %parallel_loop3A_408 = tpu.vector_load_idx %parallel_loop3A_407[%parallel_loop3A_345] : memref<6360xf32, #tpu.memory_space<vmem>>[vector<16xi32>], vector<16xf32>,
        %parallel_loop3A_409 = arith.constant 16 : i32
        %parallel_loop3A_410 = arith.muli %parallel_loop3A_62, %parallel_loop3A_409 : i32
        %parallel_loop3A_411 = arith.constant 51 : i32
        %parallel_loop3A_412 = arith.index_cast %parallel_loop3A_60 : i32 to index
        %parallel_loop3A_413 = arith.index_cast %parallel_loop3A_411 : i32 to index
        %parallel_loop3A_414 = arith.index_cast %parallel_loop3A_410 : i32 to index
        %parallel_loop3A_415 = tpu.vector_load %arg8[%parallel_loop3A_412, %parallel_loop3A_413, %parallel_loop3A_414] {strides = array<i32>} : memref<5x64x128xf32, #tpu.memory_space<vmem>>, vector<16xf32>,
        tpu.vector_store %arg8[%parallel_loop3A_412, %parallel_loop3A_413, %parallel_loop3A_414], %parallel_loop3A_408 {strides = array<i32>} : memref<5x64x128xf32, #tpu.memory_space<vmem>>, vector<16xf32>,
        %parallel_loop3A_416 = arith.constant 56 : i32
        %parallel_loop3A_417 = tpu.memref_slice %arg6[%parallel_loop3A_416] : memref<6416xf32, #tpu.memory_space<vmem>> -> memref<6360xf32, #tpu.memory_space<vmem>>
        %parallel_loop3A_418 = tpu.vector_load_idx %parallel_loop3A_417[%parallel_loop3A_345] : memref<6360xf32, #tpu.memory_space<vmem>>[vector<16xi32>], vector<16xf32>,
        %parallel_loop3A_419 = arith.constant 16 : i32
        %parallel_loop3A_420 = arith.muli %parallel_loop3A_62, %parallel_loop3A_419 : i32
        %parallel_loop3A_421 = arith.constant 59 : i32
        %parallel_loop3A_422 = arith.index_cast %parallel_loop3A_60 : i32 to index
        %parallel_loop3A_423 = arith.index_cast %parallel_loop3A_421 : i32 to index
        %parallel_loop3A_424 = arith.index_cast %parallel_loop3A_420 : i32 to index
        %parallel_loop3A_425 = tpu.vector_load %arg8[%parallel_loop3A_422, %parallel_loop3A_423, %parallel_loop3A_424] {strides = array<i32>} : memref<5x64x128xf32, #tpu.memory_space<vmem>>, vector<16xf32>,
        tpu.vector_store %arg8[%parallel_loop3A_422, %parallel_loop3A_423, %parallel_loop3A_424], %parallel_loop3A_418 {strides = array<i32>} : memref<5x64x128xf32, #tpu.memory_space<vmem>>, vector<16xf32>,
        %parallel_loop3A_426 = arith.constant 4 : i32
        %parallel_loop3A_427 = vector.broadcast %parallel_loop3A_426 : i32 to vector<16xi32>
        %parallel_loop3A_428 = arith.addi %parallel_loop3A_93, %parallel_loop3A_427 : vector<16xi32>
        %parallel_loop3A_429 = arith.constant 0 : i32
        %parallel_loop3A_430 = tpu.memref_slice %arg6[%parallel_loop3A_429] : memref<6416xf32, #tpu.memory_space<vmem>> -> memref<6360xf32, #tpu.memory_space<vmem>>
        %parallel_loop3A_431 = tpu.vector_load_idx %parallel_loop3A_430[%parallel_loop3A_428] : memref<6360xf32, #tpu.memory_space<vmem>>[vector<16xi32>], vector<16xf32>,
        %parallel_loop3A_432 = arith.constant 16 : i32
        %parallel_loop3A_433 = arith.muli %parallel_loop3A_62, %parallel_loop3A_432 : i32
        %parallel_loop3A_434 = arith.constant 4 : i32
        %parallel_loop3A_435 = arith.index_cast %parallel_loop3A_60 : i32 to index
        %parallel_loop3A_436 = arith.index_cast %parallel_loop3A_434 : i32 to index
        %parallel_loop3A_437 = arith.index_cast %parallel_loop3A_433 : i32 to index
        %parallel_loop3A_438 = tpu.vector_load %arg8[%parallel_loop3A_435, %parallel_loop3A_436, %parallel_loop3A_437] {strides = array<i32>} : memref<5x64x128xf32, #tpu.memory_space<vmem>>, vector<16xf32>,
        tpu.vector_store %arg8[%parallel_loop3A_435, %parallel_loop3A_436, %parallel_loop3A_437], %parallel_loop3A_431 {strides = array<i32>} : memref<5x64x128xf32, #tpu.memory_space<vmem>>, vector<16xf32>,
        %parallel_loop3A_439 = arith.constant 8 : i32
        %parallel_loop3A_440 = tpu.memref_slice %arg6[%parallel_loop3A_439] : memref<6416xf32, #tpu.memory_space<vmem>> -> memref<6360xf32, #tpu.memory_space<vmem>>
        %parallel_loop3A_441 = tpu.vector_load_idx %parallel_loop3A_440[%parallel_loop3A_428] : memref<6360xf32, #tpu.memory_space<vmem>>[vector<16xi32>], vector<16xf32>,
        %parallel_loop3A_442 = arith.constant 16 : i32
        %parallel_loop3A_443 = arith.muli %parallel_loop3A_62, %parallel_loop3A_442 : i32
        %parallel_loop3A_444 = arith.constant 12 : i32
        %parallel_loop3A_445 = arith.index_cast %parallel_loop3A_60 : i32 to index
        %parallel_loop3A_446 = arith.index_cast %parallel_loop3A_444 : i32 to index
        %parallel_loop3A_447 = arith.index_cast %parallel_loop3A_443 : i32 to index
        %parallel_loop3A_448 = tpu.vector_load %arg8[%parallel_loop3A_445, %parallel_loop3A_446, %parallel_loop3A_447] {strides = array<i32>} : memref<5x64x128xf32, #tpu.memory_space<vmem>>, vector<16xf32>,
        tpu.vector_store %arg8[%parallel_loop3A_445, %parallel_loop3A_446, %parallel_loop3A_447], %parallel_loop3A_441 {strides = array<i32>} : memref<5x64x128xf32, #tpu.memory_space<vmem>>, vector<16xf32>,
        %parallel_loop3A_449 = arith.constant 16 : i32
        %parallel_loop3A_450 = tpu.memref_slice %arg6[%parallel_loop3A_449] : memref<6416xf32, #tpu.memory_space<vmem>> -> memref<6360xf32, #tpu.memory_space<vmem>>
        %parallel_loop3A_451 = tpu.vector_load_idx %parallel_loop3A_450[%parallel_loop3A_428] : memref<6360xf32, #tpu.memory_space<vmem>>[vector<16xi32>], vector<16xf32>,
        %parallel_loop3A_452 = arith.constant 16 : i32
        %parallel_loop3A_453 = arith.muli %parallel_loop3A_62, %parallel_loop3A_452 : i32
        %parallel_loop3A_454 = arith.constant 20 : i32
        %parallel_loop3A_455 = arith.index_cast %parallel_loop3A_60 : i32 to index
        %parallel_loop3A_456 = arith.index_cast %parallel_loop3A_454 : i32 to index
        %parallel_loop3A_457 = arith.index_cast %parallel_loop3A_453 : i32 to index
        %parallel_loop3A_458 = tpu.vector_load %arg8[%parallel_loop3A_455, %parallel_loop3A_456, %parallel_loop3A_457] {strides = array<i32>} : memref<5x64x128xf32, #tpu.memory_space<vmem>>, vector<16xf32>,
        tpu.vector_store %arg8[%parallel_loop3A_455, %parallel_loop3A_456, %parallel_loop3A_457], %parallel_loop3A_451 {strides = array<i32>} : memref<5x64x128xf32, #tpu.memory_space<vmem>>, vector<16xf32>,
        %parallel_loop3A_459 = arith.constant 24 : i32
        %parallel_loop3A_460 = tpu.memref_slice %arg6[%parallel_loop3A_459] : memref<6416xf32, #tpu.memory_space<vmem>> -> memref<6360xf32, #tpu.memory_space<vmem>>
        %parallel_loop3A_461 = tpu.vector_load_idx %parallel_loop3A_460[%parallel_loop3A_428] : memref<6360xf32, #tpu.memory_space<vmem>>[vector<16xi32>], vector<16xf32>,
        %parallel_loop3A_462 = arith.constant 16 : i32
        %parallel_loop3A_463 = arith.muli %parallel_loop3A_62, %parallel_loop3A_462 : i32
        %parallel_loop3A_464 = arith.constant 28 : i32
        %parallel_loop3A_465 = arith.index_cast %parallel_loop3A_60 : i32 to index
        %parallel_loop3A_466 = arith.index_cast %parallel_loop3A_464 : i32 to index
        %parallel_loop3A_467 = arith.index_cast %parallel_loop3A_463 : i32 to index
        %parallel_loop3A_468 = tpu.vector_load %arg8[%parallel_loop3A_465, %parallel_loop3A_466, %parallel_loop3A_467] {strides = array<i32>} : memref<5x64x128xf32, #tpu.memory_space<vmem>>, vector<16xf32>,
        tpu.vector_store %arg8[%parallel_loop3A_465, %parallel_loop3A_466, %parallel_loop3A_467], %parallel_loop3A_461 {strides = array<i32>} : memref<5x64x128xf32, #tpu.memory_space<vmem>>, vector<16xf32>,
        %parallel_loop3A_469 = arith.constant 32 : i32
        %parallel_loop3A_470 = tpu.memref_slice %arg6[%parallel_loop3A_469] : memref<6416xf32, #tpu.memory_space<vmem>> -> memref<6360xf32, #tpu.memory_space<vmem>>
        %parallel_loop3A_471 = tpu.vector_load_idx %parallel_loop3A_470[%parallel_loop3A_428] : memref<6360xf32, #tpu.memory_space<vmem>>[vector<16xi32>], vector<16xf32>,
        %parallel_loop3A_472 = arith.constant 16 : i32
        %parallel_loop3A_473 = arith.muli %parallel_loop3A_62, %parallel_loop3A_472 : i32
        %parallel_loop3A_474 = arith.constant 36 : i32
        %parallel_loop3A_475 = arith.index_cast %parallel_loop3A_60 : i32 to index
        %parallel_loop3A_476 = arith.index_cast %parallel_loop3A_474 : i32 to index
        %parallel_loop3A_477 = arith.index_cast %parallel_loop3A_473 : i32 to index
        %parallel_loop3A_478 = tpu.vector_load %arg8[%parallel_loop3A_475, %parallel_loop3A_476, %parallel_loop3A_477] {strides = array<i32>} : memref<5x64x128xf32, #tpu.memory_space<vmem>>, vector<16xf32>,
        tpu.vector_store %arg8[%parallel_loop3A_475, %parallel_loop3A_476, %parallel_loop3A_477], %parallel_loop3A_471 {strides = array<i32>} : memref<5x64x128xf32, #tpu.memory_space<vmem>>, vector<16xf32>,
        %parallel_loop3A_479 = arith.constant 40 : i32
        %parallel_loop3A_480 = tpu.memref_slice %arg6[%parallel_loop3A_479] : memref<6416xf32, #tpu.memory_space<vmem>> -> memref<6360xf32, #tpu.memory_space<vmem>>
        %parallel_loop3A_481 = tpu.vector_load_idx %parallel_loop3A_480[%parallel_loop3A_428] : memref<6360xf32, #tpu.memory_space<vmem>>[vector<16xi32>], vector<16xf32>,
        %parallel_loop3A_482 = arith.constant 16 : i32
        %parallel_loop3A_483 = arith.muli %parallel_loop3A_62, %parallel_loop3A_482 : i32
        %parallel_loop3A_484 = arith.constant 44 : i32
        %parallel_loop3A_485 = arith.index_cast %parallel_loop3A_60 : i32 to index
        %parallel_loop3A_486 = arith.index_cast %parallel_loop3A_484 : i32 to index
        %parallel_loop3A_487 = arith.index_cast %parallel_loop3A_483 : i32 to index
        %parallel_loop3A_488 = tpu.vector_load %arg8[%parallel_loop3A_485, %parallel_loop3A_486, %parallel_loop3A_487] {strides = array<i32>} : memref<5x64x128xf32, #tpu.memory_space<vmem>>, vector<16xf32>,
        tpu.vector_store %arg8[%parallel_loop3A_485, %parallel_loop3A_486, %parallel_loop3A_487], %parallel_loop3A_481 {strides = array<i32>} : memref<5x64x128xf32, #tpu.memory_space<vmem>>, vector<16xf32>,
        %parallel_loop3A_489 = arith.constant 48 : i32
        %parallel_loop3A_490 = tpu.memref_slice %arg6[%parallel_loop3A_489] : memref<6416xf32, #tpu.memory_space<vmem>> -> memref<6360xf32, #tpu.memory_space<vmem>>
        %parallel_loop3A_491 = tpu.vector_load_idx %parallel_loop3A_490[%parallel_loop3A_428] : memref<6360xf32, #tpu.memory_space<vmem>>[vector<16xi32>], vector<16xf32>,
        %parallel_loop3A_492 = arith.constant 16 : i32
        %parallel_loop3A_493 = arith.muli %parallel_loop3A_62, %parallel_loop3A_492 : i32
        %parallel_loop3A_494 = arith.constant 52 : i32
        %parallel_loop3A_495 = arith.index_cast %parallel_loop3A_60 : i32 to index
        %parallel_loop3A_496 = arith.index_cast %parallel_loop3A_494 : i32 to index
        %parallel_loop3A_497 = arith.index_cast %parallel_loop3A_493 : i32 to index
        %parallel_loop3A_498 = tpu.vector_load %arg8[%parallel_loop3A_495, %parallel_loop3A_496, %parallel_loop3A_497] {strides = array<i32>} : memref<5x64x128xf32, #tpu.memory_space<vmem>>, vector<16xf32>,
        tpu.vector_store %arg8[%parallel_loop3A_495, %parallel_loop3A_496, %parallel_loop3A_497], %parallel_loop3A_491 {strides = array<i32>} : memref<5x64x128xf32, #tpu.memory_space<vmem>>, vector<16xf32>,
        %parallel_loop3A_499 = arith.constant 56 : i32
        %parallel_loop3A_500 = tpu.memref_slice %arg6[%parallel_loop3A_499] : memref<6416xf32, #tpu.memory_space<vmem>> -> memref<6360xf32, #tpu.memory_space<vmem>>
        %parallel_loop3A_501 = tpu.vector_load_idx %parallel_loop3A_500[%parallel_loop3A_428] : memref<6360xf32, #tpu.memory_space<vmem>>[vector<16xi32>], vector<16xf32>,
        %parallel_loop3A_502 = arith.constant 16 : i32
        %parallel_loop3A_503 = arith.muli %parallel_loop3A_62, %parallel_loop3A_502 : i32
        %parallel_loop3A_504 = arith.constant 60 : i32
        %parallel_loop3A_505 = arith.index_cast %parallel_loop3A_60 : i32 to index
        %parallel_loop3A_506 = arith.index_cast %parallel_loop3A_504 : i32 to index
        %parallel_loop3A_507 = arith.index_cast %parallel_loop3A_503 : i32 to index
        %parallel_loop3A_508 = tpu.vector_load %arg8[%parallel_loop3A_505, %parallel_loop3A_506, %parallel_loop3A_507] {strides = array<i32>} : memref<5x64x128xf32, #tpu.memory_space<vmem>>, vector<16xf32>,
        tpu.vector_store %arg8[%parallel_loop3A_505, %parallel_loop3A_506, %parallel_loop3A_507], %parallel_loop3A_501 {strides = array<i32>} : memref<5x64x128xf32, #tpu.memory_space<vmem>>, vector<16xf32>,
        %parallel_loop3A_509 = arith.constant 5 : i32
        %parallel_loop3A_510 = vector.broadcast %parallel_loop3A_509 : i32 to vector<16xi32>
        %parallel_loop3A_511 = arith.addi %parallel_loop3A_93, %parallel_loop3A_510 : vector<16xi32>
        %parallel_loop3A_512 = arith.constant 0 : i32
        %parallel_loop3A_513 = tpu.memref_slice %arg6[%parallel_loop3A_512] : memref<6416xf32, #tpu.memory_space<vmem>> -> memref<6360xf32, #tpu.memory_space<vmem>>
        %parallel_loop3A_514 = tpu.vector_load_idx %parallel_loop3A_513[%parallel_loop3A_511] : memref<6360xf32, #tpu.memory_space<vmem>>[vector<16xi32>], vector<16xf32>,
        %parallel_loop3A_515 = arith.constant 16 : i32
        %parallel_loop3A_516 = arith.muli %parallel_loop3A_62, %parallel_loop3A_515 : i32
        %parallel_loop3A_517 = arith.constant 5 : i32
        %parallel_loop3A_518 = arith.index_cast %parallel_loop3A_60 : i32 to index
        %parallel_loop3A_519 = arith.index_cast %parallel_loop3A_517 : i32 to index
        %parallel_loop3A_520 = arith.index_cast %parallel_loop3A_516 : i32 to index
        %parallel_loop3A_521 = tpu.vector_load %arg8[%parallel_loop3A_518, %parallel_loop3A_519, %parallel_loop3A_520] {strides = array<i32>} : memref<5x64x128xf32, #tpu.memory_space<vmem>>, vector<16xf32>,
        tpu.vector_store %arg8[%parallel_loop3A_518, %parallel_loop3A_519, %parallel_loop3A_520], %parallel_loop3A_514 {strides = array<i32>} : memref<5x64x128xf32, #tpu.memory_space<vmem>>, vector<16xf32>,
        %parallel_loop3A_522 = arith.constant 8 : i32
        %parallel_loop3A_523 = tpu.memref_slice %arg6[%parallel_loop3A_522] : memref<6416xf32, #tpu.memory_space<vmem>> -> memref<6360xf32, #tpu.memory_space<vmem>>
        %parallel_loop3A_524 = tpu.vector_load_idx %parallel_loop3A_523[%parallel_loop3A_511] : memref<6360xf32, #tpu.memory_space<vmem>>[vector<16xi32>], vector<16xf32>,
        %parallel_loop3A_525 = arith.constant 16 : i32
        %parallel_loop3A_526 = arith.muli %parallel_loop3A_62, %parallel_loop3A_525 : i32
        %parallel_loop3A_527 = arith.constant 13 : i32
        %parallel_loop3A_528 = arith.index_cast %parallel_loop3A_60 : i32 to index
        %parallel_loop3A_529 = arith.index_cast %parallel_loop3A_527 : i32 to index
        %parallel_loop3A_530 = arith.index_cast %parallel_loop3A_526 : i32 to index
        %parallel_loop3A_531 = tpu.vector_load %arg8[%parallel_loop3A_528, %parallel_loop3A_529, %parallel_loop3A_530] {strides = array<i32>} : memref<5x64x128xf32, #tpu.memory_space<vmem>>, vector<16xf32>,
        tpu.vector_store %arg8[%parallel_loop3A_528, %parallel_loop3A_529, %parallel_loop3A_530], %parallel_loop3A_524 {strides = array<i32>} : memref<5x64x128xf32, #tpu.memory_space<vmem>>, vector<16xf32>,
        %parallel_loop3A_532 = arith.constant 16 : i32
        %parallel_loop3A_533 = tpu.memref_slice %arg6[%parallel_loop3A_532] : memref<6416xf32, #tpu.memory_space<vmem>> -> memref<6360xf32, #tpu.memory_space<vmem>>
        %parallel_loop3A_534 = tpu.vector_load_idx %parallel_loop3A_533[%parallel_loop3A_511] : memref<6360xf32, #tpu.memory_space<vmem>>[vector<16xi32>], vector<16xf32>,
        %parallel_loop3A_535 = arith.constant 16 : i32
        %parallel_loop3A_536 = arith.muli %parallel_loop3A_62, %parallel_loop3A_535 : i32
        %parallel_loop3A_537 = arith.constant 21 : i32
        %parallel_loop3A_538 = arith.index_cast %parallel_loop3A_60 : i32 to index
        %parallel_loop3A_539 = arith.index_cast %parallel_loop3A_537 : i32 to index
        %parallel_loop3A_540 = arith.index_cast %parallel_loop3A_536 : i32 to index
        %parallel_loop3A_541 = tpu.vector_load %arg8[%parallel_loop3A_538, %parallel_loop3A_539, %parallel_loop3A_540] {strides = array<i32>} : memref<5x64x128xf32, #tpu.memory_space<vmem>>, vector<16xf32>,
        tpu.vector_store %arg8[%parallel_loop3A_538, %parallel_loop3A_539, %parallel_loop3A_540], %parallel_loop3A_534 {strides = array<i32>} : memref<5x64x128xf32, #tpu.memory_space<vmem>>, vector<16xf32>,
        %parallel_loop3A_542 = arith.constant 24 : i32
        %parallel_loop3A_543 = tpu.memref_slice %arg6[%parallel_loop3A_542] : memref<6416xf32, #tpu.memory_space<vmem>> -> memref<6360xf32, #tpu.memory_space<vmem>>
        %parallel_loop3A_544 = tpu.vector_load_idx %parallel_loop3A_543[%parallel_loop3A_511] : memref<6360xf32, #tpu.memory_space<vmem>>[vector<16xi32>], vector<16xf32>,
        %parallel_loop3A_545 = arith.constant 16 : i32
        %parallel_loop3A_546 = arith.muli %parallel_loop3A_62, %parallel_loop3A_545 : i32
        %parallel_loop3A_547 = arith.constant 29 : i32
        %parallel_loop3A_548 = arith.index_cast %parallel_loop3A_60 : i32 to index
        %parallel_loop3A_549 = arith.index_cast %parallel_loop3A_547 : i32 to index
        %parallel_loop3A_550 = arith.index_cast %parallel_loop3A_546 : i32 to index
        %parallel_loop3A_551 = tpu.vector_load %arg8[%parallel_loop3A_548, %parallel_loop3A_549, %parallel_loop3A_550] {strides = array<i32>} : memref<5x64x128xf32, #tpu.memory_space<vmem>>, vector<16xf32>,
        tpu.vector_store %arg8[%parallel_loop3A_548, %parallel_loop3A_549, %parallel_loop3A_550], %parallel_loop3A_544 {strides = array<i32>} : memref<5x64x128xf32, #tpu.memory_space<vmem>>, vector<16xf32>,
        %parallel_loop3A_552 = arith.constant 32 : i32
        %parallel_loop3A_553 = tpu.memref_slice %arg6[%parallel_loop3A_552] : memref<6416xf32, #tpu.memory_space<vmem>> -> memref<6360xf32, #tpu.memory_space<vmem>>
        %parallel_loop3A_554 = tpu.vector_load_idx %parallel_loop3A_553[%parallel_loop3A_511] : memref<6360xf32, #tpu.memory_space<vmem>>[vector<16xi32>], vector<16xf32>,
        %parallel_loop3A_555 = arith.constant 16 : i32
        %parallel_loop3A_556 = arith.muli %parallel_loop3A_62, %parallel_loop3A_555 : i32
        %parallel_loop3A_557 = arith.constant 37 : i32
        %parallel_loop3A_558 = arith.index_cast %parallel_loop3A_60 : i32 to index
        %parallel_loop3A_559 = arith.index_cast %parallel_loop3A_557 : i32 to index
        %parallel_loop3A_560 = arith.index_cast %parallel_loop3A_556 : i32 to index
        %parallel_loop3A_561 = tpu.vector_load %arg8[%parallel_loop3A_558, %parallel_loop3A_559, %parallel_loop3A_560] {strides = array<i32>} : memref<5x64x128xf32, #tpu.memory_space<vmem>>, vector<16xf32>,
        tpu.vector_store %arg8[%parallel_loop3A_558, %parallel_loop3A_559, %parallel_loop3A_560], %parallel_loop3A_554 {strides = array<i32>} : memref<5x64x128xf32, #tpu.memory_space<vmem>>, vector<16xf32>,
        %parallel_loop3A_562 = arith.constant 40 : i32
        %parallel_loop3A_563 = tpu.memref_slice %arg6[%parallel_loop3A_562] : memref<6416xf32, #tpu.memory_space<vmem>> -> memref<6360xf32, #tpu.memory_space<vmem>>
        %parallel_loop3A_564 = tpu.vector_load_idx %parallel_loop3A_563[%parallel_loop3A_511] : memref<6360xf32, #tpu.memory_space<vmem>>[vector<16xi32>], vector<16xf32>,
        %parallel_loop3A_565 = arith.constant 16 : i32
        %parallel_loop3A_566 = arith.muli %parallel_loop3A_62, %parallel_loop3A_565 : i32
        %parallel_loop3A_567 = arith.constant 45 : i32
        %parallel_loop3A_568 = arith.index_cast %parallel_loop3A_60 : i32 to index
        %parallel_loop3A_569 = arith.index_cast %parallel_loop3A_567 : i32 to index
        %parallel_loop3A_570 = arith.index_cast %parallel_loop3A_566 : i32 to index
        %parallel_loop3A_571 = tpu.vector_load %arg8[%parallel_loop3A_568, %parallel_loop3A_569, %parallel_loop3A_570] {strides = array<i32>} : memref<5x64x128xf32, #tpu.memory_space<vmem>>, vector<16xf32>,
        tpu.vector_store %arg8[%parallel_loop3A_568, %parallel_loop3A_569, %parallel_loop3A_570], %parallel_loop3A_564 {strides = array<i32>} : memref<5x64x128xf32, #tpu.memory_space<vmem>>, vector<16xf32>,
        %parallel_loop3A_572 = arith.constant 48 : i32
        %parallel_loop3A_573 = tpu.memref_slice %arg6[%parallel_loop3A_572] : memref<6416xf32, #tpu.memory_space<vmem>> -> memref<6360xf32, #tpu.memory_space<vmem>>
        %parallel_loop3A_574 = tpu.vector_load_idx %parallel_loop3A_573[%parallel_loop3A_511] : memref<6360xf32, #tpu.memory_space<vmem>>[vector<16xi32>], vector<16xf32>,
        %parallel_loop3A_575 = arith.constant 16 : i32
        %parallel_loop3A_576 = arith.muli %parallel_loop3A_62, %parallel_loop3A_575 : i32
        %parallel_loop3A_577 = arith.constant 53 : i32
        %parallel_loop3A_578 = arith.index_cast %parallel_loop3A_60 : i32 to index
        %parallel_loop3A_579 = arith.index_cast %parallel_loop3A_577 : i32 to index
        %parallel_loop3A_580 = arith.index_cast %parallel_loop3A_576 : i32 to index
        %parallel_loop3A_581 = tpu.vector_load %arg8[%parallel_loop3A_578, %parallel_loop3A_579, %parallel_loop3A_580] {strides = array<i32>} : memref<5x64x128xf32, #tpu.memory_space<vmem>>, vector<16xf32>,
        tpu.vector_store %arg8[%parallel_loop3A_578, %parallel_loop3A_579, %parallel_loop3A_580], %parallel_loop3A_574 {strides = array<i32>} : memref<5x64x128xf32, #tpu.memory_space<vmem>>, vector<16xf32>,
        %parallel_loop3A_582 = arith.constant 56 : i32
        %parallel_loop3A_583 = tpu.memref_slice %arg6[%parallel_loop3A_582] : memref<6416xf32, #tpu.memory_space<vmem>> -> memref<6360xf32, #tpu.memory_space<vmem>>
        %parallel_loop3A_584 = tpu.vector_load_idx %parallel_loop3A_583[%parallel_loop3A_511] : memref<6360xf32, #tpu.memory_space<vmem>>[vector<16xi32>], vector<16xf32>,
        %parallel_loop3A_585 = arith.constant 16 : i32
        %parallel_loop3A_586 = arith.muli %parallel_loop3A_62, %parallel_loop3A_585 : i32
        %parallel_loop3A_587 = arith.constant 61 : i32
        %parallel_loop3A_588 = arith.index_cast %parallel_loop3A_60 : i32 to index
        %parallel_loop3A_589 = arith.index_cast %parallel_loop3A_587 : i32 to index
        %parallel_loop3A_590 = arith.index_cast %parallel_loop3A_586 : i32 to index
        %parallel_loop3A_591 = tpu.vector_load %arg8[%parallel_loop3A_588, %parallel_loop3A_589, %parallel_loop3A_590] {strides = array<i32>} : memref<5x64x128xf32, #tpu.memory_space<vmem>>, vector<16xf32>,
        tpu.vector_store %arg8[%parallel_loop3A_588, %parallel_loop3A_589, %parallel_loop3A_590], %parallel_loop3A_584 {strides = array<i32>} : memref<5x64x128xf32, #tpu.memory_space<vmem>>, vector<16xf32>,
        %parallel_loop3A_592 = arith.constant 6 : i32
        %parallel_loop3A_593 = vector.broadcast %parallel_loop3A_592 : i32 to vector<16xi32>
        %parallel_loop3A_594 = arith.addi %parallel_loop3A_93, %parallel_loop3A_593 : vector<16xi32>
        %parallel_loop3A_595 = arith.constant 0 : i32
        %parallel_loop3A_596 = tpu.memref_slice %arg6[%parallel_loop3A_595] : memref<6416xf32, #tpu.memory_space<vmem>> -> memref<6360xf32, #tpu.memory_space<vmem>>
        %parallel_loop3A_597 = tpu.vector_load_idx %parallel_loop3A_596[%parallel_loop3A_594] : memref<6360xf32, #tpu.memory_space<vmem>>[vector<16xi32>], vector<16xf32>,
        %parallel_loop3A_598 = arith.constant 16 : i32
        %parallel_loop3A_599 = arith.muli %parallel_loop3A_62, %parallel_loop3A_598 : i32
        %parallel_loop3A_600 = arith.constant 6 : i32
        %parallel_loop3A_601 = arith.index_cast %parallel_loop3A_60 : i32 to index
        %parallel_loop3A_602 = arith.index_cast %parallel_loop3A_600 : i32 to index
        %parallel_loop3A_603 = arith.index_cast %parallel_loop3A_599 : i32 to index
        %parallel_loop3A_604 = tpu.vector_load %arg8[%parallel_loop3A_601, %parallel_loop3A_602, %parallel_loop3A_603] {strides = array<i32>} : memref<5x64x128xf32, #tpu.memory_space<vmem>>, vector<16xf32>,
        tpu.vector_store %arg8[%parallel_loop3A_601, %parallel_loop3A_602, %parallel_loop3A_603], %parallel_loop3A_597 {strides = array<i32>} : memref<5x64x128xf32, #tpu.memory_space<vmem>>, vector<16xf32>,
        %parallel_loop3A_605 = arith.constant 8 : i32
        %parallel_loop3A_606 = tpu.memref_slice %arg6[%parallel_loop3A_605] : memref<6416xf32, #tpu.memory_space<vmem>> -> memref<6360xf32, #tpu.memory_space<vmem>>
        %parallel_loop3A_607 = tpu.vector_load_idx %parallel_loop3A_606[%parallel_loop3A_594] : memref<6360xf32, #tpu.memory_space<vmem>>[vector<16xi32>], vector<16xf32>,
        %parallel_loop3A_608 = arith.constant 16 : i32
        %parallel_loop3A_609 = arith.muli %parallel_loop3A_62, %parallel_loop3A_608 : i32
        %parallel_loop3A_610 = arith.constant 14 : i32
        %parallel_loop3A_611 = arith.index_cast %parallel_loop3A_60 : i32 to index
        %parallel_loop3A_612 = arith.index_cast %parallel_loop3A_610 : i32 to index
        %parallel_loop3A_613 = arith.index_cast %parallel_loop3A_609 : i32 to index
        %parallel_loop3A_614 = tpu.vector_load %arg8[%parallel_loop3A_611, %parallel_loop3A_612, %parallel_loop3A_613] {strides = array<i32>} : memref<5x64x128xf32, #tpu.memory_space<vmem>>, vector<16xf32>,
        tpu.vector_store %arg8[%parallel_loop3A_611, %parallel_loop3A_612, %parallel_loop3A_613], %parallel_loop3A_607 {strides = array<i32>} : memref<5x64x128xf32, #tpu.memory_space<vmem>>, vector<16xf32>,
        %parallel_loop3A_615 = arith.constant 16 : i32
        %parallel_loop3A_616 = tpu.memref_slice %arg6[%parallel_loop3A_615] : memref<6416xf32, #tpu.memory_space<vmem>> -> memref<6360xf32, #tpu.memory_space<vmem>>
        %parallel_loop3A_617 = tpu.vector_load_idx %parallel_loop3A_616[%parallel_loop3A_594] : memref<6360xf32, #tpu.memory_space<vmem>>[vector<16xi32>], vector<16xf32>,
        %parallel_loop3A_618 = arith.constant 16 : i32
        %parallel_loop3A_619 = arith.muli %parallel_loop3A_62, %parallel_loop3A_618 : i32
        %parallel_loop3A_620 = arith.constant 22 : i32
        %parallel_loop3A_621 = arith.index_cast %parallel_loop3A_60 : i32 to index
        %parallel_loop3A_622 = arith.index_cast %parallel_loop3A_620 : i32 to index
        %parallel_loop3A_623 = arith.index_cast %parallel_loop3A_619 : i32 to index
        %parallel_loop3A_624 = tpu.vector_load %arg8[%parallel_loop3A_621, %parallel_loop3A_622, %parallel_loop3A_623] {strides = array<i32>} : memref<5x64x128xf32, #tpu.memory_space<vmem>>, vector<16xf32>,
        tpu.vector_store %arg8[%parallel_loop3A_621, %parallel_loop3A_622, %parallel_loop3A_623], %parallel_loop3A_617 {strides = array<i32>} : memref<5x64x128xf32, #tpu.memory_space<vmem>>, vector<16xf32>,
        %parallel_loop3A_625 = arith.constant 24 : i32
        %parallel_loop3A_626 = tpu.memref_slice %arg6[%parallel_loop3A_625] : memref<6416xf32, #tpu.memory_space<vmem>> -> memref<6360xf32, #tpu.memory_space<vmem>>
        %parallel_loop3A_627 = tpu.vector_load_idx %parallel_loop3A_626[%parallel_loop3A_594] : memref<6360xf32, #tpu.memory_space<vmem>>[vector<16xi32>], vector<16xf32>,
        %parallel_loop3A_628 = arith.constant 16 : i32
        %parallel_loop3A_629 = arith.muli %parallel_loop3A_62, %parallel_loop3A_628 : i32
        %parallel_loop3A_630 = arith.constant 30 : i32
        %parallel_loop3A_631 = arith.index_cast %parallel_loop3A_60 : i32 to index
        %parallel_loop3A_632 = arith.index_cast %parallel_loop3A_630 : i32 to index
        %parallel_loop3A_633 = arith.index_cast %parallel_loop3A_629 : i32 to index
        %parallel_loop3A_634 = tpu.vector_load %arg8[%parallel_loop3A_631, %parallel_loop3A_632, %parallel_loop3A_633] {strides = array<i32>} : memref<5x64x128xf32, #tpu.memory_space<vmem>>, vector<16xf32>,
        tpu.vector_store %arg8[%parallel_loop3A_631, %parallel_loop3A_632, %parallel_loop3A_633], %parallel_loop3A_627 {strides = array<i32>} : memref<5x64x128xf32, #tpu.memory_space<vmem>>, vector<16xf32>,
        %parallel_loop3A_635 = arith.constant 32 : i32
        %parallel_loop3A_636 = tpu.memref_slice %arg6[%parallel_loop3A_635] : memref<6416xf32, #tpu.memory_space<vmem>> -> memref<6360xf32, #tpu.memory_space<vmem>>
        %parallel_loop3A_637 = tpu.vector_load_idx %parallel_loop3A_636[%parallel_loop3A_594] : memref<6360xf32, #tpu.memory_space<vmem>>[vector<16xi32>], vector<16xf32>,
        %parallel_loop3A_638 = arith.constant 16 : i32
        %parallel_loop3A_639 = arith.muli %parallel_loop3A_62, %parallel_loop3A_638 : i32
        %parallel_loop3A_640 = arith.constant 38 : i32
        %parallel_loop3A_641 = arith.index_cast %parallel_loop3A_60 : i32 to index
        %parallel_loop3A_642 = arith.index_cast %parallel_loop3A_640 : i32 to index
        %parallel_loop3A_643 = arith.index_cast %parallel_loop3A_639 : i32 to index
        %parallel_loop3A_644 = tpu.vector_load %arg8[%parallel_loop3A_641, %parallel_loop3A_642, %parallel_loop3A_643] {strides = array<i32>} : memref<5x64x128xf32, #tpu.memory_space<vmem>>, vector<16xf32>,
        tpu.vector_store %arg8[%parallel_loop3A_641, %parallel_loop3A_642, %parallel_loop3A_643], %parallel_loop3A_637 {strides = array<i32>} : memref<5x64x128xf32, #tpu.memory_space<vmem>>, vector<16xf32>,
        %parallel_loop3A_645 = arith.constant 40 : i32
        %parallel_loop3A_646 = tpu.memref_slice %arg6[%parallel_loop3A_645] : memref<6416xf32, #tpu.memory_space<vmem>> -> memref<6360xf32, #tpu.memory_space<vmem>>
        %parallel_loop3A_647 = tpu.vector_load_idx %parallel_loop3A_646[%parallel_loop3A_594] : memref<6360xf32, #tpu.memory_space<vmem>>[vector<16xi32>], vector<16xf32>,
        %parallel_loop3A_648 = arith.constant 16 : i32
        %parallel_loop3A_649 = arith.muli %parallel_loop3A_62, %parallel_loop3A_648 : i32
        %parallel_loop3A_650 = arith.constant 46 : i32
        %parallel_loop3A_651 = arith.index_cast %parallel_loop3A_60 : i32 to index
        %parallel_loop3A_652 = arith.index_cast %parallel_loop3A_650 : i32 to index
        %parallel_loop3A_653 = arith.index_cast %parallel_loop3A_649 : i32 to index
        %parallel_loop3A_654 = tpu.vector_load %arg8[%parallel_loop3A_651, %parallel_loop3A_652, %parallel_loop3A_653] {strides = array<i32>} : memref<5x64x128xf32, #tpu.memory_space<vmem>>, vector<16xf32>,
        tpu.vector_store %arg8[%parallel_loop3A_651, %parallel_loop3A_652, %parallel_loop3A_653], %parallel_loop3A_647 {strides = array<i32>} : memref<5x64x128xf32, #tpu.memory_space<vmem>>, vector<16xf32>,
        %parallel_loop3A_655 = arith.constant 48 : i32
        %parallel_loop3A_656 = tpu.memref_slice %arg6[%parallel_loop3A_655] : memref<6416xf32, #tpu.memory_space<vmem>> -> memref<6360xf32, #tpu.memory_space<vmem>>
        %parallel_loop3A_657 = tpu.vector_load_idx %parallel_loop3A_656[%parallel_loop3A_594] : memref<6360xf32, #tpu.memory_space<vmem>>[vector<16xi32>], vector<16xf32>,
        %parallel_loop3A_658 = arith.constant 16 : i32
        %parallel_loop3A_659 = arith.muli %parallel_loop3A_62, %parallel_loop3A_658 : i32
        %parallel_loop3A_660 = arith.constant 54 : i32
        %parallel_loop3A_661 = arith.index_cast %parallel_loop3A_60 : i32 to index
        %parallel_loop3A_662 = arith.index_cast %parallel_loop3A_660 : i32 to index
        %parallel_loop3A_663 = arith.index_cast %parallel_loop3A_659 : i32 to index
        %parallel_loop3A_664 = tpu.vector_load %arg8[%parallel_loop3A_661, %parallel_loop3A_662, %parallel_loop3A_663] {strides = array<i32>} : memref<5x64x128xf32, #tpu.memory_space<vmem>>, vector<16xf32>,
        tpu.vector_store %arg8[%parallel_loop3A_661, %parallel_loop3A_662, %parallel_loop3A_663], %parallel_loop3A_657 {strides = array<i32>} : memref<5x64x128xf32, #tpu.memory_space<vmem>>, vector<16xf32>,
        %parallel_loop3A_665 = arith.constant 56 : i32
        %parallel_loop3A_666 = tpu.memref_slice %arg6[%parallel_loop3A_665] : memref<6416xf32, #tpu.memory_space<vmem>> -> memref<6360xf32, #tpu.memory_space<vmem>>
        %parallel_loop3A_667 = tpu.vector_load_idx %parallel_loop3A_666[%parallel_loop3A_594] : memref<6360xf32, #tpu.memory_space<vmem>>[vector<16xi32>], vector<16xf32>,
        %parallel_loop3A_668 = arith.constant 16 : i32
        %parallel_loop3A_669 = arith.muli %parallel_loop3A_62, %parallel_loop3A_668 : i32
        %parallel_loop3A_670 = arith.constant 62 : i32
        %parallel_loop3A_671 = arith.index_cast %parallel_loop3A_60 : i32 to index
        %parallel_loop3A_672 = arith.index_cast %parallel_loop3A_670 : i32 to index
        %parallel_loop3A_673 = arith.index_cast %parallel_loop3A_669 : i32 to index
        %parallel_loop3A_674 = tpu.vector_load %arg8[%parallel_loop3A_671, %parallel_loop3A_672, %parallel_loop3A_673] {strides = array<i32>} : memref<5x64x128xf32, #tpu.memory_space<vmem>>, vector<16xf32>,
        tpu.vector_store %arg8[%parallel_loop3A_671, %parallel_loop3A_672, %parallel_loop3A_673], %parallel_loop3A_667 {strides = array<i32>} : memref<5x64x128xf32, #tpu.memory_space<vmem>>, vector<16xf32>,
        %parallel_loop3A_675 = arith.constant 7 : i32
        %parallel_loop3A_676 = vector.broadcast %parallel_loop3A_675 : i32 to vector<16xi32>
        %parallel_loop3A_677 = arith.addi %parallel_loop3A_93, %parallel_loop3A_676 : vector<16xi32>
        %parallel_loop3A_678 = arith.constant 0 : i32
        %parallel_loop3A_679 = tpu.memref_slice %arg6[%parallel_loop3A_678] : memref<6416xf32, #tpu.memory_space<vmem>> -> memref<6360xf32, #tpu.memory_space<vmem>>
        %parallel_loop3A_680 = tpu.vector_load_idx %parallel_loop3A_679[%parallel_loop3A_677] : memref<6360xf32, #tpu.memory_space<vmem>>[vector<16xi32>], vector<16xf32>,
        %parallel_loop3A_681 = arith.constant 16 : i32
        %parallel_loop3A_682 = arith.muli %parallel_loop3A_62, %parallel_loop3A_681 : i32
        %parallel_loop3A_683 = arith.constant 7 : i32
        %parallel_loop3A_684 = arith.index_cast %parallel_loop3A_60 : i32 to index
        %parallel_loop3A_685 = arith.index_cast %parallel_loop3A_683 : i32 to index
        %parallel_loop3A_686 = arith.index_cast %parallel_loop3A_682 : i32 to index
        %parallel_loop3A_687 = tpu.vector_load %arg8[%parallel_loop3A_684, %parallel_loop3A_685, %parallel_loop3A_686] {strides = array<i32>} : memref<5x64x128xf32, #tpu.memory_space<vmem>>, vector<16xf32>,
        tpu.vector_store %arg8[%parallel_loop3A_684, %parallel_loop3A_685, %parallel_loop3A_686], %parallel_loop3A_680 {strides = array<i32>} : memref<5x64x128xf32, #tpu.memory_space<vmem>>, vector<16xf32>,
        %parallel_loop3A_688 = arith.constant 8 : i32
        %parallel_loop3A_689 = tpu.memref_slice %arg6[%parallel_loop3A_688] : memref<6416xf32, #tpu.memory_space<vmem>> -> memref<6360xf32, #tpu.memory_space<vmem>>
        %parallel_loop3A_690 = tpu.vector_load_idx %parallel_loop3A_689[%parallel_loop3A_677] : memref<6360xf32, #tpu.memory_space<vmem>>[vector<16xi32>], vector<16xf32>,
        %parallel_loop3A_691 = arith.constant 16 : i32
        %parallel_loop3A_692 = arith.muli %parallel_loop3A_62, %parallel_loop3A_691 : i32
        %parallel_loop3A_693 = arith.constant 15 : i32
        %parallel_loop3A_694 = arith.index_cast %parallel_loop3A_60 : i32 to index
        %parallel_loop3A_695 = arith.index_cast %parallel_loop3A_693 : i32 to index
        %parallel_loop3A_696 = arith.index_cast %parallel_loop3A_692 : i32 to index
        %parallel_loop3A_697 = tpu.vector_load %arg8[%parallel_loop3A_694, %parallel_loop3A_695, %parallel_loop3A_696] {strides = array<i32>} : memref<5x64x128xf32, #tpu.memory_space<vmem>>, vector<16xf32>,
        tpu.vector_store %arg8[%parallel_loop3A_694, %parallel_loop3A_695, %parallel_loop3A_696], %parallel_loop3A_690 {strides = array<i32>} : memref<5x64x128xf32, #tpu.memory_space<vmem>>, vector<16xf32>,
        %parallel_loop3A_698 = arith.constant 16 : i32
        %parallel_loop3A_699 = tpu.memref_slice %arg6[%parallel_loop3A_698] : memref<6416xf32, #tpu.memory_space<vmem>> -> memref<6360xf32, #tpu.memory_space<vmem>>
        %parallel_loop3A_700 = tpu.vector_load_idx %parallel_loop3A_699[%parallel_loop3A_677] : memref<6360xf32, #tpu.memory_space<vmem>>[vector<16xi32>], vector<16xf32>,
        %parallel_loop3A_701 = arith.constant 16 : i32
        %parallel_loop3A_702 = arith.muli %parallel_loop3A_62, %parallel_loop3A_701 : i32
        %parallel_loop3A_703 = arith.constant 23 : i32
        %parallel_loop3A_704 = arith.index_cast %parallel_loop3A_60 : i32 to index
        %parallel_loop3A_705 = arith.index_cast %parallel_loop3A_703 : i32 to index
        %parallel_loop3A_706 = arith.index_cast %parallel_loop3A_702 : i32 to index
        %parallel_loop3A_707 = tpu.vector_load %arg8[%parallel_loop3A_704, %parallel_loop3A_705, %parallel_loop3A_706] {strides = array<i32>} : memref<5x64x128xf32, #tpu.memory_space<vmem>>, vector<16xf32>,
        tpu.vector_store %arg8[%parallel_loop3A_704, %parallel_loop3A_705, %parallel_loop3A_706], %parallel_loop3A_700 {strides = array<i32>} : memref<5x64x128xf32, #tpu.memory_space<vmem>>, vector<16xf32>,
        %parallel_loop3A_708 = arith.constant 24 : i32
        %parallel_loop3A_709 = tpu.memref_slice %arg6[%parallel_loop3A_708] : memref<6416xf32, #tpu.memory_space<vmem>> -> memref<6360xf32, #tpu.memory_space<vmem>>
        %parallel_loop3A_710 = tpu.vector_load_idx %parallel_loop3A_709[%parallel_loop3A_677] : memref<6360xf32, #tpu.memory_space<vmem>>[vector<16xi32>], vector<16xf32>,
        %parallel_loop3A_711 = arith.constant 16 : i32
        %parallel_loop3A_712 = arith.muli %parallel_loop3A_62, %parallel_loop3A_711 : i32
        %parallel_loop3A_713 = arith.constant 31 : i32
        %parallel_loop3A_714 = arith.index_cast %parallel_loop3A_60 : i32 to index
        %parallel_loop3A_715 = arith.index_cast %parallel_loop3A_713 : i32 to index
        %parallel_loop3A_716 = arith.index_cast %parallel_loop3A_712 : i32 to index
        %parallel_loop3A_717 = tpu.vector_load %arg8[%parallel_loop3A_714, %parallel_loop3A_715, %parallel_loop3A_716] {strides = array<i32>} : memref<5x64x128xf32, #tpu.memory_space<vmem>>, vector<16xf32>,
        tpu.vector_store %arg8[%parallel_loop3A_714, %parallel_loop3A_715, %parallel_loop3A_716], %parallel_loop3A_710 {strides = array<i32>} : memref<5x64x128xf32, #tpu.memory_space<vmem>>, vector<16xf32>,
        %parallel_loop3A_718 = arith.constant 32 : i32
        %parallel_loop3A_719 = tpu.memref_slice %arg6[%parallel_loop3A_718] : memref<6416xf32, #tpu.memory_space<vmem>> -> memref<6360xf32, #tpu.memory_space<vmem>>
        %parallel_loop3A_720 = tpu.vector_load_idx %parallel_loop3A_719[%parallel_loop3A_677] : memref<6360xf32, #tpu.memory_space<vmem>>[vector<16xi32>], vector<16xf32>,
        %parallel_loop3A_721 = arith.constant 16 : i32
        %parallel_loop3A_722 = arith.muli %parallel_loop3A_62, %parallel_loop3A_721 : i32
        %parallel_loop3A_723 = arith.constant 39 : i32
        %parallel_loop3A_724 = arith.index_cast %parallel_loop3A_60 : i32 to index
        %parallel_loop3A_725 = arith.index_cast %parallel_loop3A_723 : i32 to index
        %parallel_loop3A_726 = arith.index_cast %parallel_loop3A_722 : i32 to index
        %parallel_loop3A_727 = tpu.vector_load %arg8[%parallel_loop3A_724, %parallel_loop3A_725, %parallel_loop3A_726] {strides = array<i32>} : memref<5x64x128xf32, #tpu.memory_space<vmem>>, vector<16xf32>,
        tpu.vector_store %arg8[%parallel_loop3A_724, %parallel_loop3A_725, %parallel_loop3A_726], %parallel_loop3A_720 {strides = array<i32>} : memref<5x64x128xf32, #tpu.memory_space<vmem>>, vector<16xf32>,
        %parallel_loop3A_728 = arith.constant 40 : i32
        %parallel_loop3A_729 = tpu.memref_slice %arg6[%parallel_loop3A_728] : memref<6416xf32, #tpu.memory_space<vmem>> -> memref<6360xf32, #tpu.memory_space<vmem>>
        %parallel_loop3A_730 = tpu.vector_load_idx %parallel_loop3A_729[%parallel_loop3A_677] : memref<6360xf32, #tpu.memory_space<vmem>>[vector<16xi32>], vector<16xf32>,
        %parallel_loop3A_731 = arith.constant 16 : i32
        %parallel_loop3A_732 = arith.muli %parallel_loop3A_62, %parallel_loop3A_731 : i32
        %parallel_loop3A_733 = arith.constant 47 : i32
        %parallel_loop3A_734 = arith.index_cast %parallel_loop3A_60 : i32 to index
        %parallel_loop3A_735 = arith.index_cast %parallel_loop3A_733 : i32 to index
        %parallel_loop3A_736 = arith.index_cast %parallel_loop3A_732 : i32 to index
        %parallel_loop3A_737 = tpu.vector_load %arg8[%parallel_loop3A_734, %parallel_loop3A_735, %parallel_loop3A_736] {strides = array<i32>} : memref<5x64x128xf32, #tpu.memory_space<vmem>>, vector<16xf32>,
        tpu.vector_store %arg8[%parallel_loop3A_734, %parallel_loop3A_735, %parallel_loop3A_736], %parallel_loop3A_730 {strides = array<i32>} : memref<5x64x128xf32, #tpu.memory_space<vmem>>, vector<16xf32>,
        %parallel_loop3A_738 = arith.constant 48 : i32
        %parallel_loop3A_739 = tpu.memref_slice %arg6[%parallel_loop3A_738] : memref<6416xf32, #tpu.memory_space<vmem>> -> memref<6360xf32, #tpu.memory_space<vmem>>
        %parallel_loop3A_740 = tpu.vector_load_idx %parallel_loop3A_739[%parallel_loop3A_677] : memref<6360xf32, #tpu.memory_space<vmem>>[vector<16xi32>], vector<16xf32>,
        %parallel_loop3A_741 = arith.constant 16 : i32
        %parallel_loop3A_742 = arith.muli %parallel_loop3A_62, %parallel_loop3A_741 : i32
        %parallel_loop3A_743 = arith.constant 55 : i32
        %parallel_loop3A_744 = arith.index_cast %parallel_loop3A_60 : i32 to index
        %parallel_loop3A_745 = arith.index_cast %parallel_loop3A_743 : i32 to index
        %parallel_loop3A_746 = arith.index_cast %parallel_loop3A_742 : i32 to index
        %parallel_loop3A_747 = tpu.vector_load %arg8[%parallel_loop3A_744, %parallel_loop3A_745, %parallel_loop3A_746] {strides = array<i32>} : memref<5x64x128xf32, #tpu.memory_space<vmem>>, vector<16xf32>,
        tpu.vector_store %arg8[%parallel_loop3A_744, %parallel_loop3A_745, %parallel_loop3A_746], %parallel_loop3A_740 {strides = array<i32>} : memref<5x64x128xf32, #tpu.memory_space<vmem>>, vector<16xf32>,
        %parallel_loop3A_748 = arith.constant 56 : i32
        %parallel_loop3A_749 = tpu.memref_slice %arg6[%parallel_loop3A_748] : memref<6416xf32, #tpu.memory_space<vmem>> -> memref<6360xf32, #tpu.memory_space<vmem>>
        %parallel_loop3A_750 = tpu.vector_load_idx %parallel_loop3A_749[%parallel_loop3A_677] : memref<6360xf32, #tpu.memory_space<vmem>>[vector<16xi32>], vector<16xf32>,
        %parallel_loop3A_751 = arith.constant 16 : i32
        %parallel_loop3A_752 = arith.muli %parallel_loop3A_62, %parallel_loop3A_751 : i32
        %parallel_loop3A_753 = arith.constant 63 : i32
        %parallel_loop3A_754 = arith.index_cast %parallel_loop3A_60 : i32 to index
        %parallel_loop3A_755 = arith.index_cast %parallel_loop3A_753 : i32 to index
        %parallel_loop3A_756 = arith.index_cast %parallel_loop3A_752 : i32 to index
        %parallel_loop3A_757 = tpu.vector_load %arg8[%parallel_loop3A_754, %parallel_loop3A_755, %parallel_loop3A_756] {strides = array<i32>} : memref<5x64x128xf32, #tpu.memory_space<vmem>>, vector<16xf32>,
        tpu.vector_store %arg8[%parallel_loop3A_754, %parallel_loop3A_755, %parallel_loop3A_756], %parallel_loop3A_750 {strides = array<i32>} : memref<5x64x128xf32, #tpu.memory_space<vmem>>, vector<16xf32>,
      } {sc.loop_unroll_factor = 2 : i64, sc.parallel_access}
      %mul3A_48 = arith.constant 2 : i32
      %mul3A_49 = arith.muli %mul3A_48, %scan3A_22 : i32
      %add3A_50 = arith.constant 1 : i32
      %add3A_51 = arith.addi %mul3A_49, %add3A_50 : i32
      %mul3A_52 = arith.constant 5 : i32
      %mul3A_53 = arith.muli %add3A_51, %mul3A_52 : i32
      %dma_start3A_54 = arith.constant 0 : i32
      %dma_start3A_55 = tpu.memref_slice %arg4[%mul3A_53, %dma_start3A_54, %mul3A_2] : memref<50x64x4096xf32, #tpu.memory_space<hbm>> -> memref<5x64x128xf32, #tpu.memory_space<hbm>>
      %dma_start3A_56 = arith.constant 0 : i32
      %dma_start3A_57 = tpu.memref_slice %arg4[%mul3A_53, %dma_start3A_56, %mul3A_2] : memref<50x64x4096xf32, #tpu.memory_space<hbm>> -> memref<5x64x128xf32, #tpu.memory_space<hbm>>
      tpu.enqueue_dma source(%arg8 : memref<5x64x128xf32, #tpu.memory_space<vmem>>) target(%dma_start3A_57 : memref<5x64x128xf32, #tpu.memory_space<hbm>>) target_semaphore(%arg10 : memref<!tpu.dma_semaphore, #tpu.memory_space<semaphore_mem>>)
    }
    %scan3A_10 = arith.constant 5 : i32
    %dma_wait3A = arith.constant 0 : i32
    %dma_wait3A_11 = arith.constant 0 : i32
    %dma_wait3A_12 = tpu.memref_slice %arg4[%dma_wait3A, %dma_wait3A_11, %mul3A_2] : memref<50x64x4096xf32, #tpu.memory_space<hbm>> -> memref<5x64x128xf32, #tpu.memory_space<hbm>>
    %dma_wait3A_13 = arith.constant 0 : i32
    %dma_wait3A_14 = arith.constant 0 : i32
    %dma_wait3A_15 = tpu.memref_slice %arg4[%dma_wait3A_13, %dma_wait3A_14, %mul3A_2] : memref<50x64x4096xf32, #tpu.memory_space<hbm>> -> memref<5x64x128xf32, #tpu.memory_space<hbm>>
    tpu.wait_dma2 semaphore(%arg9 : memref<!tpu.dma_semaphore, #tpu.memory_space<semaphore_mem>>) src(%dma_wait3A_15 : memref<5x64x128xf32, #tpu.memory_space<hbm>>) dst(%arg7 : memref<5x64x128xf32, #tpu.memory_space<vmem>>)
    %dma_wait3A_16 = arith.constant 0 : i32
    %dma_wait3A_17 = arith.constant 0 : i32
    %dma_wait3A_18 = tpu.memref_slice %arg4[%dma_wait3A_16, %dma_wait3A_17, %mul3A_2] : memref<50x64x4096xf32, #tpu.memory_space<hbm>> -> memref<5x64x128xf32, #tpu.memory_space<hbm>>
    %dma_wait3A_19 = arith.constant 0 : i32
    %dma_wait3A_20 = arith.constant 0 : i32
    %dma_wait3A_21 = tpu.memref_slice %arg4[%dma_wait3A_19, %dma_wait3A_20, %mul3A_2] : memref<50x64x4096xf32, #tpu.memory_space<hbm>> -> memref<5x64x128xf32, #tpu.memory_space<hbm>>
    tpu.wait_dma2 semaphore(%arg10 : memref<!tpu.dma_semaphore, #tpu.memory_space<semaphore_mem>>) src(%dma_wait3A_21 : memref<5x64x128xf32, #tpu.memory_space<hbm>>) dst(%arg8 : memref<5x64x128xf32, #tpu.memory_space<vmem>>)
    return
  }
}

</mosaic_0001>

<sc_bundles>
// kernel: kernel.3.cloned.1.call-start
scs
__scs_entry_jumppad:
0x0: {  	(pc) =	sbr.rel $0x88, $3  }
0x1: {  	(tag) =	ssettag $0x0;
	lr =	simm.s32 $0x1  }
0x2: {  	[smem:$0x3F9F] =	sst lr;
	_ =	strace $0xD0000000  }
0x3: {  	_ = 	snop  }
0x4: {  	_ = 	snop  }
0x5: {  	_ = 	snop  }
0x6: {  	_ = 	snop  }
0x7: {  	_ = 	snop  }
__scs_overlays_trampoline_lowered:
0x8: {  	[smem:$0x3FAE] =	sst s0  }
0x9: {  	[smem:$0x3FAF] =	sst s1  }
0xa: {  	[smem:$0x3FB0] =	sst s2  }
0xb: {  	[smem:$0x3FB1] =	sst s3  }
0xc: {  	[smem:$0x3FB2] =	sst s4  }
0xd: {  	[smem:$0x3FB3] =	sst s5  }
0xe: {  	[smem:$0x3FB4] =	sst s6  }
0xf: {  	[smem:$0x3FB5] =	sst s7  }
0x10: {  	[smem:$0x3FB6] =	sst s8  }
0x11: {  	[smem:$0x3FB7] =	sst s9;
	s0 =	simm.s32 @!p0 $0x0  }
0x12: {  	s1 =	sld [smem:$0x3F9D];
	s0 =	simm.s32 @p0 $0x1  }
0x13: {  	[smem:$0x3FB8] =	sst s0;
	s0 =	simm.s32 @!p1 $0x0  }
0x14: {  	s2 =	sld [smem:$0x3F9C];
	s0 =	simm.s32 @p1 $0x1  }
0x15: {  	[smem:$0x3FB9] =	sst s0;
	s0 =	simm.s32 @!p2 $0x0  }
0x16: {  	s3 =	sld [smem:$0x3FDB];
	s0 =	simm.s32 @p2 $0x1  }
0x17: {  	s4 =	simm.s32 $0x1BF5;
	[smem:$0x3FBB] =	sst s0  }
0x18: {  	s0 =	sld [smem:$0x3F9E];
	_ =	swait.ge [sflag:s4], $0x0  }
0x19: {  	s7 =	sld [smem:$0x3F9F]  }
0x1a: {  	s8 =	sadd.s32 $0xFFFFE003, lr  }
0x1b: {  	s9 =	sadd.s32 $0xFFFFFEF7, lr;
	s5 =	simm.s32 $0xFFFFFFFF;
	p2 =	slt.u32 s8, $0xFFFFF086  }
0x1c: {  	p1 =	slt.u32 s9, $0xF7A;
	s5 =	simm.s32 @!p2 $0x0  }
0x1d: {  	s5 =	simm.s32 @p1 $0x1;
	p0 =	seq.s32 s7, s2  }
0x1e: {  	s7 =	smul.u32 @!p0 $0xF7A, s2;
	p2 =	seq.s32 @!p0 s5, $0x0  }
0x1f: {  	s9 =	smul.u32 $0xF7A, s1;
	s8 =	simm.s32 @!p0 $0x1BF5;
	p2 =	por !p2, p0  }
0x20: {  	[sflag:s8] =	ssyncset.s32 @!p0 $0xFFFFF086;
	s6 =	sadd.s32 @!p0 s3, s7;
	s7 =	simm.s32 @!p0 $0x108  }
0x21: {  	s3 =	sadd.s32 s3, s9;
	s6 =	sadd.s32 @!p0 $0x88, s6;
	s7 =	simm.s32 @p2 $0x1082  }
0x22: {  	[simem:s7], [sflag:s8] =	dma.local @!p0 [hbm:s6], $0xF7A  }
0x23: {  	s9 =	sor.u32 $0xD0000000, s2;
	s6 =	simm.s32 $0x108;
	_ =	swait.ge @!p0 [sflag:s8], $0x0  }
0x24: {  	s3 =	sadd.s32 $0x88, s3;
	s6 =	simm.s32 @!p1 $0x1082;
	[sflag:s4] =	ssyncset.s32 $0xFFFFF086  }
0x25: {  	[simem:s6], [sflag:s4] =	dma.local [hbm:s3], $0xF7A  }
0x26: {  	[smem:$0x3F9F] =	sst s1;
	(tag) =	ssettag s2;
	_ =	strace s9  }
0x27: {  	s1 =	sld [smem:$0x3FAF]  }
0x28: {  	s2 =	sld [smem:$0x3FB0]  }
0x29: {  	s4 =	sld [smem:$0x3FB2]  }
0x2a: {  	p0 =	seq.s32 s5, $0x0;
	s5 =	sld [smem:$0x3FB3]  }
0x2b: {  	s6 =	sld [smem:$0x3FB4]  }
0x2c: {  	s7 =	sld [smem:$0x3FB5]  }
0x2d: {  	s3 =	simm.s32 $0x108;
	s8 =	sld [smem:$0x3FB6]  }
0x2e: {  	s3 =	simm.s32 @!p0 $0x1082;
	s9 =	sld [smem:$0x3FB7]  }
0x2f: {  	lr =	sadd.s32 s0, s3;
	s0 =	sld [smem:$0x3FAE]  }
0x30: {  	s3 =	sld [smem:$0x3FB1]  }
0x31: {  	[smem:$0x3FBA] =	sst s10  }
0x32: {  	s10 =	sld [smem:$0x3FB8];
	_ =	sdelay $0x3  }
0x33: {  	p0 =	seq.s32 s10, $0x1;
	s10 =	sld [smem:$0x3FBA];
	_ =	sdelay $0x3  }
0x34: {  	[smem:$0x3FBA] =	sst s10  }
0x35: {  	s10 =	sld [smem:$0x3FB9];
	_ =	sdelay $0x3  }
0x36: {  	p1 =	seq.s32 s10, $0x1;
	s10 =	sld [smem:$0x3FBA];
	_ =	sdelay $0x3  }
0x37: {  	[smem:$0x3FBA] =	sst s10  }
0x38: {  	s10 =	sld [smem:$0x3FBB]  }
0x39: {  	_ = 	snop;
	(pc) =	sbr.ind lr, $3  }
0x3a: {  	_ = 	snop  }
0x3b: {  	_ = 	snop  }
0x3c: {  	p2 =	seq.s32 s10, $0x1;
	s10 =	sld [smem:$0x3FBA]  }
0x3d: {  	_ =	shalt  }
0x3e: {  	_ =	shalt  }
0x3f: {  	_ =	shalt  }
0x40: {  	_ =	shalt  }
0x41: {  	_ =	shalt  }
0x42: {  	_ =	shalt  }
0x43: {  	_ =	shalt  }
0x44: {  	_ =	shalt  }
0x45: {  	_ =	shalt  }
0x46: {  	_ =	shalt  }
0x47: {  	_ =	shalt  }
0x48: {  	_ =	shalt  }
0x49: {  	_ =	shalt  }
0x4a: {  	_ =	shalt  }
0x4b: {  	_ =	shalt  }
0x4c: {  	_ =	shalt  }
0x4d: {  	_ =	shalt  }
0x4e: {  	_ =	shalt  }
0x4f: {  	_ =	shalt  }
0x50: {  	_ =	shalt  }
0x51: {  	_ =	shalt  }
0x52: {  	_ =	shalt  }
0x53: {  	_ =	shalt  }
0x54: {  	_ =	shalt  }
0x55: {  	_ =	shalt  }
0x56: {  	_ =	shalt  }
0x57: {  	_ =	shalt  }
0x58: {  	_ =	shalt  }
0x59: {  	_ =	shalt  }
0x5a: {  	_ =	shalt  }
0x5b: {  	_ =	shalt  }
0x5c: {  	_ =	shalt  }
0x5d: {  	_ =	shalt  }
0x5e: {  	_ =	shalt  }
0x5f: {  	_ =	shalt  }
0x60: {  	_ =	shalt  }
0x61: {  	_ =	shalt  }
0x62: {  	_ =	shalt  }
0x63: {  	_ =	shalt  }
0x64: {  	_ =	shalt  }
0x65: {  	_ =	shalt  }
0x66: {  	_ =	shalt  }
0x67: {  	_ =	shalt  }
0x68: {  	_ =	shalt  }
0x69: {  	_ =	shalt  }
0x6a: {  	_ =	shalt  }
0x6b: {  	_ =	shalt  }
0x6c: {  	_ =	shalt  }
0x6d: {  	_ =	shalt  }
0x6e: {  	_ =	shalt  }
0x6f: {  	_ =	shalt  }
0x70: {  	_ =	shalt  }
0x71: {  	_ =	shalt  }
0x72: {  	_ =	shalt  }
0x73: {  	_ =	shalt  }
0x74: {  	_ =	shalt  }
0x75: {  	_ =	shalt  }
0x76: {  	_ =	shalt  }
0x77: {  	_ =	shalt  }
0x78: {  	_ =	shalt  }
0x79: {  	_ =	shalt  }
0x7a: {  	_ =	shalt  }
0x7b: {  	_ =	shalt  }
0x7c: {  	_ =	shalt  }
0x7d: {  	_ =	shalt  }
0x7e: {  	_ =	shalt  }
0x7f: {  	_ =	shalt  }
0x80: {  	_ =	shalt  }
0x81: {  	_ =	shalt  }
0x82: {  	_ =	shalt  }
0x83: {  	_ =	shalt  }
0x84: {  	_ =	shalt  }
0x85: {  	_ =	shalt  }
0x86: {  	_ =	shalt  }
0x87: {  	_ =	shalt  }
.Lfunc_end0:
.L_simem_size_0:
called_computation_lowered:
.L_overlay_start_0:
0x88: {  	s2 =	sld [smem:$0x3FD9]  }
0x89: {  	s3 =	sld [smem:$0x3FFE];
	_ =	sdelay $0x1  }
0x8a: {  	s1 =	srdreg.scid  }
0x8b: {  	s0 =	sand.u32 $0x1, s1  }
0x8c: {  	s17 =	sshll.u32 s0, $0xA;
	s2 =	sadd.s32 s3, s2  }
0x8d: {  	s2 =	sadd.s32 s2, s17  }
0x8e: {  	[smem:$0x3FC6] =	sst s2  }
0x8f: {  	_ = 	snop  }
0x90: {  	s2 =	sld [smem:$0x3FC9]  }
0x91: {  	s18 =	sld [smem:$0x3FD0];
	(tm) =	ssettm $0x1  }
0x92: {  	s4 =	sld [smem:$0x3FFB];
	_ =	sdelay $0x3  }
0x93: {  	_ =	strace s4  }
0x94: {  	s4 =	sld [smem:$0x3FFC];
	_ =	sdelay $0x3  }
0x95: {  	_ =	strace s4  }
0x96: {  	s4 =	sld [smem:$0x3FFD];
	_ =	sdelay $0x3  }
0x97: {  	_ =	strace s4  }
0x98: {  	_ =	strace $0x8FFFFFFF  }
0x99: {  	s19 =	sld [smem:$0x3FDB];
	_ =	sdelay $0x1  }
0x9a: {  	s5 =	simm.s32 $_scs_section_size  }
0x9b: {  	s6 =	simm.s32 $_size__tile_overlayer_lowered;
	s7 =	simm.s32 $_tile_overlayer_lowered  }
0x9c: {  	s22 =	simm.s32 $0x1BFF;
	s21 =	sshll.u32 s7, $0x1;
	s4 =	sadd.s32 s5, s19  }
0x9d: {  	s8 =	simm.s32 $0x0;
	s20 =	sshll.u32 s6, $0x1;
	s6 =	sadd.s32 s21, s4  }
0x9e: {  	[timem:s8], [sflag:s22] =	dma.local [hbm:s6], s20  }
0x9f: {  	_ =	swait.ge [sflag:s22], s20  }
0xa0: {  	s5 =	ssub.s32 $0x0, s20;
	[sflag:s22] =	ssyncset.done $0x0  }
0xa1: {  	[sflag:s22] =	ssyncadd.s32 s5;
	_ =	sdelay $0x1  }
0xa2: {  	s23 =	simm.s32 $0x1B8B  }
0xa3: {  	_ =	swait.ge [sflag:s23], $0x1  }
0xa4: {  	[sflag:s23] =	ssyncset.done $0x0  }
0xa5: {  	s25 =	simm.s32 $0x1B8E;
	s24 =	sld [smem:$0x3FFE];
	[sflag:s23] =	ssyncadd.s32 $0xFFFFFFFF  }
0xa6: {  	s26 =	simm.s32 $execute0_lowered;
	[smem:$0x3FD2] =	sst s25  }
0xa7: {  	s6 =	sshll.u32 s26, $0x1;
	_ =	strace $0x80000046;
	[dreg:$0x1] =	wrdreg $0xFFFFFFFF  }
0xa8: {  	s28 =	simm.s32 $_size_execute0_lowered;
	s4 =	sadd.s32 s4, s6;
	[dreg:$0x0] =	wrdreg $0x0  }
0xa9: {  	s6 =	sshll.u32 s28, $0x1;
	[dreg:$0x2] =	wrdreg s4  }
0xaa: {  	[dreg:$0x3] =	wrdreg s6  }
0xab: {  	[dreg:$0x4] =	wrdreg $0xC0  }
0xac: {  	_ =	task [dreg:s8], $0x5FFFF  }
0xad: {  	[dreg:$0x1] =	wrdreg $0xFFFFFFFF  }
0xae: {  	[dreg:$0x0] =	wrdreg $0x60  }
0xaf: {  	[dreg:$0x2] =	wrdreg s2  }
0xb0: {  	[dreg:$0x3] =	wrdreg s24  }
0xb1: {  	[dreg:$0x4] =	wrdreg s18  }
0xb2: {  	[dreg:$0x5] =	wrdreg $0x9  }
0xb3: {  	_ =	task.clear_ibuf [dreg:s8], $0x6FFFF;
	_ =	strace $0x90000046  }
0xb4: {  	s29 =	simm.s32 $0x9;
	_ =	strace $0x80000048  }
0xb5: {  	_ =	swait.ge [sflag:s29], $0x1  }
0xb6: {  	[sflag:s29] =	ssyncadd.s32 $0xFFFFFFFF  }
0xb7: {  	_ =	strace $0x90000048  }
0xb8: {  	_ =	sfence  }
0xb9: {  	s30 =	sld [smem:$0x0];
	_ =	sdelay $0x2  }
0xba: {  	s31 =	sshll.u32 s1, $0xD;
	s1 =	sshrl.u32 s1, $0x2  }
0xbb: {  	s3 =	sand.u32 $0x4000, s31;
	s1 =	sadd.s32 s1, s30  }
0xbc: {  	s0 =	sor.u32 s3, s0;
	s1 =	sshll.u32 s1, $0x11  }
0xbd: {  	s0 =	sor.u32 s1, s0  }
0xbe: {  	s0 =	sadd.s32 $0x8F2B, s0  }
0xbf: {  	[sflag:s0] =	ssyncadd.remote.s32 $0x1  }
0xc0: {  	_ =	sfence.sel $0xFFFF  }
0xc1: {  	[dreg:$0x0] =	wrdreg $0xFFFFFFFF;
	(pc) =	sbr.abs _section_cstart, $3  }
0xc2: {  	[dreg:$0x1] =	wrdreg $0xFFFFFFFF  }
0xc3: {  	_ =	task.clear_ibuf [dreg:s8], $0x2FFFF;
	_ =	strace $0x9FFFFFFF  }
0xc4: {  	(tm) =	ssettm $0x7FFFFFFF  }
0xc5: {  	_ =	shalt  }
tec
execute0_lowered:
.L_overlay_start_1:
0x0: {  	(tag) =	ssettag $0x1  }
0x1: {  	s0 =	rddreg [dreg:$0x0]  }
0x2: {  	s3 =	rddreg [dreg:$0x2]  }
0x3: {  	s1 =	srdreg.scid;
	s4 =	stileid.u32  }
0x4: {  	s29 =	simm.s32 $0x0;
	s8 =	simm.s32 $0x1C00;
	s10 =	simm.s32 $0x400  }
0x5: {  	s11 =	simm.s32 $0x8000;
	s14 =	simm.s32 $0x1C08;
	s15 =	simm.s32 $0x1C10  }
0x6: {  	s16 =	simm.s32 $0x1C18;
	s17 =	simm.s32 $0x1C20;
	s1 =	sand.u32 $0x1, s1  }
0x7: {  	s18 =	simm.s32 $0x1C28;
	s19 =	simm.s32 $0x1C30;
	s2 =	ssub.s32 $0x2, s1  }
0x8: {  	s5 =	sshll.u32 s4, $0xB;
	s1 =	sshll.u32 s1, $0xA;
	s6 =	sshrl.u32 s2, $0x1  }
0x9: {  	s20 =	simm.s32 $0x1C38;
	s5 =	sor.u32 s1, s5;
	s30 =	ssub.s32 s2, s6  }
0xa: {  	v0 =	vlaneseq.u32;
	[smem:$0x7FF] =	sst s29;
	s31 =	sshrl.u32 s5, $0x3;
	s1 =	smax.u32 s30, $0x1  }
0xb: {  	v0 =	vmul.u32 $0x191, v0;
	_ =	strace $0x80000047;
	s0 =	sadd.s32 s0, s31;
	[dreg:$0x5] =	wrdreg s1  }
0xc: {  	s21 =	simm.s32 $0x3580;
	[dreg:$0x4] =	wrdreg s0;
	s0 =	sadd.s32 $0x6000, s0  }
0xd: {  	s22 =	simm.s32 $0xD580;
	s25 =	simm.s32 $0x0;
	v1 =	vadd.s32 $0xFFFFFEC0, v0;
	v2 =	vadd.s32 $0x140, v0;
	[dreg:$0x6] =	wrdreg s0  }
.LBB2_1:
0xe: {  	s0 =	rddreg [dreg:$0x1];
	s1 =	simm.s32 $0x0;
	s2 =	simm.s32 $0x3  }
0xf: {  	[tilespmem:s8], [sflag:$0x3] =	stream.linear.gather [hbm4b:s0+s1], $0x1980, $0x38;
	[tilespmem:$0x17580] =	vst v63  }
0x10: {  	_ =	swait.ge [sflag:s2], $0x1980  }
0x11: {  	[sflag:s2] =	ssyncset.done $0x0  }
0x12: {  	s30 =	rddreg [dreg:$0x4];
	[sflag:s2] =	ssyncadd.s32 $0xFFFFE680  }
0x13: {  	[tilespmem:s1], [sflag:$0x3] =	stream.strided.gather [hbm4b:s30+s10], $0x1800, s11, s10, $0x38;
	[tilespmem:$0x17580] =	vst v63  }
0x14: {  	s4 =	simm.s32 $0x1800;
	s31 =	rddreg [dreg:$0x6]  }
0x15: {  	[tilespmem:s4], [sflag:$0x3] =	stream.linear.gather [hbm4b:s31+s1], $0x100, $0x38;
	[tilespmem:$0x17580] =	vst v63  }
0x16: {  	_ =	swait.ge [sflag:s2], $0x1900  }
0x17: {  	[sflag:s2] =	ssyncset.done $0x0  }
0x18: {  	s26 =	simm.s32 $0x0;
	[sflag:s2] =	ssyncadd.s32 $0xFFFFE700  }
.LBB2_2:
0x19: {  	s1 =	smul.u32 $0xA, s26  }
0x1a: {  	p0 =	seq.s32 s26, $0x0  }
0x1b: {  	s2 =	simm.s32 $0x0;
	s0 =	simm.s32 @!p0 $0x1;
	s6 =	sadd.s32 $0x0, s1  }
0x1c: {  	s2 =	sand.u32 $0x60, s2;
	_ =	swait.ge @!p0 [sflag:s0], $0xA000;
	s6 =	sshll.u32 s6, $0x7  }
0x1d: {  	s7 =	sor.u32 $0x10, s2;
	[sflag:s0] =	ssyncset.done @!p0 $0x0;
	s6 =	sand.u32 $0x3FFFFF80, s6  }
0x1e: {  	[sflag:s0] =	ssyncadd.s32 @!p0 $0xFFFF6000;
	s4 =	sor.u32 s7, s6  }
0x1f: {  	v3 =	vld [tilespmem:s4+$0x0];
	_ =	sdelay $0x2  }
0x20: {  	s9 =	sor.u32 s2, s6  }
0x21: {  	v4 =	vld [tilespmem:s9+$0x0]  }
0x22: {  	v5 =	vadd.s32 $0xFFFFFFFA, v3;
	v6 =	vshll.u32 v3, $0x6  }
0x23: {  	vm0 =	vlt.u32 v5, $0x4;
	v5 =	vadd.s32 v1, v6  }
0x24: {  	vm1 =	veq.s32 v3, $0x1;
	v3 =	vsel vm0, v5, v2  }
0x25: {  	v8 =	vsel vm1, v0, v3  }
0x26: {  	v5 =	vshll.u32 v4, $0x6;
	v3 =	vadd.s32 $0xFFFFFFFA, v4  }
0x27: {  	vm14 =	vlt.u32 v3, $0x4;
	v3 =	vadd.s32 v1, v5  }
0x28: {  	vm15 =	veq.s32 v4, $0x1;
	v3 =	vsel vm14, v3, v2  }
0x29: {  	v6 =	vsel vm15, v0, v3  }
0x2a: {  	v3 =	vld.idx.msk [tilespmem:v8+s8+$0x0], $0xffff  }
0x2b: {  	s12 =	simm.s32 $0x0  }
0x2c: {  	s0 =	sand.u32 $0x3FFFE000, s12  }
0x2d: {  	s0 =	sadd.s32 $0x3580, s0  }
0x2e: {  	s12 =	sor.u32 s7, s0;
	v4 =	vld.idx.msk [tilespmem:v6+s8+$0x0], $0xffff  }
0x2f: {  	[tilespmem:s12+$0x0] =	vst v3  }
0x30: {  	v3 =	vld.idx.msk [tilespmem:v8+s14+$0x0], $0xffff;
	_ =	sdelay $0x1  }
0x31: {  	s28 =	sor.u32 s2, s0  }
0x32: {  	[tilespmem:s28+$0x0] =	vst v4  }
0x33: {  	v4 =	vld.idx.msk [tilespmem:v6+s14+$0x0], $0xffff  }
0x34: {  	[tilespmem:s12+$0x400] =	vst v3  }
0x35: {  	v3 =	vld.idx.msk [tilespmem:v8+s15+$0x0], $0xffff;
	_ =	sdelay $0x2  }
0x36: {  	[tilespmem:s28+$0x400] =	vst v4  }
0x37: {  	v4 =	vld.idx.msk [tilespmem:v6+s15+$0x0], $0xffff  }
0x38: {  	[tilespmem:s12+$0x800] =	vst v3  }
0x39: {  	v3 =	vld.idx.msk [tilespmem:v8+s16+$0x0], $0xffff;
	_ =	sdelay $0x2  }
0x3a: {  	[tilespmem:s28+$0x800] =	vst v4  }
0x3b: {  	v4 =	vld.idx.msk [tilespmem:v6+s16+$0x0], $0xffff  }
0x3c: {  	[tilespmem:s12+$0xC00] =	vst v3  }
0x3d: {  	v3 =	vld.idx.msk [tilespmem:v8+s17+$0x0], $0xffff;
	_ =	sdelay $0x2  }
0x3e: {  	[tilespmem:s28+$0xC00] =	vst v4  }
0x3f: {  	v4 =	vld.idx.msk [tilespmem:v6+s17+$0x0], $0xffff  }
0x40: {  	[tilespmem:s12+$0x1000] =	vst v3  }
0x41: {  	v3 =	vld.idx.msk [tilespmem:v8+s18+$0x0], $0xffff;
	_ =	sdelay $0x2  }
0x42: {  	[tilespmem:s28+$0x1000] =	vst v4  }
0x43: {  	v4 =	vld.idx.msk [tilespmem:v6+s18+$0x0], $0xffff  }
0x44: {  	[tilespmem:s12+$0x1400] =	vst v3  }
0x45: {  	v3 =	vld.idx.msk [tilespmem:v8+s19+$0x0], $0xffff;
	_ =	sdelay $0x2  }
0x46: {  	[tilespmem:s28+$0x1400] =	vst v4  }
0x47: {  	v4 =	vld.idx.msk [tilespmem:v6+s19+$0x0], $0xffff  }
0x48: {  	[tilespmem:s12+$0x1800] =	vst v3  }
0x49: {  	v3 =	vld.idx.msk [tilespmem:v8+s20+$0x0], $0xffff  }
0x4a: {  	v5 =	vadd.s32 $0x1, v8;
	_ =	sdelay $0x1  }
0x4b: {  	[tilespmem:s28+$0x1800] =	vst v4  }
0x4c: {  	v4 =	vld.idx.msk [tilespmem:v6+s20+$0x0], $0xffff  }
0x4d: {  	[tilespmem:s12+$0x1C00] =	vst v3;
	v3 =	vadd.s32 $0x1, v6  }
0x4e: {  	v7 =	vld.idx.msk [tilespmem:v5+s8+$0x0], $0xffff;
	_ =	sdelay $0x2  }
0x4f: {  	[tilespmem:s28+$0x1C00] =	vst v4  }
0x50: {  	v4 =	vld.idx.msk [tilespmem:v3+s8+$0x0], $0xffff  }
0x51: {  	[tilespmem:s12+$0x80] =	vst v7  }
0x52: {  	v7 =	vld.idx.msk [tilespmem:v5+s14+$0x0], $0xffff;
	_ =	sdelay $0x2  }
0x53: {  	[tilespmem:s28+$0x80] =	vst v4  }
0x54: {  	v4 =	vld.idx.msk [tilespmem:v3+s14+$0x0], $0xffff  }
0x55: {  	[tilespmem:s12+$0x480] =	vst v7  }
0x56: {  	v7 =	vld.idx.msk [tilespmem:v5+s15+$0x0], $0xffff;
	_ =	sdelay $0x2  }
0x57: {  	[tilespmem:s28+$0x480] =	vst v4  }
0x58: {  	v4 =	vld.idx.msk [tilespmem:v3+s15+$0x0], $0xffff  }
0x59: {  	[tilespmem:s12+$0x880] =	vst v7  }
0x5a: {  	v7 =	vld.idx.msk [tilespmem:v5+s16+$0x0], $0xffff;
	_ =	sdelay $0x2  }
0x5b: {  	[tilespmem:s28+$0x880] =	vst v4  }
0x5c: {  	v4 =	vld.idx.msk [tilespmem:v3+s16+$0x0], $0xffff  }
0x5d: {  	[tilespmem:s12+$0xC80] =	vst v7  }
0x5e: {  	v7 =	vld.idx.msk [tilespmem:v5+s17+$0x0], $0xffff;
	_ =	sdelay $0x2  }
0x5f: {  	[tilespmem:s28+$0xC80] =	vst v4  }
0x60: {  	v4 =	vld.idx.msk [tilespmem:v3+s17+$0x0], $0xffff  }
0x61: {  	[tilespmem:s12+$0x1080] =	vst v7  }
0x62: {  	v7 =	vld.idx.msk [tilespmem:v5+s18+$0x0], $0xffff;
	_ =	sdelay $0x2  }
0x63: {  	[tilespmem:s28+$0x1080] =	vst v4  }
0x64: {  	v4 =	vld.idx.msk [tilespmem:v3+s18+$0x0], $0xffff  }
0x65: {  	[tilespmem:s12+$0x1480] =	vst v7  }
0x66: {  	v7 =	vld.idx.msk [tilespmem:v5+s19+$0x0], $0xffff;
	_ =	sdelay $0x2  }
0x67: {  	[tilespmem:s28+$0x1480] =	vst v4  }
0x68: {  	v4 =	vld.idx.msk [tilespmem:v3+s19+$0x0], $0xffff  }
0x69: {  	[tilespmem:s12+$0x1880] =	vst v7  }
0x6a: {  	v5 =	vld.idx.msk [tilespmem:v5+s20+$0x0], $0xffff  }
0x6b: {  	v9 =	vadd.s32 $0x2, v8;
	_ =	sdelay $0x1  }
0x6c: {  	[tilespmem:s28+$0x1880] =	vst v4  }
0x6d: {  	v3 =	vld.idx.msk [tilespmem:v3+s20+$0x0], $0xffff  }
0x6e: {  	s23 =	simm.s32 $0x20;
	s13 =	sadd.s32 $0x0, s1;
	[tilespmem:s12+$0x1C80] =	vst v5  }
0x6f: {  	s2 =	sand.u32 $0x60, s23;
	s0 =	sshll.u32 s13, $0x7;
	v4 =	vadd.s32 $0x2, v6;
	v5 =	vld.idx.msk [tilespmem:v9+s8+$0x0], $0xffff  }
0x70: {  	s0 =	sand.u32 $0x3FFFFF80, s0;
	s24 =	sor.u32 $0x10, s2  }
0x71: {  	s4 =	sor.u32 s24, s0  }
0x72: {  	s0 =	sor.u32 s2, s0;
	[tilespmem:s28+$0x1C80] =	vst v3;
	v3 =	vld [tilespmem:s4+$0x0]  }
0x73: {  	v10 =	vld [tilespmem:s0+$0x0]  }
0x74: {  	v7 =	vld.idx.msk [tilespmem:v4+s8+$0x0], $0xffff;
	[tilespmem:s12+$0x100] =	vst v5  }
0x75: {  	v5 =	vld.idx.msk [tilespmem:v9+s14+$0x0], $0xffff;
	_ =	sdelay $0x1  }
0x76: {  	v11 =	vadd.s32 $0xFFFFFFFA, v3;
	v12 =	vshll.u32 v3, $0x6  }
0x77: {  	vm4 =	vlt.u32 v11, $0x4;
	v11 =	vadd.s32 v1, v12  }
0x78: {  	vm5 =	veq.s32 v3, $0x1;
	[tilespmem:s28+$0x100] =	vst v7;
	v3 =	vsel vm4, v11, v2  }
0x79: {  	v7 =	vadd.s32 $0xFFFFFFFA, v10;
	v12 =	vshll.u32 v10, $0x6;
	v11 =	vld.idx.msk [tilespmem:v4+s14+$0x0], $0xffff;
	v3 =	vsel vm5, v0, v3;
	[tilespmem:s12+$0x500] =	vst v5  }
0x7a: {  	vm6 =	vlt.u32 v7, $0x4;
	v5 =	vadd.s32 v1, v12;
	v12 =	vld.idx.msk [tilespmem:v9+s15+$0x0], $0xffff  }
0x7b: {  	vm7 =	veq.s32 v10, $0x1;
	v5 =	vsel vm6, v5, v2  }
0x7c: {  	v7 =	vsel vm7, v0, v5;
	_ =	sdelay $0x1  }
0x7d: {  	[tilespmem:s28+$0x500] =	vst v11;
	v5 =	vld.idx.msk [tilespmem:v3+s8+$0x0], $0xffff  }
0x7e: {  	s7 =	simm.s32 $0x800;
	v10 =	vld.idx.msk [tilespmem:v4+s15+$0x0], $0xffff;
	[tilespmem:s12+$0x900] =	vst v12  }
0x7f: {  	s0 =	sand.u32 $0x3FFFE000, s7;
	v11 =	vld.idx.msk [tilespmem:v9+s16+$0x0], $0xffff  }
0x80: {  	s0 =	sadd.s32 $0x3580, s0;
	v12 =	vld.idx.msk [tilespmem:v7+s8+$0x0], $0xffff  }
0x81: {  	s29 =	sor.u32 s24, s0  }
0x82: {  	[tilespmem:s29+$0x0] =	vst v5  }
0x83: {  	[tilespmem:s28+$0x900] =	vst v10;
	v5 =	vld.idx.msk [tilespmem:v3+s14+$0x0], $0xffff  }
0x84: {  	s30 =	sor.u32 s2, s0;
	v10 =	vld.idx.msk [tilespmem:v4+s16+$0x0], $0xffff;
	[tilespmem:s12+$0xD00] =	vst v11  }
0x85: {  	[tilespmem:s30+$0x0] =	vst v12;
	v11 =	vld.idx.msk [tilespmem:v9+s17+$0x0], $0xffff  }
0x86: {  	v12 =	vld.idx.msk [tilespmem:v7+s14+$0x0], $0xffff;
	_ =	sdelay $0x1  }
0x87: {  	[tilespmem:s29+$0x400] =	vst v5  }
0x88: {  	[tilespmem:s28+$0xD00] =	vst v10;
	v5 =	vld.idx.msk [tilespmem:v3+s15+$0x0], $0xffff  }
0x89: {  	v10 =	vld.idx.msk [tilespmem:v4+s17+$0x0], $0xffff;
	[tilespmem:s12+$0x1100] =	vst v11  }
0x8a: {  	[tilespmem:s30+$0x400] =	vst v12;
	v11 =	vld.idx.msk [tilespmem:v9+s18+$0x0], $0xffff  }
0x8b: {  	v12 =	vld.idx.msk [tilespmem:v7+s15+$0x0], $0xffff;
	_ =	sdelay $0x1  }
0x8c: {  	[tilespmem:s29+$0x800] =	vst v5  }
0x8d: {  	[tilespmem:s28+$0x1100] =	vst v10;
	v5 =	vld.idx.msk [tilespmem:v3+s16+$0x0], $0xffff  }
0x8e: {  	v10 =	vld.idx.msk [tilespmem:v4+s18+$0x0], $0xffff;
	[tilespmem:s12+$0x1500] =	vst v11  }
0x8f: {  	[tilespmem:s30+$0x800] =	vst v12;
	v11 =	vld.idx.msk [tilespmem:v9+s19+$0x0], $0xffff  }
0x90: {  	v12 =	vld.idx.msk [tilespmem:v7+s16+$0x0], $0xffff;
	_ =	sdelay $0x1  }
0x91: {  	[tilespmem:s29+$0xC00] =	vst v5  }
0x92: {  	[tilespmem:s28+$0x1500] =	vst v10;
	v5 =	vld.idx.msk [tilespmem:v3+s17+$0x0], $0xffff  }
0x93: {  	v10 =	vld.idx.msk [tilespmem:v4+s19+$0x0], $0xffff;
	[tilespmem:s12+$0x1900] =	vst v11  }
0x94: {  	[tilespmem:s30+$0xC00] =	vst v12;
	v9 =	vld.idx.msk [tilespmem:v9+s20+$0x0], $0xffff  }
0x95: {  	v12 =	vadd.s32 $0x3, v8;
	v11 =	vld.idx.msk [tilespmem:v7+s17+$0x0], $0xffff;
	_ =	sdelay $0x1  }
0x96: {  	[tilespmem:s29+$0x1000] =	vst v5  }
0x97: {  	[tilespmem:s28+$0x1900] =	vst v10;
	v5 =	vld.idx.msk [tilespmem:v3+s18+$0x0], $0xffff  }
0x98: {  	v4 =	vld.idx.msk [tilespmem:v4+s20+$0x0], $0xffff;
	[tilespmem:s12+$0x1D00] =	vst v9  }
0x99: {  	v9 =	vadd.s32 $0x3, v6;
	[tilespmem:s30+$0x1000] =	vst v11;
	v10 =	vld.idx.msk [tilespmem:v12+s8+$0x0], $0xffff  }
0x9a: {  	v11 =	vld.idx.msk [tilespmem:v7+s18+$0x0], $0xffff;
	_ =	sdelay $0x1  }
0x9b: {  	[tilespmem:s29+$0x1400] =	vst v5  }
0x9c: {  	[tilespmem:s28+$0x1D00] =	vst v4;
	v5 =	vld.idx.msk [tilespmem:v3+s19+$0x0], $0xffff  }
0x9d: {  	v4 =	vld.idx.msk [tilespmem:v9+s8+$0x0], $0xffff;
	[tilespmem:s12+$0x180] =	vst v10  }
0x9e: {  	[tilespmem:s30+$0x1400] =	vst v11;
	v10 =	vld.idx.msk [tilespmem:v12+s14+$0x0], $0xffff  }
0x9f: {  	v11 =	vld.idx.msk [tilespmem:v7+s19+$0x0], $0xffff;
	_ =	sdelay $0x1  }
0xa0: {  	[tilespmem:s29+$0x1800] =	vst v5  }
0xa1: {  	[tilespmem:s28+$0x180] =	vst v4;
	v5 =	vld.idx.msk [tilespmem:v3+s20+$0x0], $0xffff  }
0xa2: {  	v13 =	vadd.s32 $0x1, v3;
	v4 =	vld.idx.msk [tilespmem:v9+s14+$0x0], $0xffff;
	[tilespmem:s12+$0x580] =	vst v10  }
0xa3: {  	[tilespmem:s30+$0x1800] =	vst v11;
	v10 =	vld.idx.msk [tilespmem:v12+s15+$0x0], $0xffff  }
0xa4: {  	v11 =	vld.idx.msk [tilespmem:v7+s20+$0x0], $0xffff  }
0xa5: {  	v14 =	vadd.s32 $0x1, v7  }
0xa6: {  	[tilespmem:s29+$0x1C00] =	vst v5  }
0xa7: {  	[tilespmem:s28+$0x580] =	vst v4;
	v5 =	vld.idx.msk [tilespmem:v13+s8+$0x0], $0xffff  }
0xa8: {  	v4 =	vld.idx.msk [tilespmem:v9+s15+$0x0], $0xffff;
	[tilespmem:s12+$0x980] =	vst v10  }
0xa9: {  	[tilespmem:s30+$0x1C00] =	vst v11;
	v10 =	vld.idx.msk [tilespmem:v12+s16+$0x0], $0xffff  }
0xaa: {  	v11 =	vld.idx.msk [tilespmem:v14+s8+$0x0], $0xffff;
	_ =	sdelay $0x1  }
0xab: {  	[tilespmem:s29+$0x80] =	vst v5  }
0xac: {  	[tilespmem:s28+$0x980] =	vst v4;
	v5 =	vld.idx.msk [tilespmem:v13+s14+$0x0], $0xffff  }
0xad: {  	v4 =	vld.idx.msk [tilespmem:v9+s16+$0x0], $0xffff;
	[tilespmem:s12+$0xD80] =	vst v10  }
0xae: {  	[tilespmem:s30+$0x80] =	vst v11;
	v10 =	vld.idx.msk [tilespmem:v12+s17+$0x0], $0xffff  }
0xaf: {  	v11 =	vld.idx.msk [tilespmem:v14+s14+$0x0], $0xffff;
	_ =	sdelay $0x1  }
0xb0: {  	[tilespmem:s29+$0x480] =	vst v5  }
0xb1: {  	[tilespmem:s28+$0xD80] =	vst v4;
	v5 =	vld.idx.msk [tilespmem:v13+s15+$0x0], $0xffff  }
0xb2: {  	v4 =	vld.idx.msk [tilespmem:v9+s17+$0x0], $0xffff;
	[tilespmem:s12+$0x1180] =	vst v10  }
0xb3: {  	[tilespmem:s30+$0x480] =	vst v11;
	v10 =	vld.idx.msk [tilespmem:v12+s18+$0x0], $0xffff  }
0xb4: {  	v11 =	vld.idx.msk [tilespmem:v14+s15+$0x0], $0xffff;
	_ =	sdelay $0x1  }
0xb5: {  	[tilespmem:s29+$0x880] =	vst v5  }
0xb6: {  	[tilespmem:s28+$0x1180] =	vst v4  }
0xb7: {  	v5 =	vld.idx.msk [tilespmem:v13+s16+$0x0], $0xffff;
	[tilespmem:s12+$0x1580] =	vst v10  }
0xb8: {  	v4 =	vld.idx.msk [tilespmem:v9+s18+$0x0], $0xffff;
	[tilespmem:s30+$0x880] =	vst v11  }
0xb9: {  	v10 =	vld.idx.msk [tilespmem:v12+s19+$0x0], $0xffff  }
0xba: {  	v11 =	vld.idx.msk [tilespmem:v14+s16+$0x0], $0xffff;
	_ =	sdelay $0x1  }
0xbb: {  	[tilespmem:s29+$0xC80] =	vst v5  }
0xbc: {  	[tilespmem:s28+$0x1580] =	vst v4;
	v5 =	vld.idx.msk [tilespmem:v13+s17+$0x0], $0xffff  }
0xbd: {  	v4 =	vld.idx.msk [tilespmem:v9+s19+$0x0], $0xffff;
	[tilespmem:s12+$0x1980] =	vst v10  }
0xbe: {  	[tilespmem:s30+$0xC80] =	vst v11;
	v10 =	vld.idx.msk [tilespmem:v12+s20+$0x0], $0xffff  }
0xbf: {  	v12 =	vadd.s32 $0x4, v8;
	v11 =	vld.idx.msk [tilespmem:v14+s17+$0x0], $0xffff;
	_ =	sdelay $0x1  }
0xc0: {  	[tilespmem:s29+$0x1080] =	vst v5  }
0xc1: {  	[tilespmem:s28+$0x1980] =	vst v4;
	v5 =	vld.idx.msk [tilespmem:v13+s18+$0x0], $0xffff  }
0xc2: {  	v4 =	vld.idx.msk [tilespmem:v9+s20+$0x0], $0xffff;
	[tilespmem:s12+$0x1D80] =	vst v10  }
0xc3: {  	v9 =	vadd.s32 $0x4, v6;
	[tilespmem:s30+$0x1080] =	vst v11;
	v10 =	vld.idx.msk [tilespmem:v12+s8+$0x0], $0xffff  }
0xc4: {  	v11 =	vld.idx.msk [tilespmem:v14+s18+$0x0], $0xffff;
	_ =	sdelay $0x1  }
0xc5: {  	[tilespmem:s29+$0x1480] =	vst v5  }
0xc6: {  	[tilespmem:s28+$0x1D80] =	vst v4;
	v5 =	vld.idx.msk [tilespmem:v13+s19+$0x0], $0xffff  }
0xc7: {  	v4 =	vld.idx.msk [tilespmem:v9+s8+$0x0], $0xffff;
	[tilespmem:s12+$0x200] =	vst v10  }
0xc8: {  	[tilespmem:s30+$0x1480] =	vst v11;
	v10 =	vld.idx.msk [tilespmem:v12+s14+$0x0], $0xffff  }
0xc9: {  	v11 =	vld.idx.msk [tilespmem:v14+s19+$0x0], $0xffff;
	_ =	sdelay $0x1  }
0xca: {  	[tilespmem:s29+$0x1880] =	vst v5  }
0xcb: {  	[tilespmem:s28+$0x200] =	vst v4;
	v5 =	vld.idx.msk [tilespmem:v13+s20+$0x0], $0xffff  }
0xcc: {  	v13 =	vadd.s32 $0x2, v3;
	v4 =	vld.idx.msk [tilespmem:v9+s14+$0x0], $0xffff;
	[tilespmem:s12+$0x600] =	vst v10  }
0xcd: {  	[tilespmem:s30+$0x1880] =	vst v11;
	v10 =	vld.idx.msk [tilespmem:v12+s15+$0x0], $0xffff  }
0xce: {  	v11 =	vld.idx.msk [tilespmem:v14+s20+$0x0], $0xffff  }
0xcf: {  	s9 =	sadd.s32 $0x0, s1;
	s13 =	simm.s32 $0x40  }
0xd0: {  	s2 =	sand.u32 $0x60, s13;
	s0 =	sshll.u32 s9, $0x7;
	[tilespmem:s29+$0x1C80] =	vst v5  }
0xd1: {  	s0 =	sand.u32 $0x3FFFFF80, s0;
	s23 =	sor.u32 $0x10, s2;
	v5 =	vadd.s32 $0x2, v7;
	[tilespmem:s28+$0x600] =	vst v4;
	v14 =	vld.idx.msk [tilespmem:v13+s8+$0x0], $0xffff  }
0xd2: {  	s24 =	sor.u32 s23, s0;
	v4 =	vld.idx.msk [tilespmem:v9+s15+$0x0], $0xffff;
	[tilespmem:s12+$0xA00] =	vst v10  }
0xd3: {  	[tilespmem:s30+$0x1C80] =	vst v11;
	v11 =	vld [tilespmem:s24+$0x0]  }
0xd4: {  	s0 =	sor.u32 s2, s0;
	v10 =	vld.idx.msk [tilespmem:v12+s16+$0x0], $0xffff  }
0xd5: {  	v16 =	vld [tilespmem:s0+$0x0]  }
0xd6: {  	v15 =	vld.idx.msk [tilespmem:v5+s8+$0x0], $0xffff  }
0xd7: {  	[tilespmem:s29+$0x100] =	vst v14  }
0xd8: {  	[tilespmem:s28+$0xA00] =	vst v4;
	v14 =	vld.idx.msk [tilespmem:v13+s14+$0x0], $0xffff  }
0xd9: {  	v17 =	vld.idx.msk [tilespmem:v9+s16+$0x0], $0xffff;
	v4 =	vadd.s32 $0xFFFFFFFA, v11;
	[tilespmem:s12+$0xE00] =	vst v10;
	v10 =	vshll.u32 v11, $0x6  }
0xda: {  	vm9 =	veq.s32 v11, $0x1;
	vm8 =	vlt.u32 v4, $0x4;
	v18 =	vld.idx.msk [tilespmem:v12+s17+$0x0], $0xffff;
	v4 =	vadd.s32 v1, v10  }
0xdb: {  	v11 =	vadd.s32 $0xFFFFFFFA, v16;
	[tilespmem:s30+$0x100] =	vst v15;
	v4 =	vsel vm8, v4, v2;
	v15 =	vshll.u32 v16, $0x6  }
0xdc: {  	vm10 =	vlt.u32 v11, $0x4;
	v10 =	vld.idx.msk [tilespmem:v5+s14+$0x0], $0xffff;
	v4 =	vsel vm9, v0, v4;
	v11 =	vadd.s32 v1, v15  }
0xdd: {  	vm11 =	veq.s32 v16, $0x1;
	[tilespmem:s29+$0x500] =	vst v14;
	v11 =	vsel vm10, v11, v2  }
0xde: {  	[tilespmem:s28+$0xE00] =	vst v17;
	v14 =	vld.idx.msk [tilespmem:v13+s15+$0x0], $0xffff;
	v11 =	vsel vm11, v0, v11  }
0xdf: {  	v15 =	vld.idx.msk [tilespmem:v9+s17+$0x0], $0xffff;
	[tilespmem:s12+$0x1200] =	vst v18  }
0xe0: {  	v16 =	vld.idx.msk [tilespmem:v12+s18+$0x0], $0xffff  }
0xe1: {  	[tilespmem:s30+$0x500] =	vst v10;
	v10 =	vld.idx.msk [tilespmem:v4+s8+$0x0], $0xffff  }
0xe2: {  	s4 =	simm.s32 $0x1000;
	v17 =	vld.idx.msk [tilespmem:v5+s15+$0x0], $0xffff  }
0xe3: {  	s0 =	sand.u32 $0x3FFFE000, s4;
	[tilespmem:s29+$0x900] =	vst v14;
	v18 =	vld.idx.msk [tilespmem:v11+s8+$0x0], $0xffff  }
0xe4: {  	s0 =	sadd.s32 $0x3580, s0;
	[tilespmem:s28+$0x1200] =	vst v15;
	v14 =	vld.idx.msk [tilespmem:v13+s16+$0x0], $0xffff  }
0xe5: {  	s31 =	sor.u32 s23, s0;
	v15 =	vld.idx.msk [tilespmem:v9+s18+$0x0], $0xffff;
	[tilespmem:s12+$0x1600] =	vst v16  }
0xe6: {  	[tilespmem:s31+$0x0] =	vst v10;
	v10 =	vld.idx.msk [tilespmem:v12+s19+$0x0], $0xffff  }
0xe7: {  	s0 =	sor.u32 s2, s0;
	v16 =	vld.idx.msk [tilespmem:v4+s14+$0x0], $0xffff;
	[tilespmem:s30+$0x900] =	vst v17  }
0xe8: {  	v17 =	vld.idx.msk [tilespmem:v5+s16+$0x0], $0xffff;
	[tilespmem:s0+$0x0] =	vst v18  }
0xe9: {  	[tilespmem:s29+$0xD00] =	vst v14;
	v18 =	vld.idx.msk [tilespmem:v11+s14+$0x0], $0xffff  }
0xea: {  	[tilespmem:s28+$0x1600] =	vst v15;
	v14 =	vld.idx.msk [tilespmem:v13+s17+$0x0], $0xffff  }
0xeb: {  	v15 =	vld.idx.msk [tilespmem:v9+s19+$0x0], $0xffff;
	[tilespmem:s12+$0x1A00] =	vst v10  }
0xec: {  	[tilespmem:s31+$0x400] =	vst v16;
	v10 =	vld.idx.msk [tilespmem:v12+s20+$0x0], $0xffff  }
0xed: {  	v16 =	vadd.s32 $0x5, v8;
	v12 =	vld.idx.msk [tilespmem:v4+s15+$0x0], $0xffff;
	[tilespmem:s30+$0xD00] =	vst v17  }
0xee: {  	v17 =	vld.idx.msk [tilespmem:v5+s17+$0x0], $0xffff;
	[tilespmem:s0+$0x400] =	vst v18  }
0xef: {  	[tilespmem:s29+$0x1100] =	vst v14;
	v18 =	vld.idx.msk [tilespmem:v11+s15+$0x0], $0xffff  }
0xf0: {  	[tilespmem:s28+$0x1A00] =	vst v15;
	v14 =	vld.idx.msk [tilespmem:v13+s18+$0x0], $0xffff  }
0xf1: {  	v9 =	vld.idx.msk [tilespmem:v9+s20+$0x0], $0xffff;
	[tilespmem:s12+$0x1E00] =	vst v10  }
0xf2: {  	v10 =	vadd.s32 $0x5, v6;
	[tilespmem:s31+$0x800] =	vst v12;
	v12 =	vld.idx.msk [tilespmem:v16+s8+$0x0], $0xffff  }
0xf3: {  	v15 =	vld.idx.msk [tilespmem:v4+s16+$0x0], $0xffff;
	[tilespmem:s30+$0x1100] =	vst v17  }
0xf4: {  	v17 =	vld.idx.msk [tilespmem:v5+s18+$0x0], $0xffff;
	[tilespmem:s0+$0x800] =	vst v18  }
0xf5: {  	[tilespmem:s29+$0x1500] =	vst v14;
	v18 =	vld.idx.msk [tilespmem:v11+s16+$0x0], $0xffff  }
0xf6: {  	[tilespmem:s28+$0x1E00] =	vst v9;
	v14 =	vld.idx.msk [tilespmem:v13+s19+$0x0], $0xffff  }
0xf7: {  	v9 =	vld.idx.msk [tilespmem:v10+s8+$0x0], $0xffff;
	[tilespmem:s12+$0x280] =	vst v12  }
0xf8: {  	[tilespmem:s31+$0xC00] =	vst v15;
	v12 =	vld.idx.msk [tilespmem:v16+s14+$0x0], $0xffff  }
0xf9: {  	v15 =	vld.idx.msk [tilespmem:v4+s17+$0x0], $0xffff;
	[tilespmem:s30+$0x1500] =	vst v17  }
0xfa: {  	v17 =	vld.idx.msk [tilespmem:v5+s19+$0x0], $0xffff;
	[tilespmem:s0+$0xC00] =	vst v18  }
0xfb: {  	[tilespmem:s29+$0x1900] =	vst v14;
	v14 =	vld.idx.msk [tilespmem:v11+s17+$0x0], $0xffff  }
0xfc: {  	[tilespmem:s28+$0x280] =	vst v9;
	v13 =	vld.idx.msk [tilespmem:v13+s20+$0x0], $0xffff  }
0xfd: {  	v18 =	vadd.s32 $0x3, v3;
	v9 =	vld.idx.msk [tilespmem:v10+s14+$0x0], $0xffff;
	[tilespmem:s12+$0x680] =	vst v12  }
0xfe: {  	[tilespmem:s31+$0x1000] =	vst v15;
	v12 =	vld.idx.msk [tilespmem:v16+s15+$0x0], $0xffff  }
0xff: {  	v15 =	vld.idx.msk [tilespmem:v4+s18+$0x0], $0xffff;
	[tilespmem:s30+$0x1900] =	vst v17  }
0x100: {  	v5 =	vld.idx.msk [tilespmem:v5+s20+$0x0], $0xffff;
	[tilespmem:s0+$0x1000] =	vst v14  }
0x101: {  	[tilespmem:s29+$0x1D00] =	vst v13;
	v13 =	vadd.s32 $0x3, v7;
	v17 =	vld.idx.msk [tilespmem:v11+s18+$0x0], $0xffff  }
0x102: {  	[tilespmem:s28+$0x680] =	vst v9;
	v14 =	vld.idx.msk [tilespmem:v18+s8+$0x0], $0xffff  }
0x103: {  	v9 =	vld.idx.msk [tilespmem:v10+s15+$0x0], $0xffff;
	[tilespmem:s12+$0xA80] =	vst v12  }
0x104: {  	[tilespmem:s31+$0x1400] =	vst v15;
	v12 =	vld.idx.msk [tilespmem:v16+s16+$0x0], $0xffff  }
0x105: {  	v15 =	vld.idx.msk [tilespmem:v4+s19+$0x0], $0xffff;
	[tilespmem:s30+$0x1D00] =	vst v5  }
0x106: {  	v5 =	vld.idx.msk [tilespmem:v13+s8+$0x0], $0xffff;
	[tilespmem:s0+$0x1400] =	vst v17  }
0x107: {  	[tilespmem:s29+$0x180] =	vst v14;
	v17 =	vld.idx.msk [tilespmem:v11+s19+$0x0], $0xffff  }
0x108: {  	[tilespmem:s28+$0xA80] =	vst v9;
	v14 =	vld.idx.msk [tilespmem:v18+s14+$0x0], $0xffff  }
0x109: {  	v9 =	vld.idx.msk [tilespmem:v10+s16+$0x0], $0xffff;
	[tilespmem:s12+$0xE80] =	vst v12  }
0x10a: {  	[tilespmem:s31+$0x1800] =	vst v15;
	v12 =	vld.idx.msk [tilespmem:v16+s17+$0x0], $0xffff  }
0x10b: {  	v15 =	vld.idx.msk [tilespmem:v4+s20+$0x0], $0xffff;
	[tilespmem:s30+$0x180] =	vst v5  }
0x10c: {  	v19 =	vadd.s32 $0x1, v4;
	v5 =	vld.idx.msk [tilespmem:v13+s14+$0x0], $0xffff;
	[tilespmem:s0+$0x1800] =	vst v17  }
0x10d: {  	[tilespmem:s29+$0x580] =	vst v14;
	v17 =	vld.idx.msk [tilespmem:v11+s20+$0x0], $0xffff  }
0x10e: {  	v20 =	vadd.s32 $0x1, v11;
	[tilespmem:s28+$0xE80] =	vst v9;
	v14 =	vld.idx.msk [tilespmem:v18+s15+$0x0], $0xffff  }
0x10f: {  	v9 =	vld.idx.msk [tilespmem:v10+s17+$0x0], $0xffff;
	[tilespmem:s12+$0x1280] =	vst v12  }
0x110: {  	[tilespmem:s31+$0x1C00] =	vst v15;
	v12 =	vld.idx.msk [tilespmem:v16+s18+$0x0], $0xffff  }
0x111: {  	v15 =	vld.idx.msk [tilespmem:v19+s8+$0x0], $0xffff;
	[tilespmem:s30+$0x580] =	vst v5  }
0x112: {  	v5 =	vld.idx.msk [tilespmem:v13+s15+$0x0], $0xffff;
	[tilespmem:s0+$0x1C00] =	vst v17  }
0x113: {  	[tilespmem:s29+$0x980] =	vst v14;
	v17 =	vld.idx.msk [tilespmem:v20+s8+$0x0], $0xffff  }
0x114: {  	[tilespmem:s28+$0x1280] =	vst v9;
	v14 =	vld.idx.msk [tilespmem:v18+s16+$0x0], $0xffff  }
0x115: {  	v9 =	vld.idx.msk [tilespmem:v10+s18+$0x0], $0xffff;
	[tilespmem:s12+$0x1680] =	vst v12  }
0x116: {  	[tilespmem:s31+$0x80] =	vst v15;
	v12 =	vld.idx.msk [tilespmem:v16+s19+$0x0], $0xffff  }
0x117: {  	v15 =	vld.idx.msk [tilespmem:v19+s14+$0x0], $0xffff;
	[tilespmem:s30+$0x980] =	vst v5  }
0x118: {  	v5 =	vld.idx.msk [tilespmem:v13+s16+$0x0], $0xffff;
	[tilespmem:s0+$0x80] =	vst v17  }
0x119: {  	[tilespmem:s29+$0xD80] =	vst v14;
	v17 =	vld.idx.msk [tilespmem:v20+s14+$0x0], $0xffff  }
0x11a: {  	[tilespmem:s28+$0x1680] =	vst v9;
	v14 =	vld.idx.msk [tilespmem:v18+s17+$0x0], $0xffff  }
0x11b: {  	v9 =	vld.idx.msk [tilespmem:v10+s19+$0x0], $0xffff;
	[tilespmem:s12+$0x1A80] =	vst v12  }
0x11c: {  	[tilespmem:s31+$0x480] =	vst v15;
	v12 =	vld.idx.msk [tilespmem:v16+s20+$0x0], $0xffff  }
0x11d: {  	v16 =	vadd.s32 $0x6, v8;
	v15 =	vld.idx.msk [tilespmem:v19+s15+$0x0], $0xffff;
	[tilespmem:s30+$0xD80] =	vst v5  }
0x11e: {  	v5 =	vld.idx.msk [tilespmem:v13+s17+$0x0], $0xffff;
	[tilespmem:s0+$0x480] =	vst v17  }
0x11f: {  	[tilespmem:s29+$0x1180] =	vst v14;
	v17 =	vld.idx.msk [tilespmem:v20+s15+$0x0], $0xffff  }
0x120: {  	[tilespmem:s28+$0x1A80] =	vst v9;
	v14 =	vld.idx.msk [tilespmem:v18+s18+$0x0], $0xffff  }
0x121: {  	v10 =	vld.idx.msk [tilespmem:v10+s20+$0x0], $0xffff;
	[tilespmem:s12+$0x1E80] =	vst v12  }
0x122: {  	v9 =	vadd.s32 $0x6, v6;
	[tilespmem:s31+$0x880] =	vst v15;
	v12 =	vld.idx.msk [tilespmem:v16+s8+$0x0], $0xffff  }
0x123: {  	v15 =	vld.idx.msk [tilespmem:v19+s16+$0x0], $0xffff;
	[tilespmem:s30+$0x1180] =	vst v5  }
0x124: {  	v5 =	vld.idx.msk [tilespmem:v13+s18+$0x0], $0xffff;
	[tilespmem:s0+$0x880] =	vst v17  }
0x125: {  	[tilespmem:s29+$0x1580] =	vst v14;
	v17 =	vld.idx.msk [tilespmem:v20+s16+$0x0], $0xffff  }
0x126: {  	[tilespmem:s28+$0x1E80] =	vst v10;
	v14 =	vld.idx.msk [tilespmem:v18+s19+$0x0], $0xffff  }
0x127: {  	v10 =	vld.idx.msk [tilespmem:v9+s8+$0x0], $0xffff;
	[tilespmem:s12+$0x300] =	vst v12  }
0x128: {  	[tilespmem:s31+$0xC80] =	vst v15;
	v12 =	vld.idx.msk [tilespmem:v16+s14+$0x0], $0xffff  }
0x129: {  	v15 =	vld.idx.msk [tilespmem:v19+s17+$0x0], $0xffff;
	[tilespmem:s30+$0x1580] =	vst v5  }
0x12a: {  	v5 =	vld.idx.msk [tilespmem:v13+s19+$0x0], $0xffff;
	[tilespmem:s0+$0xC80] =	vst v17  }
0x12b: {  	[tilespmem:s29+$0x1980] =	vst v14;
	v17 =	vld.idx.msk [tilespmem:v20+s17+$0x0], $0xffff  }
0x12c: {  	[tilespmem:s28+$0x300] =	vst v10;
	v14 =	vld.idx.msk [tilespmem:v18+s20+$0x0], $0xffff  }
0x12d: {  	v18 =	vadd.s32 $0x4, v3;
	v10 =	vld.idx.msk [tilespmem:v9+s14+$0x0], $0xffff;
	[tilespmem:s12+$0x700] =	vst v12  }
0x12e: {  	[tilespmem:s31+$0x1080] =	vst v15;
	v12 =	vld.idx.msk [tilespmem:v16+s15+$0x0], $0xffff  }
0x12f: {  	v15 =	vld.idx.msk [tilespmem:v19+s18+$0x0], $0xffff;
	[tilespmem:s30+$0x1980] =	vst v5  }
0x130: {  	v5 =	vld.idx.msk [tilespmem:v13+s20+$0x0], $0xffff;
	[tilespmem:s0+$0x1080] =	vst v17  }
0x131: {  	v13 =	vadd.s32 $0x4, v7;
	[tilespmem:s29+$0x1D80] =	vst v14;
	v17 =	vld.idx.msk [tilespmem:v20+s18+$0x0], $0xffff  }
0x132: {  	[tilespmem:s28+$0x700] =	vst v10;
	v14 =	vld.idx.msk [tilespmem:v18+s8+$0x0], $0xffff  }
0x133: {  	v10 =	vld.idx.msk [tilespmem:v9+s15+$0x0], $0xffff;
	[tilespmem:s12+$0xB00] =	vst v12  }
0x134: {  	[tilespmem:s31+$0x1480] =	vst v15;
	v12 =	vld.idx.msk [tilespmem:v16+s16+$0x0], $0xffff  }
0x135: {  	v15 =	vld.idx.msk [tilespmem:v19+s19+$0x0], $0xffff;
	[tilespmem:s30+$0x1D80] =	vst v5  }
0x136: {  	v5 =	vld.idx.msk [tilespmem:v13+s8+$0x0], $0xffff;
	[tilespmem:s0+$0x1480] =	vst v17  }
0x137: {  	[tilespmem:s29+$0x200] =	vst v14;
	v17 =	vld.idx.msk [tilespmem:v20+s19+$0x0], $0xffff  }
0x138: {  	[tilespmem:s28+$0xB00] =	vst v10;
	v14 =	vld.idx.msk [tilespmem:v18+s14+$0x0], $0xffff  }
0x139: {  	v10 =	vld.idx.msk [tilespmem:v9+s16+$0x0], $0xffff;
	[tilespmem:s12+$0xF00] =	vst v12  }
0x13a: {  	[tilespmem:s31+$0x1880] =	vst v15;
	v15 =	vld.idx.msk [tilespmem:v16+s17+$0x0], $0xffff  }
0x13b: {  	s6 =	sadd.s32 $0x0, s1;
	s7 =	simm.s32 $0x60;
	v19 =	vld.idx.msk [tilespmem:v19+s20+$0x0], $0xffff;
	[tilespmem:s30+$0x200] =	vst v5  }
0x13c: {  	s9 =	sand.u32 $0x60, s7;
	s2 =	sshll.u32 s6, $0x7;
	v12 =	vadd.s32 $0x2, v4;
	v5 =	vld.idx.msk [tilespmem:v13+s14+$0x0], $0xffff;
	[tilespmem:s0+$0x1880] =	vst v17  }
0x13d: {  	s13 =	sor.u32 $0x10, s9;
	s2 =	sand.u32 $0x3FFFFF80, s2;
	[tilespmem:s29+$0x600] =	vst v14;
	v17 =	vld.idx.msk [tilespmem:v20+s20+$0x0], $0xffff  }
0x13e: {  	s23 =	sor.u32 s13, s2;
	s2 =	sor.u32 s9, s2;
	[tilespmem:s28+$0xF00] =	vst v10;
	v14 =	vld.idx.msk [tilespmem:v18+s15+$0x0], $0xffff  }
0x13f: {  	v22 =	vld [tilespmem:s2+$0x0];
	[tilespmem:s12+$0x1300] =	vst v15  }
0x140: {  	v10 =	vadd.s32 $0x2, v11;
	[tilespmem:s31+$0x1C80] =	vst v19;
	v15 =	vld.idx.msk [tilespmem:v16+s18+$0x0], $0xffff  }
0x141: {  	v19 =	vld.idx.msk [tilespmem:v12+s8+$0x0], $0xffff;
	[tilespmem:s30+$0x600] =	vst v5  }
0x142: {  	v5 =	vld.idx.msk [tilespmem:v13+s15+$0x0], $0xffff;
	[tilespmem:s0+$0x1C80] =	vst v17  }
0x143: {  	v17 =	vld [tilespmem:s23+$0x0];
	[tilespmem:s29+$0xA00] =	vst v14  }
0x144: {  	v14 =	vld.idx.msk [tilespmem:v18+s16+$0x0], $0xffff  }
0x145: {  	v21 =	vld.idx.msk [tilespmem:v10+s8+$0x0], $0xffff  }
0x146: {  	v20 =	vld.idx.msk [tilespmem:v9+s17+$0x0], $0xffff;
	[tilespmem:s12+$0x1700] =	vst v15  }
0x147: {  	[tilespmem:s31+$0x100] =	vst v19;
	v15 =	vld.idx.msk [tilespmem:v16+s19+$0x0], $0xffff  }
0x148: {  	v19 =	vld.idx.msk [tilespmem:v12+s14+$0x0], $0xffff;
	[tilespmem:s30+$0xA00] =	vst v5  }
0x149: {  	v23 =	vld.idx.msk [tilespmem:v13+s16+$0x0], $0xffff;
	[tilespmem:s29+$0xE00] =	vst v14  }
0x14a: {  	v5 =	vadd.s32 $0xFFFFFFFA, v17;
	[tilespmem:s0+$0x100] =	vst v21;
	v14 =	vshll.u32 v17, $0x6;
	v21 =	vld.idx.msk [tilespmem:v18+s17+$0x0], $0xffff  }
0x14b: {  	[tilespmem:s28+$0x1300] =	vst v20;
	vm12 =	vlt.u32 v5, $0x4;
	v5 =	vadd.s32 v1, v14;
	v14 =	vld.idx.msk [tilespmem:v10+s14+$0x0], $0xffff  }
0x14c: {  	vm13 =	veq.s32 v17, $0x1;
	v17 =	vld.idx.msk [tilespmem:v9+s18+$0x0], $0xffff;
	v5 =	vsel vm12, v5, v2;
	[tilespmem:s12+$0x1B00] =	vst v15  }
0x14d: {  	v20 =	vshll.u32 v22, $0x6;
	v15 =	vadd.s32 $0xFFFFFFFA, v22;
	v5 =	vsel vm13, v0, v5;
	[tilespmem:s31+$0x500] =	vst v19;
	v16 =	vld.idx.msk [tilespmem:v16+s20+$0x0], $0xffff  }
0x14e: {  	vm14 =	vlt.u32 v15, $0x4;
	v15 =	vadd.s32 v1, v20;
	v20 =	vadd.s32 $0x7, v8;
	v19 =	vld.idx.msk [tilespmem:v12+s15+$0x0], $0xffff;
	[tilespmem:s30+$0xE00] =	vst v23  }
0x14f: {  	vm15 =	veq.s32 v22, $0x1;
	v8 =	vsel vm14, v15, v2;
	v15 =	vld.idx.msk [tilespmem:v13+s17+$0x0], $0xffff;
	[tilespmem:s29+$0x1200] =	vst v21  }
0x150: {  	v8 =	vsel vm15, v0, v8;
	[tilespmem:s0+$0x500] =	vst v14;
	v21 =	vld.idx.msk [tilespmem:v18+s18+$0x0], $0xffff  }
0x151: {  	[tilespmem:s28+$0x1700] =	vst v17;
	v22 =	vld.idx.msk [tilespmem:v10+s15+$0x0], $0xffff  }
0x152: {  	v14 =	vld.idx.msk [tilespmem:v5+s8+$0x0], $0xffff;
	[tilespmem:s12+$0x1F00] =	vst v16  }
0x153: {  	s23 =	simm.s32 $0x1800;
	[tilespmem:s31+$0x900] =	vst v19;
	v16 =	vld.idx.msk [tilespmem:v20+s8+$0x0], $0xffff  }
0x154: {  	s2 =	sand.u32 $0x3FFFE000, s23;
	v17 =	vld.idx.msk [tilespmem:v12+s16+$0x0], $0xffff;
	[tilespmem:s30+$0x1200] =	vst v15  }
0x155: {  	s24 =	sadd.s32 $0x3580, s2;
	v19 =	vld.idx.msk [tilespmem:v8+s8+$0x0], $0xffff;
	[tilespmem:s29+$0x1600] =	vst v21  }
0x156: {  	s2 =	sor.u32 s13, s24;
	v15 =	vld.idx.msk [tilespmem:v13+s18+$0x0], $0xffff;
	[tilespmem:s0+$0x900] =	vst v22  }
0x157: {  	[tilespmem:s2+$0x0] =	vst v14;
	v14 =	vld.idx.msk [tilespmem:v18+s19+$0x0], $0xffff  }
0x158: {  	v22 =	vld.idx.msk [tilespmem:v10+s16+$0x0], $0xffff;
	[tilespmem:s12+$0x380] =	vst v16  }
0x159: {  	s13 =	sor.u32 s9, s24;
	v21 =	vld.idx.msk [tilespmem:v5+s14+$0x0], $0xffff;
	[tilespmem:s31+$0xD00] =	vst v17  }
0x15a: {  	v16 =	vld.idx.msk [tilespmem:v20+s14+$0x0], $0xffff;
	[tilespmem:s13+$0x0] =	vst v19  }
0x15b: {  	v17 =	vld.idx.msk [tilespmem:v12+s17+$0x0], $0xffff;
	[tilespmem:s30+$0x1600] =	vst v15  }
0x15c: {  	v19 =	vld.idx.msk [tilespmem:v8+s14+$0x0], $0xffff;
	[tilespmem:s29+$0x1A00] =	vst v14  }
0x15d: {  	v15 =	vld.idx.msk [tilespmem:v13+s19+$0x0], $0xffff;
	[tilespmem:s0+$0xD00] =	vst v22  }
0x15e: {  	[tilespmem:s2+$0x400] =	vst v21;
	v14 =	vld.idx.msk [tilespmem:v18+s20+$0x0], $0xffff  }
0x15f: {  	v21 =	vld.idx.msk [tilespmem:v10+s17+$0x0], $0xffff;
	[tilespmem:s12+$0x780] =	vst v16  }
0x160: {  	v22 =	vadd.s32 $0x5, v3;
	v18 =	vld.idx.msk [tilespmem:v5+s15+$0x0], $0xffff;
	[tilespmem:s31+$0x1100] =	vst v17  }
0x161: {  	v16 =	vld.idx.msk [tilespmem:v20+s15+$0x0], $0xffff;
	[tilespmem:s13+$0x400] =	vst v19  }
0x162: {  	v17 =	vld.idx.msk [tilespmem:v12+s18+$0x0], $0xffff;
	[tilespmem:s30+$0x1A00] =	vst v15  }
0x163: {  	v19 =	vld.idx.msk [tilespmem:v8+s15+$0x0], $0xffff;
	[tilespmem:s29+$0x1E00] =	vst v14  }
0x164: {  	v13 =	vld.idx.msk [tilespmem:v13+s20+$0x0], $0xffff;
	[tilespmem:s0+$0x1100] =	vst v21  }
0x165: {  	[tilespmem:s2+$0x800] =	vst v18;
	v14 =	vld.idx.msk [tilespmem:v22+s8+$0x0], $0xffff  }
0x166: {  	v15 =	vadd.s32 $0x5, v7;
	v21 =	vld.idx.msk [tilespmem:v10+s18+$0x0], $0xffff;
	[tilespmem:s12+$0xB80] =	vst v16  }
0x167: {  	v18 =	vld.idx.msk [tilespmem:v5+s16+$0x0], $0xffff;
	[tilespmem:s31+$0x1500] =	vst v17  }
0x168: {  	v16 =	vld.idx.msk [tilespmem:v20+s16+$0x0], $0xffff;
	[tilespmem:s13+$0x800] =	vst v19  }
0x169: {  	v17 =	vld.idx.msk [tilespmem:v12+s19+$0x0], $0xffff;
	[tilespmem:s30+$0x1E00] =	vst v13  }
0x16a: {  	v19 =	vld.idx.msk [tilespmem:v8+s16+$0x0], $0xffff;
	[tilespmem:s29+$0x280] =	vst v14  }
0x16b: {  	v13 =	vld.idx.msk [tilespmem:v15+s8+$0x0], $0xffff;
	[tilespmem:s0+$0x1500] =	vst v21  }
0x16c: {  	[tilespmem:s2+$0xC00] =	vst v18;
	v14 =	vld.idx.msk [tilespmem:v22+s14+$0x0], $0xffff  }
0x16d: {  	v21 =	vld.idx.msk [tilespmem:v10+s19+$0x0], $0xffff;
	[tilespmem:s12+$0xF80] =	vst v16  }
0x16e: {  	v18 =	vld.idx.msk [tilespmem:v5+s17+$0x0], $0xffff;
	[tilespmem:s31+$0x1900] =	vst v17  }
0x16f: {  	v16 =	vld.idx.msk [tilespmem:v20+s17+$0x0], $0xffff;
	[tilespmem:s13+$0xC00] =	vst v19  }
0x170: {  	v12 =	vld.idx.msk [tilespmem:v12+s20+$0x0], $0xffff;
	[tilespmem:s30+$0x280] =	vst v13  }
0x171: {  	v17 =	vld.idx.msk [tilespmem:v8+s17+$0x0], $0xffff;
	[tilespmem:s29+$0x680] =	vst v14  }
0x172: {  	v13 =	vadd.s32 $0x3, v4;
	v19 =	vld.idx.msk [tilespmem:v15+s14+$0x0], $0xffff;
	[tilespmem:s0+$0x1900] =	vst v21  }
0x173: {  	[tilespmem:s2+$0x1000] =	vst v18;
	v14 =	vld.idx.msk [tilespmem:v22+s15+$0x0], $0xffff  }
0x174: {  	v10 =	vld.idx.msk [tilespmem:v10+s20+$0x0], $0xffff;
	[tilespmem:s12+$0x1380] =	vst v16  }
0x175: {  	v18 =	vld.idx.msk [tilespmem:v5+s18+$0x0], $0xffff;
	[tilespmem:s31+$0x1D00] =	vst v12  }
0x176: {  	v23 =	vadd.s32 $0x3, v11;
	v12 =	vld.idx.msk [tilespmem:v20+s18+$0x0], $0xffff;
	[tilespmem:s13+$0x1000] =	vst v17  }
0x177: {  	v16 =	vld.idx.msk [tilespmem:v13+s8+$0x0], $0xffff;
	[tilespmem:s30+$0x680] =	vst v19  }
0x178: {  	v17 =	vld.idx.msk [tilespmem:v8+s18+$0x0], $0xffff;
	[tilespmem:s29+$0xA80] =	vst v14  }
0x179: {  	v19 =	vld.idx.msk [tilespmem:v15+s15+$0x0], $0xffff;
	[tilespmem:s0+$0x1D00] =	vst v10  }
0x17a: {  	[tilespmem:s2+$0x1400] =	vst v18;
	v14 =	vld.idx.msk [tilespmem:v22+s16+$0x0], $0xffff  }
0x17b: {  	v10 =	vld.idx.msk [tilespmem:v23+s8+$0x0], $0xffff;
	[tilespmem:s12+$0x1780] =	vst v12  }
0x17c: {  	v18 =	vld.idx.msk [tilespmem:v5+s19+$0x0], $0xffff;
	[tilespmem:s31+$0x180] =	vst v16  }
0x17d: {  	v12 =	vld.idx.msk [tilespmem:v20+s19+$0x0], $0xffff;
	[tilespmem:s13+$0x1400] =	vst v17  }
0x17e: {  	v16 =	vld.idx.msk [tilespmem:v13+s14+$0x0], $0xffff;
	[tilespmem:s30+$0xA80] =	vst v19  }
0x17f: {  	v17 =	vld.idx.msk [tilespmem:v8+s19+$0x0], $0xffff;
	[tilespmem:s29+$0xE80] =	vst v14  }
0x180: {  	v19 =	vld.idx.msk [tilespmem:v15+s16+$0x0], $0xffff;
	[tilespmem:s0+$0x180] =	vst v10  }
0x181: {  	[tilespmem:s2+$0x1800] =	vst v18;
	v14 =	vld.idx.msk [tilespmem:v22+s17+$0x0], $0xffff  }
0x182: {  	v10 =	vld.idx.msk [tilespmem:v23+s14+$0x0], $0xffff;
	[tilespmem:s12+$0x1B80] =	vst v12  }
0x183: {  	v18 =	vld.idx.msk [tilespmem:v5+s20+$0x0], $0xffff;
	[tilespmem:s31+$0x580] =	vst v16  }
0x184: {  	v16 =	vld.idx.msk [tilespmem:v20+s20+$0x0], $0xffff;
	[tilespmem:s13+$0x1800] =	vst v17  }
0x185: {  	v12 =	vadd.s32 $0x1, v5;
	v17 =	vld.idx.msk [tilespmem:v13+s15+$0x0], $0xffff;
	[tilespmem:s30+$0xE80] =	vst v19  }
0x186: {  	v20 =	vld.idx.msk [tilespmem:v8+s20+$0x0], $0xffff;
	[tilespmem:s29+$0x1280] =	vst v14  }
0x187: {  	v19 =	vld.idx.msk [tilespmem:v15+s17+$0x0], $0xffff;
	[tilespmem:s0+$0x580] =	vst v10  }
0x188: {  	v27 =	vadd.s32 $0x1, v8;
	[tilespmem:s2+$0x1C00] =	vst v18;
	v14 =	vld.idx.msk [tilespmem:v22+s18+$0x0], $0xffff  }
0x189: {  	v10 =	vld.idx.msk [tilespmem:v23+s15+$0x0], $0xffff;
	[tilespmem:s12+$0x1F80] =	vst v16  }
0x18a: {  	v18 =	vld.idx.msk [tilespmem:v12+s8+$0x0], $0xffff;
	[tilespmem:s31+$0x980] =	vst v17  }
0x18b: {  	v16 =	vld.idx.msk [tilespmem:v9+s19+$0x0], $0xffff;
	[tilespmem:s13+$0x1C00] =	vst v20  }
0x18c: {  	v17 =	vld.idx.msk [tilespmem:v13+s16+$0x0], $0xffff;
	[tilespmem:s30+$0x1280] =	vst v19  }
0x18d: {  	v20 =	vld.idx.msk [tilespmem:v27+s8+$0x0], $0xffff;
	[tilespmem:s29+$0x1680] =	vst v14  }
0x18e: {  	v19 =	vld.idx.msk [tilespmem:v15+s18+$0x0], $0xffff;
	[tilespmem:s0+$0x980] =	vst v10  }
0x18f: {  	[tilespmem:s2+$0x80] =	vst v18;
	v14 =	vld.idx.msk [tilespmem:v22+s19+$0x0], $0xffff  }
0x190: {  	v10 =	vld.idx.msk [tilespmem:v23+s16+$0x0], $0xffff;
	[tilespmem:s28+$0x1B00] =	vst v16  }
0x191: {  	v18 =	vld.idx.msk [tilespmem:v12+s14+$0x0], $0xffff;
	[tilespmem:s31+$0xD80] =	vst v17  }
0x192: {  	v9 =	vld.idx.msk [tilespmem:v9+s20+$0x0], $0xffff;
	[tilespmem:s13+$0x80] =	vst v20  }
0x193: {  	v17 =	vld.idx.msk [tilespmem:v13+s17+$0x0], $0xffff;
	[tilespmem:s30+$0x1680] =	vst v19  }
0x194: {  	v16 =	vadd.s32 $0x7, v6;
	v6 =	vld.idx.msk [tilespmem:v27+s14+$0x0], $0xffff;
	[tilespmem:s29+$0x1A80] =	vst v14  }
0x195: {  	v19 =	vld.idx.msk [tilespmem:v15+s19+$0x0], $0xffff;
	[tilespmem:s0+$0xD80] =	vst v10  }
0x196: {  	[tilespmem:s2+$0x480] =	vst v18;
	v14 =	vld.idx.msk [tilespmem:v22+s20+$0x0], $0xffff  }
0x197: {  	v10 =	vld.idx.msk [tilespmem:v23+s17+$0x0], $0xffff;
	[tilespmem:s28+$0x1F00] =	vst v9  }
0x198: {  	v21 =	vadd.s32 $0x6, v3;
	v18 =	vld.idx.msk [tilespmem:v12+s15+$0x0], $0xffff;
	[tilespmem:s31+$0x1180] =	vst v17  }
0x199: {  	v17 =	vld.idx.msk [tilespmem:v16+s8+$0x0], $0xffff;
	[tilespmem:s13+$0x480] =	vst v6  }
0x19a: {  	v6 =	vld.idx.msk [tilespmem:v13+s18+$0x0], $0xffff;
	[tilespmem:s30+$0x1A80] =	vst v19  }
0x19b: {  	v20 =	vld.idx.msk [tilespmem:v27+s15+$0x0], $0xffff;
	[tilespmem:s29+$0x1E80] =	vst v14  }
0x19c: {  	v15 =	vld.idx.msk [tilespmem:v15+s20+$0x0], $0xffff;
	[tilespmem:s0+$0x1180] =	vst v10  }
0x19d: {  	[tilespmem:s2+$0x880] =	vst v18;
	v14 =	vld.idx.msk [tilespmem:v21+s8+$0x0], $0xffff  }
0x19e: {  	v9 =	vadd.s32 $0x6, v7;
	v10 =	vld.idx.msk [tilespmem:v23+s18+$0x0], $0xffff;
	[tilespmem:s28+$0x380] =	vst v17  }
0x19f: {  	v18 =	vld.idx.msk [tilespmem:v12+s16+$0x0], $0xffff;
	[tilespmem:s31+$0x1580] =	vst v6  }
0x1a0: {  	v6 =	vld.idx.msk [tilespmem:v16+s14+$0x0], $0xffff;
	[tilespmem:s13+$0x880] =	vst v20  }
0x1a1: {  	v17 =	vld.idx.msk [tilespmem:v13+s19+$0x0], $0xffff;
	[tilespmem:s30+$0x1E80] =	vst v15  }
0x1a2: {  	v19 =	vld.idx.msk [tilespmem:v27+s16+$0x0], $0xffff;
	[tilespmem:s29+$0x300] =	vst v14  }
0x1a3: {  	v15 =	vld.idx.msk [tilespmem:v9+s8+$0x0], $0xffff;
	[tilespmem:s0+$0x1580] =	vst v10  }
0x1a4: {  	[tilespmem:s2+$0xC80] =	vst v18;
	v14 =	vld.idx.msk [tilespmem:v21+s14+$0x0], $0xffff  }
0x1a5: {  	v10 =	vld.idx.msk [tilespmem:v23+s19+$0x0], $0xffff;
	[tilespmem:s28+$0x780] =	vst v6  }
0x1a6: {  	v18 =	vld.idx.msk [tilespmem:v12+s17+$0x0], $0xffff;
	[tilespmem:s31+$0x1980] =	vst v17  }
0x1a7: {  	v6 =	vld.idx.msk [tilespmem:v16+s15+$0x0], $0xffff;
	[tilespmem:s13+$0xC80] =	vst v19  }
0x1a8: {  	v13 =	vld.idx.msk [tilespmem:v13+s20+$0x0], $0xffff;
	[tilespmem:s30+$0x300] =	vst v15  }
0x1a9: {  	v17 =	vld.idx.msk [tilespmem:v27+s17+$0x0], $0xffff;
	[tilespmem:s29+$0x700] =	vst v14  }
0x1aa: {  	v19 =	vadd.s32 $0x4, v4;
	v15 =	vld.idx.msk [tilespmem:v9+s14+$0x0], $0xffff;
	[tilespmem:s0+$0x1980] =	vst v10  }
0x1ab: {  	[tilespmem:s2+$0x1080] =	vst v18;
	v18 =	vld.idx.msk [tilespmem:v21+s15+$0x0], $0xffff  }
0x1ac: {  	v10 =	vld.idx.msk [tilespmem:v23+s20+$0x0], $0xffff;
	[tilespmem:s28+$0xB80] =	vst v6  }
0x1ad: {  	v20 =	vld.idx.msk [tilespmem:v12+s18+$0x0], $0xffff;
	[tilespmem:s31+$0x1D80] =	vst v13  }
0x1ae: {  	v14 =	vadd.s32 $0x4, v11;
	v6 =	vld.idx.msk [tilespmem:v16+s16+$0x0], $0xffff;
	[tilespmem:s13+$0x1080] =	vst v17  }
0x1af: {  	v13 =	vld.idx.msk [tilespmem:v19+s8+$0x0], $0xffff;
	[tilespmem:s30+$0x700] =	vst v15  }
0x1b0: {  	v17 =	vld.idx.msk [tilespmem:v27+s18+$0x0], $0xffff;
	[tilespmem:s29+$0xB00] =	vst v18  }
0x1b1: {  	v15 =	vld.idx.msk [tilespmem:v9+s15+$0x0], $0xffff;
	[tilespmem:s0+$0x1D80] =	vst v10  }
0x1b2: {  	[tilespmem:s2+$0x1480] =	vst v20;
	v18 =	vld.idx.msk [tilespmem:v21+s16+$0x0], $0xffff  }
0x1b3: {  	v10 =	vld.idx.msk [tilespmem:v14+s8+$0x0], $0xffff;
	[tilespmem:s28+$0xF80] =	vst v6  }
0x1b4: {  	v20 =	vld.idx.msk [tilespmem:v12+s19+$0x0], $0xffff;
	[tilespmem:s31+$0x200] =	vst v13  }
0x1b5: {  	v6 =	vld.idx.msk [tilespmem:v16+s17+$0x0], $0xffff;
	[tilespmem:s13+$0x1480] =	vst v17  }
0x1b6: {  	v13 =	vld.idx.msk [tilespmem:v19+s14+$0x0], $0xffff;
	[tilespmem:s30+$0xB00] =	vst v15  }
0x1b7: {  	v23 =	vld.idx.msk [tilespmem:v9+s16+$0x0], $0xffff;
	[tilespmem:s29+$0xF00] =	vst v18  }
0x1b8: {  	v17 =	vld.idx.msk [tilespmem:v27+s19+$0x0], $0xffff;
	[tilespmem:s0+$0x200] =	vst v10  }
0x1b9: {  	[tilespmem:s2+$0x1880] =	vst v20;
	v28 =	vld.idx.msk [tilespmem:v21+s17+$0x0], $0xffff  }
0x1ba: {  	v22 =	vld.idx.msk [tilespmem:v14+s14+$0x0], $0xffff;
	[tilespmem:s28+$0x1380] =	vst v6  }
0x1bb: {  	v24 =	vld.idx.msk [tilespmem:v12+s20+$0x0], $0xffff;
	[tilespmem:s31+$0x600] =	vst v13  }
0x1bc: {  	v15 =	vadd.s32 $0x4, v8;
	v25 =	vld.idx.msk [tilespmem:v16+s18+$0x0], $0xffff;
	[tilespmem:s30+$0xF00] =	vst v23;
	v23 =	vadd.s32 $0x2, v5  }
0x1bd: {  	v10 =	vadd.s32 $0x6, v11;
	v18 =	vadd.s32 $0x2, v8;
	v6 =	vadd.s32 $0x7, v7;
	[tilespmem:s13+$0x1880] =	vst v17;
	v26 =	vld.idx.msk [tilespmem:v19+s15+$0x0], $0xffff  }
0x1be: {  	v12 =	vadd.s32 $0x5, v11;
	v7 =	vadd.s32 $0x7, v11;
	v11 =	vadd.s32 $0x6, v8;
	v20 =	vld.idx.msk [tilespmem:v27+s20+$0x0], $0xffff  }
0x1bf: {  	s6 =	simm.s32 $0x6;
	v17 =	vadd.s32 $0x3, v8;
	v13 =	vadd.s32 $0x5, v8;
	v8 =	vadd.s32 $0x7, v8;
	v27 =	vld.idx.msk [tilespmem:v9+s17+$0x0], $0xffff;
	[tilespmem:s29+$0x1300] =	vst v28  }
.LBB2_3:
0x1c0: {  	s6 =	sadd.s32 $0x2, s6;
	[tilespmem:s2+$0x1C80] =	vst v24;
	v24 =	vld.idx.msk [tilespmem:v21+s18+$0x0], $0xffff  }
0x1c1: {  	s12 =	sshrl.u32 s6, $0x3;
	p1 =	slt.u32 s6, $0x26;
	v28 =	vld.idx.msk [tilespmem:v23+s8+$0x0], $0xffff;
	[tilespmem:s0+$0x600] =	vst v22  }
0x1c2: {  	s7 =	sadd.s32 $0x20, s7;
	s23 =	sadd.s32 s1, s12;
	v22 =	vld.idx.msk [tilespmem:v14+s15+$0x0], $0xffff;
	[tilespmem:s28+$0x1780] =	vst v25  }
0x1c3: {  	s12 =	sand.u32 $0x60, s7;
	s23 =	sshll.u32 s23, $0x7;
	[tilespmem:s31+$0xA00] =	vst v26;
	v25 =	vld.idx.msk [tilespmem:v16+s19+$0x0], $0xffff  }
0x1c4: {  	s24 =	sand.u32 $0x3FFFFF80, s23;
	s23 =	sor.u32 $0x10, s12;
	[tilespmem:s13+$0x1C80] =	vst v20;
	v20 =	vld.idx.msk [tilespmem:v19+s16+$0x0], $0xffff  }
0x1c5: {  	s4 =	sor.u32 s12, s24;
	s24 =	sor.u32 s23, s24;
	v26 =	vld.idx.msk [tilespmem:v18+s8+$0x0], $0xffff;
	[tilespmem:s30+$0x1300] =	vst v27  }
0x1c6: {  	v27 =	vld [tilespmem:s24+$0x0];
	[tilespmem:s29+$0x1700] =	vst v24  }
0x1c7: {  	[tilespmem:s2+$0x100] =	vst v28;
	v24 =	vld.idx.msk [tilespmem:v21+s19+$0x0], $0xffff  }
0x1c8: {  	v28 =	vld.idx.msk [tilespmem:v23+s14+$0x0], $0xffff;
	[tilespmem:s0+$0xA00] =	vst v22  }
0x1c9: {  	v22 =	vld [tilespmem:s4+$0x0];
	[tilespmem:s28+$0x1B80] =	vst v25  }
0x1ca: {  	v25 =	vld.idx.msk [tilespmem:v14+s16+$0x0], $0xffff;
	[tilespmem:s31+$0xE00] =	vst v20  }
0x1cb: {  	v20 =	vadd.s32 $0xFFFFFFFA, v27;
	v29 =	vshll.u32 v27, $0x6;
	[tilespmem:s13+$0x100] =	vst v26;
	v30 =	vld.idx.msk [tilespmem:v19+s17+$0x0], $0xffff  }
0x1cc: {  	vm0 =	vlt.u32 v20, $0x4;
	v20 =	vadd.s32 v1, v29;
	v29 =	vld.idx.msk [tilespmem:v18+s14+$0x0], $0xffff  }
0x1cd: {  	vm1 =	veq.s32 v27, $0x1;
	v20 =	vsel vm0, v20, v2;
	v27 =	vld.idx.msk [tilespmem:v9+s18+$0x0], $0xffff;
	[tilespmem:s29+$0x1B00] =	vst v24  }
0x1ce: {  	v24 =	vadd.s32 $0xFFFFFFFA, v22;
	v26 =	vshll.u32 v22, $0x6;
	v31 =	vsel vm1, v0, v20;
	[tilespmem:s2+$0x500] =	vst v28;
	v32 =	vld.idx.msk [tilespmem:v21+s20+$0x0], $0xffff  }
0x1cf: {  	vm0 =	veq.s32 v22, $0x1;
	vm1 =	vlt.u32 v24, $0x4;
	v20 =	vadd.s32 v1, v26;
	v33 =	vld.idx.msk [tilespmem:v23+s15+$0x0], $0xffff  }
0x1d0: {  	v26 =	vadd.s32 $0x7, v3;
	v3 =	vmovc v4;
	v4 =	vmov v5;
	v20 =	vsel vm1, v20, v2;
	[tilespmem:s0+$0xE00] =	vst v25;
	v34 =	vld.idx.msk [tilespmem:v16+s20+$0x0], $0xffff  }
0x1d1: {  	v5 =	vmovc v31;
	v16 =	vmov v6;
	v6 =	vmov v7;
	v25 =	vsel vm0, v0, v20;
	v35 =	vld.idx.msk [tilespmem:v14+s17+$0x0], $0xffff;
	[tilespmem:s31+$0x1200] =	vst v30  }
0x1d2: {  	v7 =	vmovc v8;
	v20 =	vadd.s32 $0x1, v25;
	v28 =	vadd.s32 $0x2, v25;
	v22 =	vadd.s32 $0x3, v25;
	[tilespmem:s13+$0x500] =	vst v29;
	v29 =	vld.idx.msk [tilespmem:v19+s18+$0x0], $0xffff  }
0x1d3: {  	v30 =	vadd.s32 $0x4, v25;
	v24 =	vadd.s32 $0x5, v25;
	v21 =	vadd.s32 $0x6, v25;
	v31 =	vld.idx.msk [tilespmem:v31+s8+$0x0], $0xffff;
	[tilespmem:s30+$0x1700] =	vst v27  }
0x1d4: {  	v8 =	vadd.s32 $0x7, v25;
	v27 =	vld.idx.msk [tilespmem:v18+s15+$0x0], $0xffff;
	[tilespmem:s29+$0x1F00] =	vst v32  }
0x1d5: {  	s4 =	sshll.u32 s6, $0xA;
	[tilespmem:s2+$0x900] =	vst v33;
	v32 =	vld.idx.msk [tilespmem:v26+s8+$0x0], $0xffff  }
0x1d6: {  	s4 =	sand.u32 $0x3FFFE000, s4;
	v33 =	vld.idx.msk [tilespmem:v23+s16+$0x0], $0xffff;
	[tilespmem:s28+$0x1F80] =	vst v34;
	s28 =	smov.u32 s30;
	s30 =	smov.u32 s0  }
0x1d7: {  	s4 =	sadd.s32 $0x3580, s4;
	s0 =	smov.u32 s13;
	v34 =	vld.idx.msk [tilespmem:v25+s8+$0x0], $0xffff;
	[tilespmem:s30+$0x1200] =	vst v35  }
0x1d8: {  	s13 =	sor.u32 s12, s4;
	s12 =	sor.u32 s23, s4;
	v35 =	vld.idx.msk [tilespmem:v14+s18+$0x0], $0xffff;
	[tilespmem:s31+$0x1600] =	vst v29  }
0x1d9: {  	[tilespmem:s12+$0x0] =	vst v31;
	v29 =	vld.idx.msk [tilespmem:v19+s19+$0x0], $0xffff  }
0x1da: {  	v31 =	vld.idx.msk [tilespmem:v5+s14+$0x0], $0xffff;
	[tilespmem:s0+$0x900] =	vst v27  }
0x1db: {  	v27 =	vld.idx.msk [tilespmem:v18+s16+$0x0], $0xffff;
	[tilespmem:s29+$0x380] =	vst v32  }
0x1dc: {  	[tilespmem:s2+$0xD00] =	vst v33;
	v32 =	vld.idx.msk [tilespmem:v26+s14+$0x0], $0xffff  }
0x1dd: {  	[tilespmem:s13+$0x0] =	vst v34;
	v33 =	vld.idx.msk [tilespmem:v23+s17+$0x0], $0xffff  }
0x1de: {  	v34 =	vld.idx.msk [tilespmem:v25+s14+$0x0], $0xffff;
	[tilespmem:s30+$0x1600] =	vst v35  }
0x1df: {  	v35 =	vld.idx.msk [tilespmem:v14+s19+$0x0], $0xffff;
	[tilespmem:s31+$0x1A00] =	vst v29  }
0x1e0: {  	[tilespmem:s12+$0x400] =	vst v31;
	v19 =	vld.idx.msk [tilespmem:v19+s20+$0x0], $0xffff  }
0x1e1: {  	v29 =	vld.idx.msk [tilespmem:v5+s15+$0x0], $0xffff;
	[tilespmem:s0+$0xD00] =	vst v27  }
0x1e2: {  	v27 =	vadd.s32 $0x5, v3;
	v31 =	vld.idx.msk [tilespmem:v18+s17+$0x0], $0xffff;
	[tilespmem:s29+$0x780] =	vst v32  }
0x1e3: {  	[tilespmem:s2+$0x1100] =	vst v33;
	v32 =	vld.idx.msk [tilespmem:v26+s15+$0x0], $0xffff  }
0x1e4: {  	[tilespmem:s13+$0x400] =	vst v34;
	v33 =	vld.idx.msk [tilespmem:v23+s18+$0x0], $0xffff  }
0x1e5: {  	v34 =	vld.idx.msk [tilespmem:v25+s15+$0x0], $0xffff;
	[tilespmem:s30+$0x1A00] =	vst v35  }
0x1e6: {  	v35 =	vld.idx.msk [tilespmem:v14+s20+$0x0], $0xffff;
	[tilespmem:s31+$0x1E00] =	vst v19;
	v14 =	vmov v15;
	v15 =	vmov v30  }
0x1e7: {  	[tilespmem:s12+$0x800] =	vst v29;
	v19 =	vld.idx.msk [tilespmem:v27+s8+$0x0], $0xffff  }
0x1e8: {  	v29 =	vld.idx.msk [tilespmem:v5+s16+$0x0], $0xffff;
	[tilespmem:s0+$0x1100] =	vst v31  }
0x1e9: {  	v30 =	vld.idx.msk [tilespmem:v18+s18+$0x0], $0xffff;
	[tilespmem:s29+$0xB80] =	vst v32  }
0x1ea: {  	[tilespmem:s2+$0x1500] =	vst v33;
	v31 =	vld.idx.msk [tilespmem:v26+s16+$0x0], $0xffff  }
0x1eb: {  	[tilespmem:s13+$0x800] =	vst v34;
	v32 =	vld.idx.msk [tilespmem:v23+s19+$0x0], $0xffff  }
0x1ec: {  	v33 =	vld.idx.msk [tilespmem:v25+s16+$0x0], $0xffff;
	[tilespmem:s30+$0x1E00] =	vst v35  }
0x1ed: {  	v34 =	vld.idx.msk [tilespmem:v12+s8+$0x0], $0xffff;
	[tilespmem:s31+$0x280] =	vst v19  }
0x1ee: {  	[tilespmem:s12+$0xC00] =	vst v29;
	v29 =	vld.idx.msk [tilespmem:v27+s14+$0x0], $0xffff  }
0x1ef: {  	v35 =	vld.idx.msk [tilespmem:v5+s17+$0x0], $0xffff;
	[tilespmem:s0+$0x1500] =	vst v30  }
0x1f0: {  	v30 =	vld.idx.msk [tilespmem:v18+s19+$0x0], $0xffff;
	[tilespmem:s29+$0xF80] =	vst v31  }
0x1f1: {  	[tilespmem:s2+$0x1900] =	vst v32;
	v31 =	vld.idx.msk [tilespmem:v26+s17+$0x0], $0xffff  }
0x1f2: {  	[tilespmem:s13+$0xC00] =	vst v33;
	v23 =	vld.idx.msk [tilespmem:v23+s20+$0x0], $0xffff  }
0x1f3: {  	v32 =	vld.idx.msk [tilespmem:v25+s17+$0x0], $0xffff;
	[tilespmem:s30+$0x280] =	vst v34  }
0x1f4: {  	v19 =	vadd.s32 $0x3, v4;
	v33 =	vld.idx.msk [tilespmem:v12+s14+$0x0], $0xffff;
	[tilespmem:s31+$0x680] =	vst v29  }
0x1f5: {  	[tilespmem:s12+$0x1000] =	vst v35;
	v29 =	vld.idx.msk [tilespmem:v27+s15+$0x0], $0xffff  }
0x1f6: {  	v34 =	vld.idx.msk [tilespmem:v5+s18+$0x0], $0xffff;
	[tilespmem:s0+$0x1900] =	vst v30  }
0x1f7: {  	v30 =	vld.idx.msk [tilespmem:v18+s20+$0x0], $0xffff;
	[tilespmem:s29+$0x1380] =	vst v31;
	v18 =	vmov v28  }
0x1f8: {  	[tilespmem:s2+$0x1D00] =	vst v23;
	v23 =	vld.idx.msk [tilespmem:v26+s18+$0x0], $0xffff  }
0x1f9: {  	[tilespmem:s13+$0x1000] =	vst v32;
	v28 =	vld.idx.msk [tilespmem:v19+s8+$0x0], $0xffff  }
0x1fa: {  	v31 =	vld.idx.msk [tilespmem:v25+s18+$0x0], $0xffff;
	[tilespmem:s30+$0x680] =	vst v33  }
0x1fb: {  	v32 =	vld.idx.msk [tilespmem:v12+s15+$0x0], $0xffff;
	[tilespmem:s31+$0xA80] =	vst v29  }
0x1fc: {  	[tilespmem:s12+$0x1400] =	vst v34;
	v29 =	vld.idx.msk [tilespmem:v27+s16+$0x0], $0xffff  }
0x1fd: {  	v33 =	vld.idx.msk [tilespmem:v5+s19+$0x0], $0xffff;
	[tilespmem:s0+$0x1D00] =	vst v30  }
0x1fe: {  	v30 =	vld.idx.msk [tilespmem:v17+s8+$0x0], $0xffff;
	[tilespmem:s29+$0x1780] =	vst v23  }
0x1ff: {  	[tilespmem:s2+$0x180] =	vst v28;
	v23 =	vld.idx.msk [tilespmem:v26+s19+$0x0], $0xffff  }
0x200: {  	[tilespmem:s13+$0x1400] =	vst v31;
	v28 =	vld.idx.msk [tilespmem:v19+s14+$0x0], $0xffff  }
0x201: {  	v31 =	vld.idx.msk [tilespmem:v25+s19+$0x0], $0xffff;
	[tilespmem:s30+$0xA80] =	vst v32  }
0x202: {  	v32 =	vld.idx.msk [tilespmem:v12+s16+$0x0], $0xffff;
	[tilespmem:s31+$0xE80] =	vst v29  }
0x203: {  	[tilespmem:s12+$0x1800] =	vst v33;
	v29 =	vld.idx.msk [tilespmem:v27+s17+$0x0], $0xffff  }
0x204: {  	v33 =	vld.idx.msk [tilespmem:v5+s20+$0x0], $0xffff;
	[tilespmem:s0+$0x180] =	vst v30  }
0x205: {  	v30 =	vld.idx.msk [tilespmem:v17+s14+$0x0], $0xffff;
	[tilespmem:s29+$0x1B80] =	vst v23  }
0x206: {  	v23 =	vadd.s32 $0x1, v5;
	[tilespmem:s2+$0x580] =	vst v28;
	v26 =	vld.idx.msk [tilespmem:v26+s20+$0x0], $0xffff  }
0x207: {  	[tilespmem:s13+$0x1800] =	vst v31;
	v28 =	vld.idx.msk [tilespmem:v19+s15+$0x0], $0xffff  }
0x208: {  	v25 =	vld.idx.msk [tilespmem:v25+s20+$0x0], $0xffff;
	[tilespmem:s30+$0xE80] =	vst v32  }
0x209: {  	v31 =	vld.idx.msk [tilespmem:v12+s17+$0x0], $0xffff;
	[tilespmem:s31+$0x1280] =	vst v29  }
0x20a: {  	[tilespmem:s12+$0x1C00] =	vst v33;
	v29 =	vld.idx.msk [tilespmem:v27+s18+$0x0], $0xffff  }
0x20b: {  	v32 =	vld.idx.msk [tilespmem:v23+s8+$0x0], $0xffff;
	[tilespmem:s0+$0x580] =	vst v30  }
0x20c: {  	v30 =	vld.idx.msk [tilespmem:v17+s15+$0x0], $0xffff;
	[tilespmem:s29+$0x1F80] =	vst v26;
	s29 =	smov.u32 s31;
	s31 =	smov.u32 s2;
	s2 =	smov.u32 s12  }
0x20d: {  	[tilespmem:s31+$0x980] =	vst v28;
	v26 =	vld.idx.msk [tilespmem:v9+s19+$0x0], $0xffff  }
0x20e: {  	[tilespmem:s13+$0x1C00] =	vst v25;
	v25 =	vld.idx.msk [tilespmem:v19+s16+$0x0], $0xffff  }
0x20f: {  	v28 =	vld.idx.msk [tilespmem:v20+s8+$0x0], $0xffff;
	[tilespmem:s30+$0x1280] =	vst v31  }
0x210: {  	v31 =	vld.idx.msk [tilespmem:v12+s18+$0x0], $0xffff;
	[tilespmem:s29+$0x1680] =	vst v29  }
0x211: {  	[tilespmem:s2+$0x80] =	vst v32;
	v29 =	vld.idx.msk [tilespmem:v27+s19+$0x0], $0xffff  }
0x212: {  	v32 =	vld.idx.msk [tilespmem:v23+s14+$0x0], $0xffff;
	[tilespmem:s0+$0x980] =	vst v30  }
0x213: {  	v30 =	vld.idx.msk [tilespmem:v17+s16+$0x0], $0xffff;
	[tilespmem:s28+$0x1B00] =	vst v26  }
0x214: {  	[tilespmem:s31+$0xD80] =	vst v25;
	v25 =	vld.idx.msk [tilespmem:v9+s20+$0x0], $0xffff;
	v9 =	vmov v10;
	v10 =	vmov v11;
	v11 =	vmov v21  }
0x215: {  	[tilespmem:s13+$0x80] =	vst v28;
	v26 =	vld.idx.msk [tilespmem:v19+s17+$0x0], $0xffff  }
0x216: {  	v28 =	vld.idx.msk [tilespmem:v20+s14+$0x0], $0xffff;
	[tilespmem:s30+$0x1680] =	vst v31  }
0x217: {  	v31 =	vld.idx.msk [tilespmem:v12+s19+$0x0], $0xffff;
	[tilespmem:s29+$0x1A80] =	vst v29  }
0x218: {  	[tilespmem:s2+$0x480] =	vst v32;
	v27 =	vld.idx.msk [tilespmem:v27+s20+$0x0], $0xffff  }
0x219: {  	v29 =	vld.idx.msk [tilespmem:v23+s15+$0x0], $0xffff;
	[tilespmem:s0+$0xD80] =	vst v30  }
0x21a: {  	v21 =	vadd.s32 $0x6, v3;
	v30 =	vld.idx.msk [tilespmem:v17+s17+$0x0], $0xffff;
	[tilespmem:s28+$0x1F00] =	vst v25  }
0x21b: {  	[tilespmem:s31+$0x1180] =	vst v26;
	v25 =	vld.idx.msk [tilespmem:v16+s8+$0x0], $0xffff  }
0x21c: {  	[tilespmem:s13+$0x480] =	vst v28;
	v26 =	vld.idx.msk [tilespmem:v19+s18+$0x0], $0xffff  }
0x21d: {  	v28 =	vld.idx.msk [tilespmem:v20+s15+$0x0], $0xffff;
	[tilespmem:s30+$0x1A80] =	vst v31  }
0x21e: {  	v31 =	vld.idx.msk [tilespmem:v12+s20+$0x0], $0xffff;
	[tilespmem:s29+$0x1E80] =	vst v27;
	v12 =	vmov v13;
	v13 =	vmov v24  }
0x21f: {  	[tilespmem:s2+$0x880] =	vst v29;
	v24 =	vld.idx.msk [tilespmem:v21+s8+$0x0], $0xffff  }
0x220: {  	v27 =	vld.idx.msk [tilespmem:v23+s16+$0x0], $0xffff;
	[tilespmem:s0+$0x1180] =	vst v30  }
0x221: {  	v29 =	vld.idx.msk [tilespmem:v17+s18+$0x0], $0xffff;
	[tilespmem:s28+$0x380] =	vst v25  }
0x222: {  	[tilespmem:s31+$0x1580] =	vst v26;
	v25 =	vld.idx.msk [tilespmem:v16+s14+$0x0], $0xffff  }
0x223: {  	[tilespmem:s13+$0x880] =	vst v28;
	v26 =	vld.idx.msk [tilespmem:v19+s19+$0x0], $0xffff  }
0x224: {  	v28 =	vld.idx.msk [tilespmem:v20+s16+$0x0], $0xffff;
	[tilespmem:s30+$0x1E80] =	vst v31  }
0x225: {  	v30 =	vld.idx.msk [tilespmem:v9+s8+$0x0], $0xffff;
	[tilespmem:s29+$0x300] =	vst v24  }
0x226: {  	[tilespmem:s2+$0xC80] =	vst v27;
	v24 =	vld.idx.msk [tilespmem:v21+s14+$0x0], $0xffff  }
0x227: {  	v27 =	vld.idx.msk [tilespmem:v23+s17+$0x0], $0xffff;
	[tilespmem:s0+$0x1580] =	vst v29  }
0x228: {  	v29 =	vld.idx.msk [tilespmem:v17+s19+$0x0], $0xffff;
	[tilespmem:s28+$0x780] =	vst v25  }
0x229: {  	[tilespmem:s31+$0x1980] =	vst v26;
	v25 =	vld.idx.msk [tilespmem:v16+s15+$0x0], $0xffff  }
0x22a: {  	[tilespmem:s13+$0xC80] =	vst v28;
	v26 =	vld.idx.msk [tilespmem:v19+s20+$0x0], $0xffff  }
0x22b: {  	v28 =	vld.idx.msk [tilespmem:v20+s17+$0x0], $0xffff;
	[tilespmem:s30+$0x300] =	vst v30  }
0x22c: {  	v19 =	vadd.s32 $0x4, v4;
	v30 =	vld.idx.msk [tilespmem:v9+s14+$0x0], $0xffff;
	[tilespmem:s29+$0x700] =	vst v24  }
0x22d: {  	[tilespmem:s2+$0x1080] =	vst v27;
	v24 =	vld.idx.msk [tilespmem:v21+s15+$0x0], $0xffff  }
0x22e: {  	v27 =	vld.idx.msk [tilespmem:v23+s18+$0x0], $0xffff;
	[tilespmem:s0+$0x1980] =	vst v29  }
0x22f: {  	v29 =	vld.idx.msk [tilespmem:v17+s20+$0x0], $0xffff;
	[tilespmem:s28+$0xB80] =	vst v25;
	v17 =	vmov v22  }
0x230: {  	[tilespmem:s31+$0x1D80] =	vst v26;
	v22 =	vld.idx.msk [tilespmem:v16+s16+$0x0], $0xffff  }
0x231: {  	[tilespmem:s13+$0x1080] =	vst v28;
	v25 =	vld.idx.msk [tilespmem:v19+s8+$0x0], $0xffff  }
0x232: {  	v26 =	vld.idx.msk [tilespmem:v20+s18+$0x0], $0xffff;
	[tilespmem:s30+$0x700] =	vst v30  }
0x233: {  	v28 =	vld.idx.msk [tilespmem:v9+s15+$0x0], $0xffff;
	[tilespmem:s29+$0xB00] =	vst v24  }
0x234: {  	[tilespmem:s2+$0x1480] =	vst v27;
	v24 =	vld.idx.msk [tilespmem:v21+s16+$0x0], $0xffff  }
0x235: {  	v27 =	vld.idx.msk [tilespmem:v23+s19+$0x0], $0xffff;
	[tilespmem:s0+$0x1D80] =	vst v29  }
0x236: {  	v29 =	vld.idx.msk [tilespmem:v14+s8+$0x0], $0xffff;
	[tilespmem:s28+$0xF80] =	vst v22  }
0x237: {  	[tilespmem:s31+$0x200] =	vst v25;
	v25 =	vld.idx.msk [tilespmem:v16+s17+$0x0], $0xffff  }
0x238: {  	[tilespmem:s13+$0x1480] =	vst v26;
	v26 =	vld.idx.msk [tilespmem:v19+s14+$0x0], $0xffff  }
0x239: {  	v30 =	vld.idx.msk [tilespmem:v20+s19+$0x0], $0xffff;
	[tilespmem:s30+$0xB00] =	vst v28  }
0x23a: {  	v28 =	vld.idx.msk [tilespmem:v9+s16+$0x0], $0xffff;
	[tilespmem:s29+$0xF00] =	vst v24  }
0x23b: {  	[tilespmem:s2+$0x1880] =	vst v27;
	v31 =	vld.idx.msk [tilespmem:v21+s17+$0x0], $0xffff  }
0x23c: {  	v24 =	vld.idx.msk [tilespmem:v23+s20+$0x0], $0xffff;
	[tilespmem:s0+$0x200] =	vst v29  }
.Ltmp0:
0x23d: {  	v22 =	vld.idx.msk [tilespmem:v14+s14+$0x0], $0xffff;
	[tilespmem:s28+$0x1380] =	vst v25;
	(pc) =	sbr.rel @p1 .LBB2_3-.Ltmp0, $4  }
0x23e: {  	v23 =	vadd.s32 $0x2, v5;
	[tilespmem:s31+$0x600] =	vst v26;
	v25 =	vld.idx.msk [tilespmem:v16+s18+$0x0], $0xffff  }
0x23f: {  	[tilespmem:s13+$0x1880] =	vst v30;
	v26 =	vld.idx.msk [tilespmem:v19+s15+$0x0], $0xffff  }
0x240: {  	v20 =	vld.idx.msk [tilespmem:v20+s20+$0x0], $0xffff;
	[tilespmem:s30+$0xF00] =	vst v28  }
0x241: {  	v27 =	vld.idx.msk [tilespmem:v9+s17+$0x0], $0xffff;
	[tilespmem:s29+$0x1300] =	vst v31  }
0x242: {  	_ =	sdelay $0x2  }
0x243: {  	[tilespmem:s2+$0x1C80] =	vst v24  }
0x244: {  	v24 =	vld.idx.msk [tilespmem:v21+s18+$0x0], $0xffff;
	[tilespmem:s0+$0x600] =	vst v22  }
0x245: {  	v22 =	vld.idx.msk [tilespmem:v23+s8+$0x0], $0xffff;
	[tilespmem:s28+$0x1780] =	vst v25  }
0x246: {  	v25 =	vld.idx.msk [tilespmem:v14+s15+$0x0], $0xffff;
	[tilespmem:s31+$0xA00] =	vst v26  }
0x247: {  	[tilespmem:s13+$0x1C80] =	vst v20;
	v20 =	vld.idx.msk [tilespmem:v19+s16+$0x0], $0xffff  }
0x248: {  	v26 =	vld.idx.msk [tilespmem:v18+s8+$0x0], $0xffff;
	[tilespmem:s30+$0x1300] =	vst v27  }
0x249: {  	v27 =	vld.idx.msk [tilespmem:v16+s19+$0x0], $0xffff;
	[tilespmem:s29+$0x1700] =	vst v24  }
0x24a: {  	v28 =	vld.idx.msk [tilespmem:v9+s18+$0x0], $0xffff;
	[tilespmem:s2+$0x100] =	vst v22  }
0x24b: {  	v22 =	vld.idx.msk [tilespmem:v21+s19+$0x0], $0xffff;
	[tilespmem:s0+$0xA00] =	vst v25  }
0x24c: {  	v24 =	vld.idx.msk [tilespmem:v23+s14+$0x0], $0xffff;
	[tilespmem:s31+$0xE00] =	vst v20  }
0x24d: {  	v25 =	vld.idx.msk [tilespmem:v14+s16+$0x0], $0xffff;
	[tilespmem:s13+$0x100] =	vst v26  }
0x24e: {  	v26 =	vld.idx.msk [tilespmem:v19+s17+$0x0], $0xffff;
	[tilespmem:s28+$0x1B80] =	vst v27  }
0x24f: {  	v27 =	vld.idx.msk [tilespmem:v18+s14+$0x0], $0xffff;
	[tilespmem:s30+$0x1700] =	vst v28  }
0x250: {  	v16 =	vld.idx.msk [tilespmem:v16+s20+$0x0], $0xffff;
	[tilespmem:s29+$0x1B00] =	vst v22  }
0x251: {  	[tilespmem:s2+$0x500] =	vst v24;
	v20 =	vld.idx.msk [tilespmem:v21+s20+$0x0], $0xffff  }
0x252: {  	[tilespmem:s0+$0xE00] =	vst v25;
	v21 =	vld.idx.msk [tilespmem:v23+s15+$0x0], $0xffff  }
0x253: {  	v22 =	vld.idx.msk [tilespmem:v14+s17+$0x0], $0xffff;
	[tilespmem:s31+$0x1200] =	vst v26  }
0x254: {  	[tilespmem:s13+$0x500] =	vst v27;
	v24 =	vld.idx.msk [tilespmem:v19+s18+$0x0], $0xffff  }
0x255: {  	v25 =	vld.idx.msk [tilespmem:v18+s15+$0x0], $0xffff;
	_ =	sdelay $0x3  }
0x256: {  	[tilespmem:s2+$0x900] =	vst v21  }
0x257: {  	v21 =	vld.idx.msk [tilespmem:v23+s16+$0x0], $0xffff;
	[tilespmem:s13+$0x900] =	vst v25  }
0x258: {  	v25 =	vld.idx.msk [tilespmem:v18+s16+$0x0], $0xffff;
	_ =	sdelay $0x3  }
0x259: {  	[tilespmem:s2+$0xD00] =	vst v21  }
0x25a: {  	v21 =	vld.idx.msk [tilespmem:v23+s17+$0x0], $0xffff;
	[tilespmem:s13+$0xD00] =	vst v25  }
0x25b: {  	v25 =	vld.idx.msk [tilespmem:v18+s17+$0x0], $0xffff;
	_ =	sdelay $0x3  }
0x25c: {  	[tilespmem:s2+$0x1100] =	vst v21  }
0x25d: {  	v21 =	vld.idx.msk [tilespmem:v23+s18+$0x0], $0xffff;
	[tilespmem:s13+$0x1100] =	vst v25  }
0x25e: {  	v25 =	vld.idx.msk [tilespmem:v18+s18+$0x0], $0xffff;
	_ =	sdelay $0x3  }
0x25f: {  	[tilespmem:s2+$0x1500] =	vst v21  }
0x260: {  	v21 =	vld.idx.msk [tilespmem:v23+s19+$0x0], $0xffff;
	[tilespmem:s13+$0x1500] =	vst v25  }
0x261: {  	v25 =	vld.idx.msk [tilespmem:v18+s19+$0x0], $0xffff;
	_ =	sdelay $0x3  }
0x262: {  	[tilespmem:s2+$0x1900] =	vst v21  }
0x263: {  	v21 =	vld.idx.msk [tilespmem:v23+s20+$0x0], $0xffff;
	[tilespmem:s13+$0x1900] =	vst v25  }
0x264: {  	v23 =	vadd.s32 $0x3, v5;
	v18 =	vld.idx.msk [tilespmem:v18+s20+$0x0], $0xffff;
	_ =	sdelay $0x3  }
0x265: {  	[tilespmem:s2+$0x1D00] =	vst v21  }
0x266: {  	v21 =	vld.idx.msk [tilespmem:v23+s8+$0x0], $0xffff;
	[tilespmem:s13+$0x1D00] =	vst v18  }
0x267: {  	v18 =	vld.idx.msk [tilespmem:v17+s8+$0x0], $0xffff;
	_ =	sdelay $0x3  }
0x268: {  	[tilespmem:s2+$0x180] =	vst v21  }
0x269: {  	v21 =	vld.idx.msk [tilespmem:v23+s14+$0x0], $0xffff;
	[tilespmem:s13+$0x180] =	vst v18  }
0x26a: {  	v18 =	vld.idx.msk [tilespmem:v17+s14+$0x0], $0xffff;
	_ =	sdelay $0x3  }
0x26b: {  	[tilespmem:s2+$0x580] =	vst v21  }
0x26c: {  	v21 =	vld.idx.msk [tilespmem:v23+s15+$0x0], $0xffff;
	[tilespmem:s13+$0x580] =	vst v18  }
0x26d: {  	v18 =	vld.idx.msk [tilespmem:v17+s15+$0x0], $0xffff;
	_ =	sdelay $0x3  }
0x26e: {  	[tilespmem:s2+$0x980] =	vst v21  }
0x26f: {  	v21 =	vld.idx.msk [tilespmem:v23+s16+$0x0], $0xffff;
	[tilespmem:s13+$0x980] =	vst v18  }
0x270: {  	v18 =	vld.idx.msk [tilespmem:v17+s16+$0x0], $0xffff;
	_ =	sdelay $0x3  }
0x271: {  	[tilespmem:s2+$0xD80] =	vst v21  }
0x272: {  	v21 =	vld.idx.msk [tilespmem:v23+s17+$0x0], $0xffff;
	[tilespmem:s13+$0xD80] =	vst v18  }
0x273: {  	v18 =	vld.idx.msk [tilespmem:v17+s17+$0x0], $0xffff;
	_ =	sdelay $0x3  }
0x274: {  	[tilespmem:s2+$0x1180] =	vst v21  }
0x275: {  	v21 =	vld.idx.msk [tilespmem:v23+s18+$0x0], $0xffff;
	[tilespmem:s13+$0x1180] =	vst v18  }
0x276: {  	v18 =	vld.idx.msk [tilespmem:v17+s18+$0x0], $0xffff;
	_ =	sdelay $0x3  }
0x277: {  	[tilespmem:s2+$0x1580] =	vst v21  }
0x278: {  	v21 =	vld.idx.msk [tilespmem:v23+s19+$0x0], $0xffff;
	[tilespmem:s13+$0x1580] =	vst v18  }
0x279: {  	v18 =	vld.idx.msk [tilespmem:v17+s19+$0x0], $0xffff;
	_ =	sdelay $0x3  }
0x27a: {  	[tilespmem:s2+$0x1980] =	vst v21  }
0x27b: {  	v21 =	vld.idx.msk [tilespmem:v23+s20+$0x0], $0xffff;
	[tilespmem:s13+$0x1980] =	vst v18  }
0x27c: {  	v18 =	vadd.s32 $0x4, v5;
	v17 =	vld.idx.msk [tilespmem:v17+s20+$0x0], $0xffff;
	_ =	sdelay $0x3  }
0x27d: {  	[tilespmem:s2+$0x1D80] =	vst v21  }
0x27e: {  	v21 =	vld.idx.msk [tilespmem:v18+s8+$0x0], $0xffff;
	[tilespmem:s13+$0x1D80] =	vst v17  }
0x27f: {  	v17 =	vld.idx.msk [tilespmem:v15+s8+$0x0], $0xffff;
	_ =	sdelay $0x3  }
0x280: {  	[tilespmem:s2+$0x200] =	vst v21  }
0x281: {  	v21 =	vld.idx.msk [tilespmem:v18+s14+$0x0], $0xffff;
	[tilespmem:s13+$0x200] =	vst v17  }
0x282: {  	v17 =	vld.idx.msk [tilespmem:v15+s14+$0x0], $0xffff;
	_ =	sdelay $0x3  }
0x283: {  	[tilespmem:s2+$0x600] =	vst v21  }
0x284: {  	v21 =	vld.idx.msk [tilespmem:v18+s15+$0x0], $0xffff;
	[tilespmem:s13+$0x600] =	vst v17  }
0x285: {  	v17 =	vld.idx.msk [tilespmem:v15+s15+$0x0], $0xffff;
	_ =	sdelay $0x3  }
0x286: {  	[tilespmem:s2+$0xA00] =	vst v21  }
0x287: {  	v21 =	vld.idx.msk [tilespmem:v18+s16+$0x0], $0xffff;
	[tilespmem:s13+$0xA00] =	vst v17  }
0x288: {  	v17 =	vld.idx.msk [tilespmem:v15+s16+$0x0], $0xffff;
	_ =	sdelay $0x3  }
0x289: {  	[tilespmem:s2+$0xE00] =	vst v21  }
0x28a: {  	v21 =	vld.idx.msk [tilespmem:v18+s17+$0x0], $0xffff;
	[tilespmem:s13+$0xE00] =	vst v17  }
0x28b: {  	v17 =	vld.idx.msk [tilespmem:v15+s17+$0x0], $0xffff  }
0x28c: {  	[tilespmem:s0+$0x1200] =	vst v22  }
0x28d: {  	v22 =	vld.idx.msk [tilespmem:v14+s18+$0x0], $0xffff;
	_ =	sdelay $0x1  }
0x28e: {  	[tilespmem:s2+$0x1200] =	vst v21  }
0x28f: {  	v21 =	vld.idx.msk [tilespmem:v18+s18+$0x0], $0xffff;
	[tilespmem:s13+$0x1200] =	vst v17  }
0x290: {  	v17 =	vld.idx.msk [tilespmem:v15+s18+$0x0], $0xffff  }
0x291: {  	[tilespmem:s0+$0x1600] =	vst v22  }
0x292: {  	v22 =	vld.idx.msk [tilespmem:v14+s19+$0x0], $0xffff  }
0x293: {  	[tilespmem:s31+$0x1600] =	vst v24  }
0x294: {  	v23 =	vld.idx.msk [tilespmem:v19+s19+$0x0], $0xffff;
	[tilespmem:s2+$0x1600] =	vst v21  }
0x295: {  	v21 =	vld.idx.msk [tilespmem:v18+s19+$0x0], $0xffff;
	[tilespmem:s13+$0x1600] =	vst v17  }
0x296: {  	v17 =	vld.idx.msk [tilespmem:v15+s19+$0x0], $0xffff  }
0x297: {  	[tilespmem:s0+$0x1A00] =	vst v22  }
0x298: {  	v14 =	vld.idx.msk [tilespmem:v14+s20+$0x0], $0xffff  }
0x299: {  	[tilespmem:s31+$0x1A00] =	vst v23  }
0x29a: {  	v19 =	vld.idx.msk [tilespmem:v19+s20+$0x0], $0xffff;
	[tilespmem:s2+$0x1A00] =	vst v21  }
0x29b: {  	v22 =	vadd.s32 $0x5, v4;
	v18 =	vld.idx.msk [tilespmem:v18+s20+$0x0], $0xffff;
	[tilespmem:s13+$0x1A00] =	vst v17  }
0x29c: {  	v17 =	vadd.s32 $0x5, v5;
	v15 =	vld.idx.msk [tilespmem:v15+s20+$0x0], $0xffff  }
0x29d: {  	[tilespmem:s0+$0x1E00] =	vst v14  }
0x29e: {  	v14 =	vld.idx.msk [tilespmem:v12+s8+$0x0], $0xffff  }
0x29f: {  	[tilespmem:s31+$0x1E00] =	vst v19  }
0x2a0: {  	v19 =	vld.idx.msk [tilespmem:v22+s8+$0x0], $0xffff;
	[tilespmem:s2+$0x1E00] =	vst v18  }
0x2a1: {  	v18 =	vld.idx.msk [tilespmem:v17+s8+$0x0], $0xffff;
	[tilespmem:s13+$0x1E00] =	vst v15  }
0x2a2: {  	v15 =	vld.idx.msk [tilespmem:v13+s8+$0x0], $0xffff  }
0x2a3: {  	[tilespmem:s0+$0x280] =	vst v14  }
0x2a4: {  	v14 =	vld.idx.msk [tilespmem:v12+s14+$0x0], $0xffff  }
0x2a5: {  	[tilespmem:s31+$0x280] =	vst v19  }
0x2a6: {  	v19 =	vld.idx.msk [tilespmem:v22+s14+$0x0], $0xffff;
	[tilespmem:s2+$0x280] =	vst v18  }
0x2a7: {  	v18 =	vld.idx.msk [tilespmem:v17+s14+$0x0], $0xffff;
	[tilespmem:s13+$0x280] =	vst v15  }
0x2a8: {  	v15 =	vld.idx.msk [tilespmem:v13+s14+$0x0], $0xffff  }
0x2a9: {  	[tilespmem:s0+$0x680] =	vst v14  }
0x2aa: {  	v14 =	vld.idx.msk [tilespmem:v12+s15+$0x0], $0xffff  }
0x2ab: {  	[tilespmem:s31+$0x680] =	vst v19  }
0x2ac: {  	v19 =	vld.idx.msk [tilespmem:v22+s15+$0x0], $0xffff;
	[tilespmem:s2+$0x680] =	vst v18  }
0x2ad: {  	v18 =	vld.idx.msk [tilespmem:v17+s15+$0x0], $0xffff;
	[tilespmem:s13+$0x680] =	vst v15  }
0x2ae: {  	v15 =	vld.idx.msk [tilespmem:v13+s15+$0x0], $0xffff  }
0x2af: {  	[tilespmem:s0+$0xA80] =	vst v14  }
0x2b0: {  	v14 =	vld.idx.msk [tilespmem:v12+s16+$0x0], $0xffff  }
0x2b1: {  	[tilespmem:s31+$0xA80] =	vst v19  }
0x2b2: {  	v19 =	vld.idx.msk [tilespmem:v22+s16+$0x0], $0xffff;
	[tilespmem:s2+$0xA80] =	vst v18  }
0x2b3: {  	v18 =	vld.idx.msk [tilespmem:v17+s16+$0x0], $0xffff;
	[tilespmem:s13+$0xA80] =	vst v15  }
0x2b4: {  	v15 =	vld.idx.msk [tilespmem:v13+s16+$0x0], $0xffff  }
0x2b5: {  	[tilespmem:s0+$0xE80] =	vst v14  }
0x2b6: {  	v14 =	vld.idx.msk [tilespmem:v12+s17+$0x0], $0xffff  }
0x2b7: {  	[tilespmem:s31+$0xE80] =	vst v19  }
0x2b8: {  	v19 =	vld.idx.msk [tilespmem:v22+s17+$0x0], $0xffff;
	[tilespmem:s2+$0xE80] =	vst v18  }
0x2b9: {  	v18 =	vld.idx.msk [tilespmem:v17+s17+$0x0], $0xffff;
	[tilespmem:s13+$0xE80] =	vst v15  }
0x2ba: {  	v15 =	vld.idx.msk [tilespmem:v13+s17+$0x0], $0xffff  }
0x2bb: {  	[tilespmem:s0+$0x1280] =	vst v14  }
0x2bc: {  	v14 =	vld.idx.msk [tilespmem:v12+s18+$0x0], $0xffff  }
0x2bd: {  	[tilespmem:s31+$0x1280] =	vst v19  }
0x2be: {  	v19 =	vld.idx.msk [tilespmem:v22+s18+$0x0], $0xffff;
	[tilespmem:s2+$0x1280] =	vst v18  }
0x2bf: {  	v18 =	vld.idx.msk [tilespmem:v17+s18+$0x0], $0xffff;
	[tilespmem:s13+$0x1280] =	vst v15  }
0x2c0: {  	v15 =	vld.idx.msk [tilespmem:v13+s18+$0x0], $0xffff  }
0x2c1: {  	[tilespmem:s0+$0x1680] =	vst v14  }
0x2c2: {  	v14 =	vld.idx.msk [tilespmem:v12+s19+$0x0], $0xffff  }
0x2c3: {  	[tilespmem:s31+$0x1680] =	vst v19  }
0x2c4: {  	v19 =	vld.idx.msk [tilespmem:v22+s19+$0x0], $0xffff;
	[tilespmem:s2+$0x1680] =	vst v18  }
0x2c5: {  	v18 =	vld.idx.msk [tilespmem:v17+s19+$0x0], $0xffff;
	[tilespmem:s13+$0x1680] =	vst v15  }
0x2c6: {  	v15 =	vld.idx.msk [tilespmem:v13+s19+$0x0], $0xffff  }
0x2c7: {  	[tilespmem:s0+$0x1A80] =	vst v14  }
0x2c8: {  	v12 =	vld.idx.msk [tilespmem:v12+s20+$0x0], $0xffff  }
0x2c9: {  	[tilespmem:s31+$0x1A80] =	vst v19  }
0x2ca: {  	v19 =	vld.idx.msk [tilespmem:v22+s20+$0x0], $0xffff;
	[tilespmem:s2+$0x1A80] =	vst v18  }
0x2cb: {  	v14 =	vadd.s32 $0x6, v4;
	v17 =	vld.idx.msk [tilespmem:v17+s20+$0x0], $0xffff;
	[tilespmem:s13+$0x1A80] =	vst v15  }
0x2cc: {  	v15 =	vadd.s32 $0x6, v5;
	v13 =	vld.idx.msk [tilespmem:v13+s20+$0x0], $0xffff  }
0x2cd: {  	[tilespmem:s0+$0x1E80] =	vst v12  }
0x2ce: {  	v12 =	vld.idx.msk [tilespmem:v10+s8+$0x0], $0xffff  }
0x2cf: {  	[tilespmem:s31+$0x1E80] =	vst v19  }
0x2d0: {  	v18 =	vld.idx.msk [tilespmem:v14+s8+$0x0], $0xffff;
	[tilespmem:s2+$0x1E80] =	vst v17  }
0x2d1: {  	v17 =	vld.idx.msk [tilespmem:v15+s8+$0x0], $0xffff;
	[tilespmem:s13+$0x1E80] =	vst v13  }
0x2d2: {  	v13 =	vld.idx.msk [tilespmem:v11+s8+$0x0], $0xffff  }
0x2d3: {  	[tilespmem:s0+$0x300] =	vst v12  }
0x2d4: {  	v12 =	vld.idx.msk [tilespmem:v10+s14+$0x0], $0xffff  }
0x2d5: {  	[tilespmem:s31+$0x300] =	vst v18  }
0x2d6: {  	v18 =	vld.idx.msk [tilespmem:v14+s14+$0x0], $0xffff;
	[tilespmem:s2+$0x300] =	vst v17  }
0x2d7: {  	v17 =	vld.idx.msk [tilespmem:v15+s14+$0x0], $0xffff;
	[tilespmem:s13+$0x300] =	vst v13  }
0x2d8: {  	v13 =	vld.idx.msk [tilespmem:v11+s14+$0x0], $0xffff  }
0x2d9: {  	[tilespmem:s0+$0x700] =	vst v12  }
0x2da: {  	v12 =	vld.idx.msk [tilespmem:v10+s15+$0x0], $0xffff  }
0x2db: {  	[tilespmem:s31+$0x700] =	vst v18  }
0x2dc: {  	v18 =	vld.idx.msk [tilespmem:v14+s15+$0x0], $0xffff;
	[tilespmem:s2+$0x700] =	vst v17  }
0x2dd: {  	v17 =	vld.idx.msk [tilespmem:v15+s15+$0x0], $0xffff;
	[tilespmem:s13+$0x700] =	vst v13  }
0x2de: {  	v13 =	vld.idx.msk [tilespmem:v11+s15+$0x0], $0xffff  }
0x2df: {  	[tilespmem:s0+$0xB00] =	vst v12  }
0x2e0: {  	v12 =	vld.idx.msk [tilespmem:v10+s16+$0x0], $0xffff  }
0x2e1: {  	[tilespmem:s31+$0xB00] =	vst v18  }
0x2e2: {  	v18 =	vld.idx.msk [tilespmem:v14+s16+$0x0], $0xffff;
	[tilespmem:s2+$0xB00] =	vst v17  }
0x2e3: {  	v17 =	vld.idx.msk [tilespmem:v15+s16+$0x0], $0xffff;
	[tilespmem:s13+$0xB00] =	vst v13  }
0x2e4: {  	v13 =	vld.idx.msk [tilespmem:v11+s16+$0x0], $0xffff  }
0x2e5: {  	[tilespmem:s0+$0xF00] =	vst v12  }
0x2e6: {  	v12 =	vld.idx.msk [tilespmem:v10+s17+$0x0], $0xffff  }
0x2e7: {  	[tilespmem:s31+$0xF00] =	vst v18  }
0x2e8: {  	v18 =	vld.idx.msk [tilespmem:v14+s17+$0x0], $0xffff;
	[tilespmem:s2+$0xF00] =	vst v17  }
0x2e9: {  	v17 =	vld.idx.msk [tilespmem:v15+s17+$0x0], $0xffff;
	[tilespmem:s13+$0xF00] =	vst v13  }
0x2ea: {  	v13 =	vld.idx.msk [tilespmem:v11+s17+$0x0], $0xffff  }
0x2eb: {  	[tilespmem:s0+$0x1300] =	vst v12  }
0x2ec: {  	v12 =	vld.idx.msk [tilespmem:v10+s18+$0x0], $0xffff  }
0x2ed: {  	[tilespmem:s31+$0x1300] =	vst v18  }
0x2ee: {  	v18 =	vld.idx.msk [tilespmem:v14+s18+$0x0], $0xffff;
	[tilespmem:s2+$0x1300] =	vst v17  }
0x2ef: {  	v17 =	vld.idx.msk [tilespmem:v15+s18+$0x0], $0xffff;
	[tilespmem:s13+$0x1300] =	vst v13  }
0x2f0: {  	v13 =	vld.idx.msk [tilespmem:v11+s18+$0x0], $0xffff  }
0x2f1: {  	[tilespmem:s0+$0x1700] =	vst v12  }
0x2f2: {  	v12 =	vld.idx.msk [tilespmem:v10+s19+$0x0], $0xffff  }
0x2f3: {  	v19 =	vld.idx.msk [tilespmem:v9+s19+$0x0], $0xffff;
	[tilespmem:s31+$0x1700] =	vst v18  }
0x2f4: {  	v18 =	vld.idx.msk [tilespmem:v14+s19+$0x0], $0xffff;
	[tilespmem:s2+$0x1700] =	vst v17  }
0x2f5: {  	v17 =	vld.idx.msk [tilespmem:v15+s19+$0x0], $0xffff;
	[tilespmem:s13+$0x1700] =	vst v13  }
0x2f6: {  	[tilespmem:s28+$0x1F80] =	vst v16;
	v13 =	vld.idx.msk [tilespmem:v11+s19+$0x0], $0xffff  }
0x2f7: {  	[tilespmem:s0+$0x1B00] =	vst v12  }
0x2f8: {  	v3 =	vadd.s32 $0x7, v3;
	v10 =	vld.idx.msk [tilespmem:v10+s20+$0x0], $0xffff;
	[tilespmem:s30+$0x1B00] =	vst v19  }
0x2f9: {  	v9 =	vld.idx.msk [tilespmem:v9+s20+$0x0], $0xffff;
	[tilespmem:s31+$0x1B00] =	vst v18  }
0x2fa: {  	v14 =	vld.idx.msk [tilespmem:v14+s20+$0x0], $0xffff;
	[tilespmem:s2+$0x1B00] =	vst v17  }
0x2fb: {  	v4 =	vadd.s32 $0x7, v4;
	v12 =	vld.idx.msk [tilespmem:v15+s20+$0x0], $0xffff;
	[tilespmem:s13+$0x1B00] =	vst v13  }
0x2fc: {  	[tilespmem:s29+$0x1F00] =	vst v20;
	v5 =	vadd.s32 $0x7, v5;
	v11 =	vld.idx.msk [tilespmem:v11+s20+$0x0], $0xffff  }
0x2fd: {  	[tilespmem:s0+$0x1F00] =	vst v10;
	v13 =	vld.idx.msk [tilespmem:v3+s8+$0x0], $0xffff  }
0x2fe: {  	v10 =	vld.idx.msk [tilespmem:v7+s8+$0x0], $0xffff;
	[tilespmem:s30+$0x1F00] =	vst v9  }
0x2ff: {  	v9 =	vld.idx.msk [tilespmem:v6+s8+$0x0], $0xffff;
	[tilespmem:s31+$0x1F00] =	vst v14  }
0x300: {  	v14 =	vld.idx.msk [tilespmem:v4+s8+$0x0], $0xffff;
	[tilespmem:s2+$0x1F00] =	vst v12  }
0x301: {  	v12 =	vld.idx.msk [tilespmem:v5+s8+$0x0], $0xffff;
	[tilespmem:s13+$0x1F00] =	vst v11  }
0x302: {  	[tilespmem:s29+$0x380] =	vst v13;
	v11 =	vld.idx.msk [tilespmem:v8+s8+$0x0], $0xffff  }
0x303: {  	[tilespmem:s0+$0x380] =	vst v10;
	v13 =	vld.idx.msk [tilespmem:v3+s14+$0x0], $0xffff  }
0x304: {  	v10 =	vld.idx.msk [tilespmem:v7+s14+$0x0], $0xffff;
	[tilespmem:s30+$0x380] =	vst v9  }
0x305: {  	v9 =	vld.idx.msk [tilespmem:v6+s14+$0x0], $0xffff;
	[tilespmem:s31+$0x380] =	vst v14  }
0x306: {  	v14 =	vld.idx.msk [tilespmem:v4+s14+$0x0], $0xffff;
	[tilespmem:s2+$0x380] =	vst v12  }
0x307: {  	v12 =	vld.idx.msk [tilespmem:v5+s14+$0x0], $0xffff;
	[tilespmem:s13+$0x380] =	vst v11  }
0x308: {  	[tilespmem:s29+$0x780] =	vst v13;
	v11 =	vld.idx.msk [tilespmem:v8+s14+$0x0], $0xffff  }
0x309: {  	[tilespmem:s0+$0x780] =	vst v10;
	v13 =	vld.idx.msk [tilespmem:v3+s15+$0x0], $0xffff  }
0x30a: {  	v10 =	vld.idx.msk [tilespmem:v7+s15+$0x0], $0xffff;
	[tilespmem:s30+$0x780] =	vst v9  }
0x30b: {  	v9 =	vld.idx.msk [tilespmem:v6+s15+$0x0], $0xffff;
	[tilespmem:s31+$0x780] =	vst v14  }
0x30c: {  	v14 =	vld.idx.msk [tilespmem:v4+s15+$0x0], $0xffff;
	[tilespmem:s2+$0x780] =	vst v12  }
0x30d: {  	v12 =	vld.idx.msk [tilespmem:v5+s15+$0x0], $0xffff;
	[tilespmem:s13+$0x780] =	vst v11  }
0x30e: {  	[tilespmem:s29+$0xB80] =	vst v13;
	v11 =	vld.idx.msk [tilespmem:v8+s15+$0x0], $0xffff  }
0x30f: {  	[tilespmem:s0+$0xB80] =	vst v10;
	v13 =	vld.idx.msk [tilespmem:v3+s16+$0x0], $0xffff  }
0x310: {  	v10 =	vld.idx.msk [tilespmem:v7+s16+$0x0], $0xffff;
	[tilespmem:s30+$0xB80] =	vst v9  }
0x311: {  	v9 =	vld.idx.msk [tilespmem:v6+s16+$0x0], $0xffff;
	[tilespmem:s31+$0xB80] =	vst v14  }
0x312: {  	v14 =	vld.idx.msk [tilespmem:v4+s16+$0x0], $0xffff;
	[tilespmem:s2+$0xB80] =	vst v12  }
0x313: {  	v12 =	vld.idx.msk [tilespmem:v5+s16+$0x0], $0xffff;
	[tilespmem:s13+$0xB80] =	vst v11  }
0x314: {  	[tilespmem:s29+$0xF80] =	vst v13;
	v11 =	vld.idx.msk [tilespmem:v8+s16+$0x0], $0xffff  }
0x315: {  	[tilespmem:s0+$0xF80] =	vst v10;
	v13 =	vld.idx.msk [tilespmem:v3+s17+$0x0], $0xffff  }
0x316: {  	v10 =	vld.idx.msk [tilespmem:v7+s17+$0x0], $0xffff;
	[tilespmem:s30+$0xF80] =	vst v9  }
0x317: {  	v9 =	vld.idx.msk [tilespmem:v6+s17+$0x0], $0xffff;
	[tilespmem:s31+$0xF80] =	vst v14  }
0x318: {  	v14 =	vld.idx.msk [tilespmem:v4+s17+$0x0], $0xffff;
	[tilespmem:s2+$0xF80] =	vst v12  }
0x319: {  	v12 =	vld.idx.msk [tilespmem:v5+s17+$0x0], $0xffff;
	[tilespmem:s13+$0xF80] =	vst v11  }
0x31a: {  	[tilespmem:s29+$0x1380] =	vst v13;
	v11 =	vld.idx.msk [tilespmem:v8+s17+$0x0], $0xffff  }
0x31b: {  	[tilespmem:s0+$0x1380] =	vst v10;
	v13 =	vld.idx.msk [tilespmem:v3+s18+$0x0], $0xffff  }
0x31c: {  	v10 =	vld.idx.msk [tilespmem:v7+s18+$0x0], $0xffff;
	[tilespmem:s30+$0x1380] =	vst v9  }
0x31d: {  	v9 =	vld.idx.msk [tilespmem:v6+s18+$0x0], $0xffff;
	[tilespmem:s31+$0x1380] =	vst v14  }
0x31e: {  	v14 =	vld.idx.msk [tilespmem:v4+s18+$0x0], $0xffff;
	[tilespmem:s2+$0x1380] =	vst v12  }
0x31f: {  	v12 =	vld.idx.msk [tilespmem:v5+s18+$0x0], $0xffff;
	[tilespmem:s13+$0x1380] =	vst v11  }
0x320: {  	[tilespmem:s29+$0x1780] =	vst v13;
	v11 =	vld.idx.msk [tilespmem:v8+s18+$0x0], $0xffff  }
0x321: {  	[tilespmem:s0+$0x1780] =	vst v10;
	v13 =	vld.idx.msk [tilespmem:v3+s19+$0x0], $0xffff  }
0x322: {  	v10 =	vld.idx.msk [tilespmem:v7+s19+$0x0], $0xffff;
	[tilespmem:s30+$0x1780] =	vst v9  }
0x323: {  	v9 =	vld.idx.msk [tilespmem:v6+s19+$0x0], $0xffff;
	[tilespmem:s31+$0x1780] =	vst v14  }
0x324: {  	v14 =	vld.idx.msk [tilespmem:v4+s19+$0x0], $0xffff;
	[tilespmem:s2+$0x1780] =	vst v12  }
0x325: {  	v12 =	vld.idx.msk [tilespmem:v5+s19+$0x0], $0xffff;
	[tilespmem:s13+$0x1780] =	vst v11  }
0x326: {  	[tilespmem:s29+$0x1B80] =	vst v13;
	v11 =	vld.idx.msk [tilespmem:v8+s19+$0x0], $0xffff  }
0x327: {  	[tilespmem:s0+$0x1B80] =	vst v10;
	v3 =	vld.idx.msk [tilespmem:v3+s20+$0x0], $0xffff  }
0x328: {  	v7 =	vld.idx.msk [tilespmem:v7+s20+$0x0], $0xffff;
	[tilespmem:s30+$0x1B80] =	vst v9  }
0x329: {  	v6 =	vld.idx.msk [tilespmem:v6+s20+$0x0], $0xffff;
	[tilespmem:s31+$0x1B80] =	vst v14  }
0x32a: {  	v4 =	vld.idx.msk [tilespmem:v4+s20+$0x0], $0xffff;
	[tilespmem:s2+$0x1B80] =	vst v12  }
0x32b: {  	v5 =	vld.idx.msk [tilespmem:v5+s20+$0x0], $0xffff;
	[tilespmem:s13+$0x1B80] =	vst v11  }
0x32c: {  	[tilespmem:s29+$0x1F80] =	vst v3;
	v3 =	vld.idx.msk [tilespmem:v8+s20+$0x0], $0xffff  }
0x32d: {  	s1 =	smul.u32 $0x280000, s26;
	[tilespmem:s0+$0x1F80] =	vst v7  }
0x32e: {  	[tilespmem:s30+$0x1F80] =	vst v6  }
0x32f: {  	s4 =	sor.u32 s5, s1;
	[tilespmem:s31+$0x1F80] =	vst v4  }
0x330: {  	s28 =	sshllo.u32 s26, $0x1;
	s0 =	sshrl.u32 s4, $0x3;
	[tilespmem:s2+$0x1F80] =	vst v5  }
0x331: {  	s0 =	sadd.s32 s3, s0;
	s2 =	smul.u32 $0x5, s28;
	[tilespmem:s13+$0x1F80] =	vst v3  }
0x332: {  	[hbm4b:s0+s10] =	stream.strided.scatter [tilespmem:s21], [sflag:$0x1], $0xA000, s11, s10, $0x38;
	[tilespmem:$0x17580] =	vst v63  }
0x333: {  	s6 =	simm.s32 $0x0;
	s4 =	sadd.s32 $0x0, s2;
	s0 =	simm.s32 @!p0 $0x2  }
0x334: {  	s1 =	sand.u32 $0x60, s6;
	s4 =	sshll.u32 s4, $0x7;
	_ =	swait.ge @!p0 [sflag:s0], $0xA000  }
0x335: {  	s6 =	sor.u32 $0x10, s1;
	s4 =	sand.u32 $0x3FFFFF80, s4;
	[sflag:s0] =	ssyncset.done @!p0 $0x0  }
0x336: {  	s7 =	sor.u32 s6, s4;
	[sflag:s0] =	ssyncadd.s32 @!p0 $0xFFFF6000  }
0x337: {  	v3 =	vld [tilespmem:s7+$0x0];
	_ =	sdelay $0x2  }
0x338: {  	s9 =	sor.u32 s1, s4  }
0x339: {  	v4 =	vld [tilespmem:s9+$0x0]  }
0x33a: {  	v5 =	vadd.s32 $0xFFFFFFFA, v3;
	v6 =	vshll.u32 v3, $0x6  }
0x33b: {  	vm0 =	vlt.u32 v5, $0x4;
	v5 =	vadd.s32 v1, v6  }
0x33c: {  	vm1 =	veq.s32 v3, $0x1;
	v3 =	vsel vm0, v5, v2  }
0x33d: {  	v8 =	vsel vm1, v0, v3  }
0x33e: {  	v5 =	vshll.u32 v4, $0x6;
	v3 =	vadd.s32 $0xFFFFFFFA, v4  }
0x33f: {  	vm14 =	vlt.u32 v3, $0x4;
	v3 =	vadd.s32 v1, v5  }
0x340: {  	vm15 =	veq.s32 v4, $0x1;
	v3 =	vsel vm14, v3, v2  }
0x341: {  	v6 =	vsel vm15, v0, v3  }
0x342: {  	v3 =	vld.idx.msk [tilespmem:v8+s8+$0x0], $0xffff  }
0x343: {  	s12 =	simm.s32 $0x0  }
0x344: {  	s0 =	sand.u32 $0x3FFFE000, s12  }
0x345: {  	s0 =	sadd.s32 $0xD580, s0  }
0x346: {  	s6 =	sor.u32 s6, s0;
	v4 =	vld.idx.msk [tilespmem:v6+s8+$0x0], $0xffff  }
0x347: {  	[tilespmem:s6+$0x0] =	vst v3  }
0x348: {  	v3 =	vld.idx.msk [tilespmem:v8+s14+$0x0], $0xffff;
	_ =	sdelay $0x1  }
0x349: {  	s29 =	sor.u32 s1, s0  }
0x34a: {  	[tilespmem:s29+$0x0] =	vst v4  }
0x34b: {  	v4 =	vld.idx.msk [tilespmem:v6+s14+$0x0], $0xffff  }
0x34c: {  	[tilespmem:s6+$0x400] =	vst v3  }
0x34d: {  	v3 =	vld.idx.msk [tilespmem:v8+s15+$0x0], $0xffff;
	_ =	sdelay $0x2  }
0x34e: {  	[tilespmem:s29+$0x400] =	vst v4  }
0x34f: {  	v4 =	vld.idx.msk [tilespmem:v6+s15+$0x0], $0xffff  }
0x350: {  	[tilespmem:s6+$0x800] =	vst v3  }
0x351: {  	v3 =	vld.idx.msk [tilespmem:v8+s16+$0x0], $0xffff;
	_ =	sdelay $0x2  }
0x352: {  	[tilespmem:s29+$0x800] =	vst v4  }
0x353: {  	v4 =	vld.idx.msk [tilespmem:v6+s16+$0x0], $0xffff  }
0x354: {  	[tilespmem:s6+$0xC00] =	vst v3  }
0x355: {  	v3 =	vld.idx.msk [tilespmem:v8+s17+$0x0], $0xffff;
	_ =	sdelay $0x2  }
0x356: {  	[tilespmem:s29+$0xC00] =	vst v4  }
0x357: {  	v4 =	vld.idx.msk [tilespmem:v6+s17+$0x0], $0xffff  }
0x358: {  	[tilespmem:s6+$0x1000] =	vst v3  }
0x359: {  	v3 =	vld.idx.msk [tilespmem:v8+s18+$0x0], $0xffff;
	_ =	sdelay $0x2  }
0x35a: {  	[tilespmem:s29+$0x1000] =	vst v4  }
0x35b: {  	v4 =	vld.idx.msk [tilespmem:v6+s18+$0x0], $0xffff  }
0x35c: {  	[tilespmem:s6+$0x1400] =	vst v3  }
0x35d: {  	v3 =	vld.idx.msk [tilespmem:v8+s19+$0x0], $0xffff;
	_ =	sdelay $0x2  }
0x35e: {  	[tilespmem:s29+$0x1400] =	vst v4  }
0x35f: {  	v4 =	vld.idx.msk [tilespmem:v6+s19+$0x0], $0xffff  }
0x360: {  	[tilespmem:s6+$0x1800] =	vst v3  }
0x361: {  	v3 =	vld.idx.msk [tilespmem:v8+s20+$0x0], $0xffff  }
0x362: {  	v5 =	vadd.s32 $0x1, v8;
	_ =	sdelay $0x1  }
0x363: {  	[tilespmem:s29+$0x1800] =	vst v4  }
0x364: {  	v4 =	vld.idx.msk [tilespmem:v6+s20+$0x0], $0xffff  }
0x365: {  	[tilespmem:s6+$0x1C00] =	vst v3;
	v3 =	vadd.s32 $0x1, v6  }
0x366: {  	v7 =	vld.idx.msk [tilespmem:v5+s8+$0x0], $0xffff;
	_ =	sdelay $0x2  }
0x367: {  	[tilespmem:s29+$0x1C00] =	vst v4  }
0x368: {  	v4 =	vld.idx.msk [tilespmem:v3+s8+$0x0], $0xffff  }
0x369: {  	[tilespmem:s6+$0x80] =	vst v7  }
0x36a: {  	v7 =	vld.idx.msk [tilespmem:v5+s14+$0x0], $0xffff;
	_ =	sdelay $0x2  }
0x36b: {  	[tilespmem:s29+$0x80] =	vst v4  }
0x36c: {  	v4 =	vld.idx.msk [tilespmem:v3+s14+$0x0], $0xffff  }
0x36d: {  	[tilespmem:s6+$0x480] =	vst v7  }
0x36e: {  	v7 =	vld.idx.msk [tilespmem:v5+s15+$0x0], $0xffff;
	_ =	sdelay $0x2  }
0x36f: {  	[tilespmem:s29+$0x480] =	vst v4  }
0x370: {  	v4 =	vld.idx.msk [tilespmem:v3+s15+$0x0], $0xffff  }
0x371: {  	[tilespmem:s6+$0x880] =	vst v7  }
0x372: {  	v7 =	vld.idx.msk [tilespmem:v5+s16+$0x0], $0xffff;
	_ =	sdelay $0x2  }
0x373: {  	[tilespmem:s29+$0x880] =	vst v4  }
0x374: {  	v4 =	vld.idx.msk [tilespmem:v3+s16+$0x0], $0xffff  }
0x375: {  	[tilespmem:s6+$0xC80] =	vst v7  }
0x376: {  	v7 =	vld.idx.msk [tilespmem:v5+s17+$0x0], $0xffff;
	_ =	sdelay $0x2  }
0x377: {  	[tilespmem:s29+$0xC80] =	vst v4  }
0x378: {  	v4 =	vld.idx.msk [tilespmem:v3+s17+$0x0], $0xffff  }
0x379: {  	[tilespmem:s6+$0x1080] =	vst v7  }
0x37a: {  	v7 =	vld.idx.msk [tilespmem:v5+s18+$0x0], $0xffff;
	_ =	sdelay $0x2  }
0x37b: {  	[tilespmem:s29+$0x1080] =	vst v4  }
0x37c: {  	v4 =	vld.idx.msk [tilespmem:v3+s18+$0x0], $0xffff  }
0x37d: {  	[tilespmem:s6+$0x1480] =	vst v7  }
0x37e: {  	v7 =	vld.idx.msk [tilespmem:v5+s19+$0x0], $0xffff;
	_ =	sdelay $0x2  }
0x37f: {  	[tilespmem:s29+$0x1480] =	vst v4  }
0x380: {  	v4 =	vld.idx.msk [tilespmem:v3+s19+$0x0], $0xffff  }
0x381: {  	[tilespmem:s6+$0x1880] =	vst v7  }
0x382: {  	v5 =	vld.idx.msk [tilespmem:v5+s20+$0x0], $0xffff  }
0x383: {  	v9 =	vadd.s32 $0x2, v8;
	_ =	sdelay $0x1  }
0x384: {  	[tilespmem:s29+$0x1880] =	vst v4  }
0x385: {  	v3 =	vld.idx.msk [tilespmem:v3+s20+$0x0], $0xffff  }
0x386: {  	s23 =	simm.s32 $0x20;
	s13 =	sadd.s32 $0x0, s2;
	[tilespmem:s6+$0x1C80] =	vst v5  }
0x387: {  	s1 =	sand.u32 $0x60, s23;
	s0 =	sshll.u32 s13, $0x7;
	v4 =	vadd.s32 $0x2, v6;
	v5 =	vld.idx.msk [tilespmem:v9+s8+$0x0], $0xffff  }
0x388: {  	s0 =	sand.u32 $0x3FFFFF80, s0;
	s24 =	sor.u32 $0x10, s1  }
0x389: {  	s7 =	sor.u32 s24, s0  }
0x38a: {  	s0 =	sor.u32 s1, s0;
	[tilespmem:s29+$0x1C80] =	vst v3;
	v3 =	vld [tilespmem:s7+$0x0]  }
0x38b: {  	v10 =	vld [tilespmem:s0+$0x0]  }
0x38c: {  	v7 =	vld.idx.msk [tilespmem:v4+s8+$0x0], $0xffff;
	[tilespmem:s6+$0x100] =	vst v5  }
0x38d: {  	v5 =	vld.idx.msk [tilespmem:v9+s14+$0x0], $0xffff;
	_ =	sdelay $0x1  }
0x38e: {  	v11 =	vadd.s32 $0xFFFFFFFA, v3;
	v12 =	vshll.u32 v3, $0x6  }
0x38f: {  	vm4 =	vlt.u32 v11, $0x4;
	v11 =	vadd.s32 v1, v12  }
0x390: {  	vm5 =	veq.s32 v3, $0x1;
	[tilespmem:s29+$0x100] =	vst v7;
	v3 =	vsel vm4, v11, v2  }
0x391: {  	v7 =	vadd.s32 $0xFFFFFFFA, v10;
	v12 =	vshll.u32 v10, $0x6;
	v11 =	vld.idx.msk [tilespmem:v4+s14+$0x0], $0xffff;
	v3 =	vsel vm5, v0, v3;
	[tilespmem:s6+$0x500] =	vst v5  }
0x392: {  	vm6 =	vlt.u32 v7, $0x4;
	v5 =	vadd.s32 v1, v12;
	v12 =	vld.idx.msk [tilespmem:v9+s15+$0x0], $0xffff  }
0x393: {  	vm7 =	veq.s32 v10, $0x1;
	v5 =	vsel vm6, v5, v2  }
0x394: {  	v7 =	vsel vm7, v0, v5;
	_ =	sdelay $0x1  }
0x395: {  	[tilespmem:s29+$0x500] =	vst v11;
	v5 =	vld.idx.msk [tilespmem:v3+s8+$0x0], $0xffff  }
0x396: {  	s9 =	simm.s32 $0x800;
	v10 =	vld.idx.msk [tilespmem:v4+s15+$0x0], $0xffff;
	[tilespmem:s6+$0x900] =	vst v12  }
0x397: {  	s0 =	sand.u32 $0x3FFFE000, s9;
	v11 =	vld.idx.msk [tilespmem:v9+s16+$0x0], $0xffff  }
0x398: {  	s0 =	sadd.s32 $0xD580, s0;
	v12 =	vld.idx.msk [tilespmem:v7+s8+$0x0], $0xffff  }
0x399: {  	s30 =	sor.u32 s24, s0  }
0x39a: {  	[tilespmem:s30+$0x0] =	vst v5  }
0x39b: {  	[tilespmem:s29+$0x900] =	vst v10;
	v5 =	vld.idx.msk [tilespmem:v3+s14+$0x0], $0xffff  }
0x39c: {  	s31 =	sor.u32 s1, s0;
	v10 =	vld.idx.msk [tilespmem:v4+s16+$0x0], $0xffff;
	[tilespmem:s6+$0xD00] =	vst v11  }
0x39d: {  	[tilespmem:s31+$0x0] =	vst v12;
	v11 =	vld.idx.msk [tilespmem:v9+s17+$0x0], $0xffff  }
0x39e: {  	v12 =	vld.idx.msk [tilespmem:v7+s14+$0x0], $0xffff;
	_ =	sdelay $0x1  }
0x39f: {  	[tilespmem:s30+$0x400] =	vst v5  }
0x3a0: {  	[tilespmem:s29+$0xD00] =	vst v10;
	v5 =	vld.idx.msk [tilespmem:v3+s15+$0x0], $0xffff  }
0x3a1: {  	v10 =	vld.idx.msk [tilespmem:v4+s17+$0x0], $0xffff;
	[tilespmem:s6+$0x1100] =	vst v11  }
0x3a2: {  	[tilespmem:s31+$0x400] =	vst v12;
	v11 =	vld.idx.msk [tilespmem:v9+s18+$0x0], $0xffff  }
0x3a3: {  	v12 =	vld.idx.msk [tilespmem:v7+s15+$0x0], $0xffff;
	_ =	sdelay $0x1  }
0x3a4: {  	[tilespmem:s30+$0x800] =	vst v5  }
0x3a5: {  	[tilespmem:s29+$0x1100] =	vst v10;
	v5 =	vld.idx.msk [tilespmem:v3+s16+$0x0], $0xffff  }
0x3a6: {  	v10 =	vld.idx.msk [tilespmem:v4+s18+$0x0], $0xffff;
	[tilespmem:s6+$0x1500] =	vst v11  }
0x3a7: {  	[tilespmem:s31+$0x800] =	vst v12;
	v11 =	vld.idx.msk [tilespmem:v9+s19+$0x0], $0xffff  }
0x3a8: {  	v12 =	vld.idx.msk [tilespmem:v7+s16+$0x0], $0xffff;
	_ =	sdelay $0x1  }
0x3a9: {  	[tilespmem:s30+$0xC00] =	vst v5  }
0x3aa: {  	[tilespmem:s29+$0x1500] =	vst v10;
	v5 =	vld.idx.msk [tilespmem:v3+s17+$0x0], $0xffff  }
0x3ab: {  	v10 =	vld.idx.msk [tilespmem:v4+s19+$0x0], $0xffff;
	[tilespmem:s6+$0x1900] =	vst v11  }
0x3ac: {  	[tilespmem:s31+$0xC00] =	vst v12;
	v9 =	vld.idx.msk [tilespmem:v9+s20+$0x0], $0xffff  }
0x3ad: {  	v12 =	vadd.s32 $0x3, v8;
	v11 =	vld.idx.msk [tilespmem:v7+s17+$0x0], $0xffff;
	_ =	sdelay $0x1  }
0x3ae: {  	[tilespmem:s30+$0x1000] =	vst v5  }
0x3af: {  	[tilespmem:s29+$0x1900] =	vst v10;
	v5 =	vld.idx.msk [tilespmem:v3+s18+$0x0], $0xffff  }
0x3b0: {  	v4 =	vld.idx.msk [tilespmem:v4+s20+$0x0], $0xffff;
	[tilespmem:s6+$0x1D00] =	vst v9  }
0x3b1: {  	v9 =	vadd.s32 $0x3, v6;
	[tilespmem:s31+$0x1000] =	vst v11;
	v10 =	vld.idx.msk [tilespmem:v12+s8+$0x0], $0xffff  }
0x3b2: {  	v11 =	vld.idx.msk [tilespmem:v7+s18+$0x0], $0xffff;
	_ =	sdelay $0x1  }
0x3b3: {  	[tilespmem:s30+$0x1400] =	vst v5  }
0x3b4: {  	[tilespmem:s29+$0x1D00] =	vst v4;
	v5 =	vld.idx.msk [tilespmem:v3+s19+$0x0], $0xffff  }
0x3b5: {  	v4 =	vld.idx.msk [tilespmem:v9+s8+$0x0], $0xffff;
	[tilespmem:s6+$0x180] =	vst v10  }
0x3b6: {  	[tilespmem:s31+$0x1400] =	vst v11;
	v10 =	vld.idx.msk [tilespmem:v12+s14+$0x0], $0xffff  }
0x3b7: {  	v11 =	vld.idx.msk [tilespmem:v7+s19+$0x0], $0xffff;
	_ =	sdelay $0x1  }
0x3b8: {  	[tilespmem:s30+$0x1800] =	vst v5  }
0x3b9: {  	[tilespmem:s29+$0x180] =	vst v4;
	v5 =	vld.idx.msk [tilespmem:v3+s20+$0x0], $0xffff  }
0x3ba: {  	v13 =	vadd.s32 $0x1, v3;
	v4 =	vld.idx.msk [tilespmem:v9+s14+$0x0], $0xffff;
	[tilespmem:s6+$0x580] =	vst v10  }
0x3bb: {  	[tilespmem:s31+$0x1800] =	vst v11;
	v10 =	vld.idx.msk [tilespmem:v12+s15+$0x0], $0xffff  }
0x3bc: {  	v11 =	vld.idx.msk [tilespmem:v7+s20+$0x0], $0xffff  }
0x3bd: {  	v14 =	vadd.s32 $0x1, v7  }
0x3be: {  	[tilespmem:s30+$0x1C00] =	vst v5  }
0x3bf: {  	[tilespmem:s29+$0x580] =	vst v4;
	v5 =	vld.idx.msk [tilespmem:v13+s8+$0x0], $0xffff  }
0x3c0: {  	v4 =	vld.idx.msk [tilespmem:v9+s15+$0x0], $0xffff;
	[tilespmem:s6+$0x980] =	vst v10  }
0x3c1: {  	[tilespmem:s31+$0x1C00] =	vst v11;
	v10 =	vld.idx.msk [tilespmem:v12+s16+$0x0], $0xffff  }
0x3c2: {  	v11 =	vld.idx.msk [tilespmem:v14+s8+$0x0], $0xffff;
	_ =	sdelay $0x1  }
0x3c3: {  	[tilespmem:s30+$0x80] =	vst v5  }
0x3c4: {  	[tilespmem:s29+$0x980] =	vst v4;
	v5 =	vld.idx.msk [tilespmem:v13+s14+$0x0], $0xffff  }
0x3c5: {  	v4 =	vld.idx.msk [tilespmem:v9+s16+$0x0], $0xffff;
	[tilespmem:s6+$0xD80] =	vst v10  }
0x3c6: {  	[tilespmem:s31+$0x80] =	vst v11;
	v10 =	vld.idx.msk [tilespmem:v12+s17+$0x0], $0xffff  }
0x3c7: {  	v11 =	vld.idx.msk [tilespmem:v14+s14+$0x0], $0xffff;
	_ =	sdelay $0x1  }
0x3c8: {  	[tilespmem:s30+$0x480] =	vst v5  }
0x3c9: {  	[tilespmem:s29+$0xD80] =	vst v4;
	v5 =	vld.idx.msk [tilespmem:v13+s15+$0x0], $0xffff  }
0x3ca: {  	v4 =	vld.idx.msk [tilespmem:v9+s17+$0x0], $0xffff;
	[tilespmem:s6+$0x1180] =	vst v10  }
0x3cb: {  	[tilespmem:s31+$0x480] =	vst v11;
	v10 =	vld.idx.msk [tilespmem:v12+s18+$0x0], $0xffff  }
0x3cc: {  	v11 =	vld.idx.msk [tilespmem:v14+s15+$0x0], $0xffff;
	_ =	sdelay $0x1  }
0x3cd: {  	[tilespmem:s30+$0x880] =	vst v5  }
0x3ce: {  	[tilespmem:s29+$0x1180] =	vst v4;
	v4 =	vld.idx.msk [tilespmem:v13+s16+$0x0], $0xffff  }
0x3cf: {  	v5 =	vld.idx.msk [tilespmem:v9+s18+$0x0], $0xffff;
	[tilespmem:s6+$0x1580] =	vst v10  }
0x3d0: {  	[tilespmem:s31+$0x880] =	vst v11  }
0x3d1: {  	v10 =	vld.idx.msk [tilespmem:v12+s19+$0x0], $0xffff;
	_ =	sdelay $0x1  }
0x3d2: {  	v11 =	vld.idx.msk [tilespmem:v14+s16+$0x0], $0xffff;
	[tilespmem:s30+$0xC80] =	vst v4  }
0x3d3: {  	[tilespmem:s29+$0x1580] =	vst v5;
	v4 =	vld.idx.msk [tilespmem:v13+s17+$0x0], $0xffff  }
0x3d4: {  	v5 =	vld.idx.msk [tilespmem:v9+s19+$0x0], $0xffff  }
0x3d5: {  	[tilespmem:s6+$0x1980] =	vst v10  }
0x3d6: {  	v10 =	vld.idx.msk [tilespmem:v12+s20+$0x0], $0xffff  }
0x3d7: {  	v15 =	vadd.s32 $0x4, v8;
	[tilespmem:s31+$0xC80] =	vst v11  }
0x3d8: {  	v11 =	vld.idx.msk [tilespmem:v14+s17+$0x0], $0xffff;
	[tilespmem:s30+$0x1080] =	vst v4  }
0x3d9: {  	[tilespmem:s29+$0x1980] =	vst v5;
	v4 =	vld.idx.msk [tilespmem:v13+s18+$0x0], $0xffff  }
0x3da: {  	v5 =	vld.idx.msk [tilespmem:v9+s20+$0x0], $0xffff  }
0x3db: {  	v9 =	vadd.s32 $0x4, v6;
	[tilespmem:s6+$0x1D80] =	vst v10  }
0x3dc: {  	v10 =	vld.idx.msk [tilespmem:v15+s8+$0x0], $0xffff  }
0x3dd: {  	[tilespmem:s31+$0x1080] =	vst v11  }
0x3de: {  	v11 =	vld.idx.msk [tilespmem:v14+s18+$0x0], $0xffff;
	[tilespmem:s30+$0x1480] =	vst v4  }
0x3df: {  	[tilespmem:s29+$0x1D80] =	vst v5;
	v4 =	vld.idx.msk [tilespmem:v13+s19+$0x0], $0xffff  }
0x3e0: {  	v5 =	vld.idx.msk [tilespmem:v9+s8+$0x0], $0xffff  }
0x3e1: {  	[tilespmem:s6+$0x200] =	vst v10  }
0x3e2: {  	v10 =	vld.idx.msk [tilespmem:v15+s14+$0x0], $0xffff  }
0x3e3: {  	[tilespmem:s31+$0x1480] =	vst v11  }
0x3e4: {  	v11 =	vld.idx.msk [tilespmem:v14+s19+$0x0], $0xffff;
	[tilespmem:s30+$0x1880] =	vst v4  }
0x3e5: {  	[tilespmem:s29+$0x200] =	vst v5;
	v4 =	vld.idx.msk [tilespmem:v13+s20+$0x0], $0xffff  }
0x3e6: {  	v5 =	vld.idx.msk [tilespmem:v9+s14+$0x0], $0xffff;
	v13 =	vadd.s32 $0x2, v3  }
0x3e7: {  	[tilespmem:s6+$0x600] =	vst v10  }
0x3e8: {  	v10 =	vld.idx.msk [tilespmem:v15+s15+$0x0], $0xffff  }
0x3e9: {  	s12 =	sadd.s32 $0x0, s2;
	s13 =	simm.s32 $0x40;
	[tilespmem:s31+$0x1880] =	vst v11  }
0x3ea: {  	s1 =	sand.u32 $0x60, s13;
	s0 =	sshll.u32 s12, $0x7;
	v11 =	vld.idx.msk [tilespmem:v14+s20+$0x0], $0xffff;
	[tilespmem:s30+$0x1C80] =	vst v4  }
0x3eb: {  	s0 =	sand.u32 $0x3FFFFF80, s0;
	s4 =	sor.u32 $0x10, s1;
	v14 =	vadd.s32 $0x2, v7;
	[tilespmem:s29+$0x600] =	vst v5;
	v4 =	vld.idx.msk [tilespmem:v13+s8+$0x0], $0xffff  }
0x3ec: {  	s23 =	sor.u32 s4, s0;
	v5 =	vld.idx.msk [tilespmem:v9+s15+$0x0], $0xffff  }
0x3ed: {  	v12 =	vld [tilespmem:s23+$0x0];
	[tilespmem:s6+$0xA00] =	vst v10  }
0x3ee: {  	v10 =	vld.idx.msk [tilespmem:v15+s16+$0x0], $0xffff  }
0x3ef: {  	[tilespmem:s31+$0x1C80] =	vst v11  }
0x3f0: {  	s0 =	sor.u32 s1, s0;
	v11 =	vld.idx.msk [tilespmem:v14+s8+$0x0], $0xffff;
	[tilespmem:s30+$0x100] =	vst v4  }
0x3f1: {  	[tilespmem:s29+$0xA00] =	vst v5;
	v5 =	vld [tilespmem:s0+$0x0]  }
0x3f2: {  	v16 =	vld.idx.msk [tilespmem:v13+s14+$0x0], $0xffff  }
0x3f3: {  	v4 =	vadd.s32 $0xFFFFFFFA, v12;
	v17 =	vld.idx.msk [tilespmem:v9+s16+$0x0], $0xffff;
	[tilespmem:s6+$0xE00] =	vst v10;
	v10 =	vshll.u32 v12, $0x6  }
0x3f4: {  	vm8 =	vlt.u32 v4, $0x4;
	v18 =	vld.idx.msk [tilespmem:v15+s17+$0x0], $0xffff;
	v4 =	vadd.s32 v1, v10  }
0x3f5: {  	vm9 =	veq.s32 v12, $0x1;
	v4 =	vsel vm8, v4, v2  }
0x3f6: {  	[tilespmem:s31+$0x100] =	vst v11;
	v4 =	vsel vm9, v0, v4  }
0x3f7: {  	v10 =	vld.idx.msk [tilespmem:v14+s14+$0x0], $0xffff;
	v11 =	vadd.s32 $0xFFFFFFFA, v5;
	v12 =	vshll.u32 v5, $0x6;
	[tilespmem:s30+$0x500] =	vst v16  }
0x3f8: {  	s24 =	sadd.s32 $0x0, s2;
	s12 =	simm.s32 $0x60;
	vm10 =	vlt.u32 v11, $0x4;
	v11 =	vadd.s32 v1, v12;
	[tilespmem:s29+$0xE00] =	vst v17;
	v16 =	vld.idx.msk [tilespmem:v13+s15+$0x0], $0xffff  }
0x3f9: {  	s7 =	sand.u32 $0x60, s12;
	s0 =	sshll.u32 s24, $0x7;
	vm11 =	veq.s32 v5, $0x1;
	v5 =	vsel vm10, v11, v2;
	v11 =	vld.idx.msk [tilespmem:v9+s17+$0x0], $0xffff;
	[tilespmem:s6+$0x1200] =	vst v18  }
0x3fa: {  	s13 =	sor.u32 $0x10, s7;
	s23 =	sand.u32 $0x3FFFFF80, s0;
	v12 =	vsel vm11, v0, v5;
	v17 =	vld.idx.msk [tilespmem:v15+s18+$0x0], $0xffff  }
0x3fb: {  	s0 =	sor.u32 s13, s23;
	v18 =	vld.idx.msk [tilespmem:v4+s8+$0x0], $0xffff  }
0x3fc: {  	s9 =	simm.s32 $0x1000;
	[tilespmem:s31+$0x500] =	vst v10;
	v5 =	vld [tilespmem:s0+$0x0]  }
0x3fd: {  	s0 =	sand.u32 $0x3FFFE000, s9;
	v10 =	vld.idx.msk [tilespmem:v14+s15+$0x0], $0xffff;
	[tilespmem:s30+$0x900] =	vst v16  }
0x3fe: {  	s24 =	sadd.s32 $0xD580, s0;
	v16 =	vld.idx.msk [tilespmem:v13+s16+$0x0], $0xffff  }
0x3ff: {  	s0 =	sor.u32 s4, s24;
	v19 =	vld.idx.msk [tilespmem:v12+s8+$0x0], $0xffff;
	[tilespmem:s6+$0x1600] =	vst v17  }
0x400: {  	[tilespmem:s0+$0x0] =	vst v18;
	v17 =	vld.idx.msk [tilespmem:v15+s19+$0x0], $0xffff  }
0x401: {  	[tilespmem:s29+$0x1200] =	vst v11;
	v11 =	vld.idx.msk [tilespmem:v4+s14+$0x0], $0xffff  }
0x402: {  	[tilespmem:s31+$0x900] =	vst v10;
	v18 =	vld.idx.msk [tilespmem:v9+s18+$0x0], $0xffff  }
0x403: {  	s1 =	sor.u32 s1, s24;
	v10 =	vld.idx.msk [tilespmem:v14+s16+$0x0], $0xffff;
	[tilespmem:s30+$0xD00] =	vst v16  }
0x404: {  	[tilespmem:s1+$0x0] =	vst v19;
	v16 =	vld.idx.msk [tilespmem:v13+s17+$0x0], $0xffff  }
0x405: {  	v19 =	vld.idx.msk [tilespmem:v12+s14+$0x0], $0xffff;
	[tilespmem:s6+$0x1A00] =	vst v17  }
0x406: {  	[tilespmem:s0+$0x400] =	vst v11;
	v11 =	vld.idx.msk [tilespmem:v15+s20+$0x0], $0xffff  }
0x407: {  	[tilespmem:s29+$0x1600] =	vst v18;
	v17 =	vadd.s32 $0x5, v8;
	v15 =	vld.idx.msk [tilespmem:v4+s15+$0x0], $0xffff  }
0x408: {  	[tilespmem:s31+$0xD00] =	vst v10;
	v18 =	vld.idx.msk [tilespmem:v9+s19+$0x0], $0xffff  }
0x409: {  	v10 =	vld.idx.msk [tilespmem:v14+s17+$0x0], $0xffff;
	[tilespmem:s30+$0x1100] =	vst v16  }
0x40a: {  	[tilespmem:s1+$0x400] =	vst v19;
	v16 =	vld.idx.msk [tilespmem:v13+s18+$0x0], $0xffff  }
0x40b: {  	v19 =	vld.idx.msk [tilespmem:v12+s15+$0x0], $0xffff;
	[tilespmem:s6+$0x1E00] =	vst v11  }
0x40c: {  	[tilespmem:s0+$0x800] =	vst v15;
	v11 =	vld.idx.msk [tilespmem:v17+s8+$0x0], $0xffff  }
0x40d: {  	[tilespmem:s29+$0x1A00] =	vst v18;
	v15 =	vld.idx.msk [tilespmem:v4+s16+$0x0], $0xffff  }
0x40e: {  	[tilespmem:s31+$0x1100] =	vst v10;
	v9 =	vld.idx.msk [tilespmem:v9+s20+$0x0], $0xffff  }
0x40f: {  	v10 =	vadd.s32 $0x5, v6;
	v18 =	vld.idx.msk [tilespmem:v14+s18+$0x0], $0xffff;
	[tilespmem:s30+$0x1500] =	vst v16  }
0x410: {  	[tilespmem:s1+$0x800] =	vst v19;
	v16 =	vld.idx.msk [tilespmem:v13+s19+$0x0], $0xffff  }
0x411: {  	v19 =	vld.idx.msk [tilespmem:v12+s16+$0x0], $0xffff;
	[tilespmem:s6+$0x280] =	vst v11  }
0x412: {  	[tilespmem:s0+$0xC00] =	vst v15;
	v11 =	vld.idx.msk [tilespmem:v17+s14+$0x0], $0xffff  }
0x413: {  	[tilespmem:s29+$0x1E00] =	vst v9;
	v9 =	vld.idx.msk [tilespmem:v4+s17+$0x0], $0xffff  }
0x414: {  	[tilespmem:s31+$0x1500] =	vst v18;
	v15 =	vld.idx.msk [tilespmem:v10+s8+$0x0], $0xffff  }
0x415: {  	v18 =	vld.idx.msk [tilespmem:v14+s19+$0x0], $0xffff;
	[tilespmem:s30+$0x1900] =	vst v16  }
0x416: {  	[tilespmem:s1+$0xC00] =	vst v19;
	v13 =	vld.idx.msk [tilespmem:v13+s20+$0x0], $0xffff  }
0x417: {  	v19 =	vadd.s32 $0x3, v3;
	v16 =	vld.idx.msk [tilespmem:v12+s17+$0x0], $0xffff;
	[tilespmem:s6+$0x680] =	vst v11  }
0x418: {  	[tilespmem:s0+$0x1000] =	vst v9;
	v9 =	vld.idx.msk [tilespmem:v17+s15+$0x0], $0xffff  }
0x419: {  	[tilespmem:s29+$0x280] =	vst v15;
	v11 =	vld.idx.msk [tilespmem:v4+s18+$0x0], $0xffff  }
0x41a: {  	[tilespmem:s31+$0x1900] =	vst v18;
	v15 =	vld.idx.msk [tilespmem:v10+s14+$0x0], $0xffff  }
0x41b: {  	v14 =	vld.idx.msk [tilespmem:v14+s20+$0x0], $0xffff;
	[tilespmem:s30+$0x1D00] =	vst v13  }
0x41c: {  	v13 =	vadd.s32 $0x3, v7;
	[tilespmem:s1+$0x1000] =	vst v16;
	v16 =	vld.idx.msk [tilespmem:v19+s8+$0x0], $0xffff  }
0x41d: {  	v18 =	vld.idx.msk [tilespmem:v12+s18+$0x0], $0xffff;
	[tilespmem:s6+$0xA80] =	vst v9  }
0x41e: {  	[tilespmem:s0+$0x1400] =	vst v11;
	v9 =	vld.idx.msk [tilespmem:v17+s16+$0x0], $0xffff  }
0x41f: {  	[tilespmem:s29+$0x680] =	vst v15;
	v11 =	vld.idx.msk [tilespmem:v4+s19+$0x0], $0xffff  }
0x420: {  	[tilespmem:s31+$0x1D00] =	vst v14;
	v15 =	vld.idx.msk [tilespmem:v10+s15+$0x0], $0xffff  }
0x421: {  	v14 =	vld.idx.msk [tilespmem:v13+s8+$0x0], $0xffff;
	[tilespmem:s30+$0x180] =	vst v16  }
0x422: {  	[tilespmem:s1+$0x1400] =	vst v18;
	v16 =	vld.idx.msk [tilespmem:v19+s14+$0x0], $0xffff  }
0x423: {  	v18 =	vld.idx.msk [tilespmem:v12+s19+$0x0], $0xffff;
	[tilespmem:s6+$0xE80] =	vst v9  }
0x424: {  	[tilespmem:s0+$0x1800] =	vst v11;
	v9 =	vld.idx.msk [tilespmem:v17+s17+$0x0], $0xffff  }
0x425: {  	[tilespmem:s29+$0xA80] =	vst v15;
	v11 =	vld.idx.msk [tilespmem:v4+s20+$0x0], $0xffff  }
0x426: {  	v15 =	vld.idx.msk [tilespmem:v10+s16+$0x0], $0xffff;
	[tilespmem:s31+$0x180] =	vst v14;
	v14 =	vadd.s32 $0x1, v4  }
0x427: {  	v20 =	vld.idx.msk [tilespmem:v13+s14+$0x0], $0xffff;
	[tilespmem:s30+$0x580] =	vst v16  }
0x428: {  	[tilespmem:s1+$0x1800] =	vst v18;
	v16 =	vld.idx.msk [tilespmem:v19+s15+$0x0], $0xffff  }
0x429: {  	v18 =	vld.idx.msk [tilespmem:v12+s20+$0x0], $0xffff;
	[tilespmem:s6+$0x1280] =	vst v9  }
0x42a: {  	v21 =	vadd.s32 $0x1, v12;
	[tilespmem:s0+$0x1C00] =	vst v11;
	v9 =	vld.idx.msk [tilespmem:v17+s18+$0x0], $0xffff  }
0x42b: {  	[tilespmem:s29+$0xE80] =	vst v15;
	v11 =	vld.idx.msk [tilespmem:v14+s8+$0x0], $0xffff  }
0x42c: {  	v15 =	vld.idx.msk [tilespmem:v10+s17+$0x0], $0xffff;
	[tilespmem:s31+$0x580] =	vst v20  }
0x42d: {  	v20 =	vld.idx.msk [tilespmem:v13+s15+$0x0], $0xffff;
	[tilespmem:s30+$0x980] =	vst v16  }
0x42e: {  	[tilespmem:s1+$0x1C00] =	vst v18;
	v16 =	vld.idx.msk [tilespmem:v19+s16+$0x0], $0xffff  }
0x42f: {  	v18 =	vld.idx.msk [tilespmem:v21+s8+$0x0], $0xffff;
	[tilespmem:s6+$0x1680] =	vst v9  }
0x430: {  	[tilespmem:s0+$0x80] =	vst v11;
	v9 =	vld.idx.msk [tilespmem:v17+s19+$0x0], $0xffff  }
0x431: {  	[tilespmem:s29+$0x1280] =	vst v15;
	v11 =	vld.idx.msk [tilespmem:v14+s14+$0x0], $0xffff  }
0x432: {  	v15 =	vld.idx.msk [tilespmem:v10+s18+$0x0], $0xffff;
	[tilespmem:s31+$0x980] =	vst v20  }
0x433: {  	v20 =	vld.idx.msk [tilespmem:v13+s16+$0x0], $0xffff;
	[tilespmem:s30+$0xD80] =	vst v16  }
0x434: {  	[tilespmem:s1+$0x80] =	vst v18;
	v16 =	vld.idx.msk [tilespmem:v19+s17+$0x0], $0xffff  }
0x435: {  	v18 =	vld.idx.msk [tilespmem:v21+s14+$0x0], $0xffff;
	[tilespmem:s6+$0x1A80] =	vst v9  }
0x436: {  	[tilespmem:s0+$0x480] =	vst v11;
	v9 =	vld.idx.msk [tilespmem:v17+s20+$0x0], $0xffff  }
0x437: {  	[tilespmem:s29+$0x1680] =	vst v15;
	v15 =	vadd.s32 $0x6, v8;
	v11 =	vld.idx.msk [tilespmem:v14+s15+$0x0], $0xffff  }
0x438: {  	v17 =	vld.idx.msk [tilespmem:v10+s19+$0x0], $0xffff;
	[tilespmem:s31+$0xD80] =	vst v20  }
0x439: {  	v20 =	vld.idx.msk [tilespmem:v13+s17+$0x0], $0xffff;
	[tilespmem:s30+$0x1180] =	vst v16  }
0x43a: {  	[tilespmem:s1+$0x480] =	vst v18;
	v16 =	vld.idx.msk [tilespmem:v19+s18+$0x0], $0xffff  }
0x43b: {  	v18 =	vld.idx.msk [tilespmem:v21+s15+$0x0], $0xffff;
	[tilespmem:s6+$0x1E80] =	vst v9  }
0x43c: {  	[tilespmem:s0+$0x880] =	vst v11;
	v11 =	vld.idx.msk [tilespmem:v15+s8+$0x0], $0xffff  }
0x43d: {  	[tilespmem:s29+$0x1A80] =	vst v17;
	v17 =	vld.idx.msk [tilespmem:v14+s16+$0x0], $0xffff  }
0x43e: {  	v10 =	vld.idx.msk [tilespmem:v10+s20+$0x0], $0xffff;
	[tilespmem:s31+$0x1180] =	vst v20  }
0x43f: {  	v9 =	vadd.s32 $0x6, v6;
	v20 =	vld.idx.msk [tilespmem:v13+s18+$0x0], $0xffff;
	[tilespmem:s30+$0x1580] =	vst v16  }
0x440: {  	[tilespmem:s1+$0x880] =	vst v18;
	v16 =	vld.idx.msk [tilespmem:v19+s19+$0x0], $0xffff  }
0x441: {  	v18 =	vld.idx.msk [tilespmem:v21+s16+$0x0], $0xffff;
	[tilespmem:s6+$0x300] =	vst v11  }
0x442: {  	[tilespmem:s0+$0xC80] =	vst v17;
	v11 =	vld.idx.msk [tilespmem:v15+s14+$0x0], $0xffff  }
0x443: {  	[tilespmem:s29+$0x1E80] =	vst v10;
	v10 =	vld.idx.msk [tilespmem:v14+s17+$0x0], $0xffff  }
0x444: {  	v17 =	vld.idx.msk [tilespmem:v9+s8+$0x0], $0xffff;
	[tilespmem:s31+$0x1580] =	vst v20  }
0x445: {  	v20 =	vld.idx.msk [tilespmem:v13+s19+$0x0], $0xffff;
	[tilespmem:s30+$0x1980] =	vst v16  }
0x446: {  	[tilespmem:s1+$0xC80] =	vst v18;
	v16 =	vld.idx.msk [tilespmem:v19+s20+$0x0], $0xffff  }
0x447: {  	v18 =	vld.idx.msk [tilespmem:v21+s17+$0x0], $0xffff;
	v19 =	vadd.s32 $0x4, v3;
	[tilespmem:s6+$0x700] =	vst v11  }
0x448: {  	[tilespmem:s0+$0x1080] =	vst v10;
	v10 =	vld.idx.msk [tilespmem:v15+s15+$0x0], $0xffff  }
0x449: {  	[tilespmem:s29+$0x300] =	vst v17;
	v11 =	vld.idx.msk [tilespmem:v14+s18+$0x0], $0xffff  }
0x44a: {  	v17 =	vld.idx.msk [tilespmem:v9+s14+$0x0], $0xffff;
	[tilespmem:s31+$0x1980] =	vst v20  }
0x44b: {  	v13 =	vld.idx.msk [tilespmem:v13+s20+$0x0], $0xffff;
	[tilespmem:s30+$0x1D80] =	vst v16  }
0x44c: {  	v16 =	vadd.s32 $0x4, v7;
	[tilespmem:s1+$0x1080] =	vst v18;
	v18 =	vld.idx.msk [tilespmem:v19+s8+$0x0], $0xffff  }
0x44d: {  	v20 =	vld.idx.msk [tilespmem:v21+s18+$0x0], $0xffff;
	[tilespmem:s6+$0xB00] =	vst v10  }
0x44e: {  	[tilespmem:s0+$0x1480] =	vst v11;
	v10 =	vld.idx.msk [tilespmem:v15+s16+$0x0], $0xffff  }
0x44f: {  	[tilespmem:s29+$0x700] =	vst v17;
	v11 =	vld.idx.msk [tilespmem:v14+s19+$0x0], $0xffff  }
0x450: {  	v17 =	vld.idx.msk [tilespmem:v9+s15+$0x0], $0xffff;
	[tilespmem:s31+$0x1D80] =	vst v13  }
0x451: {  	v13 =	vld.idx.msk [tilespmem:v16+s8+$0x0], $0xffff;
	[tilespmem:s30+$0x200] =	vst v18  }
0x452: {  	[tilespmem:s1+$0x1480] =	vst v20;
	v18 =	vld.idx.msk [tilespmem:v19+s14+$0x0], $0xffff  }
0x453: {  	v20 =	vld.idx.msk [tilespmem:v21+s19+$0x0], $0xffff;
	[tilespmem:s6+$0xF00] =	vst v10  }
0x454: {  	[tilespmem:s0+$0x1880] =	vst v11;
	v10 =	vld.idx.msk [tilespmem:v15+s17+$0x0], $0xffff  }
0x455: {  	[tilespmem:s29+$0xB00] =	vst v17;
	v11 =	vld.idx.msk [tilespmem:v14+s20+$0x0], $0xffff  }
0x456: {  	v14 =	vld.idx.msk [tilespmem:v9+s16+$0x0], $0xffff;
	[tilespmem:s31+$0x200] =	vst v13;
	v13 =	vadd.s32 $0x2, v4  }
0x457: {  	v17 =	vld.idx.msk [tilespmem:v16+s14+$0x0], $0xffff;
	[tilespmem:s30+$0x600] =	vst v18  }
0x458: {  	[tilespmem:s1+$0x1880] =	vst v20;
	v18 =	vld.idx.msk [tilespmem:v19+s15+$0x0], $0xffff  }
0x459: {  	v20 =	vld.idx.msk [tilespmem:v21+s20+$0x0], $0xffff;
	[tilespmem:s6+$0x1300] =	vst v10  }
0x45a: {  	v10 =	vadd.s32 $0x2, v12;
	[tilespmem:s0+$0x1C80] =	vst v11;
	v11 =	vld.idx.msk [tilespmem:v15+s18+$0x0], $0xffff  }
0x45b: {  	[tilespmem:s29+$0xF00] =	vst v14;
	v14 =	vld.idx.msk [tilespmem:v13+s8+$0x0], $0xffff  }
0x45c: {  	v21 =	vld.idx.msk [tilespmem:v9+s17+$0x0], $0xffff;
	[tilespmem:s31+$0x600] =	vst v17  }
0x45d: {  	v17 =	vld.idx.msk [tilespmem:v16+s15+$0x0], $0xffff;
	[tilespmem:s30+$0xA00] =	vst v18  }
0x45e: {  	[tilespmem:s1+$0x1C80] =	vst v20;
	v18 =	vld.idx.msk [tilespmem:v19+s16+$0x0], $0xffff  }
0x45f: {  	v20 =	vld.idx.msk [tilespmem:v10+s8+$0x0], $0xffff;
	[tilespmem:s6+$0x1700] =	vst v11  }
0x460: {  	[tilespmem:s0+$0x100] =	vst v14;
	v11 =	vld.idx.msk [tilespmem:v15+s19+$0x0], $0xffff  }
0x461: {  	s23 =	sor.u32 s7, s23;
	v14 =	vld.idx.msk [tilespmem:v13+s14+$0x0], $0xffff  }
0x462: {  	[tilespmem:s31+$0xA00] =	vst v17;
	v17 =	vld [tilespmem:s23+$0x0]  }
0x463: {  	v22 =	vld.idx.msk [tilespmem:v16+s16+$0x0], $0xffff;
	[tilespmem:s30+$0xE00] =	vst v18  }
0x464: {  	v23 =	vshll.u32 v5, $0x6;
	v18 =	vadd.s32 $0xFFFFFFFA, v5;
	[tilespmem:s1+$0x100] =	vst v20;
	v20 =	vld.idx.msk [tilespmem:v19+s17+$0x0], $0xffff  }
0x465: {  	[tilespmem:s29+$0x1300] =	vst v21;
	vm12 =	vlt.u32 v18, $0x4;
	v18 =	vadd.s32 v1, v23;
	v21 =	vld.idx.msk [tilespmem:v10+s14+$0x0], $0xffff  }
0x466: {  	vm13 =	veq.s32 v5, $0x1;
	v5 =	vsel vm12, v18, v2;
	v18 =	vld.idx.msk [tilespmem:v9+s18+$0x0], $0xffff;
	[tilespmem:s6+$0x1B00] =	vst v11  }
0x467: {  	v5 =	vsel vm13, v0, v5;
	v11 =	vadd.s32 $0xFFFFFFFA, v17;
	v23 =	vshll.u32 v17, $0x6;
	[tilespmem:s0+$0x500] =	vst v14;
	v14 =	vld.idx.msk [tilespmem:v15+s20+$0x0], $0xffff  }
0x468: {  	vm14 =	vlt.u32 v11, $0x4;
	v11 =	vadd.s32 v1, v23;
	v15 =	vld.idx.msk [tilespmem:v13+s15+$0x0], $0xffff;
	[tilespmem:s31+$0xE00] =	vst v22;
	v22 =	vadd.s32 $0x7, v8  }
0x469: {  	vm15 =	veq.s32 v17, $0x1;
	v8 =	vsel vm14, v11, v2;
	v11 =	vld.idx.msk [tilespmem:v16+s17+$0x0], $0xffff;
	[tilespmem:s30+$0x1200] =	vst v20  }
0x46a: {  	v8 =	vsel vm15, v0, v8;
	[tilespmem:s1+$0x500] =	vst v21;
	v17 =	vld.idx.msk [tilespmem:v19+s18+$0x0], $0xffff  }
0x46b: {  	v21 =	vld.idx.msk [tilespmem:v10+s15+$0x0], $0xffff  }
0x46c: {  	v20 =	vld.idx.msk [tilespmem:v5+s8+$0x0], $0xffff;
	[tilespmem:s6+$0x1F00] =	vst v14  }
0x46d: {  	[tilespmem:s0+$0x900] =	vst v15;
	v14 =	vld.idx.msk [tilespmem:v22+s8+$0x0], $0xffff  }
0x46e: {  	s24 =	simm.s32 $0x1800;
	[tilespmem:s29+$0x1700] =	vst v18;
	v15 =	vld.idx.msk [tilespmem:v13+s16+$0x0], $0xffff  }
0x46f: {  	s4 =	sand.u32 $0x3FFFE000, s24;
	[tilespmem:s31+$0x1200] =	vst v11;
	v18 =	vld.idx.msk [tilespmem:v8+s8+$0x0], $0xffff  }
0x470: {  	s4 =	sadd.s32 $0xD580, s4;
	v11 =	vld.idx.msk [tilespmem:v16+s18+$0x0], $0xffff;
	[tilespmem:s30+$0x1600] =	vst v17  }
0x471: {  	s13 =	sor.u32 s13, s4;
	[tilespmem:s1+$0x900] =	vst v21;
	v17 =	vld.idx.msk [tilespmem:v19+s19+$0x0], $0xffff  }
0x472: {  	[tilespmem:s13+$0x0] =	vst v20;
	v21 =	vld.idx.msk [tilespmem:v10+s16+$0x0], $0xffff  }
0x473: {  	v20 =	vld.idx.msk [tilespmem:v5+s14+$0x0], $0xffff;
	[tilespmem:s6+$0x380] =	vst v14  }
0x474: {  	s7 =	sor.u32 s7, s4;
	[tilespmem:s0+$0xD00] =	vst v15;
	v14 =	vld.idx.msk [tilespmem:v22+s14+$0x0], $0xffff  }
0x475: {  	[tilespmem:s7+$0x0] =	vst v18;
	v15 =	vld.idx.msk [tilespmem:v13+s17+$0x0], $0xffff  }
0x476: {  	[tilespmem:s31+$0x1600] =	vst v11;
	v18 =	vld.idx.msk [tilespmem:v8+s14+$0x0], $0xffff  }
0x477: {  	v11 =	vld.idx.msk [tilespmem:v16+s19+$0x0], $0xffff;
	[tilespmem:s30+$0x1A00] =	vst v17  }
0x478: {  	[tilespmem:s1+$0xD00] =	vst v21;
	v17 =	vld.idx.msk [tilespmem:v19+s20+$0x0], $0xffff  }
0x479: {  	[tilespmem:s13+$0x400] =	vst v20;
	v20 =	vld.idx.msk [tilespmem:v10+s17+$0x0], $0xffff  }
0x47a: {  	v21 =	vadd.s32 $0x5, v3;
	v19 =	vld.idx.msk [tilespmem:v5+s15+$0x0], $0xffff;
	[tilespmem:s6+$0x780] =	vst v14  }
0x47b: {  	[tilespmem:s0+$0x1100] =	vst v15;
	v14 =	vld.idx.msk [tilespmem:v22+s15+$0x0], $0xffff  }
0x47c: {  	[tilespmem:s7+$0x400] =	vst v18;
	v15 =	vld.idx.msk [tilespmem:v13+s18+$0x0], $0xffff  }
0x47d: {  	[tilespmem:s31+$0x1A00] =	vst v11;
	v18 =	vld.idx.msk [tilespmem:v8+s15+$0x0], $0xffff  }
0x47e: {  	v11 =	vld.idx.msk [tilespmem:v16+s20+$0x0], $0xffff;
	[tilespmem:s30+$0x1E00] =	vst v17  }
0x47f: {  	[tilespmem:s1+$0x1100] =	vst v20;
	v16 =	vld.idx.msk [tilespmem:v21+s8+$0x0], $0xffff  }
0x480: {  	v17 =	vadd.s32 $0x5, v7;
	[tilespmem:s13+$0x800] =	vst v19;
	v20 =	vld.idx.msk [tilespmem:v10+s18+$0x0], $0xffff  }
0x481: {  	v19 =	vld.idx.msk [tilespmem:v5+s16+$0x0], $0xffff;
	[tilespmem:s6+$0xB80] =	vst v14  }
0x482: {  	[tilespmem:s0+$0x1500] =	vst v15;
	v14 =	vld.idx.msk [tilespmem:v22+s16+$0x0], $0xffff  }
0x483: {  	[tilespmem:s7+$0x800] =	vst v18;
	v15 =	vld.idx.msk [tilespmem:v13+s19+$0x0], $0xffff  }
0x484: {  	[tilespmem:s31+$0x1E00] =	vst v11;
	v18 =	vld.idx.msk [tilespmem:v8+s16+$0x0], $0xffff  }
0x485: {  	v11 =	vld.idx.msk [tilespmem:v17+s8+$0x0], $0xffff;
	[tilespmem:s30+$0x280] =	vst v16  }
0x486: {  	[tilespmem:s1+$0x1500] =	vst v20;
	v16 =	vld.idx.msk [tilespmem:v21+s14+$0x0], $0xffff  }
0x487: {  	[tilespmem:s13+$0xC00] =	vst v19;
	v20 =	vld.idx.msk [tilespmem:v10+s19+$0x0], $0xffff  }
0x488: {  	v19 =	vld.idx.msk [tilespmem:v5+s17+$0x0], $0xffff;
	[tilespmem:s6+$0xF80] =	vst v14  }
0x489: {  	[tilespmem:s0+$0x1900] =	vst v15;
	v14 =	vld.idx.msk [tilespmem:v22+s17+$0x0], $0xffff  }
0x48a: {  	[tilespmem:s7+$0xC00] =	vst v18;
	v13 =	vld.idx.msk [tilespmem:v13+s20+$0x0], $0xffff  }
0x48b: {  	[tilespmem:s31+$0x280] =	vst v11;
	v15 =	vld.idx.msk [tilespmem:v8+s17+$0x0], $0xffff  }
0x48c: {  	v11 =	vadd.s32 $0x3, v4;
	v18 =	vld.idx.msk [tilespmem:v17+s14+$0x0], $0xffff;
	[tilespmem:s30+$0x680] =	vst v16  }
0x48d: {  	[tilespmem:s1+$0x1900] =	vst v20;
	v16 =	vld.idx.msk [tilespmem:v21+s15+$0x0], $0xffff  }
0x48e: {  	[tilespmem:s13+$0x1000] =	vst v19;
	v10 =	vld.idx.msk [tilespmem:v10+s20+$0x0], $0xffff  }
0x48f: {  	v19 =	vld.idx.msk [tilespmem:v5+s18+$0x0], $0xffff;
	[tilespmem:s6+$0x1380] =	vst v14  }
0x490: {  	v14 =	vadd.s32 $0x3, v12;
	[tilespmem:s0+$0x1D00] =	vst v13;
	v13 =	vld.idx.msk [tilespmem:v22+s18+$0x0], $0xffff  }
0x491: {  	[tilespmem:s7+$0x1000] =	vst v15;
	v15 =	vld.idx.msk [tilespmem:v11+s8+$0x0], $0xffff  }
0x492: {  	[tilespmem:s31+$0x680] =	vst v18;
	v20 =	vld.idx.msk [tilespmem:v8+s18+$0x0], $0xffff  }
0x493: {  	v18 =	vld.idx.msk [tilespmem:v17+s15+$0x0], $0xffff;
	[tilespmem:s30+$0xA80] =	vst v16  }
0x494: {  	[tilespmem:s1+$0x1D00] =	vst v10;
	v16 =	vld.idx.msk [tilespmem:v21+s16+$0x0], $0xffff  }
0x495: {  	[tilespmem:s13+$0x1400] =	vst v19;
	v10 =	vld.idx.msk [tilespmem:v14+s8+$0x0], $0xffff  }
0x496: {  	v19 =	vld.idx.msk [tilespmem:v5+s19+$0x0], $0xffff;
	[tilespmem:s6+$0x1780] =	vst v13  }
0x497: {  	[tilespmem:s0+$0x180] =	vst v15;
	v13 =	vld.idx.msk [tilespmem:v22+s19+$0x0], $0xffff  }
0x498: {  	[tilespmem:s7+$0x1400] =	vst v20;
	v15 =	vld.idx.msk [tilespmem:v11+s14+$0x0], $0xffff  }
0x499: {  	[tilespmem:s31+$0xA80] =	vst v18;
	v20 =	vld.idx.msk [tilespmem:v8+s19+$0x0], $0xffff  }
0x49a: {  	v18 =	vld.idx.msk [tilespmem:v17+s16+$0x0], $0xffff;
	[tilespmem:s30+$0xE80] =	vst v16  }
0x49b: {  	[tilespmem:s1+$0x180] =	vst v10;
	v16 =	vld.idx.msk [tilespmem:v21+s17+$0x0], $0xffff  }
0x49c: {  	[tilespmem:s13+$0x1800] =	vst v19;
	v10 =	vld.idx.msk [tilespmem:v14+s14+$0x0], $0xffff  }
0x49d: {  	v19 =	vld.idx.msk [tilespmem:v5+s20+$0x0], $0xffff;
	[tilespmem:s6+$0x1B80] =	vst v13  }
0x49e: {  	[tilespmem:s0+$0x580] =	vst v15;
	v15 =	vld.idx.msk [tilespmem:v22+s20+$0x0], $0xffff  }
0x49f: {  	v13 =	vadd.s32 $0x1, v5;
	[tilespmem:s7+$0x1800] =	vst v20;
	v20 =	vld.idx.msk [tilespmem:v11+s15+$0x0], $0xffff  }
0x4a0: {  	[tilespmem:s31+$0xE80] =	vst v18;
	v22 =	vld.idx.msk [tilespmem:v8+s20+$0x0], $0xffff  }
0x4a1: {  	v18 =	vld.idx.msk [tilespmem:v17+s17+$0x0], $0xffff;
	[tilespmem:s30+$0x1280] =	vst v16  }
0x4a2: {  	v24 =	vadd.s32 $0x1, v8;
	[tilespmem:s1+$0x580] =	vst v10;
	v16 =	vld.idx.msk [tilespmem:v21+s18+$0x0], $0xffff  }
0x4a3: {  	[tilespmem:s13+$0x1C00] =	vst v19;
	v10 =	vld.idx.msk [tilespmem:v14+s15+$0x0], $0xffff  }
0x4a4: {  	v19 =	vld.idx.msk [tilespmem:v13+s8+$0x0], $0xffff;
	[tilespmem:s6+$0x1F80] =	vst v15  }
0x4a5: {  	v15 =	vld.idx.msk [tilespmem:v9+s19+$0x0], $0xffff;
	[tilespmem:s0+$0x980] =	vst v20  }
0x4a6: {  	[tilespmem:s7+$0x1C00] =	vst v22;
	v20 =	vld.idx.msk [tilespmem:v11+s16+$0x0], $0xffff  }
0x4a7: {  	[tilespmem:s31+$0x1280] =	vst v18;
	v22 =	vld.idx.msk [tilespmem:v24+s8+$0x0], $0xffff  }
0x4a8: {  	v18 =	vld.idx.msk [tilespmem:v17+s18+$0x0], $0xffff;
	[tilespmem:s30+$0x1680] =	vst v16  }
0x4a9: {  	[tilespmem:s1+$0x980] =	vst v10;
	v16 =	vld.idx.msk [tilespmem:v21+s19+$0x0], $0xffff  }
0x4aa: {  	[tilespmem:s13+$0x80] =	vst v19;
	v10 =	vld.idx.msk [tilespmem:v14+s16+$0x0], $0xffff  }
0x4ab: {  	[tilespmem:s29+$0x1B00] =	vst v15;
	v19 =	vld.idx.msk [tilespmem:v13+s14+$0x0], $0xffff  }
0x4ac: {  	v15 =	vld.idx.msk [tilespmem:v9+s20+$0x0], $0xffff;
	[tilespmem:s0+$0xD80] =	vst v20  }
0x4ad: {  	[tilespmem:s7+$0x80] =	vst v22;
	v20 =	vld.idx.msk [tilespmem:v11+s17+$0x0], $0xffff  }
0x4ae: {  	v9 =	vadd.s32 $0x7, v6;
	[tilespmem:s31+$0x1680] =	vst v18;
	v6 =	vld.idx.msk [tilespmem:v24+s14+$0x0], $0xffff  }
0x4af: {  	v22 =	vld.idx.msk [tilespmem:v17+s19+$0x0], $0xffff;
	[tilespmem:s30+$0x1A80] =	vst v16  }
0x4b0: {  	[tilespmem:s1+$0xD80] =	vst v10;
	v16 =	vld.idx.msk [tilespmem:v21+s20+$0x0], $0xffff  }
0x4b1: {  	[tilespmem:s13+$0x480] =	vst v19;
	v21 =	vld.idx.msk [tilespmem:v14+s17+$0x0], $0xffff  }
0x4b2: {  	v18 =	vadd.s32 $0x6, v3;
	[tilespmem:s29+$0x1F00] =	vst v15;
	v19 =	vld.idx.msk [tilespmem:v13+s15+$0x0], $0xffff  }
0x4b3: {  	v15 =	vld.idx.msk [tilespmem:v9+s8+$0x0], $0xffff;
	[tilespmem:s0+$0x1180] =	vst v20  }
0x4b4: {  	[tilespmem:s7+$0x480] =	vst v6;
	v6 =	vld.idx.msk [tilespmem:v11+s18+$0x0], $0xffff  }
0x4b5: {  	[tilespmem:s31+$0x1A80] =	vst v22;
	v20 =	vld.idx.msk [tilespmem:v24+s15+$0x0], $0xffff  }
0x4b6: {  	v17 =	vld.idx.msk [tilespmem:v17+s20+$0x0], $0xffff;
	[tilespmem:s30+$0x1E80] =	vst v16  }
0x4b7: {  	[tilespmem:s1+$0x1180] =	vst v21;
	v16 =	vld.idx.msk [tilespmem:v18+s8+$0x0], $0xffff  }
0x4b8: {  	v10 =	vadd.s32 $0x6, v7;
	[tilespmem:s13+$0x880] =	vst v19;
	v21 =	vld.idx.msk [tilespmem:v14+s18+$0x0], $0xffff  }
0x4b9: {  	[tilespmem:s29+$0x380] =	vst v15;
	v19 =	vld.idx.msk [tilespmem:v13+s16+$0x0], $0xffff  }
0x4ba: {  	[tilespmem:s0+$0x1580] =	vst v6;
	v6 =	vld.idx.msk [tilespmem:v9+s14+$0x0], $0xffff  }
0x4bb: {  	[tilespmem:s7+$0x880] =	vst v20;
	v15 =	vld.idx.msk [tilespmem:v11+s19+$0x0], $0xffff  }
0x4bc: {  	[tilespmem:s31+$0x1E80] =	vst v17;
	v20 =	vld.idx.msk [tilespmem:v24+s16+$0x0], $0xffff  }
0x4bd: {  	v17 =	vld.idx.msk [tilespmem:v10+s8+$0x0], $0xffff;
	[tilespmem:s30+$0x300] =	vst v16  }
0x4be: {  	[tilespmem:s1+$0x1580] =	vst v21;
	v16 =	vld.idx.msk [tilespmem:v18+s14+$0x0], $0xffff  }
0x4bf: {  	[tilespmem:s13+$0xC80] =	vst v19;
	v21 =	vld.idx.msk [tilespmem:v14+s19+$0x0], $0xffff  }
0x4c0: {  	v19 =	vld.idx.msk [tilespmem:v13+s17+$0x0], $0xffff;
	[tilespmem:s29+$0x780] =	vst v6  }
0x4c1: {  	[tilespmem:s0+$0x1980] =	vst v15;
	v6 =	vld.idx.msk [tilespmem:v9+s15+$0x0], $0xffff  }
0x4c2: {  	[tilespmem:s7+$0xC80] =	vst v20;
	v11 =	vld.idx.msk [tilespmem:v11+s20+$0x0], $0xffff  }
0x4c3: {  	[tilespmem:s31+$0x300] =	vst v17;
	v22 =	vld.idx.msk [tilespmem:v24+s17+$0x0], $0xffff  }
0x4c4: {  	v20 =	vadd.s32 $0x4, v4;
	v17 =	vld.idx.msk [tilespmem:v10+s14+$0x0], $0xffff;
	[tilespmem:s30+$0x700] =	vst v16  }
0x4c5: {  	[tilespmem:s1+$0x1980] =	vst v21;
	v16 =	vld.idx.msk [tilespmem:v18+s15+$0x0], $0xffff  }
0x4c6: {  	[tilespmem:s13+$0x1080] =	vst v19;
	v14 =	vld.idx.msk [tilespmem:v14+s20+$0x0], $0xffff  }
0x4c7: {  	v19 =	vld.idx.msk [tilespmem:v13+s18+$0x0], $0xffff;
	[tilespmem:s29+$0xB80] =	vst v6  }
0x4c8: {  	v15 =	vadd.s32 $0x4, v12;
	[tilespmem:s0+$0x1D80] =	vst v11;
	v6 =	vld.idx.msk [tilespmem:v9+s16+$0x0], $0xffff  }
0x4c9: {  	[tilespmem:s7+$0x1080] =	vst v22;
	v11 =	vld.idx.msk [tilespmem:v20+s8+$0x0], $0xffff  }
0x4ca: {  	[tilespmem:s31+$0x700] =	vst v17;
	v21 =	vld.idx.msk [tilespmem:v24+s18+$0x0], $0xffff  }
0x4cb: {  	v17 =	vld.idx.msk [tilespmem:v10+s15+$0x0], $0xffff;
	[tilespmem:s30+$0xB00] =	vst v16  }
0x4cc: {  	[tilespmem:s1+$0x1D80] =	vst v14;
	v16 =	vld.idx.msk [tilespmem:v18+s16+$0x0], $0xffff  }
0x4cd: {  	[tilespmem:s13+$0x1480] =	vst v19;
	v14 =	vld.idx.msk [tilespmem:v15+s8+$0x0], $0xffff  }
0x4ce: {  	v19 =	vld.idx.msk [tilespmem:v13+s19+$0x0], $0xffff;
	[tilespmem:s29+$0xF80] =	vst v6  }
0x4cf: {  	v6 =	vld.idx.msk [tilespmem:v9+s17+$0x0], $0xffff;
	[tilespmem:s7+$0x1480] =	vst v21  }
0x4d0: {  	[tilespmem:s0+$0x200] =	vst v11;
	v21 =	vld.idx.msk [tilespmem:v24+s19+$0x0], $0xffff  }
0x4d1: {  	v11 =	vld.idx.msk [tilespmem:v20+s14+$0x0], $0xffff;
	[tilespmem:s31+$0xB00] =	vst v17  }
0x4d2: {  	v28 =	vld.idx.msk [tilespmem:v10+s16+$0x0], $0xffff;
	[tilespmem:s30+$0xF00] =	vst v16  }
0x4d3: {  	[tilespmem:s1+$0x200] =	vst v14;
	v29 =	vld.idx.msk [tilespmem:v18+s17+$0x0], $0xffff  }
0x4d4: {  	[tilespmem:s13+$0x1880] =	vst v19;
	v23 =	vld.idx.msk [tilespmem:v15+s14+$0x0], $0xffff  }
0x4d5: {  	v26 =	vld.idx.msk [tilespmem:v13+s20+$0x0], $0xffff;
	[tilespmem:s7+$0x1880] =	vst v21  }
0x4d6: {  	v17 =	vadd.s32 $0x3, v8;
	[tilespmem:s29+$0x1380] =	vst v6;
	v27 =	vld.idx.msk [tilespmem:v24+s20+$0x0], $0xffff;
	v24 =	vadd.s32 $0x2, v5  }
0x4d7: {  	v16 =	vadd.s32 $0x4, v8;
	v14 =	vadd.s32 $0x5, v8;
	v19 =	vadd.s32 $0x2, v8;
	[tilespmem:s0+$0x600] =	vst v11;
	v22 =	vld.idx.msk [tilespmem:v9+s18+$0x0], $0xffff  }
0x4d8: {  	v6 =	vadd.s32 $0x7, v7;
	v13 =	vadd.s32 $0x5, v12;
	v7 =	vadd.s32 $0x7, v12;
	v25 =	vld.idx.msk [tilespmem:v20+s15+$0x0], $0xffff;
	[tilespmem:s31+$0xF00] =	vst v28  }
0x4d9: {  	s6 =	simm.s32 $0x6;
	v11 =	vadd.s32 $0x6, v12;
	v12 =	vadd.s32 $0x6, v8;
	v8 =	vadd.s32 $0x7, v8;
	v21 =	vld.idx.msk [tilespmem:v10+s17+$0x0], $0xffff;
	[tilespmem:s30+$0x1300] =	vst v29  }
.LBB2_5:
0x4da: {  	s6 =	sadd.s32 $0x2, s6;
	[tilespmem:s13+$0x1C80] =	vst v26;
	v26 =	vld.idx.msk [tilespmem:v18+s18+$0x0], $0xffff  }
0x4db: {  	s4 =	sshrl.u32 s6, $0x3;
	p0 =	slt.u32 s6, $0x26;
	v28 =	vld.idx.msk [tilespmem:v24+s8+$0x0], $0xffff;
	[tilespmem:s1+$0x600] =	vst v23  }
0x4dc: {  	s12 =	sadd.s32 $0x20, s12;
	s4 =	sadd.s32 s2, s4;
	v23 =	vld.idx.msk [tilespmem:v15+s15+$0x0], $0xffff;
	[tilespmem:s29+$0x1780] =	vst v22  }
0x4dd: {  	s23 =	sand.u32 $0x60, s12;
	s4 =	sshll.u32 s4, $0x7;
	[tilespmem:s0+$0xA00] =	vst v25;
	v22 =	vld.idx.msk [tilespmem:v9+s19+$0x0], $0xffff  }
0x4de: {  	s24 =	sor.u32 $0x10, s23;
	s4 =	sand.u32 $0x3FFFFF80, s4;
	[tilespmem:s7+$0x1C80] =	vst v27;
	v25 =	vld.idx.msk [tilespmem:v20+s16+$0x0], $0xffff  }
0x4df: {  	s9 =	sor.u32 s23, s4;
	s4 =	sor.u32 s24, s4;
	v27 =	vld.idx.msk [tilespmem:v19+s8+$0x0], $0xffff;
	[tilespmem:s31+$0x1300] =	vst v21  }
0x4e0: {  	v21 =	vld [tilespmem:s4+$0x0];
	[tilespmem:s30+$0x1700] =	vst v26  }
0x4e1: {  	[tilespmem:s13+$0x100] =	vst v28;
	v26 =	vld.idx.msk [tilespmem:v18+s19+$0x0], $0xffff  }
0x4e2: {  	v28 =	vld.idx.msk [tilespmem:v24+s14+$0x0], $0xffff;
	[tilespmem:s1+$0xA00] =	vst v23  }
0x4e3: {  	v23 =	vld [tilespmem:s9+$0x0];
	[tilespmem:s29+$0x1B80] =	vst v22  }
0x4e4: {  	v22 =	vld.idx.msk [tilespmem:v15+s16+$0x0], $0xffff;
	[tilespmem:s0+$0xE00] =	vst v25  }
0x4e5: {  	v25 =	vadd.s32 $0xFFFFFFFA, v21;
	v29 =	vshll.u32 v21, $0x6;
	[tilespmem:s7+$0x100] =	vst v27;
	v27 =	vld.idx.msk [tilespmem:v20+s17+$0x0], $0xffff  }
0x4e6: {  	vm0 =	vlt.u32 v25, $0x4;
	v25 =	vadd.s32 v1, v29;
	v29 =	vld.idx.msk [tilespmem:v19+s14+$0x0], $0xffff  }
0x4e7: {  	vm1 =	veq.s32 v21, $0x1;
	v21 =	vsel vm0, v25, v2;
	v30 =	vld.idx.msk [tilespmem:v10+s18+$0x0], $0xffff;
	[tilespmem:s30+$0x1B00] =	vst v26  }
0x4e8: {  	v25 =	vadd.s32 $0xFFFFFFFA, v23;
	v26 =	vshll.u32 v23, $0x6;
	v31 =	vsel vm1, v0, v21;
	[tilespmem:s13+$0x500] =	vst v28;
	v32 =	vld.idx.msk [tilespmem:v18+s20+$0x0], $0xffff  }
0x4e9: {  	vm0 =	veq.s32 v23, $0x1;
	vm1 =	vlt.u32 v25, $0x4;
	v18 =	vadd.s32 v1, v26;
	v33 =	vld.idx.msk [tilespmem:v24+s15+$0x0], $0xffff  }
0x4ea: {  	v26 =	vadd.s32 $0x7, v3;
	v3 =	vmovc v4;
	v4 =	vmov v5;
	v18 =	vsel vm1, v18, v2;
	[tilespmem:s1+$0xE00] =	vst v22;
	v34 =	vld.idx.msk [tilespmem:v9+s20+$0x0], $0xffff  }
0x4eb: {  	v5 =	vmovc v31;
	v9 =	vmov v6;
	v6 =	vmov v7;
	v25 =	vsel vm0, v0, v18;
	v35 =	vld.idx.msk [tilespmem:v15+s17+$0x0], $0xffff;
	[tilespmem:s0+$0x1200] =	vst v27  }
0x4ec: {  	v7 =	vmovc v8;
	v21 =	vadd.s32 $0x1, v25;
	v28 =	vadd.s32 $0x2, v25;
	v22 =	vadd.s32 $0x3, v25;
	[tilespmem:s7+$0x500] =	vst v29;
	v27 =	vld.idx.msk [tilespmem:v20+s18+$0x0], $0xffff  }
0x4ed: {  	v29 =	vadd.s32 $0x4, v25;
	v23 =	vadd.s32 $0x5, v25;
	v18 =	vadd.s32 $0x6, v25;
	v31 =	vld.idx.msk [tilespmem:v31+s8+$0x0], $0xffff;
	[tilespmem:s31+$0x1700] =	vst v30  }
0x4ee: {  	v8 =	vadd.s32 $0x7, v25;
	v30 =	vld.idx.msk [tilespmem:v19+s15+$0x0], $0xffff;
	[tilespmem:s30+$0x1F00] =	vst v32  }
0x4ef: {  	s4 =	sshll.u32 s6, $0xA;
	[tilespmem:s13+$0x900] =	vst v33;
	v32 =	vld.idx.msk [tilespmem:v26+s8+$0x0], $0xffff  }
0x4f0: {  	s4 =	sand.u32 $0x3FFFE000, s4;
	v33 =	vld.idx.msk [tilespmem:v24+s16+$0x0], $0xffff;
	[tilespmem:s29+$0x1F80] =	vst v34;
	s29 =	smov.u32 s31;
	s31 =	smov.u32 s1  }
0x4f1: {  	s4 =	sadd.s32 $0xD580, s4;
	s1 =	smov.u32 s7;
	v34 =	vld.idx.msk [tilespmem:v25+s8+$0x0], $0xffff;
	[tilespmem:s31+$0x1200] =	vst v35  }
0x4f2: {  	s7 =	sor.u32 s23, s4;
	s23 =	sor.u32 s24, s4;
	v35 =	vld.idx.msk [tilespmem:v15+s18+$0x0], $0xffff;
	[tilespmem:s0+$0x1600] =	vst v27  }
0x4f3: {  	[tilespmem:s23+$0x0] =	vst v31;
	v27 =	vld.idx.msk [tilespmem:v20+s19+$0x0], $0xffff  }
0x4f4: {  	v31 =	vld.idx.msk [tilespmem:v5+s14+$0x0], $0xffff;
	[tilespmem:s1+$0x900] =	vst v30  }
0x4f5: {  	v30 =	vld.idx.msk [tilespmem:v19+s16+$0x0], $0xffff;
	[tilespmem:s30+$0x380] =	vst v32  }
0x4f6: {  	[tilespmem:s13+$0xD00] =	vst v33;
	v32 =	vld.idx.msk [tilespmem:v26+s14+$0x0], $0xffff  }
0x4f7: {  	[tilespmem:s7+$0x0] =	vst v34;
	v33 =	vld.idx.msk [tilespmem:v24+s17+$0x0], $0xffff  }
0x4f8: {  	v34 =	vld.idx.msk [tilespmem:v25+s14+$0x0], $0xffff;
	[tilespmem:s31+$0x1600] =	vst v35  }
0x4f9: {  	v35 =	vld.idx.msk [tilespmem:v15+s19+$0x0], $0xffff;
	[tilespmem:s0+$0x1A00] =	vst v27  }
0x4fa: {  	[tilespmem:s23+$0x400] =	vst v31;
	v20 =	vld.idx.msk [tilespmem:v20+s20+$0x0], $0xffff  }
0x4fb: {  	v31 =	vld.idx.msk [tilespmem:v5+s15+$0x0], $0xffff;
	[tilespmem:s1+$0xD00] =	vst v30  }
0x4fc: {  	v27 =	vadd.s32 $0x5, v3;
	v30 =	vld.idx.msk [tilespmem:v19+s17+$0x0], $0xffff;
	[tilespmem:s30+$0x780] =	vst v32  }
0x4fd: {  	[tilespmem:s13+$0x1100] =	vst v33;
	v32 =	vld.idx.msk [tilespmem:v26+s15+$0x0], $0xffff  }
0x4fe: {  	[tilespmem:s7+$0x400] =	vst v34;
	v33 =	vld.idx.msk [tilespmem:v24+s18+$0x0], $0xffff  }
0x4ff: {  	v34 =	vld.idx.msk [tilespmem:v25+s15+$0x0], $0xffff;
	[tilespmem:s31+$0x1A00] =	vst v35  }
0x500: {  	v35 =	vld.idx.msk [tilespmem:v15+s20+$0x0], $0xffff;
	[tilespmem:s0+$0x1E00] =	vst v20;
	v15 =	vmov v16;
	v16 =	vmov v29  }
0x501: {  	[tilespmem:s23+$0x800] =	vst v31;
	v20 =	vld.idx.msk [tilespmem:v27+s8+$0x0], $0xffff  }
0x502: {  	v29 =	vld.idx.msk [tilespmem:v5+s16+$0x0], $0xffff;
	[tilespmem:s1+$0x1100] =	vst v30  }
0x503: {  	v30 =	vld.idx.msk [tilespmem:v19+s18+$0x0], $0xffff;
	[tilespmem:s30+$0xB80] =	vst v32  }
0x504: {  	[tilespmem:s13+$0x1500] =	vst v33;
	v31 =	vld.idx.msk [tilespmem:v26+s16+$0x0], $0xffff  }
0x505: {  	[tilespmem:s7+$0x800] =	vst v34;
	v32 =	vld.idx.msk [tilespmem:v24+s19+$0x0], $0xffff  }
0x506: {  	v33 =	vld.idx.msk [tilespmem:v25+s16+$0x0], $0xffff;
	[tilespmem:s31+$0x1E00] =	vst v35  }
0x507: {  	v34 =	vld.idx.msk [tilespmem:v13+s8+$0x0], $0xffff;
	[tilespmem:s0+$0x280] =	vst v20  }
0x508: {  	[tilespmem:s23+$0xC00] =	vst v29;
	v29 =	vld.idx.msk [tilespmem:v27+s14+$0x0], $0xffff  }
0x509: {  	v35 =	vld.idx.msk [tilespmem:v5+s17+$0x0], $0xffff;
	[tilespmem:s1+$0x1500] =	vst v30  }
0x50a: {  	v30 =	vld.idx.msk [tilespmem:v19+s19+$0x0], $0xffff;
	[tilespmem:s30+$0xF80] =	vst v31  }
0x50b: {  	[tilespmem:s13+$0x1900] =	vst v32;
	v31 =	vld.idx.msk [tilespmem:v26+s17+$0x0], $0xffff  }
0x50c: {  	[tilespmem:s7+$0xC00] =	vst v33;
	v24 =	vld.idx.msk [tilespmem:v24+s20+$0x0], $0xffff  }
0x50d: {  	v32 =	vld.idx.msk [tilespmem:v25+s17+$0x0], $0xffff;
	[tilespmem:s31+$0x280] =	vst v34  }
0x50e: {  	v20 =	vadd.s32 $0x3, v4;
	v33 =	vld.idx.msk [tilespmem:v13+s14+$0x0], $0xffff;
	[tilespmem:s0+$0x680] =	vst v29  }
0x50f: {  	[tilespmem:s23+$0x1000] =	vst v35;
	v29 =	vld.idx.msk [tilespmem:v27+s15+$0x0], $0xffff  }
0x510: {  	v34 =	vld.idx.msk [tilespmem:v5+s18+$0x0], $0xffff;
	[tilespmem:s1+$0x1900] =	vst v30  }
0x511: {  	v30 =	vld.idx.msk [tilespmem:v19+s20+$0x0], $0xffff;
	[tilespmem:s30+$0x1380] =	vst v31;
	v19 =	vmov v28  }
0x512: {  	[tilespmem:s13+$0x1D00] =	vst v24;
	v24 =	vld.idx.msk [tilespmem:v26+s18+$0x0], $0xffff  }
0x513: {  	[tilespmem:s7+$0x1000] =	vst v32;
	v28 =	vld.idx.msk [tilespmem:v20+s8+$0x0], $0xffff  }
0x514: {  	v31 =	vld.idx.msk [tilespmem:v25+s18+$0x0], $0xffff;
	[tilespmem:s31+$0x680] =	vst v33  }
0x515: {  	v32 =	vld.idx.msk [tilespmem:v13+s15+$0x0], $0xffff;
	[tilespmem:s0+$0xA80] =	vst v29  }
0x516: {  	[tilespmem:s23+$0x1400] =	vst v34;
	v29 =	vld.idx.msk [tilespmem:v27+s16+$0x0], $0xffff  }
0x517: {  	v33 =	vld.idx.msk [tilespmem:v5+s19+$0x0], $0xffff;
	[tilespmem:s1+$0x1D00] =	vst v30  }
0x518: {  	v30 =	vld.idx.msk [tilespmem:v17+s8+$0x0], $0xffff;
	[tilespmem:s30+$0x1780] =	vst v24  }
0x519: {  	[tilespmem:s13+$0x180] =	vst v28;
	v24 =	vld.idx.msk [tilespmem:v26+s19+$0x0], $0xffff  }
0x51a: {  	[tilespmem:s7+$0x1400] =	vst v31;
	v28 =	vld.idx.msk [tilespmem:v20+s14+$0x0], $0xffff  }
0x51b: {  	v31 =	vld.idx.msk [tilespmem:v25+s19+$0x0], $0xffff;
	[tilespmem:s31+$0xA80] =	vst v32  }
0x51c: {  	v32 =	vld.idx.msk [tilespmem:v13+s16+$0x0], $0xffff;
	[tilespmem:s0+$0xE80] =	vst v29  }
0x51d: {  	[tilespmem:s23+$0x1800] =	vst v33;
	v29 =	vld.idx.msk [tilespmem:v27+s17+$0x0], $0xffff  }
0x51e: {  	v33 =	vld.idx.msk [tilespmem:v5+s20+$0x0], $0xffff;
	[tilespmem:s1+$0x180] =	vst v30  }
0x51f: {  	v30 =	vld.idx.msk [tilespmem:v17+s14+$0x0], $0xffff;
	[tilespmem:s30+$0x1B80] =	vst v24  }
0x520: {  	v24 =	vadd.s32 $0x1, v5;
	[tilespmem:s13+$0x580] =	vst v28;
	v26 =	vld.idx.msk [tilespmem:v26+s20+$0x0], $0xffff  }
0x521: {  	[tilespmem:s7+$0x1800] =	vst v31;
	v28 =	vld.idx.msk [tilespmem:v20+s15+$0x0], $0xffff  }
0x522: {  	v25 =	vld.idx.msk [tilespmem:v25+s20+$0x0], $0xffff;
	[tilespmem:s31+$0xE80] =	vst v32  }
0x523: {  	v31 =	vld.idx.msk [tilespmem:v13+s17+$0x0], $0xffff;
	[tilespmem:s0+$0x1280] =	vst v29  }
0x524: {  	[tilespmem:s23+$0x1C00] =	vst v33;
	v29 =	vld.idx.msk [tilespmem:v27+s18+$0x0], $0xffff  }
0x525: {  	v32 =	vld.idx.msk [tilespmem:v24+s8+$0x0], $0xffff;
	[tilespmem:s1+$0x580] =	vst v30  }
0x526: {  	v30 =	vld.idx.msk [tilespmem:v17+s15+$0x0], $0xffff;
	[tilespmem:s30+$0x1F80] =	vst v26;
	s30 =	smov.u32 s0;
	s0 =	smov.u32 s13;
	s13 =	smov.u32 s23  }
0x527: {  	[tilespmem:s0+$0x980] =	vst v28;
	v26 =	vld.idx.msk [tilespmem:v10+s19+$0x0], $0xffff  }
0x528: {  	[tilespmem:s7+$0x1C00] =	vst v25;
	v25 =	vld.idx.msk [tilespmem:v20+s16+$0x0], $0xffff  }
0x529: {  	v28 =	vld.idx.msk [tilespmem:v21+s8+$0x0], $0xffff;
	[tilespmem:s31+$0x1280] =	vst v31  }
0x52a: {  	v31 =	vld.idx.msk [tilespmem:v13+s18+$0x0], $0xffff;
	[tilespmem:s30+$0x1680] =	vst v29  }
0x52b: {  	[tilespmem:s13+$0x80] =	vst v32;
	v29 =	vld.idx.msk [tilespmem:v27+s19+$0x0], $0xffff  }
0x52c: {  	v32 =	vld.idx.msk [tilespmem:v24+s14+$0x0], $0xffff;
	[tilespmem:s1+$0x980] =	vst v30  }
0x52d: {  	v30 =	vld.idx.msk [tilespmem:v17+s16+$0x0], $0xffff;
	[tilespmem:s29+$0x1B00] =	vst v26  }
0x52e: {  	[tilespmem:s0+$0xD80] =	vst v25;
	v25 =	vld.idx.msk [tilespmem:v10+s20+$0x0], $0xffff;
	v10 =	vmov v11;
	v11 =	vmov v12;
	v12 =	vmov v18  }
0x52f: {  	[tilespmem:s7+$0x80] =	vst v28;
	v26 =	vld.idx.msk [tilespmem:v20+s17+$0x0], $0xffff  }
0x530: {  	v28 =	vld.idx.msk [tilespmem:v21+s14+$0x0], $0xffff;
	[tilespmem:s31+$0x1680] =	vst v31  }
0x531: {  	v31 =	vld.idx.msk [tilespmem:v13+s19+$0x0], $0xffff;
	[tilespmem:s30+$0x1A80] =	vst v29  }
0x532: {  	[tilespmem:s13+$0x480] =	vst v32;
	v27 =	vld.idx.msk [tilespmem:v27+s20+$0x0], $0xffff  }
0x533: {  	v29 =	vld.idx.msk [tilespmem:v24+s15+$0x0], $0xffff;
	[tilespmem:s1+$0xD80] =	vst v30  }
0x534: {  	v18 =	vadd.s32 $0x6, v3;
	v30 =	vld.idx.msk [tilespmem:v17+s17+$0x0], $0xffff;
	[tilespmem:s29+$0x1F00] =	vst v25  }
0x535: {  	[tilespmem:s0+$0x1180] =	vst v26;
	v25 =	vld.idx.msk [tilespmem:v9+s8+$0x0], $0xffff  }
0x536: {  	[tilespmem:s7+$0x480] =	vst v28;
	v26 =	vld.idx.msk [tilespmem:v20+s18+$0x0], $0xffff  }
0x537: {  	v28 =	vld.idx.msk [tilespmem:v21+s15+$0x0], $0xffff;
	[tilespmem:s31+$0x1A80] =	vst v31  }
0x538: {  	v31 =	vld.idx.msk [tilespmem:v13+s20+$0x0], $0xffff;
	[tilespmem:s30+$0x1E80] =	vst v27;
	v13 =	vmov v14;
	v14 =	vmov v23  }
0x539: {  	[tilespmem:s13+$0x880] =	vst v29;
	v23 =	vld.idx.msk [tilespmem:v18+s8+$0x0], $0xffff  }
0x53a: {  	v27 =	vld.idx.msk [tilespmem:v24+s16+$0x0], $0xffff;
	[tilespmem:s1+$0x1180] =	vst v30  }
0x53b: {  	v29 =	vld.idx.msk [tilespmem:v17+s18+$0x0], $0xffff;
	[tilespmem:s29+$0x380] =	vst v25  }
0x53c: {  	[tilespmem:s0+$0x1580] =	vst v26;
	v25 =	vld.idx.msk [tilespmem:v9+s14+$0x0], $0xffff  }
0x53d: {  	[tilespmem:s7+$0x880] =	vst v28;
	v26 =	vld.idx.msk [tilespmem:v20+s19+$0x0], $0xffff  }
0x53e: {  	v28 =	vld.idx.msk [tilespmem:v21+s16+$0x0], $0xffff;
	[tilespmem:s31+$0x1E80] =	vst v31  }
0x53f: {  	v30 =	vld.idx.msk [tilespmem:v10+s8+$0x0], $0xffff;
	[tilespmem:s30+$0x300] =	vst v23  }
0x540: {  	[tilespmem:s13+$0xC80] =	vst v27;
	v23 =	vld.idx.msk [tilespmem:v18+s14+$0x0], $0xffff  }
0x541: {  	v27 =	vld.idx.msk [tilespmem:v24+s17+$0x0], $0xffff;
	[tilespmem:s1+$0x1580] =	vst v29  }
0x542: {  	v29 =	vld.idx.msk [tilespmem:v17+s19+$0x0], $0xffff;
	[tilespmem:s29+$0x780] =	vst v25  }
0x543: {  	[tilespmem:s0+$0x1980] =	vst v26;
	v25 =	vld.idx.msk [tilespmem:v9+s15+$0x0], $0xffff  }
0x544: {  	[tilespmem:s7+$0xC80] =	vst v28;
	v26 =	vld.idx.msk [tilespmem:v20+s20+$0x0], $0xffff  }
0x545: {  	v28 =	vld.idx.msk [tilespmem:v21+s17+$0x0], $0xffff;
	[tilespmem:s31+$0x300] =	vst v30  }
0x546: {  	v20 =	vadd.s32 $0x4, v4;
	v30 =	vld.idx.msk [tilespmem:v10+s14+$0x0], $0xffff;
	[tilespmem:s30+$0x700] =	vst v23  }
0x547: {  	[tilespmem:s13+$0x1080] =	vst v27;
	v23 =	vld.idx.msk [tilespmem:v18+s15+$0x0], $0xffff  }
0x548: {  	v27 =	vld.idx.msk [tilespmem:v24+s18+$0x0], $0xffff;
	[tilespmem:s1+$0x1980] =	vst v29  }
0x549: {  	v29 =	vld.idx.msk [tilespmem:v17+s20+$0x0], $0xffff;
	[tilespmem:s29+$0xB80] =	vst v25;
	v17 =	vmov v22  }
0x54a: {  	[tilespmem:s0+$0x1D80] =	vst v26;
	v22 =	vld.idx.msk [tilespmem:v9+s16+$0x0], $0xffff  }
0x54b: {  	[tilespmem:s7+$0x1080] =	vst v28;
	v25 =	vld.idx.msk [tilespmem:v20+s8+$0x0], $0xffff  }
0x54c: {  	v26 =	vld.idx.msk [tilespmem:v21+s18+$0x0], $0xffff;
	[tilespmem:s31+$0x700] =	vst v30  }
0x54d: {  	v28 =	vld.idx.msk [tilespmem:v10+s15+$0x0], $0xffff;
	[tilespmem:s30+$0xB00] =	vst v23  }
0x54e: {  	[tilespmem:s13+$0x1480] =	vst v27;
	v23 =	vld.idx.msk [tilespmem:v18+s16+$0x0], $0xffff  }
0x54f: {  	v27 =	vld.idx.msk [tilespmem:v24+s19+$0x0], $0xffff;
	[tilespmem:s1+$0x1D80] =	vst v29  }
0x550: {  	v29 =	vld.idx.msk [tilespmem:v15+s8+$0x0], $0xffff;
	[tilespmem:s29+$0xF80] =	vst v22  }
0x551: {  	[tilespmem:s0+$0x200] =	vst v25;
	v22 =	vld.idx.msk [tilespmem:v9+s17+$0x0], $0xffff  }
0x552: {  	[tilespmem:s7+$0x1480] =	vst v26;
	v25 =	vld.idx.msk [tilespmem:v20+s14+$0x0], $0xffff  }
0x553: {  	v30 =	vld.idx.msk [tilespmem:v21+s19+$0x0], $0xffff;
	[tilespmem:s31+$0xB00] =	vst v28  }
0x554: {  	v28 =	vld.idx.msk [tilespmem:v10+s16+$0x0], $0xffff;
	[tilespmem:s30+$0xF00] =	vst v23  }
0x555: {  	[tilespmem:s13+$0x1880] =	vst v27;
	v31 =	vld.idx.msk [tilespmem:v18+s17+$0x0], $0xffff  }
0x556: {  	v26 =	vld.idx.msk [tilespmem:v24+s20+$0x0], $0xffff;
	[tilespmem:s1+$0x200] =	vst v29  }
.Ltmp1:
0x557: {  	v23 =	vld.idx.msk [tilespmem:v15+s14+$0x0], $0xffff;
	[tilespmem:s29+$0x1380] =	vst v22;
	(pc) =	sbr.rel @p0 .LBB2_5-.Ltmp1, $4  }
0x558: {  	v24 =	vadd.s32 $0x2, v5;
	[tilespmem:s0+$0x600] =	vst v25;
	v22 =	vld.idx.msk [tilespmem:v9+s18+$0x0], $0xffff  }
0x559: {  	[tilespmem:s7+$0x1880] =	vst v30;
	v25 =	vld.idx.msk [tilespmem:v20+s15+$0x0], $0xffff  }
0x55a: {  	v27 =	vld.idx.msk [tilespmem:v21+s20+$0x0], $0xffff;
	[tilespmem:s31+$0xF00] =	vst v28  }
0x55b: {  	v21 =	vld.idx.msk [tilespmem:v10+s17+$0x0], $0xffff;
	[tilespmem:s30+$0x1300] =	vst v31  }
0x55c: {  	_ =	sdelay $0x2  }
0x55d: {  	[tilespmem:s13+$0x1C80] =	vst v26  }
0x55e: {  	v26 =	vld.idx.msk [tilespmem:v24+s8+$0x0], $0xffff;
	[tilespmem:s7+$0x1C80] =	vst v27  }
0x55f: {  	v27 =	vld.idx.msk [tilespmem:v19+s8+$0x0], $0xffff;
	_ =	sdelay $0x3  }
0x560: {  	[tilespmem:s13+$0x100] =	vst v26  }
0x561: {  	v26 =	vld.idx.msk [tilespmem:v24+s14+$0x0], $0xffff;
	[tilespmem:s7+$0x100] =	vst v27  }
0x562: {  	v27 =	vld.idx.msk [tilespmem:v19+s14+$0x0], $0xffff;
	_ =	sdelay $0x3  }
0x563: {  	[tilespmem:s13+$0x500] =	vst v26  }
0x564: {  	v26 =	vld.idx.msk [tilespmem:v24+s15+$0x0], $0xffff;
	[tilespmem:s7+$0x500] =	vst v27  }
0x565: {  	v27 =	vld.idx.msk [tilespmem:v19+s15+$0x0], $0xffff;
	_ =	sdelay $0x3  }
0x566: {  	[tilespmem:s13+$0x900] =	vst v26  }
0x567: {  	v26 =	vld.idx.msk [tilespmem:v24+s16+$0x0], $0xffff;
	[tilespmem:s7+$0x900] =	vst v27  }
0x568: {  	v27 =	vld.idx.msk [tilespmem:v19+s16+$0x0], $0xffff;
	_ =	sdelay $0x3  }
0x569: {  	[tilespmem:s13+$0xD00] =	vst v26  }
0x56a: {  	v26 =	vld.idx.msk [tilespmem:v24+s17+$0x0], $0xffff;
	[tilespmem:s7+$0xD00] =	vst v27  }
0x56b: {  	v27 =	vld.idx.msk [tilespmem:v19+s17+$0x0], $0xffff;
	_ =	sdelay $0x3  }
0x56c: {  	[tilespmem:s13+$0x1100] =	vst v26  }
0x56d: {  	v26 =	vld.idx.msk [tilespmem:v24+s18+$0x0], $0xffff;
	[tilespmem:s7+$0x1100] =	vst v27  }
0x56e: {  	v27 =	vld.idx.msk [tilespmem:v19+s18+$0x0], $0xffff;
	_ =	sdelay $0x3  }
0x56f: {  	[tilespmem:s13+$0x1500] =	vst v26  }
0x570: {  	v26 =	vld.idx.msk [tilespmem:v24+s19+$0x0], $0xffff;
	[tilespmem:s7+$0x1500] =	vst v27  }
0x571: {  	v27 =	vld.idx.msk [tilespmem:v19+s19+$0x0], $0xffff;
	_ =	sdelay $0x3  }
0x572: {  	[tilespmem:s13+$0x1900] =	vst v26  }
0x573: {  	v33 =	vld.idx.msk [tilespmem:v24+s20+$0x0], $0xffff;
	[tilespmem:s7+$0x1900] =	vst v27  }
0x574: {  	v34 =	vadd.s32 $0x3, v5;
	v35 =	vld.idx.msk [tilespmem:v19+s20+$0x0], $0xffff;
	_ =	sdelay $0x3  }
0x575: {  	[tilespmem:s13+$0x1D00] =	vst v33  }
0x576: {  	v24 =	vld.idx.msk [tilespmem:v34+s8+$0x0], $0xffff;
	[tilespmem:s7+$0x1D00] =	vst v35  }
0x577: {  	v19 =	vld.idx.msk [tilespmem:v17+s8+$0x0], $0xffff;
	_ =	sdelay $0x3  }
0x578: {  	[tilespmem:s13+$0x180] =	vst v24  }
0x579: {  	v24 =	vld.idx.msk [tilespmem:v34+s14+$0x0], $0xffff;
	[tilespmem:s7+$0x180] =	vst v19  }
0x57a: {  	v19 =	vld.idx.msk [tilespmem:v17+s14+$0x0], $0xffff;
	_ =	sdelay $0x3  }
0x57b: {  	[tilespmem:s13+$0x580] =	vst v24  }
0x57c: {  	v24 =	vld.idx.msk [tilespmem:v34+s15+$0x0], $0xffff;
	[tilespmem:s7+$0x580] =	vst v19  }
0x57d: {  	v19 =	vld.idx.msk [tilespmem:v17+s15+$0x0], $0xffff;
	_ =	sdelay $0x3  }
0x57e: {  	[tilespmem:s13+$0x980] =	vst v24  }
0x57f: {  	v24 =	vld.idx.msk [tilespmem:v34+s16+$0x0], $0xffff;
	[tilespmem:s7+$0x980] =	vst v19  }
0x580: {  	v19 =	vld.idx.msk [tilespmem:v17+s16+$0x0], $0xffff;
	_ =	sdelay $0x3  }
0x581: {  	[tilespmem:s13+$0xD80] =	vst v24  }
0x582: {  	v24 =	vld.idx.msk [tilespmem:v34+s17+$0x0], $0xffff;
	[tilespmem:s7+$0xD80] =	vst v19  }
0x583: {  	v19 =	vld.idx.msk [tilespmem:v17+s17+$0x0], $0xffff;
	_ =	sdelay $0x3  }
0x584: {  	[tilespmem:s13+$0x1180] =	vst v24  }
0x585: {  	v24 =	vld.idx.msk [tilespmem:v34+s18+$0x0], $0xffff;
	[tilespmem:s7+$0x1180] =	vst v19  }
0x586: {  	v19 =	vld.idx.msk [tilespmem:v17+s18+$0x0], $0xffff;
	_ =	sdelay $0x3  }
0x587: {  	[tilespmem:s13+$0x1580] =	vst v24  }
0x588: {  	v24 =	vld.idx.msk [tilespmem:v34+s19+$0x0], $0xffff;
	[tilespmem:s7+$0x1580] =	vst v19  }
0x589: {  	v19 =	vld.idx.msk [tilespmem:v17+s19+$0x0], $0xffff;
	_ =	sdelay $0x3  }
0x58a: {  	[tilespmem:s13+$0x1980] =	vst v24  }
0x58b: {  	v24 =	vld.idx.msk [tilespmem:v34+s20+$0x0], $0xffff;
	[tilespmem:s7+$0x1980] =	vst v19  }
0x58c: {  	v36 =	vadd.s32 $0x4, v5;
	v37 =	vld.idx.msk [tilespmem:v17+s20+$0x0], $0xffff;
	_ =	sdelay $0x3  }
0x58d: {  	[tilespmem:s13+$0x1D80] =	vst v24  }
0x58e: {  	v24 =	vld.idx.msk [tilespmem:v36+s8+$0x0], $0xffff;
	[tilespmem:s7+$0x1D80] =	vst v37  }
0x58f: {  	v17 =	vld.idx.msk [tilespmem:v16+s8+$0x0], $0xffff;
	_ =	sdelay $0x3  }
0x590: {  	[tilespmem:s13+$0x200] =	vst v24  }
0x591: {  	v24 =	vld.idx.msk [tilespmem:v36+s14+$0x0], $0xffff;
	[tilespmem:s7+$0x200] =	vst v17  }
0x592: {  	v17 =	vld.idx.msk [tilespmem:v16+s14+$0x0], $0xffff;
	_ =	sdelay $0x1  }
0x593: {  	[tilespmem:s1+$0x600] =	vst v23  }
0x594: {  	v23 =	vld.idx.msk [tilespmem:v15+s15+$0x0], $0xffff  }
0x595: {  	[tilespmem:s13+$0x600] =	vst v24  }
0x596: {  	v24 =	vld.idx.msk [tilespmem:v36+s15+$0x0], $0xffff;
	[tilespmem:s7+$0x600] =	vst v17  }
0x597: {  	v17 =	vld.idx.msk [tilespmem:v16+s15+$0x0], $0xffff;
	_ =	sdelay $0x1  }
0x598: {  	[tilespmem:s1+$0xA00] =	vst v23  }
0x599: {  	[tilespmem:s0+$0xA00] =	vst v25;
	v23 =	vld.idx.msk [tilespmem:v15+s16+$0x0], $0xffff  }
0x59a: {  	v25 =	vld.idx.msk [tilespmem:v20+s16+$0x0], $0xffff;
	[tilespmem:s13+$0xA00] =	vst v24  }
0x59b: {  	v24 =	vld.idx.msk [tilespmem:v36+s16+$0x0], $0xffff;
	[tilespmem:s7+$0xA00] =	vst v17  }
0x59c: {  	v17 =	vld.idx.msk [tilespmem:v16+s16+$0x0], $0xffff;
	_ =	sdelay $0x1  }
0x59d: {  	[tilespmem:s1+$0xE00] =	vst v23  }
0x59e: {  	[tilespmem:s0+$0xE00] =	vst v25;
	v23 =	vld.idx.msk [tilespmem:v15+s17+$0x0], $0xffff  }
0x59f: {  	v25 =	vld.idx.msk [tilespmem:v20+s17+$0x0], $0xffff;
	[tilespmem:s13+$0xE00] =	vst v24  }
0x5a0: {  	v24 =	vld.idx.msk [tilespmem:v36+s17+$0x0], $0xffff;
	[tilespmem:s7+$0xE00] =	vst v17  }
0x5a1: {  	v17 =	vld.idx.msk [tilespmem:v16+s17+$0x0], $0xffff;
	_ =	sdelay $0x1  }
0x5a2: {  	[tilespmem:s1+$0x1200] =	vst v23  }
0x5a3: {  	[tilespmem:s0+$0x1200] =	vst v25;
	v23 =	vld.idx.msk [tilespmem:v15+s18+$0x0], $0xffff  }
0x5a4: {  	v25 =	vld.idx.msk [tilespmem:v20+s18+$0x0], $0xffff;
	[tilespmem:s13+$0x1200] =	vst v24  }
0x5a5: {  	v24 =	vld.idx.msk [tilespmem:v36+s18+$0x0], $0xffff;
	[tilespmem:s7+$0x1200] =	vst v17  }
0x5a6: {  	v17 =	vld.idx.msk [tilespmem:v16+s18+$0x0], $0xffff;
	_ =	sdelay $0x1  }
0x5a7: {  	[tilespmem:s1+$0x1600] =	vst v23  }
0x5a8: {  	[tilespmem:s0+$0x1600] =	vst v25;
	v23 =	vld.idx.msk [tilespmem:v15+s19+$0x0], $0xffff  }
0x5a9: {  	v25 =	vld.idx.msk [tilespmem:v20+s19+$0x0], $0xffff;
	[tilespmem:s13+$0x1600] =	vst v24  }
0x5aa: {  	v24 =	vld.idx.msk [tilespmem:v36+s19+$0x0], $0xffff;
	[tilespmem:s7+$0x1600] =	vst v17  }
0x5ab: {  	v17 =	vld.idx.msk [tilespmem:v16+s19+$0x0], $0xffff;
	_ =	sdelay $0x1  }
0x5ac: {  	[tilespmem:s1+$0x1A00] =	vst v23  }
0x5ad: {  	[tilespmem:s0+$0x1A00] =	vst v25;
	v40 =	vld.idx.msk [tilespmem:v15+s20+$0x0], $0xffff  }
0x5ae: {  	v38 =	vld.idx.msk [tilespmem:v20+s20+$0x0], $0xffff;
	[tilespmem:s13+$0x1A00] =	vst v24  }
0x5af: {  	v39 =	vadd.s32 $0x5, v4;
	v19 =	vld.idx.msk [tilespmem:v36+s20+$0x0], $0xffff;
	[tilespmem:s7+$0x1A00] =	vst v17  }
0x5b0: {  	v41 =	vadd.s32 $0x5, v5;
	v42 =	vld.idx.msk [tilespmem:v16+s20+$0x0], $0xffff;
	_ =	sdelay $0x1  }
0x5b1: {  	[tilespmem:s1+$0x1E00] =	vst v40  }
0x5b2: {  	[tilespmem:s0+$0x1E00] =	vst v38;
	v15 =	vld.idx.msk [tilespmem:v13+s8+$0x0], $0xffff  }
0x5b3: {  	v20 =	vld.idx.msk [tilespmem:v39+s8+$0x0], $0xffff;
	[tilespmem:s13+$0x1E00] =	vst v19  }
0x5b4: {  	v19 =	vld.idx.msk [tilespmem:v41+s8+$0x0], $0xffff;
	[tilespmem:s7+$0x1E00] =	vst v42  }
0x5b5: {  	v16 =	vld.idx.msk [tilespmem:v14+s8+$0x0], $0xffff;
	_ =	sdelay $0x1  }
0x5b6: {  	[tilespmem:s1+$0x280] =	vst v15  }
0x5b7: {  	[tilespmem:s0+$0x280] =	vst v20;
	v15 =	vld.idx.msk [tilespmem:v13+s14+$0x0], $0xffff  }
0x5b8: {  	v20 =	vld.idx.msk [tilespmem:v39+s14+$0x0], $0xffff;
	[tilespmem:s13+$0x280] =	vst v19  }
0x5b9: {  	v19 =	vld.idx.msk [tilespmem:v41+s14+$0x0], $0xffff;
	[tilespmem:s7+$0x280] =	vst v16  }
0x5ba: {  	v16 =	vld.idx.msk [tilespmem:v14+s14+$0x0], $0xffff;
	_ =	sdelay $0x1  }
0x5bb: {  	[tilespmem:s1+$0x680] =	vst v15  }
0x5bc: {  	[tilespmem:s0+$0x680] =	vst v20;
	v15 =	vld.idx.msk [tilespmem:v13+s15+$0x0], $0xffff  }
0x5bd: {  	v20 =	vld.idx.msk [tilespmem:v39+s15+$0x0], $0xffff;
	[tilespmem:s13+$0x680] =	vst v19  }
0x5be: {  	v19 =	vld.idx.msk [tilespmem:v41+s15+$0x0], $0xffff;
	[tilespmem:s7+$0x680] =	vst v16  }
0x5bf: {  	v16 =	vld.idx.msk [tilespmem:v14+s15+$0x0], $0xffff;
	_ =	sdelay $0x1  }
0x5c0: {  	[tilespmem:s1+$0xA80] =	vst v15  }
0x5c1: {  	[tilespmem:s0+$0xA80] =	vst v20;
	v15 =	vld.idx.msk [tilespmem:v13+s16+$0x0], $0xffff  }
0x5c2: {  	v20 =	vld.idx.msk [tilespmem:v39+s16+$0x0], $0xffff;
	[tilespmem:s13+$0xA80] =	vst v19  }
0x5c3: {  	v19 =	vld.idx.msk [tilespmem:v41+s16+$0x0], $0xffff;
	[tilespmem:s7+$0xA80] =	vst v16  }
0x5c4: {  	v16 =	vld.idx.msk [tilespmem:v14+s16+$0x0], $0xffff;
	_ =	sdelay $0x1  }
0x5c5: {  	[tilespmem:s1+$0xE80] =	vst v15  }
0x5c6: {  	[tilespmem:s0+$0xE80] =	vst v20;
	v15 =	vld.idx.msk [tilespmem:v13+s17+$0x0], $0xffff  }
0x5c7: {  	v20 =	vld.idx.msk [tilespmem:v39+s17+$0x0], $0xffff;
	[tilespmem:s13+$0xE80] =	vst v19  }
0x5c8: {  	v19 =	vld.idx.msk [tilespmem:v41+s17+$0x0], $0xffff;
	[tilespmem:s7+$0xE80] =	vst v16  }
0x5c9: {  	v16 =	vld.idx.msk [tilespmem:v14+s17+$0x0], $0xffff;
	_ =	sdelay $0x1  }
0x5ca: {  	[tilespmem:s1+$0x1280] =	vst v15  }
0x5cb: {  	[tilespmem:s0+$0x1280] =	vst v20;
	v15 =	vld.idx.msk [tilespmem:v13+s18+$0x0], $0xffff  }
0x5cc: {  	v20 =	vld.idx.msk [tilespmem:v39+s18+$0x0], $0xffff;
	[tilespmem:s13+$0x1280] =	vst v19  }
0x5cd: {  	v19 =	vld.idx.msk [tilespmem:v41+s18+$0x0], $0xffff;
	[tilespmem:s7+$0x1280] =	vst v16  }
0x5ce: {  	v16 =	vld.idx.msk [tilespmem:v14+s18+$0x0], $0xffff;
	_ =	sdelay $0x1  }
0x5cf: {  	[tilespmem:s1+$0x1680] =	vst v15  }
0x5d0: {  	[tilespmem:s0+$0x1680] =	vst v20;
	v15 =	vld.idx.msk [tilespmem:v13+s19+$0x0], $0xffff  }
0x5d1: {  	v20 =	vld.idx.msk [tilespmem:v39+s19+$0x0], $0xffff;
	[tilespmem:s13+$0x1680] =	vst v19  }
0x5d2: {  	v19 =	vld.idx.msk [tilespmem:v41+s19+$0x0], $0xffff;
	[tilespmem:s7+$0x1680] =	vst v16  }
0x5d3: {  	v16 =	vld.idx.msk [tilespmem:v14+s19+$0x0], $0xffff;
	_ =	sdelay $0x1  }
0x5d4: {  	[tilespmem:s1+$0x1A80] =	vst v15  }
0x5d5: {  	[tilespmem:s0+$0x1A80] =	vst v20;
	v44 =	vld.idx.msk [tilespmem:v13+s20+$0x0], $0xffff  }
0x5d6: {  	v20 =	vld.idx.msk [tilespmem:v39+s20+$0x0], $0xffff;
	[tilespmem:s13+$0x1A80] =	vst v19  }
0x5d7: {  	v43 =	vadd.s32 $0x6, v4;
	v17 =	vld.idx.msk [tilespmem:v41+s20+$0x0], $0xffff;
	[tilespmem:s7+$0x1A80] =	vst v16  }
0x5d8: {  	v45 =	vadd.s32 $0x6, v5;
	v46 =	vld.idx.msk [tilespmem:v14+s20+$0x0], $0xffff;
	_ =	sdelay $0x1  }
0x5d9: {  	[tilespmem:s1+$0x1E80] =	vst v44  }
0x5da: {  	[tilespmem:s0+$0x1E80] =	vst v20;
	v13 =	vld.idx.msk [tilespmem:v11+s8+$0x0], $0xffff  }
0x5db: {  	v47 =	vld.idx.msk [tilespmem:v43+s8+$0x0], $0xffff;
	[tilespmem:s13+$0x1E80] =	vst v17  }
0x5dc: {  	v17 =	vld.idx.msk [tilespmem:v45+s8+$0x0], $0xffff;
	[tilespmem:s7+$0x1E80] =	vst v46  }
0x5dd: {  	v14 =	vld.idx.msk [tilespmem:v12+s8+$0x0], $0xffff;
	_ =	sdelay $0x1  }
0x5de: {  	[tilespmem:s1+$0x300] =	vst v13  }
0x5df: {  	[tilespmem:s0+$0x300] =	vst v47;
	v13 =	vld.idx.msk [tilespmem:v11+s14+$0x0], $0xffff  }
0x5e0: {  	v19 =	vld.idx.msk [tilespmem:v43+s14+$0x0], $0xffff;
	[tilespmem:s13+$0x300] =	vst v17  }
0x5e1: {  	v17 =	vld.idx.msk [tilespmem:v45+s14+$0x0], $0xffff;
	[tilespmem:s7+$0x300] =	vst v14  }
0x5e2: {  	v14 =	vld.idx.msk [tilespmem:v12+s14+$0x0], $0xffff;
	_ =	sdelay $0x1  }
0x5e3: {  	[tilespmem:s1+$0x700] =	vst v13  }
0x5e4: {  	v13 =	vld.idx.msk [tilespmem:v11+s15+$0x0], $0xffff;
	[tilespmem:s0+$0x700] =	vst v19  }
0x5e5: {  	v19 =	vld.idx.msk [tilespmem:v43+s15+$0x0], $0xffff;
	[tilespmem:s13+$0x700] =	vst v17  }
0x5e6: {  	v17 =	vld.idx.msk [tilespmem:v45+s15+$0x0], $0xffff;
	[tilespmem:s7+$0x700] =	vst v14  }
0x5e7: {  	v14 =	vld.idx.msk [tilespmem:v12+s15+$0x0], $0xffff;
	_ =	sdelay $0x1  }
0x5e8: {  	[tilespmem:s1+$0xB00] =	vst v13  }
0x5e9: {  	v13 =	vld.idx.msk [tilespmem:v11+s16+$0x0], $0xffff;
	[tilespmem:s0+$0xB00] =	vst v19  }
0x5ea: {  	v19 =	vld.idx.msk [tilespmem:v43+s16+$0x0], $0xffff;
	[tilespmem:s13+$0xB00] =	vst v17  }
0x5eb: {  	v17 =	vld.idx.msk [tilespmem:v45+s16+$0x0], $0xffff;
	[tilespmem:s7+$0xB00] =	vst v14  }
0x5ec: {  	[tilespmem:s29+$0x1780] =	vst v22;
	v14 =	vld.idx.msk [tilespmem:v12+s16+$0x0], $0xffff  }
0x5ed: {  	v48 =	vld.idx.msk [tilespmem:v18+s18+$0x0], $0xffff;
	[tilespmem:s31+$0x1300] =	vst v21  }
0x5ee: {  	v49 =	vld.idx.msk [tilespmem:v9+s19+$0x0], $0xffff;
	[tilespmem:s1+$0xF00] =	vst v13  }
0x5ef: {  	v13 =	vld.idx.msk [tilespmem:v11+s17+$0x0], $0xffff;
	[tilespmem:s0+$0xF00] =	vst v19  }
0x5f0: {  	v19 =	vld.idx.msk [tilespmem:v43+s17+$0x0], $0xffff;
	[tilespmem:s13+$0xF00] =	vst v17  }
0x5f1: {  	v17 =	vld.idx.msk [tilespmem:v45+s17+$0x0], $0xffff;
	[tilespmem:s7+$0xF00] =	vst v14  }
0x5f2: {  	[tilespmem:s30+$0x1700] =	vst v48;
	v14 =	vld.idx.msk [tilespmem:v12+s17+$0x0], $0xffff  }
0x5f3: {  	v50 =	vld.idx.msk [tilespmem:v10+s18+$0x0], $0xffff;
	[tilespmem:s29+$0x1B80] =	vst v49  }
0x5f4: {  	v53 =	vld.idx.msk [tilespmem:v9+s20+$0x0], $0xffff;
	[tilespmem:s1+$0x1300] =	vst v13  }
0x5f5: {  	v13 =	vld.idx.msk [tilespmem:v11+s18+$0x0], $0xffff;
	[tilespmem:s0+$0x1300] =	vst v19  }
0x5f6: {  	v19 =	vld.idx.msk [tilespmem:v43+s18+$0x0], $0xffff;
	[tilespmem:s13+$0x1300] =	vst v17  }
0x5f7: {  	v17 =	vld.idx.msk [tilespmem:v45+s18+$0x0], $0xffff;
	[tilespmem:s7+$0x1300] =	vst v14  }
0x5f8: {  	[tilespmem:s31+$0x1700] =	vst v50;
	v14 =	vld.idx.msk [tilespmem:v12+s18+$0x0], $0xffff  }
0x5f9: {  	[tilespmem:s29+$0x1F80] =	vst v53;
	v20 =	vld.idx.msk [tilespmem:v18+s19+$0x0], $0xffff  }
0x5fa: {  	v52 =	vld.idx.msk [tilespmem:v10+s19+$0x0], $0xffff;
	[tilespmem:s1+$0x1700] =	vst v13  }
0x5fb: {  	v13 =	vld.idx.msk [tilespmem:v11+s19+$0x0], $0xffff;
	[tilespmem:s0+$0x1700] =	vst v19  }
0x5fc: {  	v19 =	vld.idx.msk [tilespmem:v43+s19+$0x0], $0xffff;
	[tilespmem:s13+$0x1700] =	vst v17  }
0x5fd: {  	v17 =	vld.idx.msk [tilespmem:v45+s19+$0x0], $0xffff;
	[tilespmem:s7+$0x1700] =	vst v14  }
0x5fe: {  	[tilespmem:s30+$0x1B00] =	vst v20;
	v14 =	vld.idx.msk [tilespmem:v12+s19+$0x0], $0xffff  }
0x5ff: {  	[tilespmem:s31+$0x1B00] =	vst v52;
	v51 =	vld.idx.msk [tilespmem:v18+s20+$0x0], $0xffff  }
0x600: {  	v3 =	vadd.s32 $0x7, v3;
	v54 =	vld.idx.msk [tilespmem:v10+s20+$0x0], $0xffff;
	[tilespmem:s1+$0x1B00] =	vst v13  }
0x601: {  	v56 =	vld.idx.msk [tilespmem:v11+s20+$0x0], $0xffff;
	[tilespmem:s0+$0x1B00] =	vst v19  }
0x602: {  	v15 =	vld.idx.msk [tilespmem:v43+s20+$0x0], $0xffff;
	[tilespmem:s13+$0x1B00] =	vst v17  }
0x603: {  	v55 =	vadd.s32 $0x7, v4;
	v57 =	vld.idx.msk [tilespmem:v45+s20+$0x0], $0xffff;
	[tilespmem:s7+$0x1B00] =	vst v14  }
0x604: {  	v58 =	vadd.s32 $0x7, v5;
	[tilespmem:s30+$0x1F00] =	vst v51;
	v59 =	vld.idx.msk [tilespmem:v12+s20+$0x0], $0xffff  }
0x605: {  	[tilespmem:s31+$0x1F00] =	vst v54;
	v60 =	vld.idx.msk [tilespmem:v3+s8+$0x0], $0xffff  }
0x606: {  	v10 =	vld.idx.msk [tilespmem:v6+s8+$0x0], $0xffff;
	[tilespmem:s1+$0x1F00] =	vst v56  }
0x607: {  	v11 =	vld.idx.msk [tilespmem:v7+s8+$0x0], $0xffff;
	[tilespmem:s0+$0x1F00] =	vst v15  }
0x608: {  	v61 =	vld.idx.msk [tilespmem:v55+s8+$0x0], $0xffff;
	[tilespmem:s13+$0x1F00] =	vst v57  }
0x609: {  	v13 =	vld.idx.msk [tilespmem:v58+s8+$0x0], $0xffff;
	[tilespmem:s7+$0x1F00] =	vst v59  }
0x60a: {  	[tilespmem:s30+$0x380] =	vst v60;
	v9 =	vld.idx.msk [tilespmem:v8+s8+$0x0], $0xffff  }
0x60b: {  	[tilespmem:s31+$0x380] =	vst v10;
	v12 =	vld.idx.msk [tilespmem:v3+s14+$0x0], $0xffff  }
0x60c: {  	v10 =	vld.idx.msk [tilespmem:v6+s14+$0x0], $0xffff;
	[tilespmem:s1+$0x380] =	vst v11  }
0x60d: {  	v11 =	vld.idx.msk [tilespmem:v7+s14+$0x0], $0xffff;
	[tilespmem:s0+$0x380] =	vst v61  }
0x60e: {  	v14 =	vld.idx.msk [tilespmem:v55+s14+$0x0], $0xffff;
	[tilespmem:s13+$0x380] =	vst v13  }
0x60f: {  	v13 =	vld.idx.msk [tilespmem:v58+s14+$0x0], $0xffff;
	[tilespmem:s7+$0x380] =	vst v9  }
0x610: {  	[tilespmem:s30+$0x780] =	vst v12;
	v9 =	vld.idx.msk [tilespmem:v8+s14+$0x0], $0xffff  }
0x611: {  	[tilespmem:s31+$0x780] =	vst v10;
	v12 =	vld.idx.msk [tilespmem:v3+s15+$0x0], $0xffff  }
0x612: {  	v10 =	vld.idx.msk [tilespmem:v6+s15+$0x0], $0xffff;
	[tilespmem:s1+$0x780] =	vst v11  }
0x613: {  	v11 =	vld.idx.msk [tilespmem:v7+s15+$0x0], $0xffff;
	[tilespmem:s0+$0x780] =	vst v14  }
0x614: {  	v14 =	vld.idx.msk [tilespmem:v55+s15+$0x0], $0xffff;
	[tilespmem:s13+$0x780] =	vst v13  }
0x615: {  	v13 =	vld.idx.msk [tilespmem:v58+s15+$0x0], $0xffff;
	[tilespmem:s7+$0x780] =	vst v9  }
0x616: {  	[tilespmem:s30+$0xB80] =	vst v12;
	v9 =	vld.idx.msk [tilespmem:v8+s15+$0x0], $0xffff  }
0x617: {  	[tilespmem:s31+$0xB80] =	vst v10;
	v12 =	vld.idx.msk [tilespmem:v3+s16+$0x0], $0xffff  }
0x618: {  	v10 =	vld.idx.msk [tilespmem:v6+s16+$0x0], $0xffff;
	[tilespmem:s1+$0xB80] =	vst v11  }
0x619: {  	v11 =	vld.idx.msk [tilespmem:v7+s16+$0x0], $0xffff;
	[tilespmem:s0+$0xB80] =	vst v14  }
0x61a: {  	v14 =	vld.idx.msk [tilespmem:v55+s16+$0x0], $0xffff;
	[tilespmem:s13+$0xB80] =	vst v13  }
0x61b: {  	v13 =	vld.idx.msk [tilespmem:v58+s16+$0x0], $0xffff;
	[tilespmem:s7+$0xB80] =	vst v9  }
0x61c: {  	[tilespmem:s30+$0xF80] =	vst v12;
	v9 =	vld.idx.msk [tilespmem:v8+s16+$0x0], $0xffff  }
0x61d: {  	[tilespmem:s31+$0xF80] =	vst v10;
	v12 =	vld.idx.msk [tilespmem:v3+s17+$0x0], $0xffff  }
0x61e: {  	v10 =	vld.idx.msk [tilespmem:v6+s17+$0x0], $0xffff;
	[tilespmem:s1+$0xF80] =	vst v11  }
0x61f: {  	v11 =	vld.idx.msk [tilespmem:v7+s17+$0x0], $0xffff;
	[tilespmem:s0+$0xF80] =	vst v14  }
0x620: {  	v14 =	vld.idx.msk [tilespmem:v55+s17+$0x0], $0xffff;
	[tilespmem:s13+$0xF80] =	vst v13  }
0x621: {  	v13 =	vld.idx.msk [tilespmem:v58+s17+$0x0], $0xffff;
	[tilespmem:s7+$0xF80] =	vst v9  }
0x622: {  	[tilespmem:s30+$0x1380] =	vst v12;
	v9 =	vld.idx.msk [tilespmem:v8+s17+$0x0], $0xffff  }
0x623: {  	[tilespmem:s31+$0x1380] =	vst v10;
	v12 =	vld.idx.msk [tilespmem:v3+s18+$0x0], $0xffff  }
0x624: {  	v10 =	vld.idx.msk [tilespmem:v6+s18+$0x0], $0xffff;
	[tilespmem:s1+$0x1380] =	vst v11  }
0x625: {  	v11 =	vld.idx.msk [tilespmem:v7+s18+$0x0], $0xffff;
	[tilespmem:s0+$0x1380] =	vst v14  }
0x626: {  	v14 =	vld.idx.msk [tilespmem:v55+s18+$0x0], $0xffff;
	[tilespmem:s13+$0x1380] =	vst v13  }
0x627: {  	v13 =	vld.idx.msk [tilespmem:v58+s18+$0x0], $0xffff;
	[tilespmem:s7+$0x1380] =	vst v9  }
0x628: {  	[tilespmem:s30+$0x1780] =	vst v12;
	v9 =	vld.idx.msk [tilespmem:v8+s18+$0x0], $0xffff  }
0x629: {  	[tilespmem:s31+$0x1780] =	vst v10;
	v12 =	vld.idx.msk [tilespmem:v3+s19+$0x0], $0xffff  }
0x62a: {  	v10 =	vld.idx.msk [tilespmem:v6+s19+$0x0], $0xffff;
	[tilespmem:s1+$0x1780] =	vst v11  }
0x62b: {  	v11 =	vld.idx.msk [tilespmem:v7+s19+$0x0], $0xffff;
	[tilespmem:s0+$0x1780] =	vst v14  }
0x62c: {  	v14 =	vld.idx.msk [tilespmem:v55+s19+$0x0], $0xffff;
	[tilespmem:s13+$0x1780] =	vst v13  }
0x62d: {  	v13 =	vld.idx.msk [tilespmem:v58+s19+$0x0], $0xffff;
	[tilespmem:s7+$0x1780] =	vst v9  }
0x62e: {  	[tilespmem:s30+$0x1B80] =	vst v12;
	v9 =	vld.idx.msk [tilespmem:v8+s19+$0x0], $0xffff  }
0x62f: {  	[tilespmem:s31+$0x1B80] =	vst v10;
	v3 =	vld.idx.msk [tilespmem:v3+s20+$0x0], $0xffff  }
0x630: {  	v62 =	vld.idx.msk [tilespmem:v6+s20+$0x0], $0xffff;
	[tilespmem:s1+$0x1B80] =	vst v11  }
0x631: {  	v63 =	vld.idx.msk [tilespmem:v7+s20+$0x0], $0xffff;
	[tilespmem:s0+$0x1B80] =	vst v14  }
0x632: {  	v4 =	vld.idx.msk [tilespmem:v55+s20+$0x0], $0xffff;
	[tilespmem:s13+$0x1B80] =	vst v13  }
0x633: {  	v5 =	vld.idx.msk [tilespmem:v58+s20+$0x0], $0xffff;
	[tilespmem:s7+$0x1B80] =	vst v9  }
0x634: {  	s26 =	sadd.s32 $0x1, s26;
	[tilespmem:s30+$0x1F80] =	vst v3;
	v3 =	vld.idx.msk [tilespmem:v8+s20+$0x0], $0xffff  }
0x635: {  	s2 =	smul.u32 $0x140000, s28;
	p0 =	sne.s32 s26, $0x5;
	[tilespmem:s31+$0x1F80] =	vst v62  }
.Ltmp2:
0x636: {  	[tilespmem:s1+$0x1F80] =	vst v63;
	(pc) =	sbr.rel @p0 .LBB2_2-.Ltmp2, $4  }
0x637: {  	s31 =	sor.u32 s5, s2;
	[tilespmem:s0+$0x1F80] =	vst v4  }
0x638: {  	s0 =	sshrl.u32 s31, $0x3;
	[tilespmem:s13+$0x1F80] =	vst v5  }
0x639: {  	s0 =	sadd.s32 s3, s0;
	[tilespmem:s7+$0x1F80] =	vst v3  }
0x63a: {  	[hbm4b:s0+s10] =	stream.strided.scatter [tilespmem:s22], [sflag:$0x2], $0xA000, s11, s10, $0x38;
	[tilespmem:$0x17580] =	vst v63  }
0x63b: {  	s0 =	simm.s32 $0x1  }
0x63c: {  	_ =	swait.ge [sflag:s0], $0xA000  }
0x63d: {  	[sflag:s0] =	ssyncset.done $0x0  }
0x63e: {  	s1 =	simm.s32 $0x2;
	[sflag:s0] =	ssyncadd.s32 $0xFFFF6000  }
0x63f: {  	_ =	swait.ge [sflag:s1], $0xA000  }
0x640: {  	s25 =	sadd.s32 $0x1, s25;
	s31 =	rddreg [dreg:$0x5]  }
0x641: {  	p0 =	sne.s32 s25, s31  }
.Ltmp3:
0x642: {  	_ = 	snop;
	(pc) =	sbr.rel @p0 .LBB2_1-.Ltmp3, $3  }
0x643: {  	_ =	sdelay $0x1  }
0x644: {  	[sflag:s1] =	ssyncset.done $0x0  }
0x645: {  	[sflag:s1] =	ssyncadd.s32 $0xFFFF6000  }
0x646: {  	_ =	sfence.sel $0x180000  }
0x647: {  	[bflag:$0x0] =	sbarrier.arrive $0xFFFF  }
0x648: {  	_ =	strace $0x90000047  }
0x649: {  	s0 =	stileid.u32;
	[bflag:$0x2] =	sbarrier.arrive $0xFFFF  }
0x64a: {  	p0 =	sne.s32 s0, $0x0;
	s0 =	rddreg [dreg:$0x3]  }
0x64b: {  	s0 =	sadd.s32 @!p0 $0x100000, s0  }
0x64c: {  	[sflag:s0] =	ssyncadd.tile.s32 @!p0 $0x1;
	_ =	shalt  }
.Lfunc_end2:
_tile_overlayer_lowered:
.L_overlay_start_2:
0x64d: {  	(tag) =	ssettag $0x2  }
0x64e: {  	s0 =	rddreg [dreg:$0x0];
	s2 =	stileid.u32  }
0x64f: {  	s1 =	rddreg [dreg:$0x1];
	p0 =	sne.s32 s2, $0x0  }
0x650: {  	s3 =	rddreg [dreg:$0x2];
	[bflag:$0x3] =	sbarrier.arrive $0xFFFF;
	s2 =	simm.s32 @!p0 $0x1C03  }
0x651: {  	[timem:s3], [sflag:s2] =	dma.local @!p0 [hbm:s0], s1  }
0x652: {  	s0 =	simm.s32 @!p0 $0x3  }
0x653: {  	_ =	swait.ge @!p0 [sflag:s0], s1  }
0x654: {  	s1 =	ssub.s32 @!p0 $0x0, s1;
	[sflag:s0] =	ssyncset.done @!p0 $0x0  }
0x655: {  	[sflag:s0] =	ssyncadd.s32 @!p0 s1  }
0x656: {  	[bflag:$0x3] =	sbarrier.arrive $0xFFFF  }
0x657: {  	_ =	shalt  }

</sc_bundles>
